<compile_context>
chip_gen: v7x
topology: tpu7x:2x2x1
jax: 0.10.2.dev20260603
libtpu: 0.0.44.dev20260713+nightly
codegen_flags: <defaults>
</compile_context>

<pallas_src>
import jax
import jax.numpy as jnp
from jax import lax
from jax.experimental import pallas as pl
from jax.experimental.pallas import tpu as pltpu
from jax.experimental.pallas import tpu_sc as plsc

B = 4
C = 3
H = 512
W = 512
HW = H * W
NPIX = B * HW
NSEG = 1024
NCLS = 3
NDVI_THRESH = 0.5

NWPB = 8
PPW = HW // NWPB
CH = 4096
NCHUNK = PPW // CH
VPC = CH // 16
LANES = 16
UNROLL = 4


def _sc_body(img_hbm, ndvi_hbm, slic_hbm, wc_hbm, b_hbm, out_hbm,
             acc_r, acc_g, acc_b, acc_c,
             slic_0, slic_1, ndvi_0, ndvi_1, ch_r0, ch_r1, ch_g0, ch_g1,
             ch_b0, ch_b1, out_0, out_1,
             partial, buf8, tbl_slice, tbl_local,
             wc_v, bias_v, shared_acc, shared_tbl,
             sem_a, sem_b, sem_o):
  slic_buf = (slic_0, slic_1)
  ndvi_buf = (ndvi_0, ndvi_1)
  ch_r = (ch_r0, ch_r1)
  ch_g = (ch_g0, ch_g1)
  ch_b = (ch_b0, ch_b1)
  out_buf = (out_0, out_1)
  core = lax.axis_index("c")
  sub = lax.axis_index("s")
  lb = sub // NWPB
  part = sub % NWPB
  batch = core * 2 + lb
  pix_base = batch * HW + part * PPW
  img_base = (batch * C) * HW + part * PPW

  lane = lax.iota(jnp.int32, LANES)
  lane_base = lane * NSEG
  ones = jnp.full((LANES,), 1.0, dtype=jnp.float32)
  zf = jnp.zeros((LANES,), dtype=jnp.float32)
  sems = (sem_a, sem_b)

  def fire_p1(i):
    par = i % 2
    off = pix_base + i * CH
    coff = img_base + i * CH
    sem = sems[par]
    return [
        pltpu.async_copy(slic_hbm.at[pl.ds(off, CH)], slic_buf[par], sem),
        pltpu.async_copy(ndvi_hbm.at[pl.ds(off, CH)], ndvi_buf[par], sem),
        pltpu.async_copy(img_hbm.at[pl.ds(coff, CH)], ch_r[par], sem),
        pltpu.async_copy(img_hbm.at[pl.ds(coff + HW, CH)], ch_g[par], sem),
        pltpu.async_copy(img_hbm.at[pl.ds(coff + 2 * HW, CH)], ch_b[par],
                         sem),
    ]

  descs = [fire_p1(0), None]

  @plsc.parallel_loop(0, LANES * NSEG, step=4 * LANES, unroll=4)
  def _(i):
    for j in range(4):
      o = i + j * LANES
      acc_r[pl.ds(o, LANES)] = zf
      acc_g[pl.ds(o, LANES)] = zf
      acc_b[pl.ds(o, LANES)] = zf
      acc_c[pl.ds(o, LANES)] = zf

  for i in range(NCHUNK):
    par = i % 2
    if i + 1 < NCHUNK:
      descs[1 - par] = fire_p1(i + 1)
    for d in descs[par]:
      d.wait()

    @plsc.parallel_loop(0, CH, step=LANES, unroll=UNROLL)
    def _(o, par=par):
      sl = slic_buf[par][pl.ds(o, LANES)]
      nd = ndvi_buf[par][pl.ds(o, LANES)]
      m = nd > NDVI_THRESH
      seg = jnp.where(m, sl, 0)
      idx = seg + lane_base
      plsc.addupdate_scatter(acc_r, [idx], ch_r[par][pl.ds(o, LANES)])
      plsc.addupdate_scatter(acc_g, [idx], ch_g[par][pl.ds(o, LANES)])
      plsc.addupdate_scatter(acc_b, [idx], ch_b[par][pl.ds(o, LANES)])
      plsc.addupdate_scatter(acc_c, [idx], ones)

  def fire_p3(i):
    par = i % 2
    off = pix_base + i * CH
    sem = sems[par]
    return [
        pltpu.async_copy(slic_hbm.at[pl.ds(off, CH)], slic_buf[par], sem),
        pltpu.async_copy(ndvi_hbm.at[pl.ds(off, CH)], ndvi_buf[par], sem),
    ]
  descs3 = [fire_p3(0), None]

  @plsc.parallel_loop(0, NSEG, step=LANES, unroll=2)
  def _(o):
    for a, ref in enumerate((acc_r, acc_g, acc_b, acc_c)):
      tot = ref[pl.ds(o, LANES)]
      for l in range(1, LANES):
        tot = tot + ref[pl.ds(l * NSEG + o, LANES)]
      partial[a, pl.ds(o, LANES)] = tot

  pltpu.sync_copy(partial, shared_acc.at[sub])
  plsc.subcore_barrier()

  gbase = lb * NWPB
  soff = part * (NSEG // NWPB)
  pltpu.sync_copy(
      shared_acc.at[pl.ds(gbase, NWPB), :, pl.ds(soff, NSEG // NWPB)], buf8)

  pltpu.sync_copy(wc_hbm, wc_v.at[pl.ds(0, 9)])
  pltpu.sync_copy(b_hbm, bias_v.at[pl.ds(0, 3)])
  wc_vec = wc_v[pl.ds(0, LANES)]
  bias_vec = bias_v[pl.ds(0, LANES)]
  wc = [wc_vec[k] for k in range(9)]
  bs = [bias_vec[k] for k in range(3)]

  @plsc.parallel_loop(0, NSEG // NWPB, step=LANES, unroll=2)
  def _(o):
    sums = []
    for a in range(4):
      tot = buf8[0, a, pl.ds(o, LANES)]
      for k in range(1, NWPB):
        tot = tot + buf8[k, a, pl.ds(o, LANES)]
      sums.append(tot)
    inv = 1.0 / jnp.maximum(sums[3], 1.0)
    mr = sums[0] * inv
    mg = sums[1] * inv
    mb = sums[2] * inv
    l0 = mr * wc[0] + mg * wc[3] + mb * wc[6] + bs[0]
    l1 = mr * wc[1] + mg * wc[4] + mb * wc[7] + bs[1]
    l2 = mr * wc[2] + mg * wc[5] + mb * wc[8] + bs[2]
    mx = jnp.maximum(l0, jnp.maximum(l1, l2))
    e0 = jnp.exp(l0 - mx)
    e1 = jnp.exp(l1 - mx)
    e2 = jnp.exp(l2 - mx)
    tbl_slice[pl.ds(o, LANES)] = (e1 + 2.0 * e2) / (e0 + e1 + e2) + 1.0

  pltpu.sync_copy(tbl_slice, shared_tbl.at[lb, pl.ds(soff, NSEG // NWPB)])
  plsc.subcore_barrier()
  pltpu.sync_copy(shared_tbl.at[lb], tbl_local)

  out_descs = [None, None]
  for i in range(NCHUNK):
    par = i % 2
    if i + 1 < NCHUNK:
      descs3[1 - par] = fire_p3(i + 1)
    for d in descs3[par]:
      d.wait()
    if out_descs[par] is not None:
      out_descs[par].wait()

    @plsc.parallel_loop(0, CH, step=LANES, unroll=UNROLL)
    def _(o, par=par):
      sl = slic_buf[par][pl.ds(o, LANES)]
      nd = ndvi_buf[par][pl.ds(o, LANES)]
      m = nd > NDVI_THRESH
      seg = jnp.where(m, sl, 0)
      lbl = plsc.load_gather(tbl_local, [seg])
      res = jnp.where(seg > 0, lbl, jnp.where(m, ones, zf))
      out_buf[par][pl.ds(o, LANES)] = res

    off = pix_base + i * CH
    out_descs[par] = pltpu.async_copy(
        out_buf[par], out_hbm.at[pl.ds(off, CH)], sem_o)
  out_descs[0].wait()
  out_descs[1].wait()


@jax.jit
def _run(img_flat, ndvi_flat, slic_flat, wc_flat, bias):
  mesh = plsc.VectorSubcoreMesh(core_axis_name="c", subcore_axis_name="s")
  f = pl.kernel(
      _sc_body,
      out_type=jax.ShapeDtypeStruct((NPIX,), jnp.float32),
      mesh=mesh,
      compiler_params=pltpu.CompilerParams(needs_layout_passes=False),
      scratch_types=[
          pltpu.VMEM((LANES * NSEG,), jnp.float32),
          pltpu.VMEM((LANES * NSEG,), jnp.float32),
          pltpu.VMEM((LANES * NSEG,), jnp.float32),
          pltpu.VMEM((LANES * NSEG,), jnp.float32),
          pltpu.VMEM((CH,), jnp.int32),
          pltpu.VMEM((CH,), jnp.int32),
          pltpu.VMEM((CH,), jnp.float32),
          pltpu.VMEM((CH,), jnp.float32),
          pltpu.VMEM((CH,), jnp.float32),
          pltpu.VMEM((CH,), jnp.float32),
          pltpu.VMEM((CH,), jnp.float32),
          pltpu.VMEM((CH,), jnp.float32),
          pltpu.VMEM((CH,), jnp.float32),
          pltpu.VMEM((CH,), jnp.float32),
          pltpu.VMEM((CH,), jnp.float32),
          pltpu.VMEM((CH,), jnp.float32),
          pltpu.VMEM((4, NSEG), jnp.float32),
          pltpu.VMEM((NWPB, 4, NSEG // NWPB), jnp.float32),
          pltpu.VMEM((NSEG // NWPB,), jnp.float32),
          pltpu.VMEM((NSEG,), jnp.float32),
          pltpu.VMEM((LANES,), jnp.float32),
          pltpu.VMEM((LANES,), jnp.float32),
          pltpu.VMEM_SHARED((16, 4, NSEG), jnp.float32),
          pltpu.VMEM_SHARED((2, NSEG), jnp.float32),
          pltpu.SemaphoreType.DMA,
          pltpu.SemaphoreType.DMA,
          pltpu.SemaphoreType.DMA,
      ],
  )
  return f(img_flat, ndvi_flat, slic_flat, wc_flat, bias)


def kernel(image, ndvi, slic, Wc, b):
  out = _run(image.reshape(-1), ndvi.reshape(-1), slic.reshape(-1),
             Wc.reshape(-1), b)
  return out.reshape(B, 1, H, W)

# --- scband reference (transcript-rebuilt; emitter-appended) ---
"""Pipeline reference for scband-hough-slicsegmentation-wrapper-58935541236429 (READ-ONLY COPY).

The authoritative reference and input builder live on the scoring server;
editing this copy changes nothing except your own understanding.
"""

import jax, jax.numpy as jnp
import numpy as np

N_SEGMENTS = 1024
NUM_CLASSES = 3
NDVI_THRESH = 0.5


def setup_inputs(seed: int = 0) -> dict:
    key = jax.random.key(seed)
    k1, k2, k3, k4 = jax.random.split(key, 4)
    B, C, H, W = 4, 3, 512, 512
    image = jax.random.uniform(k1, (B, C, H, W), dtype=jnp.float32)
    ndvi = jax.random.uniform(k2, (B, 1, H, W), dtype=jnp.float32)
    slic = jax.random.randint(k3, (B, 1, H, W), 0, N_SEGMENTS, dtype=jnp.int32)
    Wc = jax.random.normal(k4, (C, NUM_CLASSES), dtype=jnp.float32) * 0.1
    b = jnp.zeros((NUM_CLASSES,), dtype=jnp.float32)
    return {"image": image, "ndvi": ndvi, "slic": slic, "Wc": Wc, "b": b}


def reference(image, ndvi, slic, Wc, b):
    B, C, H, W = image.shape
    # plant_detector(ndvi) -> binary plant mask
    mask = (ndvi > NDVI_THRESH).astype(jnp.float32)  # [B,1,H,W]
    # slic_mask = slic * mask ; superpixel id 0 == background / non-plant
    seg = slic * mask.astype(slic.dtype)  # [B,1,H,W]
    # make superpixel ids unique across the batch (loop over unique ids, vectorized)
    offsets = (jnp.arange(B, dtype=seg.dtype) * N_SEGMENTS).reshape(B, 1, 1, 1)
    seg_g = jnp.where(seg > 0, seg + offsets, 0)
    seg_flat = seg_g.reshape(-1)  # [B*H*W]
    pix = jnp.transpose(image, (0, 2, 3, 1)).reshape(-1, C)  # [B*H*W, C]
    num_seg = B * N_SEGMENTS
    # per-superpixel mean feature (img_patch pooling) via scatter-add
    sums = jax.ops.segment_sum(pix, seg_flat, num_segments=num_seg)
    counts = jax.ops.segment_sum(jnp.ones((pix.shape[0],), jnp.float32), seg_flat, num_segments=num_seg)
    means = sums / jnp.maximum(counts, 1.0)[:, None]
    # classification_model(img_patch) -> soft label per superpixel
    logits = means @ Wc + b
    probs = jax.nn.softmax(logits, axis=-1)
    label_soft = probs @ jnp.arange(NUM_CLASSES, dtype=jnp.float32)  # [num_seg]
    # weedmap[patch] = label + 1 (scatter-overwrite of per-segment label into pixel map)
    weed_flat = jnp.where(seg_flat > 0, label_soft[seg_flat] + 1.0, mask.reshape(-1))
    return weed_flat.reshape(B, 1, H, W)

if __name__ == "__main__":
    import jax
    _d = setup_inputs()
    print(jax.jit(kernel)(*tuple(_d.values())))

</pallas_src>

<mosaic_0001>
#map = affine_map<(d0, d1) -> (0)>
module attributes {stable_mosaic.version = 14 : i64} {
  func.func @_sc_body(%arg0: i32, %arg1: i32, %arg2: memref<3145728xf32, #tpu.memory_space<hbm>>, %arg3: memref<1048576xf32, #tpu.memory_space<hbm>>, %arg4: memref<1048576xi32, #tpu.memory_space<hbm>>, %arg5: memref<9xf32, #tpu.memory_space<hbm>>, %arg6: memref<3xf32, #tpu.memory_space<hbm>>, %arg7: memref<1048576xf32, #tpu.memory_space<hbm>>, %arg8: memref<16384xf32, #tpu.memory_space<vmem>>, %arg9: memref<16384xf32, #tpu.memory_space<vmem>>, %arg10: memref<16384xf32, #tpu.memory_space<vmem>>, %arg11: memref<16384xf32, #tpu.memory_space<vmem>>, %arg12: memref<4096xi32, #tpu.memory_space<vmem>>, %arg13: memref<4096xi32, #tpu.memory_space<vmem>>, %arg14: memref<4096xf32, #tpu.memory_space<vmem>>, %arg15: memref<4096xf32, #tpu.memory_space<vmem>>, %arg16: memref<4096xf32, #tpu.memory_space<vmem>>, %arg17: memref<4096xf32, #tpu.memory_space<vmem>>, %arg18: memref<4096xf32, #tpu.memory_space<vmem>>, %arg19: memref<4096xf32, #tpu.memory_space<vmem>>, %arg20: memref<4096xf32, #tpu.memory_space<vmem>>, %arg21: memref<4096xf32, #tpu.memory_space<vmem>>, %arg22: memref<4096xf32, #tpu.memory_space<vmem>>, %arg23: memref<4096xf32, #tpu.memory_space<vmem>>, %arg24: memref<4x1024xf32, #tpu.memory_space<vmem>>, %arg25: memref<8x4x128xf32, #tpu.memory_space<vmem>>, %arg26: memref<128xf32, #tpu.memory_space<vmem>>, %arg27: memref<1024xf32, #tpu.memory_space<vmem>>, %arg28: memref<16xf32, #tpu.memory_space<vmem>>, %arg29: memref<16xf32, #tpu.memory_space<vmem>>, %arg30: memref<16x4x1024xf32, #tpu.memory_space<vmem_shared>>, %arg31: memref<2x1024xf32, #tpu.memory_space<vmem_shared>>, %arg32: memref<!tpu.dma_semaphore, #tpu.memory_space<semaphore_mem>>, %arg33: memref<!tpu.dma_semaphore, #tpu.memory_space<semaphore_mem>>, %arg34: memref<!tpu.dma_semaphore, #tpu.memory_space<semaphore_mem>>) attributes {dimension_semantics = [#tpu.dimension_semantics<core_parallel>, #tpu.dimension_semantics<subcore_parallel>], iteration_bounds = array<i64: 2, 16>, scalar_prefetch = 0 : i64, scratch_operands = 27 : i64, tpu.core_type = #tpu.core_type<sc_vector_subcore>, window_params = [{transform_indices = #map}, {transform_indices = #map}, {transform_indices = #map}, {transform_indices = #map}, {transform_indices = #map}, {transform_indices = #map}]} {
    %jit3A = arith.constant 8 : i32
    %div3A = arith.divsi %arg1, %jit3A : i32
    %sign3A = arith.constant 0 : i32
    %sign3A_0 = arith.cmpi sgt, %arg1, %sign3A : i32
    %sign3A_1 = arith.extui %sign3A_0 : i1 to i32
    %sign3A_2 = arith.constant 0 : i32
    %sign3A_3 = arith.cmpi slt, %arg1, %sign3A_2 : i32
    %sign3A_4 = arith.extui %sign3A_3 : i1 to i32
    %sign3A_5 = arith.subi %sign3A_1, %sign3A_4 : i32
    %sign3A_6 = arith.constant 0 : i32
    %sign3A_7 = arith.cmpi sgt, %jit3A, %sign3A_6 : i32
    %sign3A_8 = arith.extui %sign3A_7 : i1 to i32
    %sign3A_9 = arith.constant 0 : i32
    %sign3A_10 = arith.cmpi slt, %jit3A, %sign3A_9 : i32
    %sign3A_11 = arith.extui %sign3A_10 : i1 to i32
    %sign3A_12 = arith.subi %sign3A_8, %sign3A_11 : i32
    %ne3A = arith.cmpi ne, %sign3A_5, %sign3A_12 : i32
    %rem3A = arith.remsi %arg1, %jit3A : i32
    %ne3A_13 = arith.constant 0 : i32
    %ne3A_14 = arith.cmpi ne, %rem3A, %ne3A_13 : i32
    %and3A = arith.andi %ne3A, %ne3A_14 : i1
    %sub3A = arith.constant 1 : i32
    %sub3A_15 = arith.subi %div3A, %sub3A : i32
    %select_n3A = arith.select %and3A, %sub3A_15, %div3A : i32
    %jit3A_16 = arith.constant 8 : i32
    %eq3A = arith.constant 0 : i32
    %eq3A_17 = arith.cmpi eq, %jit3A_16, %eq3A : i32
    %jit3A_18 = arith.constant 1 : i32
    %select_n3A_19 = arith.select %eq3A_17, %jit3A_18, %jit3A_16 : i32
    %rem3A_20 = arith.remsi %arg1, %select_n3A_19 : i32
    %ne3A_21 = arith.constant 0 : i32
    %ne3A_22 = arith.cmpi ne, %rem3A_20, %ne3A_21 : i32
    %lt3A = arith.constant 0 : i32
    %lt3A_23 = arith.cmpi slt, %rem3A_20, %lt3A : i32
    %lt3A_24 = arith.constant 0 : i32
    %lt3A_25 = arith.cmpi slt, %select_n3A_19, %lt3A_24 : i32
    %ne3A_26 = arith.xori %lt3A_23, %lt3A_25 : i1
    %and3A_27 = arith.andi %ne3A_26, %ne3A_22 : i1
    %add3A = arith.addi %rem3A_20, %select_n3A_19 : i32
    %select_n3A_28 = arith.select %and3A_27, %add3A, %rem3A_20 : i32
    %mul3A = arith.constant 2 : i32
    %mul3A_29 = arith.muli %arg0, %mul3A : i32
    %add3A_30 = arith.addi %mul3A_29, %select_n3A : i32
    %mul3A_31 = arith.constant 262144 : i32
    %mul3A_32 = arith.muli %add3A_30, %mul3A_31 : i32
    %mul3A_33 = arith.constant 32768 : i32
    %mul3A_34 = arith.muli %select_n3A_28, %mul3A_33 : i32
    %add3A_35 = arith.addi %mul3A_32, %mul3A_34 : i32
    %mul3A_36 = arith.constant 3 : i32
    %mul3A_37 = arith.muli %add3A_30, %mul3A_36 : i32
    %mul3A_38 = arith.constant 262144 : i32
    %mul3A_39 = arith.muli %mul3A_37, %mul3A_38 : i32
    %mul3A_40 = arith.constant 32768 : i32
    %mul3A_41 = arith.muli %select_n3A_28, %mul3A_40 : i32
    %add3A_42 = arith.addi %mul3A_39, %mul3A_41 : i32
    %iota3A = tpu.iota {dimensions = array<i32: 0>} : vector<16xi32>
    %mul3A_43 = arith.constant 1024 : i32
    %mul3A_44 = vector.broadcast %mul3A_43 : i32 to vector<16xi32>
    %mul3A_45 = arith.muli %iota3A, %mul3A_44 : vector<16xi32>
    %broadcast_in_dim3A = arith.constant 1.000000e+00 : f32
    %broadcast_in_dim3A_46 = vector.broadcast %broadcast_in_dim3A : f32 to vector<16xf32>
    %broadcast_in_dim3A_47 = arith.constant 0.000000e+00 : f32
    %broadcast_in_dim3A_48 = vector.broadcast %broadcast_in_dim3A_47 : f32 to vector<16xf32>
    %add3A_49 = arith.constant 0 : i32
    %add3A_50 = arith.addi %add3A_35, %add3A_49 : i32
    %add3A_51 = arith.constant 0 : i32
    %add3A_52 = arith.addi %add3A_42, %add3A_51 : i32
    %dma_start3A = tpu.memref_slice %arg4[%add3A_50] : memref<1048576xi32, #tpu.memory_space<hbm>> -> memref<4096xi32, #tpu.memory_space<hbm>>
    %dma_start3A_53 = tpu.memref_slice %arg4[%add3A_50] : memref<1048576xi32, #tpu.memory_space<hbm>> -> memref<4096xi32, #tpu.memory_space<hbm>>
    tpu.enqueue_dma source(%dma_start3A_53 : memref<4096xi32, #tpu.memory_space<hbm>>) target(%arg12 : memref<4096xi32, #tpu.memory_space<vmem>>) target_semaphore(%arg32 : memref<!tpu.dma_semaphore, #tpu.memory_space<semaphore_mem>>)
    %dma_start3A_54 = tpu.memref_slice %arg3[%add3A_50] : memref<1048576xf32, #tpu.memory_space<hbm>> -> memref<4096xf32, #tpu.memory_space<hbm>>
    %dma_start3A_55 = tpu.memref_slice %arg3[%add3A_50] : memref<1048576xf32, #tpu.memory_space<hbm>> -> memref<4096xf32, #tpu.memory_space<hbm>>
    tpu.enqueue_dma source(%dma_start3A_55 : memref<4096xf32, #tpu.memory_space<hbm>>) target(%arg14 : memref<4096xf32, #tpu.memory_space<vmem>>) target_semaphore(%arg32 : memref<!tpu.dma_semaphore, #tpu.memory_space<semaphore_mem>>)
    %dma_start3A_56 = tpu.memref_slice %arg2[%add3A_52] : memref<3145728xf32, #tpu.memory_space<hbm>> -> memref<4096xf32, #tpu.memory_space<hbm>>
    %dma_start3A_57 = tpu.memref_slice %arg2[%add3A_52] : memref<3145728xf32, #tpu.memory_space<hbm>> -> memref<4096xf32, #tpu.memory_space<hbm>>
    tpu.enqueue_dma source(%dma_start3A_57 : memref<4096xf32, #tpu.memory_space<hbm>>) target(%arg16 : memref<4096xf32, #tpu.memory_space<vmem>>) target_semaphore(%arg32 : memref<!tpu.dma_semaphore, #tpu.memory_space<semaphore_mem>>)
    %add3A_58 = arith.constant 262144 : i32
    %add3A_59 = arith.addi %add3A_52, %add3A_58 : i32
    %dma_start3A_60 = tpu.memref_slice %arg2[%add3A_59] : memref<3145728xf32, #tpu.memory_space<hbm>> -> memref<4096xf32, #tpu.memory_space<hbm>>
    %dma_start3A_61 = tpu.memref_slice %arg2[%add3A_59] : memref<3145728xf32, #tpu.memory_space<hbm>> -> memref<4096xf32, #tpu.memory_space<hbm>>
    tpu.enqueue_dma source(%dma_start3A_61 : memref<4096xf32, #tpu.memory_space<hbm>>) target(%arg18 : memref<4096xf32, #tpu.memory_space<vmem>>) target_semaphore(%arg32 : memref<!tpu.dma_semaphore, #tpu.memory_space<semaphore_mem>>)
    %add3A_62 = arith.constant 524288 : i32
    %add3A_63 = arith.addi %add3A_52, %add3A_62 : i32
    %dma_start3A_64 = tpu.memref_slice %arg2[%add3A_63] : memref<3145728xf32, #tpu.memory_space<hbm>> -> memref<4096xf32, #tpu.memory_space<hbm>>
    %dma_start3A_65 = tpu.memref_slice %arg2[%add3A_63] : memref<3145728xf32, #tpu.memory_space<hbm>> -> memref<4096xf32, #tpu.memory_space<hbm>>
    tpu.enqueue_dma source(%dma_start3A_65 : memref<4096xf32, #tpu.memory_space<hbm>>) target(%arg20 : memref<4096xf32, #tpu.memory_space<vmem>>) target_semaphore(%arg32 : memref<!tpu.dma_semaphore, #tpu.memory_space<semaphore_mem>>)
    %parallel_loop3A = arith.constant 0 : i32
    %parallel_loop3A_66 = arith.constant 16384 : i32
    %parallel_loop3A_67 = arith.constant 64 : i32
    scf.for %parallel_loop3A_485 = %parallel_loop3A to %parallel_loop3A_66 step %parallel_loop3A_67  : i32 {
      %parallel_loop3A_486 = arith.constant 0 : i32
      %parallel_loop3A_487 = arith.addi %parallel_loop3A_485, %parallel_loop3A_486 : i32
      %parallel_loop3A_488 = arith.index_cast %parallel_loop3A_487 : i32 to index
      %parallel_loop3A_489 = tpu.vector_load %arg8[%parallel_loop3A_488] {strides = array<i32>} : memref<16384xf32, #tpu.memory_space<vmem>>, vector<16xf32>,
      tpu.vector_store %arg8[%parallel_loop3A_488], %broadcast_in_dim3A_48 {strides = array<i32>} : memref<16384xf32, #tpu.memory_space<vmem>>, vector<16xf32>,
      %parallel_loop3A_490 = arith.index_cast %parallel_loop3A_487 : i32 to index
      %parallel_loop3A_491 = tpu.vector_load %arg9[%parallel_loop3A_490] {strides = array<i32>} : memref<16384xf32, #tpu.memory_space<vmem>>, vector<16xf32>,
      tpu.vector_store %arg9[%parallel_loop3A_490], %broadcast_in_dim3A_48 {strides = array<i32>} : memref<16384xf32, #tpu.memory_space<vmem>>, vector<16xf32>,
      %parallel_loop3A_492 = arith.index_cast %parallel_loop3A_487 : i32 to index
      %parallel_loop3A_493 = tpu.vector_load %arg10[%parallel_loop3A_492] {strides = array<i32>} : memref<16384xf32, #tpu.memory_space<vmem>>, vector<16xf32>,
      tpu.vector_store %arg10[%parallel_loop3A_492], %broadcast_in_dim3A_48 {strides = array<i32>} : memref<16384xf32, #tpu.memory_space<vmem>>, vector<16xf32>,
      %parallel_loop3A_494 = arith.index_cast %parallel_loop3A_487 : i32 to index
      %parallel_loop3A_495 = tpu.vector_load %arg11[%parallel_loop3A_494] {strides = array<i32>} : memref<16384xf32, #tpu.memory_space<vmem>>, vector<16xf32>,
      tpu.vector_store %arg11[%parallel_loop3A_494], %broadcast_in_dim3A_48 {strides = array<i32>} : memref<16384xf32, #tpu.memory_space<vmem>>, vector<16xf32>,
      %parallel_loop3A_496 = arith.constant 16 : i32
      %parallel_loop3A_497 = arith.addi %parallel_loop3A_485, %parallel_loop3A_496 : i32
      %parallel_loop3A_498 = arith.index_cast %parallel_loop3A_497 : i32 to index
      %parallel_loop3A_499 = tpu.vector_load %arg8[%parallel_loop3A_498] {strides = array<i32>} : memref<16384xf32, #tpu.memory_space<vmem>>, vector<16xf32>,
      tpu.vector_store %arg8[%parallel_loop3A_498], %broadcast_in_dim3A_48 {strides = array<i32>} : memref<16384xf32, #tpu.memory_space<vmem>>, vector<16xf32>,
      %parallel_loop3A_500 = arith.index_cast %parallel_loop3A_497 : i32 to index
      %parallel_loop3A_501 = tpu.vector_load %arg9[%parallel_loop3A_500] {strides = array<i32>} : memref<16384xf32, #tpu.memory_space<vmem>>, vector<16xf32>,
      tpu.vector_store %arg9[%parallel_loop3A_500], %broadcast_in_dim3A_48 {strides = array<i32>} : memref<16384xf32, #tpu.memory_space<vmem>>, vector<16xf32>,
      %parallel_loop3A_502 = arith.index_cast %parallel_loop3A_497 : i32 to index
      %parallel_loop3A_503 = tpu.vector_load %arg10[%parallel_loop3A_502] {strides = array<i32>} : memref<16384xf32, #tpu.memory_space<vmem>>, vector<16xf32>,
      tpu.vector_store %arg10[%parallel_loop3A_502], %broadcast_in_dim3A_48 {strides = array<i32>} : memref<16384xf32, #tpu.memory_space<vmem>>, vector<16xf32>,
      %parallel_loop3A_504 = arith.index_cast %parallel_loop3A_497 : i32 to index
      %parallel_loop3A_505 = tpu.vector_load %arg11[%parallel_loop3A_504] {strides = array<i32>} : memref<16384xf32, #tpu.memory_space<vmem>>, vector<16xf32>,
      tpu.vector_store %arg11[%parallel_loop3A_504], %broadcast_in_dim3A_48 {strides = array<i32>} : memref<16384xf32, #tpu.memory_space<vmem>>, vector<16xf32>,
      %parallel_loop3A_506 = arith.constant 32 : i32
      %parallel_loop3A_507 = arith.addi %parallel_loop3A_485, %parallel_loop3A_506 : i32
      %parallel_loop3A_508 = arith.index_cast %parallel_loop3A_507 : i32 to index
      %parallel_loop3A_509 = tpu.vector_load %arg8[%parallel_loop3A_508] {strides = array<i32>} : memref<16384xf32, #tpu.memory_space<vmem>>, vector<16xf32>,
      tpu.vector_store %arg8[%parallel_loop3A_508], %broadcast_in_dim3A_48 {strides = array<i32>} : memref<16384xf32, #tpu.memory_space<vmem>>, vector<16xf32>,
      %parallel_loop3A_510 = arith.index_cast %parallel_loop3A_507 : i32 to index
      %parallel_loop3A_511 = tpu.vector_load %arg9[%parallel_loop3A_510] {strides = array<i32>} : memref<16384xf32, #tpu.memory_space<vmem>>, vector<16xf32>,
      tpu.vector_store %arg9[%parallel_loop3A_510], %broadcast_in_dim3A_48 {strides = array<i32>} : memref<16384xf32, #tpu.memory_space<vmem>>, vector<16xf32>,
      %parallel_loop3A_512 = arith.index_cast %parallel_loop3A_507 : i32 to index
      %parallel_loop3A_513 = tpu.vector_load %arg10[%parallel_loop3A_512] {strides = array<i32>} : memref<16384xf32, #tpu.memory_space<vmem>>, vector<16xf32>,
      tpu.vector_store %arg10[%parallel_loop3A_512], %broadcast_in_dim3A_48 {strides = array<i32>} : memref<16384xf32, #tpu.memory_space<vmem>>, vector<16xf32>,
      %parallel_loop3A_514 = arith.index_cast %parallel_loop3A_507 : i32 to index
      %parallel_loop3A_515 = tpu.vector_load %arg11[%parallel_loop3A_514] {strides = array<i32>} : memref<16384xf32, #tpu.memory_space<vmem>>, vector<16xf32>,
      tpu.vector_store %arg11[%parallel_loop3A_514], %broadcast_in_dim3A_48 {strides = array<i32>} : memref<16384xf32, #tpu.memory_space<vmem>>, vector<16xf32>,
      %parallel_loop3A_516 = arith.constant 48 : i32
      %parallel_loop3A_517 = arith.addi %parallel_loop3A_485, %parallel_loop3A_516 : i32
      %parallel_loop3A_518 = arith.index_cast %parallel_loop3A_517 : i32 to index
      %parallel_loop3A_519 = tpu.vector_load %arg8[%parallel_loop3A_518] {strides = array<i32>} : memref<16384xf32, #tpu.memory_space<vmem>>, vector<16xf32>,
      tpu.vector_store %arg8[%parallel_loop3A_518], %broadcast_in_dim3A_48 {strides = array<i32>} : memref<16384xf32, #tpu.memory_space<vmem>>, vector<16xf32>,
      %parallel_loop3A_520 = arith.index_cast %parallel_loop3A_517 : i32 to index
      %parallel_loop3A_521 = tpu.vector_load %arg9[%parallel_loop3A_520] {strides = array<i32>} : memref<16384xf32, #tpu.memory_space<vmem>>, vector<16xf32>,
      tpu.vector_store %arg9[%parallel_loop3A_520], %broadcast_in_dim3A_48 {strides = array<i32>} : memref<16384xf32, #tpu.memory_space<vmem>>, vector<16xf32>,
      %parallel_loop3A_522 = arith.index_cast %parallel_loop3A_517 : i32 to index
      %parallel_loop3A_523 = tpu.vector_load %arg10[%parallel_loop3A_522] {strides = array<i32>} : memref<16384xf32, #tpu.memory_space<vmem>>, vector<16xf32>,
      tpu.vector_store %arg10[%parallel_loop3A_522], %broadcast_in_dim3A_48 {strides = array<i32>} : memref<16384xf32, #tpu.memory_space<vmem>>, vector<16xf32>,
      %parallel_loop3A_524 = arith.index_cast %parallel_loop3A_517 : i32 to index
      %parallel_loop3A_525 = tpu.vector_load %arg11[%parallel_loop3A_524] {strides = array<i32>} : memref<16384xf32, #tpu.memory_space<vmem>>, vector<16xf32>,
      tpu.vector_store %arg11[%parallel_loop3A_524], %broadcast_in_dim3A_48 {strides = array<i32>} : memref<16384xf32, #tpu.memory_space<vmem>>, vector<16xf32>,
    } {sc.loop_unroll_factor = 4 : i64, sc.parallel_access}
    %add3A_68 = arith.constant 4096 : i32
    %add3A_69 = arith.addi %add3A_35, %add3A_68 : i32
    %add3A_70 = arith.constant 4096 : i32
    %add3A_71 = arith.addi %add3A_42, %add3A_70 : i32
    %dma_start3A_72 = tpu.memref_slice %arg4[%add3A_69] : memref<1048576xi32, #tpu.memory_space<hbm>> -> memref<4096xi32, #tpu.memory_space<hbm>>
    %dma_start3A_73 = tpu.memref_slice %arg4[%add3A_69] : memref<1048576xi32, #tpu.memory_space<hbm>> -> memref<4096xi32, #tpu.memory_space<hbm>>
    tpu.enqueue_dma source(%dma_start3A_73 : memref<4096xi32, #tpu.memory_space<hbm>>) target(%arg13 : memref<4096xi32, #tpu.memory_space<vmem>>) target_semaphore(%arg33 : memref<!tpu.dma_semaphore, #tpu.memory_space<semaphore_mem>>)
    %dma_start3A_74 = tpu.memref_slice %arg3[%add3A_69] : memref<1048576xf32, #tpu.memory_space<hbm>> -> memref<4096xf32, #tpu.memory_space<hbm>>
    %dma_start3A_75 = tpu.memref_slice %arg3[%add3A_69] : memref<1048576xf32, #tpu.memory_space<hbm>> -> memref<4096xf32, #tpu.memory_space<hbm>>
    tpu.enqueue_dma source(%dma_start3A_75 : memref<4096xf32, #tpu.memory_space<hbm>>) target(%arg15 : memref<4096xf32, #tpu.memory_space<vmem>>) target_semaphore(%arg33 : memref<!tpu.dma_semaphore, #tpu.memory_space<semaphore_mem>>)
    %dma_start3A_76 = tpu.memref_slice %arg2[%add3A_71] : memref<3145728xf32, #tpu.memory_space<hbm>> -> memref<4096xf32, #tpu.memory_space<hbm>>
    %dma_start3A_77 = tpu.memref_slice %arg2[%add3A_71] : memref<3145728xf32, #tpu.memory_space<hbm>> -> memref<4096xf32, #tpu.memory_space<hbm>>
    tpu.enqueue_dma source(%dma_start3A_77 : memref<4096xf32, #tpu.memory_space<hbm>>) target(%arg17 : memref<4096xf32, #tpu.memory_space<vmem>>) target_semaphore(%arg33 : memref<!tpu.dma_semaphore, #tpu.memory_space<semaphore_mem>>)
    %add3A_78 = arith.constant 262144 : i32
    %add3A_79 = arith.addi %add3A_71, %add3A_78 : i32
    %dma_start3A_80 = tpu.memref_slice %arg2[%add3A_79] : memref<3145728xf32, #tpu.memory_space<hbm>> -> memref<4096xf32, #tpu.memory_space<hbm>>
    %dma_start3A_81 = tpu.memref_slice %arg2[%add3A_79] : memref<3145728xf32, #tpu.memory_space<hbm>> -> memref<4096xf32, #tpu.memory_space<hbm>>
    tpu.enqueue_dma source(%dma_start3A_81 : memref<4096xf32, #tpu.memory_space<hbm>>) target(%arg19 : memref<4096xf32, #tpu.memory_space<vmem>>) target_semaphore(%arg33 : memref<!tpu.dma_semaphore, #tpu.memory_space<semaphore_mem>>)
    %add3A_82 = arith.constant 524288 : i32
    %add3A_83 = arith.addi %add3A_71, %add3A_82 : i32
    %dma_start3A_84 = tpu.memref_slice %arg2[%add3A_83] : memref<3145728xf32, #tpu.memory_space<hbm>> -> memref<4096xf32, #tpu.memory_space<hbm>>
    %dma_start3A_85 = tpu.memref_slice %arg2[%add3A_83] : memref<3145728xf32, #tpu.memory_space<hbm>> -> memref<4096xf32, #tpu.memory_space<hbm>>
    tpu.enqueue_dma source(%dma_start3A_85 : memref<4096xf32, #tpu.memory_space<hbm>>) target(%arg21 : memref<4096xf32, #tpu.memory_space<vmem>>) target_semaphore(%arg33 : memref<!tpu.dma_semaphore, #tpu.memory_space<semaphore_mem>>)
    %dma_wait3A = tpu.memref_slice %arg4[%add3A_50] : memref<1048576xi32, #tpu.memory_space<hbm>> -> memref<4096xi32, #tpu.memory_space<hbm>>
    %dma_wait3A_86 = tpu.memref_slice %arg4[%add3A_50] : memref<1048576xi32, #tpu.memory_space<hbm>> -> memref<4096xi32, #tpu.memory_space<hbm>>
    tpu.wait_dma2 semaphore(%arg32 : memref<!tpu.dma_semaphore, #tpu.memory_space<semaphore_mem>>) src(%dma_wait3A_86 : memref<4096xi32, #tpu.memory_space<hbm>>) dst(%arg12 : memref<4096xi32, #tpu.memory_space<vmem>>)
    %dma_wait3A_87 = tpu.memref_slice %arg3[%add3A_50] : memref<1048576xf32, #tpu.memory_space<hbm>> -> memref<4096xf32, #tpu.memory_space<hbm>>
    %dma_wait3A_88 = tpu.memref_slice %arg3[%add3A_50] : memref<1048576xf32, #tpu.memory_space<hbm>> -> memref<4096xf32, #tpu.memory_space<hbm>>
    tpu.wait_dma2 semaphore(%arg32 : memref<!tpu.dma_semaphore, #tpu.memory_space<semaphore_mem>>) src(%dma_wait3A_88 : memref<4096xf32, #tpu.memory_space<hbm>>) dst(%arg14 : memref<4096xf32, #tpu.memory_space<vmem>>)
    %dma_wait3A_89 = tpu.memref_slice %arg2[%add3A_52] : memref<3145728xf32, #tpu.memory_space<hbm>> -> memref<4096xf32, #tpu.memory_space<hbm>>
    %dma_wait3A_90 = tpu.memref_slice %arg2[%add3A_52] : memref<3145728xf32, #tpu.memory_space<hbm>> -> memref<4096xf32, #tpu.memory_space<hbm>>
    tpu.wait_dma2 semaphore(%arg32 : memref<!tpu.dma_semaphore, #tpu.memory_space<semaphore_mem>>) src(%dma_wait3A_90 : memref<4096xf32, #tpu.memory_space<hbm>>) dst(%arg16 : memref<4096xf32, #tpu.memory_space<vmem>>)
    %dma_wait3A_91 = tpu.memref_slice %arg2[%add3A_59] : memref<3145728xf32, #tpu.memory_space<hbm>> -> memref<4096xf32, #tpu.memory_space<hbm>>
    %dma_wait3A_92 = tpu.memref_slice %arg2[%add3A_59] : memref<3145728xf32, #tpu.memory_space<hbm>> -> memref<4096xf32, #tpu.memory_space<hbm>>
    tpu.wait_dma2 semaphore(%arg32 : memref<!tpu.dma_semaphore, #tpu.memory_space<semaphore_mem>>) src(%dma_wait3A_92 : memref<4096xf32, #tpu.memory_space<hbm>>) dst(%arg18 : memref<4096xf32, #tpu.memory_space<vmem>>)
    %dma_wait3A_93 = tpu.memref_slice %arg2[%add3A_63] : memref<3145728xf32, #tpu.memory_space<hbm>> -> memref<4096xf32, #tpu.memory_space<hbm>>
    %dma_wait3A_94 = tpu.memref_slice %arg2[%add3A_63] : memref<3145728xf32, #tpu.memory_space<hbm>> -> memref<4096xf32, #tpu.memory_space<hbm>>
    tpu.wait_dma2 semaphore(%arg32 : memref<!tpu.dma_semaphore, #tpu.memory_space<semaphore_mem>>) src(%dma_wait3A_94 : memref<4096xf32, #tpu.memory_space<hbm>>) dst(%arg20 : memref<4096xf32, #tpu.memory_space<vmem>>)
    %parallel_loop3A_95 = arith.constant 0 : i32
    %parallel_loop3A_96 = arith.constant 4096 : i32
    %parallel_loop3A_97 = arith.constant 16 : i32
    scf.for %parallel_loop3A_485 = %parallel_loop3A_95 to %parallel_loop3A_96 step %parallel_loop3A_97  : i32 {
      %parallel_loop3A_486 = arith.index_cast %parallel_loop3A_485 : i32 to index
      %parallel_loop3A_487 = tpu.vector_load %arg12[%parallel_loop3A_486] {strides = array<i32>} : memref<4096xi32, #tpu.memory_space<vmem>>, vector<16xi32>,
      %parallel_loop3A_488 = arith.index_cast %parallel_loop3A_485 : i32 to index
      %parallel_loop3A_489 = tpu.vector_load %arg14[%parallel_loop3A_488] {strides = array<i32>} : memref<4096xf32, #tpu.memory_space<vmem>>, vector<16xf32>,
      %parallel_loop3A_490 = arith.constant 5.000000e-01 : f32
      %parallel_loop3A_491 = vector.broadcast %parallel_loop3A_490 : f32 to vector<16xf32>
      %parallel_loop3A_492 = arith.cmpf ogt, %parallel_loop3A_489, %parallel_loop3A_491 : vector<16xf32>
      %parallel_loop3A_493 = arith.constant 0 : i32
      %parallel_loop3A_494 = vector.broadcast %parallel_loop3A_493 : i32 to vector<16xi32>
      %parallel_loop3A_495 = arith.select %parallel_loop3A_492, %parallel_loop3A_487, %parallel_loop3A_494 : vector<16xi1>, vector<16xi32>
      %parallel_loop3A_496 = arith.addi %parallel_loop3A_495, %mul3A_45 : vector<16xi32>
      %parallel_loop3A_497 = arith.index_cast %parallel_loop3A_485 : i32 to index
      %parallel_loop3A_498 = tpu.vector_load %arg16[%parallel_loop3A_497] {strides = array<i32>} : memref<4096xf32, #tpu.memory_space<vmem>>, vector<16xf32>,
      tpu.vector_store_idx %arg8[%parallel_loop3A_496], %parallel_loop3A_498 {add = true} : memref<16384xf32, #tpu.memory_space<vmem>>[vector<16xi32>], vector<16xf32>,
      %parallel_loop3A_499 = arith.index_cast %parallel_loop3A_485 : i32 to index
      %parallel_loop3A_500 = tpu.vector_load %arg18[%parallel_loop3A_499] {strides = array<i32>} : memref<4096xf32, #tpu.memory_space<vmem>>, vector<16xf32>,
      tpu.vector_store_idx %arg9[%parallel_loop3A_496], %parallel_loop3A_500 {add = true} : memref<16384xf32, #tpu.memory_space<vmem>>[vector<16xi32>], vector<16xf32>,
      %parallel_loop3A_501 = arith.index_cast %parallel_loop3A_485 : i32 to index
      %parallel_loop3A_502 = tpu.vector_load %arg20[%parallel_loop3A_501] {strides = array<i32>} : memref<4096xf32, #tpu.memory_space<vmem>>, vector<16xf32>,
      tpu.vector_store_idx %arg10[%parallel_loop3A_496], %parallel_loop3A_502 {add = true} : memref<16384xf32, #tpu.memory_space<vmem>>[vector<16xi32>], vector<16xf32>,
      tpu.vector_store_idx %arg11[%parallel_loop3A_496], %broadcast_in_dim3A_46 {add = true} : memref<16384xf32, #tpu.memory_space<vmem>>[vector<16xi32>], vector<16xf32>,
    } {sc.loop_unroll_factor = 4 : i64, sc.parallel_access}
    %add3A_98 = arith.constant 8192 : i32
    %add3A_99 = arith.addi %add3A_35, %add3A_98 : i32
    %add3A_100 = arith.constant 8192 : i32
    %add3A_101 = arith.addi %add3A_42, %add3A_100 : i32
    %dma_start3A_102 = tpu.memref_slice %arg4[%add3A_99] : memref<1048576xi32, #tpu.memory_space<hbm>> -> memref<4096xi32, #tpu.memory_space<hbm>>
    %dma_start3A_103 = tpu.memref_slice %arg4[%add3A_99] : memref<1048576xi32, #tpu.memory_space<hbm>> -> memref<4096xi32, #tpu.memory_space<hbm>>
    tpu.enqueue_dma source(%dma_start3A_103 : memref<4096xi32, #tpu.memory_space<hbm>>) target(%arg12 : memref<4096xi32, #tpu.memory_space<vmem>>) target_semaphore(%arg32 : memref<!tpu.dma_semaphore, #tpu.memory_space<semaphore_mem>>)
    %dma_start3A_104 = tpu.memref_slice %arg3[%add3A_99] : memref<1048576xf32, #tpu.memory_space<hbm>> -> memref<4096xf32, #tpu.memory_space<hbm>>
    %dma_start3A_105 = tpu.memref_slice %arg3[%add3A_99] : memref<1048576xf32, #tpu.memory_space<hbm>> -> memref<4096xf32, #tpu.memory_space<hbm>>
    tpu.enqueue_dma source(%dma_start3A_105 : memref<4096xf32, #tpu.memory_space<hbm>>) target(%arg14 : memref<4096xf32, #tpu.memory_space<vmem>>) target_semaphore(%arg32 : memref<!tpu.dma_semaphore, #tpu.memory_space<semaphore_mem>>)
    %dma_start3A_106 = tpu.memref_slice %arg2[%add3A_101] : memref<3145728xf32, #tpu.memory_space<hbm>> -> memref<4096xf32, #tpu.memory_space<hbm>>
    %dma_start3A_107 = tpu.memref_slice %arg2[%add3A_101] : memref<3145728xf32, #tpu.memory_space<hbm>> -> memref<4096xf32, #tpu.memory_space<hbm>>
    tpu.enqueue_dma source(%dma_start3A_107 : memref<4096xf32, #tpu.memory_space<hbm>>) target(%arg16 : memref<4096xf32, #tpu.memory_space<vmem>>) target_semaphore(%arg32 : memref<!tpu.dma_semaphore, #tpu.memory_space<semaphore_mem>>)
    %add3A_108 = arith.constant 262144 : i32
    %add3A_109 = arith.addi %add3A_101, %add3A_108 : i32
    %dma_start3A_110 = tpu.memref_slice %arg2[%add3A_109] : memref<3145728xf32, #tpu.memory_space<hbm>> -> memref<4096xf32, #tpu.memory_space<hbm>>
    %dma_start3A_111 = tpu.memref_slice %arg2[%add3A_109] : memref<3145728xf32, #tpu.memory_space<hbm>> -> memref<4096xf32, #tpu.memory_space<hbm>>
    tpu.enqueue_dma source(%dma_start3A_111 : memref<4096xf32, #tpu.memory_space<hbm>>) target(%arg18 : memref<4096xf32, #tpu.memory_space<vmem>>) target_semaphore(%arg32 : memref<!tpu.dma_semaphore, #tpu.memory_space<semaphore_mem>>)
    %add3A_112 = arith.constant 524288 : i32
    %add3A_113 = arith.addi %add3A_101, %add3A_112 : i32
    %dma_start3A_114 = tpu.memref_slice %arg2[%add3A_113] : memref<3145728xf32, #tpu.memory_space<hbm>> -> memref<4096xf32, #tpu.memory_space<hbm>>
    %dma_start3A_115 = tpu.memref_slice %arg2[%add3A_113] : memref<3145728xf32, #tpu.memory_space<hbm>> -> memref<4096xf32, #tpu.memory_space<hbm>>
    tpu.enqueue_dma source(%dma_start3A_115 : memref<4096xf32, #tpu.memory_space<hbm>>) target(%arg20 : memref<4096xf32, #tpu.memory_space<vmem>>) target_semaphore(%arg32 : memref<!tpu.dma_semaphore, #tpu.memory_space<semaphore_mem>>)
    %dma_wait3A_116 = tpu.memref_slice %arg4[%add3A_69] : memref<1048576xi32, #tpu.memory_space<hbm>> -> memref<4096xi32, #tpu.memory_space<hbm>>
    %dma_wait3A_117 = tpu.memref_slice %arg4[%add3A_69] : memref<1048576xi32, #tpu.memory_space<hbm>> -> memref<4096xi32, #tpu.memory_space<hbm>>
    tpu.wait_dma2 semaphore(%arg33 : memref<!tpu.dma_semaphore, #tpu.memory_space<semaphore_mem>>) src(%dma_wait3A_117 : memref<4096xi32, #tpu.memory_space<hbm>>) dst(%arg13 : memref<4096xi32, #tpu.memory_space<vmem>>)
    %dma_wait3A_118 = tpu.memref_slice %arg3[%add3A_69] : memref<1048576xf32, #tpu.memory_space<hbm>> -> memref<4096xf32, #tpu.memory_space<hbm>>
    %dma_wait3A_119 = tpu.memref_slice %arg3[%add3A_69] : memref<1048576xf32, #tpu.memory_space<hbm>> -> memref<4096xf32, #tpu.memory_space<hbm>>
    tpu.wait_dma2 semaphore(%arg33 : memref<!tpu.dma_semaphore, #tpu.memory_space<semaphore_mem>>) src(%dma_wait3A_119 : memref<4096xf32, #tpu.memory_space<hbm>>) dst(%arg15 : memref<4096xf32, #tpu.memory_space<vmem>>)
    %dma_wait3A_120 = tpu.memref_slice %arg2[%add3A_71] : memref<3145728xf32, #tpu.memory_space<hbm>> -> memref<4096xf32, #tpu.memory_space<hbm>>
    %dma_wait3A_121 = tpu.memref_slice %arg2[%add3A_71] : memref<3145728xf32, #tpu.memory_space<hbm>> -> memref<4096xf32, #tpu.memory_space<hbm>>
    tpu.wait_dma2 semaphore(%arg33 : memref<!tpu.dma_semaphore, #tpu.memory_space<semaphore_mem>>) src(%dma_wait3A_121 : memref<4096xf32, #tpu.memory_space<hbm>>) dst(%arg17 : memref<4096xf32, #tpu.memory_space<vmem>>)
    %dma_wait3A_122 = tpu.memref_slice %arg2[%add3A_79] : memref<3145728xf32, #tpu.memory_space<hbm>> -> memref<4096xf32, #tpu.memory_space<hbm>>
    %dma_wait3A_123 = tpu.memref_slice %arg2[%add3A_79] : memref<3145728xf32, #tpu.memory_space<hbm>> -> memref<4096xf32, #tpu.memory_space<hbm>>
    tpu.wait_dma2 semaphore(%arg33 : memref<!tpu.dma_semaphore, #tpu.memory_space<semaphore_mem>>) src(%dma_wait3A_123 : memref<4096xf32, #tpu.memory_space<hbm>>) dst(%arg19 : memref<4096xf32, #tpu.memory_space<vmem>>)
    %dma_wait3A_124 = tpu.memref_slice %arg2[%add3A_83] : memref<3145728xf32, #tpu.memory_space<hbm>> -> memref<4096xf32, #tpu.memory_space<hbm>>
    %dma_wait3A_125 = tpu.memref_slice %arg2[%add3A_83] : memref<3145728xf32, #tpu.memory_space<hbm>> -> memref<4096xf32, #tpu.memory_space<hbm>>
    tpu.wait_dma2 semaphore(%arg33 : memref<!tpu.dma_semaphore, #tpu.memory_space<semaphore_mem>>) src(%dma_wait3A_125 : memref<4096xf32, #tpu.memory_space<hbm>>) dst(%arg21 : memref<4096xf32, #tpu.memory_space<vmem>>)
    %parallel_loop3A_126 = arith.constant 0 : i32
    %parallel_loop3A_127 = arith.constant 4096 : i32
    %parallel_loop3A_128 = arith.constant 16 : i32
    scf.for %parallel_loop3A_485 = %parallel_loop3A_126 to %parallel_loop3A_127 step %parallel_loop3A_128  : i32 {
      %parallel_loop3A_486 = arith.index_cast %parallel_loop3A_485 : i32 to index
      %parallel_loop3A_487 = tpu.vector_load %arg13[%parallel_loop3A_486] {strides = array<i32>} : memref<4096xi32, #tpu.memory_space<vmem>>, vector<16xi32>,
      %parallel_loop3A_488 = arith.index_cast %parallel_loop3A_485 : i32 to index
      %parallel_loop3A_489 = tpu.vector_load %arg15[%parallel_loop3A_488] {strides = array<i32>} : memref<4096xf32, #tpu.memory_space<vmem>>, vector<16xf32>,
      %parallel_loop3A_490 = arith.constant 5.000000e-01 : f32
      %parallel_loop3A_491 = vector.broadcast %parallel_loop3A_490 : f32 to vector<16xf32>
      %parallel_loop3A_492 = arith.cmpf ogt, %parallel_loop3A_489, %parallel_loop3A_491 : vector<16xf32>
      %parallel_loop3A_493 = arith.constant 0 : i32
      %parallel_loop3A_494 = vector.broadcast %parallel_loop3A_493 : i32 to vector<16xi32>
      %parallel_loop3A_495 = arith.select %parallel_loop3A_492, %parallel_loop3A_487, %parallel_loop3A_494 : vector<16xi1>, vector<16xi32>
      %parallel_loop3A_496 = arith.addi %parallel_loop3A_495, %mul3A_45 : vector<16xi32>
      %parallel_loop3A_497 = arith.index_cast %parallel_loop3A_485 : i32 to index
      %parallel_loop3A_498 = tpu.vector_load %arg17[%parallel_loop3A_497] {strides = array<i32>} : memref<4096xf32, #tpu.memory_space<vmem>>, vector<16xf32>,
      tpu.vector_store_idx %arg8[%parallel_loop3A_496], %parallel_loop3A_498 {add = true} : memref<16384xf32, #tpu.memory_space<vmem>>[vector<16xi32>], vector<16xf32>,
      %parallel_loop3A_499 = arith.index_cast %parallel_loop3A_485 : i32 to index
      %parallel_loop3A_500 = tpu.vector_load %arg19[%parallel_loop3A_499] {strides = array<i32>} : memref<4096xf32, #tpu.memory_space<vmem>>, vector<16xf32>,
      tpu.vector_store_idx %arg9[%parallel_loop3A_496], %parallel_loop3A_500 {add = true} : memref<16384xf32, #tpu.memory_space<vmem>>[vector<16xi32>], vector<16xf32>,
      %parallel_loop3A_501 = arith.index_cast %parallel_loop3A_485 : i32 to index
      %parallel_loop3A_502 = tpu.vector_load %arg21[%parallel_loop3A_501] {strides = array<i32>} : memref<4096xf32, #tpu.memory_space<vmem>>, vector<16xf32>,
      tpu.vector_store_idx %arg10[%parallel_loop3A_496], %parallel_loop3A_502 {add = true} : memref<16384xf32, #tpu.memory_space<vmem>>[vector<16xi32>], vector<16xf32>,
      tpu.vector_store_idx %arg11[%parallel_loop3A_496], %broadcast_in_dim3A_46 {add = true} : memref<16384xf32, #tpu.memory_space<vmem>>[vector<16xi32>], vector<16xf32>,
    } {sc.loop_unroll_factor = 4 : i64, sc.parallel_access}
    %add3A_129 = arith.constant 12288 : i32
    %add3A_130 = arith.addi %add3A_35, %add3A_129 : i32
    %add3A_131 = arith.constant 12288 : i32
    %add3A_132 = arith.addi %add3A_42, %add3A_131 : i32
    %dma_start3A_133 = tpu.memref_slice %arg4[%add3A_130] : memref<1048576xi32, #tpu.memory_space<hbm>> -> memref<4096xi32, #tpu.memory_space<hbm>>
    %dma_start3A_134 = tpu.memref_slice %arg4[%add3A_130] : memref<1048576xi32, #tpu.memory_space<hbm>> -> memref<4096xi32, #tpu.memory_space<hbm>>
    tpu.enqueue_dma source(%dma_start3A_134 : memref<4096xi32, #tpu.memory_space<hbm>>) target(%arg13 : memref<4096xi32, #tpu.memory_space<vmem>>) target_semaphore(%arg33 : memref<!tpu.dma_semaphore, #tpu.memory_space<semaphore_mem>>)
    %dma_start3A_135 = tpu.memref_slice %arg3[%add3A_130] : memref<1048576xf32, #tpu.memory_space<hbm>> -> memref<4096xf32, #tpu.memory_space<hbm>>
    %dma_start3A_136 = tpu.memref_slice %arg3[%add3A_130] : memref<1048576xf32, #tpu.memory_space<hbm>> -> memref<4096xf32, #tpu.memory_space<hbm>>
    tpu.enqueue_dma source(%dma_start3A_136 : memref<4096xf32, #tpu.memory_space<hbm>>) target(%arg15 : memref<4096xf32, #tpu.memory_space<vmem>>) target_semaphore(%arg33 : memref<!tpu.dma_semaphore, #tpu.memory_space<semaphore_mem>>)
    %dma_start3A_137 = tpu.memref_slice %arg2[%add3A_132] : memref<3145728xf32, #tpu.memory_space<hbm>> -> memref<4096xf32, #tpu.memory_space<hbm>>
    %dma_start3A_138 = tpu.memref_slice %arg2[%add3A_132] : memref<3145728xf32, #tpu.memory_space<hbm>> -> memref<4096xf32, #tpu.memory_space<hbm>>
    tpu.enqueue_dma source(%dma_start3A_138 : memref<4096xf32, #tpu.memory_space<hbm>>) target(%arg17 : memref<4096xf32, #tpu.memory_space<vmem>>) target_semaphore(%arg33 : memref<!tpu.dma_semaphore, #tpu.memory_space<semaphore_mem>>)
    %add3A_139 = arith.constant 262144 : i32
    %add3A_140 = arith.addi %add3A_132, %add3A_139 : i32
    %dma_start3A_141 = tpu.memref_slice %arg2[%add3A_140] : memref<3145728xf32, #tpu.memory_space<hbm>> -> memref<4096xf32, #tpu.memory_space<hbm>>
    %dma_start3A_142 = tpu.memref_slice %arg2[%add3A_140] : memref<3145728xf32, #tpu.memory_space<hbm>> -> memref<4096xf32, #tpu.memory_space<hbm>>
    tpu.enqueue_dma source(%dma_start3A_142 : memref<4096xf32, #tpu.memory_space<hbm>>) target(%arg19 : memref<4096xf32, #tpu.memory_space<vmem>>) target_semaphore(%arg33 : memref<!tpu.dma_semaphore, #tpu.memory_space<semaphore_mem>>)
    %add3A_143 = arith.constant 524288 : i32
    %add3A_144 = arith.addi %add3A_132, %add3A_143 : i32
    %dma_start3A_145 = tpu.memref_slice %arg2[%add3A_144] : memref<3145728xf32, #tpu.memory_space<hbm>> -> memref<4096xf32, #tpu.memory_space<hbm>>
    %dma_start3A_146 = tpu.memref_slice %arg2[%add3A_144] : memref<3145728xf32, #tpu.memory_space<hbm>> -> memref<4096xf32, #tpu.memory_space<hbm>>
    tpu.enqueue_dma source(%dma_start3A_146 : memref<4096xf32, #tpu.memory_space<hbm>>) target(%arg21 : memref<4096xf32, #tpu.memory_space<vmem>>) target_semaphore(%arg33 : memref<!tpu.dma_semaphore, #tpu.memory_space<semaphore_mem>>)
    %dma_wait3A_147 = tpu.memref_slice %arg4[%add3A_99] : memref<1048576xi32, #tpu.memory_space<hbm>> -> memref<4096xi32, #tpu.memory_space<hbm>>
    %dma_wait3A_148 = tpu.memref_slice %arg4[%add3A_99] : memref<1048576xi32, #tpu.memory_space<hbm>> -> memref<4096xi32, #tpu.memory_space<hbm>>
    tpu.wait_dma2 semaphore(%arg32 : memref<!tpu.dma_semaphore, #tpu.memory_space<semaphore_mem>>) src(%dma_wait3A_148 : memref<4096xi32, #tpu.memory_space<hbm>>) dst(%arg12 : memref<4096xi32, #tpu.memory_space<vmem>>)
    %dma_wait3A_149 = tpu.memref_slice %arg3[%add3A_99] : memref<1048576xf32, #tpu.memory_space<hbm>> -> memref<4096xf32, #tpu.memory_space<hbm>>
    %dma_wait3A_150 = tpu.memref_slice %arg3[%add3A_99] : memref<1048576xf32, #tpu.memory_space<hbm>> -> memref<4096xf32, #tpu.memory_space<hbm>>
    tpu.wait_dma2 semaphore(%arg32 : memref<!tpu.dma_semaphore, #tpu.memory_space<semaphore_mem>>) src(%dma_wait3A_150 : memref<4096xf32, #tpu.memory_space<hbm>>) dst(%arg14 : memref<4096xf32, #tpu.memory_space<vmem>>)
    %dma_wait3A_151 = tpu.memref_slice %arg2[%add3A_101] : memref<3145728xf32, #tpu.memory_space<hbm>> -> memref<4096xf32, #tpu.memory_space<hbm>>
    %dma_wait3A_152 = tpu.memref_slice %arg2[%add3A_101] : memref<3145728xf32, #tpu.memory_space<hbm>> -> memref<4096xf32, #tpu.memory_space<hbm>>
    tpu.wait_dma2 semaphore(%arg32 : memref<!tpu.dma_semaphore, #tpu.memory_space<semaphore_mem>>) src(%dma_wait3A_152 : memref<4096xf32, #tpu.memory_space<hbm>>) dst(%arg16 : memref<4096xf32, #tpu.memory_space<vmem>>)
    %dma_wait3A_153 = tpu.memref_slice %arg2[%add3A_109] : memref<3145728xf32, #tpu.memory_space<hbm>> -> memref<4096xf32, #tpu.memory_space<hbm>>
    %dma_wait3A_154 = tpu.memref_slice %arg2[%add3A_109] : memref<3145728xf32, #tpu.memory_space<hbm>> -> memref<4096xf32, #tpu.memory_space<hbm>>
    tpu.wait_dma2 semaphore(%arg32 : memref<!tpu.dma_semaphore, #tpu.memory_space<semaphore_mem>>) src(%dma_wait3A_154 : memref<4096xf32, #tpu.memory_space<hbm>>) dst(%arg18 : memref<4096xf32, #tpu.memory_space<vmem>>)
    %dma_wait3A_155 = tpu.memref_slice %arg2[%add3A_113] : memref<3145728xf32, #tpu.memory_space<hbm>> -> memref<4096xf32, #tpu.memory_space<hbm>>
    %dma_wait3A_156 = tpu.memref_slice %arg2[%add3A_113] : memref<3145728xf32, #tpu.memory_space<hbm>> -> memref<4096xf32, #tpu.memory_space<hbm>>
    tpu.wait_dma2 semaphore(%arg32 : memref<!tpu.dma_semaphore, #tpu.memory_space<semaphore_mem>>) src(%dma_wait3A_156 : memref<4096xf32, #tpu.memory_space<hbm>>) dst(%arg20 : memref<4096xf32, #tpu.memory_space<vmem>>)
    %parallel_loop3A_157 = arith.constant 0 : i32
    %parallel_loop3A_158 = arith.constant 4096 : i32
    %parallel_loop3A_159 = arith.constant 16 : i32
    scf.for %parallel_loop3A_485 = %parallel_loop3A_157 to %parallel_loop3A_158 step %parallel_loop3A_159  : i32 {
      %parallel_loop3A_486 = arith.index_cast %parallel_loop3A_485 : i32 to index
      %parallel_loop3A_487 = tpu.vector_load %arg12[%parallel_loop3A_486] {strides = array<i32>} : memref<4096xi32, #tpu.memory_space<vmem>>, vector<16xi32>,
      %parallel_loop3A_488 = arith.index_cast %parallel_loop3A_485 : i32 to index
      %parallel_loop3A_489 = tpu.vector_load %arg14[%parallel_loop3A_488] {strides = array<i32>} : memref<4096xf32, #tpu.memory_space<vmem>>, vector<16xf32>,
      %parallel_loop3A_490 = arith.constant 5.000000e-01 : f32
      %parallel_loop3A_491 = vector.broadcast %parallel_loop3A_490 : f32 to vector<16xf32>
      %parallel_loop3A_492 = arith.cmpf ogt, %parallel_loop3A_489, %parallel_loop3A_491 : vector<16xf32>
      %parallel_loop3A_493 = arith.constant 0 : i32
      %parallel_loop3A_494 = vector.broadcast %parallel_loop3A_493 : i32 to vector<16xi32>
      %parallel_loop3A_495 = arith.select %parallel_loop3A_492, %parallel_loop3A_487, %parallel_loop3A_494 : vector<16xi1>, vector<16xi32>
      %parallel_loop3A_496 = arith.addi %parallel_loop3A_495, %mul3A_45 : vector<16xi32>
      %parallel_loop3A_497 = arith.index_cast %parallel_loop3A_485 : i32 to index
      %parallel_loop3A_498 = tpu.vector_load %arg16[%parallel_loop3A_497] {strides = array<i32>} : memref<4096xf32, #tpu.memory_space<vmem>>, vector<16xf32>,
      tpu.vector_store_idx %arg8[%parallel_loop3A_496], %parallel_loop3A_498 {add = true} : memref<16384xf32, #tpu.memory_space<vmem>>[vector<16xi32>], vector<16xf32>,
      %parallel_loop3A_499 = arith.index_cast %parallel_loop3A_485 : i32 to index
      %parallel_loop3A_500 = tpu.vector_load %arg18[%parallel_loop3A_499] {strides = array<i32>} : memref<4096xf32, #tpu.memory_space<vmem>>, vector<16xf32>,
      tpu.vector_store_idx %arg9[%parallel_loop3A_496], %parallel_loop3A_500 {add = true} : memref<16384xf32, #tpu.memory_space<vmem>>[vector<16xi32>], vector<16xf32>,
      %parallel_loop3A_501 = arith.index_cast %parallel_loop3A_485 : i32 to index
      %parallel_loop3A_502 = tpu.vector_load %arg20[%parallel_loop3A_501] {strides = array<i32>} : memref<4096xf32, #tpu.memory_space<vmem>>, vector<16xf32>,
      tpu.vector_store_idx %arg10[%parallel_loop3A_496], %parallel_loop3A_502 {add = true} : memref<16384xf32, #tpu.memory_space<vmem>>[vector<16xi32>], vector<16xf32>,
      tpu.vector_store_idx %arg11[%parallel_loop3A_496], %broadcast_in_dim3A_46 {add = true} : memref<16384xf32, #tpu.memory_space<vmem>>[vector<16xi32>], vector<16xf32>,
    } {sc.loop_unroll_factor = 4 : i64, sc.parallel_access}
    %add3A_160 = arith.constant 16384 : i32
    %add3A_161 = arith.addi %add3A_35, %add3A_160 : i32
    %add3A_162 = arith.constant 16384 : i32
    %add3A_163 = arith.addi %add3A_42, %add3A_162 : i32
    %dma_start3A_164 = tpu.memref_slice %arg4[%add3A_161] : memref<1048576xi32, #tpu.memory_space<hbm>> -> memref<4096xi32, #tpu.memory_space<hbm>>
    %dma_start3A_165 = tpu.memref_slice %arg4[%add3A_161] : memref<1048576xi32, #tpu.memory_space<hbm>> -> memref<4096xi32, #tpu.memory_space<hbm>>
    tpu.enqueue_dma source(%dma_start3A_165 : memref<4096xi32, #tpu.memory_space<hbm>>) target(%arg12 : memref<4096xi32, #tpu.memory_space<vmem>>) target_semaphore(%arg32 : memref<!tpu.dma_semaphore, #tpu.memory_space<semaphore_mem>>)
    %dma_start3A_166 = tpu.memref_slice %arg3[%add3A_161] : memref<1048576xf32, #tpu.memory_space<hbm>> -> memref<4096xf32, #tpu.memory_space<hbm>>
    %dma_start3A_167 = tpu.memref_slice %arg3[%add3A_161] : memref<1048576xf32, #tpu.memory_space<hbm>> -> memref<4096xf32, #tpu.memory_space<hbm>>
    tpu.enqueue_dma source(%dma_start3A_167 : memref<4096xf32, #tpu.memory_space<hbm>>) target(%arg14 : memref<4096xf32, #tpu.memory_space<vmem>>) target_semaphore(%arg32 : memref<!tpu.dma_semaphore, #tpu.memory_space<semaphore_mem>>)
    %dma_start3A_168 = tpu.memref_slice %arg2[%add3A_163] : memref<3145728xf32, #tpu.memory_space<hbm>> -> memref<4096xf32, #tpu.memory_space<hbm>>
    %dma_start3A_169 = tpu.memref_slice %arg2[%add3A_163] : memref<3145728xf32, #tpu.memory_space<hbm>> -> memref<4096xf32, #tpu.memory_space<hbm>>
    tpu.enqueue_dma source(%dma_start3A_169 : memref<4096xf32, #tpu.memory_space<hbm>>) target(%arg16 : memref<4096xf32, #tpu.memory_space<vmem>>) target_semaphore(%arg32 : memref<!tpu.dma_semaphore, #tpu.memory_space<semaphore_mem>>)
    %add3A_170 = arith.constant 262144 : i32
    %add3A_171 = arith.addi %add3A_163, %add3A_170 : i32
    %dma_start3A_172 = tpu.memref_slice %arg2[%add3A_171] : memref<3145728xf32, #tpu.memory_space<hbm>> -> memref<4096xf32, #tpu.memory_space<hbm>>
    %dma_start3A_173 = tpu.memref_slice %arg2[%add3A_171] : memref<3145728xf32, #tpu.memory_space<hbm>> -> memref<4096xf32, #tpu.memory_space<hbm>>
    tpu.enqueue_dma source(%dma_start3A_173 : memref<4096xf32, #tpu.memory_space<hbm>>) target(%arg18 : memref<4096xf32, #tpu.memory_space<vmem>>) target_semaphore(%arg32 : memref<!tpu.dma_semaphore, #tpu.memory_space<semaphore_mem>>)
    %add3A_174 = arith.constant 524288 : i32
    %add3A_175 = arith.addi %add3A_163, %add3A_174 : i32
    %dma_start3A_176 = tpu.memref_slice %arg2[%add3A_175] : memref<3145728xf32, #tpu.memory_space<hbm>> -> memref<4096xf32, #tpu.memory_space<hbm>>
    %dma_start3A_177 = tpu.memref_slice %arg2[%add3A_175] : memref<3145728xf32, #tpu.memory_space<hbm>> -> memref<4096xf32, #tpu.memory_space<hbm>>
    tpu.enqueue_dma source(%dma_start3A_177 : memref<4096xf32, #tpu.memory_space<hbm>>) target(%arg20 : memref<4096xf32, #tpu.memory_space<vmem>>) target_semaphore(%arg32 : memref<!tpu.dma_semaphore, #tpu.memory_space<semaphore_mem>>)
    %dma_wait3A_178 = tpu.memref_slice %arg4[%add3A_130] : memref<1048576xi32, #tpu.memory_space<hbm>> -> memref<4096xi32, #tpu.memory_space<hbm>>
    %dma_wait3A_179 = tpu.memref_slice %arg4[%add3A_130] : memref<1048576xi32, #tpu.memory_space<hbm>> -> memref<4096xi32, #tpu.memory_space<hbm>>
    tpu.wait_dma2 semaphore(%arg33 : memref<!tpu.dma_semaphore, #tpu.memory_space<semaphore_mem>>) src(%dma_wait3A_179 : memref<4096xi32, #tpu.memory_space<hbm>>) dst(%arg13 : memref<4096xi32, #tpu.memory_space<vmem>>)
    %dma_wait3A_180 = tpu.memref_slice %arg3[%add3A_130] : memref<1048576xf32, #tpu.memory_space<hbm>> -> memref<4096xf32, #tpu.memory_space<hbm>>
    %dma_wait3A_181 = tpu.memref_slice %arg3[%add3A_130] : memref<1048576xf32, #tpu.memory_space<hbm>> -> memref<4096xf32, #tpu.memory_space<hbm>>
    tpu.wait_dma2 semaphore(%arg33 : memref<!tpu.dma_semaphore, #tpu.memory_space<semaphore_mem>>) src(%dma_wait3A_181 : memref<4096xf32, #tpu.memory_space<hbm>>) dst(%arg15 : memref<4096xf32, #tpu.memory_space<vmem>>)
    %dma_wait3A_182 = tpu.memref_slice %arg2[%add3A_132] : memref<3145728xf32, #tpu.memory_space<hbm>> -> memref<4096xf32, #tpu.memory_space<hbm>>
    %dma_wait3A_183 = tpu.memref_slice %arg2[%add3A_132] : memref<3145728xf32, #tpu.memory_space<hbm>> -> memref<4096xf32, #tpu.memory_space<hbm>>
    tpu.wait_dma2 semaphore(%arg33 : memref<!tpu.dma_semaphore, #tpu.memory_space<semaphore_mem>>) src(%dma_wait3A_183 : memref<4096xf32, #tpu.memory_space<hbm>>) dst(%arg17 : memref<4096xf32, #tpu.memory_space<vmem>>)
    %dma_wait3A_184 = tpu.memref_slice %arg2[%add3A_140] : memref<3145728xf32, #tpu.memory_space<hbm>> -> memref<4096xf32, #tpu.memory_space<hbm>>
    %dma_wait3A_185 = tpu.memref_slice %arg2[%add3A_140] : memref<3145728xf32, #tpu.memory_space<hbm>> -> memref<4096xf32, #tpu.memory_space<hbm>>
    tpu.wait_dma2 semaphore(%arg33 : memref<!tpu.dma_semaphore, #tpu.memory_space<semaphore_mem>>) src(%dma_wait3A_185 : memref<4096xf32, #tpu.memory_space<hbm>>) dst(%arg19 : memref<4096xf32, #tpu.memory_space<vmem>>)
    %dma_wait3A_186 = tpu.memref_slice %arg2[%add3A_144] : memref<3145728xf32, #tpu.memory_space<hbm>> -> memref<4096xf32, #tpu.memory_space<hbm>>
    %dma_wait3A_187 = tpu.memref_slice %arg2[%add3A_144] : memref<3145728xf32, #tpu.memory_space<hbm>> -> memref<4096xf32, #tpu.memory_space<hbm>>
    tpu.wait_dma2 semaphore(%arg33 : memref<!tpu.dma_semaphore, #tpu.memory_space<semaphore_mem>>) src(%dma_wait3A_187 : memref<4096xf32, #tpu.memory_space<hbm>>) dst(%arg21 : memref<4096xf32, #tpu.memory_space<vmem>>)
    %parallel_loop3A_188 = arith.constant 0 : i32
    %parallel_loop3A_189 = arith.constant 4096 : i32
    %parallel_loop3A_190 = arith.constant 16 : i32
    scf.for %parallel_loop3A_485 = %parallel_loop3A_188 to %parallel_loop3A_189 step %parallel_loop3A_190  : i32 {
      %parallel_loop3A_486 = arith.index_cast %parallel_loop3A_485 : i32 to index
      %parallel_loop3A_487 = tpu.vector_load %arg13[%parallel_loop3A_486] {strides = array<i32>} : memref<4096xi32, #tpu.memory_space<vmem>>, vector<16xi32>,
      %parallel_loop3A_488 = arith.index_cast %parallel_loop3A_485 : i32 to index
      %parallel_loop3A_489 = tpu.vector_load %arg15[%parallel_loop3A_488] {strides = array<i32>} : memref<4096xf32, #tpu.memory_space<vmem>>, vector<16xf32>,
      %parallel_loop3A_490 = arith.constant 5.000000e-01 : f32
      %parallel_loop3A_491 = vector.broadcast %parallel_loop3A_490 : f32 to vector<16xf32>
      %parallel_loop3A_492 = arith.cmpf ogt, %parallel_loop3A_489, %parallel_loop3A_491 : vector<16xf32>
      %parallel_loop3A_493 = arith.constant 0 : i32
      %parallel_loop3A_494 = vector.broadcast %parallel_loop3A_493 : i32 to vector<16xi32>
      %parallel_loop3A_495 = arith.select %parallel_loop3A_492, %parallel_loop3A_487, %parallel_loop3A_494 : vector<16xi1>, vector<16xi32>
      %parallel_loop3A_496 = arith.addi %parallel_loop3A_495, %mul3A_45 : vector<16xi32>
      %parallel_loop3A_497 = arith.index_cast %parallel_loop3A_485 : i32 to index
      %parallel_loop3A_498 = tpu.vector_load %arg17[%parallel_loop3A_497] {strides = array<i32>} : memref<4096xf32, #tpu.memory_space<vmem>>, vector<16xf32>,
      tpu.vector_store_idx %arg8[%parallel_loop3A_496], %parallel_loop3A_498 {add = true} : memref<16384xf32, #tpu.memory_space<vmem>>[vector<16xi32>], vector<16xf32>,
      %parallel_loop3A_499 = arith.index_cast %parallel_loop3A_485 : i32 to index
      %parallel_loop3A_500 = tpu.vector_load %arg19[%parallel_loop3A_499] {strides = array<i32>} : memref<4096xf32, #tpu.memory_space<vmem>>, vector<16xf32>,
      tpu.vector_store_idx %arg9[%parallel_loop3A_496], %parallel_loop3A_500 {add = true} : memref<16384xf32, #tpu.memory_space<vmem>>[vector<16xi32>], vector<16xf32>,
      %parallel_loop3A_501 = arith.index_cast %parallel_loop3A_485 : i32 to index
      %parallel_loop3A_502 = tpu.vector_load %arg21[%parallel_loop3A_501] {strides = array<i32>} : memref<4096xf32, #tpu.memory_space<vmem>>, vector<16xf32>,
      tpu.vector_store_idx %arg10[%parallel_loop3A_496], %parallel_loop3A_502 {add = true} : memref<16384xf32, #tpu.memory_space<vmem>>[vector<16xi32>], vector<16xf32>,
      tpu.vector_store_idx %arg11[%parallel_loop3A_496], %broadcast_in_dim3A_46 {add = true} : memref<16384xf32, #tpu.memory_space<vmem>>[vector<16xi32>], vector<16xf32>,
    } {sc.loop_unroll_factor = 4 : i64, sc.parallel_access}
    %add3A_191 = arith.constant 20480 : i32
    %add3A_192 = arith.addi %add3A_35, %add3A_191 : i32
    %add3A_193 = arith.constant 20480 : i32
    %add3A_194 = arith.addi %add3A_42, %add3A_193 : i32
    %dma_start3A_195 = tpu.memref_slice %arg4[%add3A_192] : memref<1048576xi32, #tpu.memory_space<hbm>> -> memref<4096xi32, #tpu.memory_space<hbm>>
    %dma_start3A_196 = tpu.memref_slice %arg4[%add3A_192] : memref<1048576xi32, #tpu.memory_space<hbm>> -> memref<4096xi32, #tpu.memory_space<hbm>>
    tpu.enqueue_dma source(%dma_start3A_196 : memref<4096xi32, #tpu.memory_space<hbm>>) target(%arg13 : memref<4096xi32, #tpu.memory_space<vmem>>) target_semaphore(%arg33 : memref<!tpu.dma_semaphore, #tpu.memory_space<semaphore_mem>>)
    %dma_start3A_197 = tpu.memref_slice %arg3[%add3A_192] : memref<1048576xf32, #tpu.memory_space<hbm>> -> memref<4096xf32, #tpu.memory_space<hbm>>
    %dma_start3A_198 = tpu.memref_slice %arg3[%add3A_192] : memref<1048576xf32, #tpu.memory_space<hbm>> -> memref<4096xf32, #tpu.memory_space<hbm>>
    tpu.enqueue_dma source(%dma_start3A_198 : memref<4096xf32, #tpu.memory_space<hbm>>) target(%arg15 : memref<4096xf32, #tpu.memory_space<vmem>>) target_semaphore(%arg33 : memref<!tpu.dma_semaphore, #tpu.memory_space<semaphore_mem>>)
    %dma_start3A_199 = tpu.memref_slice %arg2[%add3A_194] : memref<3145728xf32, #tpu.memory_space<hbm>> -> memref<4096xf32, #tpu.memory_space<hbm>>
    %dma_start3A_200 = tpu.memref_slice %arg2[%add3A_194] : memref<3145728xf32, #tpu.memory_space<hbm>> -> memref<4096xf32, #tpu.memory_space<hbm>>
    tpu.enqueue_dma source(%dma_start3A_200 : memref<4096xf32, #tpu.memory_space<hbm>>) target(%arg17 : memref<4096xf32, #tpu.memory_space<vmem>>) target_semaphore(%arg33 : memref<!tpu.dma_semaphore, #tpu.memory_space<semaphore_mem>>)
    %add3A_201 = arith.constant 262144 : i32
    %add3A_202 = arith.addi %add3A_194, %add3A_201 : i32
    %dma_start3A_203 = tpu.memref_slice %arg2[%add3A_202] : memref<3145728xf32, #tpu.memory_space<hbm>> -> memref<4096xf32, #tpu.memory_space<hbm>>
    %dma_start3A_204 = tpu.memref_slice %arg2[%add3A_202] : memref<3145728xf32, #tpu.memory_space<hbm>> -> memref<4096xf32, #tpu.memory_space<hbm>>
    tpu.enqueue_dma source(%dma_start3A_204 : memref<4096xf32, #tpu.memory_space<hbm>>) target(%arg19 : memref<4096xf32, #tpu.memory_space<vmem>>) target_semaphore(%arg33 : memref<!tpu.dma_semaphore, #tpu.memory_space<semaphore_mem>>)
    %add3A_205 = arith.constant 524288 : i32
    %add3A_206 = arith.addi %add3A_194, %add3A_205 : i32
    %dma_start3A_207 = tpu.memref_slice %arg2[%add3A_206] : memref<3145728xf32, #tpu.memory_space<hbm>> -> memref<4096xf32, #tpu.memory_space<hbm>>
    %dma_start3A_208 = tpu.memref_slice %arg2[%add3A_206] : memref<3145728xf32, #tpu.memory_space<hbm>> -> memref<4096xf32, #tpu.memory_space<hbm>>
    tpu.enqueue_dma source(%dma_start3A_208 : memref<4096xf32, #tpu.memory_space<hbm>>) target(%arg21 : memref<4096xf32, #tpu.memory_space<vmem>>) target_semaphore(%arg33 : memref<!tpu.dma_semaphore, #tpu.memory_space<semaphore_mem>>)
    %dma_wait3A_209 = tpu.memref_slice %arg4[%add3A_161] : memref<1048576xi32, #tpu.memory_space<hbm>> -> memref<4096xi32, #tpu.memory_space<hbm>>
    %dma_wait3A_210 = tpu.memref_slice %arg4[%add3A_161] : memref<1048576xi32, #tpu.memory_space<hbm>> -> memref<4096xi32, #tpu.memory_space<hbm>>
    tpu.wait_dma2 semaphore(%arg32 : memref<!tpu.dma_semaphore, #tpu.memory_space<semaphore_mem>>) src(%dma_wait3A_210 : memref<4096xi32, #tpu.memory_space<hbm>>) dst(%arg12 : memref<4096xi32, #tpu.memory_space<vmem>>)
    %dma_wait3A_211 = tpu.memref_slice %arg3[%add3A_161] : memref<1048576xf32, #tpu.memory_space<hbm>> -> memref<4096xf32, #tpu.memory_space<hbm>>
    %dma_wait3A_212 = tpu.memref_slice %arg3[%add3A_161] : memref<1048576xf32, #tpu.memory_space<hbm>> -> memref<4096xf32, #tpu.memory_space<hbm>>
    tpu.wait_dma2 semaphore(%arg32 : memref<!tpu.dma_semaphore, #tpu.memory_space<semaphore_mem>>) src(%dma_wait3A_212 : memref<4096xf32, #tpu.memory_space<hbm>>) dst(%arg14 : memref<4096xf32, #tpu.memory_space<vmem>>)
    %dma_wait3A_213 = tpu.memref_slice %arg2[%add3A_163] : memref<3145728xf32, #tpu.memory_space<hbm>> -> memref<4096xf32, #tpu.memory_space<hbm>>
    %dma_wait3A_214 = tpu.memref_slice %arg2[%add3A_163] : memref<3145728xf32, #tpu.memory_space<hbm>> -> memref<4096xf32, #tpu.memory_space<hbm>>
    tpu.wait_dma2 semaphore(%arg32 : memref<!tpu.dma_semaphore, #tpu.memory_space<semaphore_mem>>) src(%dma_wait3A_214 : memref<4096xf32, #tpu.memory_space<hbm>>) dst(%arg16 : memref<4096xf32, #tpu.memory_space<vmem>>)
    %dma_wait3A_215 = tpu.memref_slice %arg2[%add3A_171] : memref<3145728xf32, #tpu.memory_space<hbm>> -> memref<4096xf32, #tpu.memory_space<hbm>>
    %dma_wait3A_216 = tpu.memref_slice %arg2[%add3A_171] : memref<3145728xf32, #tpu.memory_space<hbm>> -> memref<4096xf32, #tpu.memory_space<hbm>>
    tpu.wait_dma2 semaphore(%arg32 : memref<!tpu.dma_semaphore, #tpu.memory_space<semaphore_mem>>) src(%dma_wait3A_216 : memref<4096xf32, #tpu.memory_space<hbm>>) dst(%arg18 : memref<4096xf32, #tpu.memory_space<vmem>>)
    %dma_wait3A_217 = tpu.memref_slice %arg2[%add3A_175] : memref<3145728xf32, #tpu.memory_space<hbm>> -> memref<4096xf32, #tpu.memory_space<hbm>>
    %dma_wait3A_218 = tpu.memref_slice %arg2[%add3A_175] : memref<3145728xf32, #tpu.memory_space<hbm>> -> memref<4096xf32, #tpu.memory_space<hbm>>
    tpu.wait_dma2 semaphore(%arg32 : memref<!tpu.dma_semaphore, #tpu.memory_space<semaphore_mem>>) src(%dma_wait3A_218 : memref<4096xf32, #tpu.memory_space<hbm>>) dst(%arg20 : memref<4096xf32, #tpu.memory_space<vmem>>)
    %parallel_loop3A_219 = arith.constant 0 : i32
    %parallel_loop3A_220 = arith.constant 4096 : i32
    %parallel_loop3A_221 = arith.constant 16 : i32
    scf.for %parallel_loop3A_485 = %parallel_loop3A_219 to %parallel_loop3A_220 step %parallel_loop3A_221  : i32 {
      %parallel_loop3A_486 = arith.index_cast %parallel_loop3A_485 : i32 to index
      %parallel_loop3A_487 = tpu.vector_load %arg12[%parallel_loop3A_486] {strides = array<i32>} : memref<4096xi32, #tpu.memory_space<vmem>>, vector<16xi32>,
      %parallel_loop3A_488 = arith.index_cast %parallel_loop3A_485 : i32 to index
      %parallel_loop3A_489 = tpu.vector_load %arg14[%parallel_loop3A_488] {strides = array<i32>} : memref<4096xf32, #tpu.memory_space<vmem>>, vector<16xf32>,
      %parallel_loop3A_490 = arith.constant 5.000000e-01 : f32
      %parallel_loop3A_491 = vector.broadcast %parallel_loop3A_490 : f32 to vector<16xf32>
      %parallel_loop3A_492 = arith.cmpf ogt, %parallel_loop3A_489, %parallel_loop3A_491 : vector<16xf32>
      %parallel_loop3A_493 = arith.constant 0 : i32
      %parallel_loop3A_494 = vector.broadcast %parallel_loop3A_493 : i32 to vector<16xi32>
      %parallel_loop3A_495 = arith.select %parallel_loop3A_492, %parallel_loop3A_487, %parallel_loop3A_494 : vector<16xi1>, vector<16xi32>
      %parallel_loop3A_496 = arith.addi %parallel_loop3A_495, %mul3A_45 : vector<16xi32>
      %parallel_loop3A_497 = arith.index_cast %parallel_loop3A_485 : i32 to index
      %parallel_loop3A_498 = tpu.vector_load %arg16[%parallel_loop3A_497] {strides = array<i32>} : memref<4096xf32, #tpu.memory_space<vmem>>, vector<16xf32>,
      tpu.vector_store_idx %arg8[%parallel_loop3A_496], %parallel_loop3A_498 {add = true} : memref<16384xf32, #tpu.memory_space<vmem>>[vector<16xi32>], vector<16xf32>,
      %parallel_loop3A_499 = arith.index_cast %parallel_loop3A_485 : i32 to index
      %parallel_loop3A_500 = tpu.vector_load %arg18[%parallel_loop3A_499] {strides = array<i32>} : memref<4096xf32, #tpu.memory_space<vmem>>, vector<16xf32>,
      tpu.vector_store_idx %arg9[%parallel_loop3A_496], %parallel_loop3A_500 {add = true} : memref<16384xf32, #tpu.memory_space<vmem>>[vector<16xi32>], vector<16xf32>,
      %parallel_loop3A_501 = arith.index_cast %parallel_loop3A_485 : i32 to index
      %parallel_loop3A_502 = tpu.vector_load %arg20[%parallel_loop3A_501] {strides = array<i32>} : memref<4096xf32, #tpu.memory_space<vmem>>, vector<16xf32>,
      tpu.vector_store_idx %arg10[%parallel_loop3A_496], %parallel_loop3A_502 {add = true} : memref<16384xf32, #tpu.memory_space<vmem>>[vector<16xi32>], vector<16xf32>,
      tpu.vector_store_idx %arg11[%parallel_loop3A_496], %broadcast_in_dim3A_46 {add = true} : memref<16384xf32, #tpu.memory_space<vmem>>[vector<16xi32>], vector<16xf32>,
    } {sc.loop_unroll_factor = 4 : i64, sc.parallel_access}
    %add3A_222 = arith.constant 24576 : i32
    %add3A_223 = arith.addi %add3A_35, %add3A_222 : i32
    %add3A_224 = arith.constant 24576 : i32
    %add3A_225 = arith.addi %add3A_42, %add3A_224 : i32
    %dma_start3A_226 = tpu.memref_slice %arg4[%add3A_223] : memref<1048576xi32, #tpu.memory_space<hbm>> -> memref<4096xi32, #tpu.memory_space<hbm>>
    %dma_start3A_227 = tpu.memref_slice %arg4[%add3A_223] : memref<1048576xi32, #tpu.memory_space<hbm>> -> memref<4096xi32, #tpu.memory_space<hbm>>
    tpu.enqueue_dma source(%dma_start3A_227 : memref<4096xi32, #tpu.memory_space<hbm>>) target(%arg12 : memref<4096xi32, #tpu.memory_space<vmem>>) target_semaphore(%arg32 : memref<!tpu.dma_semaphore, #tpu.memory_space<semaphore_mem>>)
    %dma_start3A_228 = tpu.memref_slice %arg3[%add3A_223] : memref<1048576xf32, #tpu.memory_space<hbm>> -> memref<4096xf32, #tpu.memory_space<hbm>>
    %dma_start3A_229 = tpu.memref_slice %arg3[%add3A_223] : memref<1048576xf32, #tpu.memory_space<hbm>> -> memref<4096xf32, #tpu.memory_space<hbm>>
    tpu.enqueue_dma source(%dma_start3A_229 : memref<4096xf32, #tpu.memory_space<hbm>>) target(%arg14 : memref<4096xf32, #tpu.memory_space<vmem>>) target_semaphore(%arg32 : memref<!tpu.dma_semaphore, #tpu.memory_space<semaphore_mem>>)
    %dma_start3A_230 = tpu.memref_slice %arg2[%add3A_225] : memref<3145728xf32, #tpu.memory_space<hbm>> -> memref<4096xf32, #tpu.memory_space<hbm>>
    %dma_start3A_231 = tpu.memref_slice %arg2[%add3A_225] : memref<3145728xf32, #tpu.memory_space<hbm>> -> memref<4096xf32, #tpu.memory_space<hbm>>
    tpu.enqueue_dma source(%dma_start3A_231 : memref<4096xf32, #tpu.memory_space<hbm>>) target(%arg16 : memref<4096xf32, #tpu.memory_space<vmem>>) target_semaphore(%arg32 : memref<!tpu.dma_semaphore, #tpu.memory_space<semaphore_mem>>)
    %add3A_232 = arith.constant 262144 : i32
    %add3A_233 = arith.addi %add3A_225, %add3A_232 : i32
    %dma_start3A_234 = tpu.memref_slice %arg2[%add3A_233] : memref<3145728xf32, #tpu.memory_space<hbm>> -> memref<4096xf32, #tpu.memory_space<hbm>>
    %dma_start3A_235 = tpu.memref_slice %arg2[%add3A_233] : memref<3145728xf32, #tpu.memory_space<hbm>> -> memref<4096xf32, #tpu.memory_space<hbm>>
    tpu.enqueue_dma source(%dma_start3A_235 : memref<4096xf32, #tpu.memory_space<hbm>>) target(%arg18 : memref<4096xf32, #tpu.memory_space<vmem>>) target_semaphore(%arg32 : memref<!tpu.dma_semaphore, #tpu.memory_space<semaphore_mem>>)
    %add3A_236 = arith.constant 524288 : i32
    %add3A_237 = arith.addi %add3A_225, %add3A_236 : i32
    %dma_start3A_238 = tpu.memref_slice %arg2[%add3A_237] : memref<3145728xf32, #tpu.memory_space<hbm>> -> memref<4096xf32, #tpu.memory_space<hbm>>
    %dma_start3A_239 = tpu.memref_slice %arg2[%add3A_237] : memref<3145728xf32, #tpu.memory_space<hbm>> -> memref<4096xf32, #tpu.memory_space<hbm>>
    tpu.enqueue_dma source(%dma_start3A_239 : memref<4096xf32, #tpu.memory_space<hbm>>) target(%arg20 : memref<4096xf32, #tpu.memory_space<vmem>>) target_semaphore(%arg32 : memref<!tpu.dma_semaphore, #tpu.memory_space<semaphore_mem>>)
    %dma_wait3A_240 = tpu.memref_slice %arg4[%add3A_192] : memref<1048576xi32, #tpu.memory_space<hbm>> -> memref<4096xi32, #tpu.memory_space<hbm>>
    %dma_wait3A_241 = tpu.memref_slice %arg4[%add3A_192] : memref<1048576xi32, #tpu.memory_space<hbm>> -> memref<4096xi32, #tpu.memory_space<hbm>>
    tpu.wait_dma2 semaphore(%arg33 : memref<!tpu.dma_semaphore, #tpu.memory_space<semaphore_mem>>) src(%dma_wait3A_241 : memref<4096xi32, #tpu.memory_space<hbm>>) dst(%arg13 : memref<4096xi32, #tpu.memory_space<vmem>>)
    %dma_wait3A_242 = tpu.memref_slice %arg3[%add3A_192] : memref<1048576xf32, #tpu.memory_space<hbm>> -> memref<4096xf32, #tpu.memory_space<hbm>>
    %dma_wait3A_243 = tpu.memref_slice %arg3[%add3A_192] : memref<1048576xf32, #tpu.memory_space<hbm>> -> memref<4096xf32, #tpu.memory_space<hbm>>
    tpu.wait_dma2 semaphore(%arg33 : memref<!tpu.dma_semaphore, #tpu.memory_space<semaphore_mem>>) src(%dma_wait3A_243 : memref<4096xf32, #tpu.memory_space<hbm>>) dst(%arg15 : memref<4096xf32, #tpu.memory_space<vmem>>)
    %dma_wait3A_244 = tpu.memref_slice %arg2[%add3A_194] : memref<3145728xf32, #tpu.memory_space<hbm>> -> memref<4096xf32, #tpu.memory_space<hbm>>
    %dma_wait3A_245 = tpu.memref_slice %arg2[%add3A_194] : memref<3145728xf32, #tpu.memory_space<hbm>> -> memref<4096xf32, #tpu.memory_space<hbm>>
    tpu.wait_dma2 semaphore(%arg33 : memref<!tpu.dma_semaphore, #tpu.memory_space<semaphore_mem>>) src(%dma_wait3A_245 : memref<4096xf32, #tpu.memory_space<hbm>>) dst(%arg17 : memref<4096xf32, #tpu.memory_space<vmem>>)
    %dma_wait3A_246 = tpu.memref_slice %arg2[%add3A_202] : memref<3145728xf32, #tpu.memory_space<hbm>> -> memref<4096xf32, #tpu.memory_space<hbm>>
    %dma_wait3A_247 = tpu.memref_slice %arg2[%add3A_202] : memref<3145728xf32, #tpu.memory_space<hbm>> -> memref<4096xf32, #tpu.memory_space<hbm>>
    tpu.wait_dma2 semaphore(%arg33 : memref<!tpu.dma_semaphore, #tpu.memory_space<semaphore_mem>>) src(%dma_wait3A_247 : memref<4096xf32, #tpu.memory_space<hbm>>) dst(%arg19 : memref<4096xf32, #tpu.memory_space<vmem>>)
    %dma_wait3A_248 = tpu.memref_slice %arg2[%add3A_206] : memref<3145728xf32, #tpu.memory_space<hbm>> -> memref<4096xf32, #tpu.memory_space<hbm>>
    %dma_wait3A_249 = tpu.memref_slice %arg2[%add3A_206] : memref<3145728xf32, #tpu.memory_space<hbm>> -> memref<4096xf32, #tpu.memory_space<hbm>>
    tpu.wait_dma2 semaphore(%arg33 : memref<!tpu.dma_semaphore, #tpu.memory_space<semaphore_mem>>) src(%dma_wait3A_249 : memref<4096xf32, #tpu.memory_space<hbm>>) dst(%arg21 : memref<4096xf32, #tpu.memory_space<vmem>>)
    %parallel_loop3A_250 = arith.constant 0 : i32
    %parallel_loop3A_251 = arith.constant 4096 : i32
    %parallel_loop3A_252 = arith.constant 16 : i32
    scf.for %parallel_loop3A_485 = %parallel_loop3A_250 to %parallel_loop3A_251 step %parallel_loop3A_252  : i32 {
      %parallel_loop3A_486 = arith.index_cast %parallel_loop3A_485 : i32 to index
      %parallel_loop3A_487 = tpu.vector_load %arg13[%parallel_loop3A_486] {strides = array<i32>} : memref<4096xi32, #tpu.memory_space<vmem>>, vector<16xi32>,
      %parallel_loop3A_488 = arith.index_cast %parallel_loop3A_485 : i32 to index
      %parallel_loop3A_489 = tpu.vector_load %arg15[%parallel_loop3A_488] {strides = array<i32>} : memref<4096xf32, #tpu.memory_space<vmem>>, vector<16xf32>,
      %parallel_loop3A_490 = arith.constant 5.000000e-01 : f32
      %parallel_loop3A_491 = vector.broadcast %parallel_loop3A_490 : f32 to vector<16xf32>
      %parallel_loop3A_492 = arith.cmpf ogt, %parallel_loop3A_489, %parallel_loop3A_491 : vector<16xf32>
      %parallel_loop3A_493 = arith.constant 0 : i32
      %parallel_loop3A_494 = vector.broadcast %parallel_loop3A_493 : i32 to vector<16xi32>
      %parallel_loop3A_495 = arith.select %parallel_loop3A_492, %parallel_loop3A_487, %parallel_loop3A_494 : vector<16xi1>, vector<16xi32>
      %parallel_loop3A_496 = arith.addi %parallel_loop3A_495, %mul3A_45 : vector<16xi32>
      %parallel_loop3A_497 = arith.index_cast %parallel_loop3A_485 : i32 to index
      %parallel_loop3A_498 = tpu.vector_load %arg17[%parallel_loop3A_497] {strides = array<i32>} : memref<4096xf32, #tpu.memory_space<vmem>>, vector<16xf32>,
      tpu.vector_store_idx %arg8[%parallel_loop3A_496], %parallel_loop3A_498 {add = true} : memref<16384xf32, #tpu.memory_space<vmem>>[vector<16xi32>], vector<16xf32>,
      %parallel_loop3A_499 = arith.index_cast %parallel_loop3A_485 : i32 to index
      %parallel_loop3A_500 = tpu.vector_load %arg19[%parallel_loop3A_499] {strides = array<i32>} : memref<4096xf32, #tpu.memory_space<vmem>>, vector<16xf32>,
      tpu.vector_store_idx %arg9[%parallel_loop3A_496], %parallel_loop3A_500 {add = true} : memref<16384xf32, #tpu.memory_space<vmem>>[vector<16xi32>], vector<16xf32>,
      %parallel_loop3A_501 = arith.index_cast %parallel_loop3A_485 : i32 to index
      %parallel_loop3A_502 = tpu.vector_load %arg21[%parallel_loop3A_501] {strides = array<i32>} : memref<4096xf32, #tpu.memory_space<vmem>>, vector<16xf32>,
      tpu.vector_store_idx %arg10[%parallel_loop3A_496], %parallel_loop3A_502 {add = true} : memref<16384xf32, #tpu.memory_space<vmem>>[vector<16xi32>], vector<16xf32>,
      tpu.vector_store_idx %arg11[%parallel_loop3A_496], %broadcast_in_dim3A_46 {add = true} : memref<16384xf32, #tpu.memory_space<vmem>>[vector<16xi32>], vector<16xf32>,
    } {sc.loop_unroll_factor = 4 : i64, sc.parallel_access}
    %add3A_253 = arith.constant 28672 : i32
    %add3A_254 = arith.addi %add3A_35, %add3A_253 : i32
    %add3A_255 = arith.constant 28672 : i32
    %add3A_256 = arith.addi %add3A_42, %add3A_255 : i32
    %dma_start3A_257 = tpu.memref_slice %arg4[%add3A_254] : memref<1048576xi32, #tpu.memory_space<hbm>> -> memref<4096xi32, #tpu.memory_space<hbm>>
    %dma_start3A_258 = tpu.memref_slice %arg4[%add3A_254] : memref<1048576xi32, #tpu.memory_space<hbm>> -> memref<4096xi32, #tpu.memory_space<hbm>>
    tpu.enqueue_dma source(%dma_start3A_258 : memref<4096xi32, #tpu.memory_space<hbm>>) target(%arg13 : memref<4096xi32, #tpu.memory_space<vmem>>) target_semaphore(%arg33 : memref<!tpu.dma_semaphore, #tpu.memory_space<semaphore_mem>>)
    %dma_start3A_259 = tpu.memref_slice %arg3[%add3A_254] : memref<1048576xf32, #tpu.memory_space<hbm>> -> memref<4096xf32, #tpu.memory_space<hbm>>
    %dma_start3A_260 = tpu.memref_slice %arg3[%add3A_254] : memref<1048576xf32, #tpu.memory_space<hbm>> -> memref<4096xf32, #tpu.memory_space<hbm>>
    tpu.enqueue_dma source(%dma_start3A_260 : memref<4096xf32, #tpu.memory_space<hbm>>) target(%arg15 : memref<4096xf32, #tpu.memory_space<vmem>>) target_semaphore(%arg33 : memref<!tpu.dma_semaphore, #tpu.memory_space<semaphore_mem>>)
    %dma_start3A_261 = tpu.memref_slice %arg2[%add3A_256] : memref<3145728xf32, #tpu.memory_space<hbm>> -> memref<4096xf32, #tpu.memory_space<hbm>>
    %dma_start3A_262 = tpu.memref_slice %arg2[%add3A_256] : memref<3145728xf32, #tpu.memory_space<hbm>> -> memref<4096xf32, #tpu.memory_space<hbm>>
    tpu.enqueue_dma source(%dma_start3A_262 : memref<4096xf32, #tpu.memory_space<hbm>>) target(%arg17 : memref<4096xf32, #tpu.memory_space<vmem>>) target_semaphore(%arg33 : memref<!tpu.dma_semaphore, #tpu.memory_space<semaphore_mem>>)
    %add3A_263 = arith.constant 262144 : i32
    %add3A_264 = arith.addi %add3A_256, %add3A_263 : i32
    %dma_start3A_265 = tpu.memref_slice %arg2[%add3A_264] : memref<3145728xf32, #tpu.memory_space<hbm>> -> memref<4096xf32, #tpu.memory_space<hbm>>
    %dma_start3A_266 = tpu.memref_slice %arg2[%add3A_264] : memref<3145728xf32, #tpu.memory_space<hbm>> -> memref<4096xf32, #tpu.memory_space<hbm>>
    tpu.enqueue_dma source(%dma_start3A_266 : memref<4096xf32, #tpu.memory_space<hbm>>) target(%arg19 : memref<4096xf32, #tpu.memory_space<vmem>>) target_semaphore(%arg33 : memref<!tpu.dma_semaphore, #tpu.memory_space<semaphore_mem>>)
    %add3A_267 = arith.constant 524288 : i32
    %add3A_268 = arith.addi %add3A_256, %add3A_267 : i32
    %dma_start3A_269 = tpu.memref_slice %arg2[%add3A_268] : memref<3145728xf32, #tpu.memory_space<hbm>> -> memref<4096xf32, #tpu.memory_space<hbm>>
    %dma_start3A_270 = tpu.memref_slice %arg2[%add3A_268] : memref<3145728xf32, #tpu.memory_space<hbm>> -> memref<4096xf32, #tpu.memory_space<hbm>>
    tpu.enqueue_dma source(%dma_start3A_270 : memref<4096xf32, #tpu.memory_space<hbm>>) target(%arg21 : memref<4096xf32, #tpu.memory_space<vmem>>) target_semaphore(%arg33 : memref<!tpu.dma_semaphore, #tpu.memory_space<semaphore_mem>>)
    %dma_wait3A_271 = tpu.memref_slice %arg4[%add3A_223] : memref<1048576xi32, #tpu.memory_space<hbm>> -> memref<4096xi32, #tpu.memory_space<hbm>>
    %dma_wait3A_272 = tpu.memref_slice %arg4[%add3A_223] : memref<1048576xi32, #tpu.memory_space<hbm>> -> memref<4096xi32, #tpu.memory_space<hbm>>
    tpu.wait_dma2 semaphore(%arg32 : memref<!tpu.dma_semaphore, #tpu.memory_space<semaphore_mem>>) src(%dma_wait3A_272 : memref<4096xi32, #tpu.memory_space<hbm>>) dst(%arg12 : memref<4096xi32, #tpu.memory_space<vmem>>)
    %dma_wait3A_273 = tpu.memref_slice %arg3[%add3A_223] : memref<1048576xf32, #tpu.memory_space<hbm>> -> memref<4096xf32, #tpu.memory_space<hbm>>
    %dma_wait3A_274 = tpu.memref_slice %arg3[%add3A_223] : memref<1048576xf32, #tpu.memory_space<hbm>> -> memref<4096xf32, #tpu.memory_space<hbm>>
    tpu.wait_dma2 semaphore(%arg32 : memref<!tpu.dma_semaphore, #tpu.memory_space<semaphore_mem>>) src(%dma_wait3A_274 : memref<4096xf32, #tpu.memory_space<hbm>>) dst(%arg14 : memref<4096xf32, #tpu.memory_space<vmem>>)
    %dma_wait3A_275 = tpu.memref_slice %arg2[%add3A_225] : memref<3145728xf32, #tpu.memory_space<hbm>> -> memref<4096xf32, #tpu.memory_space<hbm>>
    %dma_wait3A_276 = tpu.memref_slice %arg2[%add3A_225] : memref<3145728xf32, #tpu.memory_space<hbm>> -> memref<4096xf32, #tpu.memory_space<hbm>>
    tpu.wait_dma2 semaphore(%arg32 : memref<!tpu.dma_semaphore, #tpu.memory_space<semaphore_mem>>) src(%dma_wait3A_276 : memref<4096xf32, #tpu.memory_space<hbm>>) dst(%arg16 : memref<4096xf32, #tpu.memory_space<vmem>>)
    %dma_wait3A_277 = tpu.memref_slice %arg2[%add3A_233] : memref<3145728xf32, #tpu.memory_space<hbm>> -> memref<4096xf32, #tpu.memory_space<hbm>>
    %dma_wait3A_278 = tpu.memref_slice %arg2[%add3A_233] : memref<3145728xf32, #tpu.memory_space<hbm>> -> memref<4096xf32, #tpu.memory_space<hbm>>
    tpu.wait_dma2 semaphore(%arg32 : memref<!tpu.dma_semaphore, #tpu.memory_space<semaphore_mem>>) src(%dma_wait3A_278 : memref<4096xf32, #tpu.memory_space<hbm>>) dst(%arg18 : memref<4096xf32, #tpu.memory_space<vmem>>)
    %dma_wait3A_279 = tpu.memref_slice %arg2[%add3A_237] : memref<3145728xf32, #tpu.memory_space<hbm>> -> memref<4096xf32, #tpu.memory_space<hbm>>
    %dma_wait3A_280 = tpu.memref_slice %arg2[%add3A_237] : memref<3145728xf32, #tpu.memory_space<hbm>> -> memref<4096xf32, #tpu.memory_space<hbm>>
    tpu.wait_dma2 semaphore(%arg32 : memref<!tpu.dma_semaphore, #tpu.memory_space<semaphore_mem>>) src(%dma_wait3A_280 : memref<4096xf32, #tpu.memory_space<hbm>>) dst(%arg20 : memref<4096xf32, #tpu.memory_space<vmem>>)
    %parallel_loop3A_281 = arith.constant 0 : i32
    %parallel_loop3A_282 = arith.constant 4096 : i32
    %parallel_loop3A_283 = arith.constant 16 : i32
    scf.for %parallel_loop3A_485 = %parallel_loop3A_281 to %parallel_loop3A_282 step %parallel_loop3A_283  : i32 {
      %parallel_loop3A_486 = arith.index_cast %parallel_loop3A_485 : i32 to index
      %parallel_loop3A_487 = tpu.vector_load %arg12[%parallel_loop3A_486] {strides = array<i32>} : memref<4096xi32, #tpu.memory_space<vmem>>, vector<16xi32>,
      %parallel_loop3A_488 = arith.index_cast %parallel_loop3A_485 : i32 to index
      %parallel_loop3A_489 = tpu.vector_load %arg14[%parallel_loop3A_488] {strides = array<i32>} : memref<4096xf32, #tpu.memory_space<vmem>>, vector<16xf32>,
      %parallel_loop3A_490 = arith.constant 5.000000e-01 : f32
      %parallel_loop3A_491 = vector.broadcast %parallel_loop3A_490 : f32 to vector<16xf32>
      %parallel_loop3A_492 = arith.cmpf ogt, %parallel_loop3A_489, %parallel_loop3A_491 : vector<16xf32>
      %parallel_loop3A_493 = arith.constant 0 : i32
      %parallel_loop3A_494 = vector.broadcast %parallel_loop3A_493 : i32 to vector<16xi32>
      %parallel_loop3A_495 = arith.select %parallel_loop3A_492, %parallel_loop3A_487, %parallel_loop3A_494 : vector<16xi1>, vector<16xi32>
      %parallel_loop3A_496 = arith.addi %parallel_loop3A_495, %mul3A_45 : vector<16xi32>
      %parallel_loop3A_497 = arith.index_cast %parallel_loop3A_485 : i32 to index
      %parallel_loop3A_498 = tpu.vector_load %arg16[%parallel_loop3A_497] {strides = array<i32>} : memref<4096xf32, #tpu.memory_space<vmem>>, vector<16xf32>,
      tpu.vector_store_idx %arg8[%parallel_loop3A_496], %parallel_loop3A_498 {add = true} : memref<16384xf32, #tpu.memory_space<vmem>>[vector<16xi32>], vector<16xf32>,
      %parallel_loop3A_499 = arith.index_cast %parallel_loop3A_485 : i32 to index
      %parallel_loop3A_500 = tpu.vector_load %arg18[%parallel_loop3A_499] {strides = array<i32>} : memref<4096xf32, #tpu.memory_space<vmem>>, vector<16xf32>,
      tpu.vector_store_idx %arg9[%parallel_loop3A_496], %parallel_loop3A_500 {add = true} : memref<16384xf32, #tpu.memory_space<vmem>>[vector<16xi32>], vector<16xf32>,
      %parallel_loop3A_501 = arith.index_cast %parallel_loop3A_485 : i32 to index
      %parallel_loop3A_502 = tpu.vector_load %arg20[%parallel_loop3A_501] {strides = array<i32>} : memref<4096xf32, #tpu.memory_space<vmem>>, vector<16xf32>,
      tpu.vector_store_idx %arg10[%parallel_loop3A_496], %parallel_loop3A_502 {add = true} : memref<16384xf32, #tpu.memory_space<vmem>>[vector<16xi32>], vector<16xf32>,
      tpu.vector_store_idx %arg11[%parallel_loop3A_496], %broadcast_in_dim3A_46 {add = true} : memref<16384xf32, #tpu.memory_space<vmem>>[vector<16xi32>], vector<16xf32>,
    } {sc.loop_unroll_factor = 4 : i64, sc.parallel_access}
    %dma_wait3A_284 = tpu.memref_slice %arg4[%add3A_254] : memref<1048576xi32, #tpu.memory_space<hbm>> -> memref<4096xi32, #tpu.memory_space<hbm>>
    %dma_wait3A_285 = tpu.memref_slice %arg4[%add3A_254] : memref<1048576xi32, #tpu.memory_space<hbm>> -> memref<4096xi32, #tpu.memory_space<hbm>>
    tpu.wait_dma2 semaphore(%arg33 : memref<!tpu.dma_semaphore, #tpu.memory_space<semaphore_mem>>) src(%dma_wait3A_285 : memref<4096xi32, #tpu.memory_space<hbm>>) dst(%arg13 : memref<4096xi32, #tpu.memory_space<vmem>>)
    %dma_wait3A_286 = tpu.memref_slice %arg3[%add3A_254] : memref<1048576xf32, #tpu.memory_space<hbm>> -> memref<4096xf32, #tpu.memory_space<hbm>>
    %dma_wait3A_287 = tpu.memref_slice %arg3[%add3A_254] : memref<1048576xf32, #tpu.memory_space<hbm>> -> memref<4096xf32, #tpu.memory_space<hbm>>
    tpu.wait_dma2 semaphore(%arg33 : memref<!tpu.dma_semaphore, #tpu.memory_space<semaphore_mem>>) src(%dma_wait3A_287 : memref<4096xf32, #tpu.memory_space<hbm>>) dst(%arg15 : memref<4096xf32, #tpu.memory_space<vmem>>)
    %dma_wait3A_288 = tpu.memref_slice %arg2[%add3A_256] : memref<3145728xf32, #tpu.memory_space<hbm>> -> memref<4096xf32, #tpu.memory_space<hbm>>
    %dma_wait3A_289 = tpu.memref_slice %arg2[%add3A_256] : memref<3145728xf32, #tpu.memory_space<hbm>> -> memref<4096xf32, #tpu.memory_space<hbm>>
    tpu.wait_dma2 semaphore(%arg33 : memref<!tpu.dma_semaphore, #tpu.memory_space<semaphore_mem>>) src(%dma_wait3A_289 : memref<4096xf32, #tpu.memory_space<hbm>>) dst(%arg17 : memref<4096xf32, #tpu.memory_space<vmem>>)
    %dma_wait3A_290 = tpu.memref_slice %arg2[%add3A_264] : memref<3145728xf32, #tpu.memory_space<hbm>> -> memref<4096xf32, #tpu.memory_space<hbm>>
    %dma_wait3A_291 = tpu.memref_slice %arg2[%add3A_264] : memref<3145728xf32, #tpu.memory_space<hbm>> -> memref<4096xf32, #tpu.memory_space<hbm>>
    tpu.wait_dma2 semaphore(%arg33 : memref<!tpu.dma_semaphore, #tpu.memory_space<semaphore_mem>>) src(%dma_wait3A_291 : memref<4096xf32, #tpu.memory_space<hbm>>) dst(%arg19 : memref<4096xf32, #tpu.memory_space<vmem>>)
    %dma_wait3A_292 = tpu.memref_slice %arg2[%add3A_268] : memref<3145728xf32, #tpu.memory_space<hbm>> -> memref<4096xf32, #tpu.memory_space<hbm>>
    %dma_wait3A_293 = tpu.memref_slice %arg2[%add3A_268] : memref<3145728xf32, #tpu.memory_space<hbm>> -> memref<4096xf32, #tpu.memory_space<hbm>>
    tpu.wait_dma2 semaphore(%arg33 : memref<!tpu.dma_semaphore, #tpu.memory_space<semaphore_mem>>) src(%dma_wait3A_293 : memref<4096xf32, #tpu.memory_space<hbm>>) dst(%arg21 : memref<4096xf32, #tpu.memory_space<vmem>>)
    %parallel_loop3A_294 = arith.constant 0 : i32
    %parallel_loop3A_295 = arith.constant 4096 : i32
    %parallel_loop3A_296 = arith.constant 16 : i32
    scf.for %parallel_loop3A_485 = %parallel_loop3A_294 to %parallel_loop3A_295 step %parallel_loop3A_296  : i32 {
      %parallel_loop3A_486 = arith.index_cast %parallel_loop3A_485 : i32 to index
      %parallel_loop3A_487 = tpu.vector_load %arg13[%parallel_loop3A_486] {strides = array<i32>} : memref<4096xi32, #tpu.memory_space<vmem>>, vector<16xi32>,
      %parallel_loop3A_488 = arith.index_cast %parallel_loop3A_485 : i32 to index
      %parallel_loop3A_489 = tpu.vector_load %arg15[%parallel_loop3A_488] {strides = array<i32>} : memref<4096xf32, #tpu.memory_space<vmem>>, vector<16xf32>,
      %parallel_loop3A_490 = arith.constant 5.000000e-01 : f32
      %parallel_loop3A_491 = vector.broadcast %parallel_loop3A_490 : f32 to vector<16xf32>
      %parallel_loop3A_492 = arith.cmpf ogt, %parallel_loop3A_489, %parallel_loop3A_491 : vector<16xf32>
      %parallel_loop3A_493 = arith.constant 0 : i32
      %parallel_loop3A_494 = vector.broadcast %parallel_loop3A_493 : i32 to vector<16xi32>
      %parallel_loop3A_495 = arith.select %parallel_loop3A_492, %parallel_loop3A_487, %parallel_loop3A_494 : vector<16xi1>, vector<16xi32>
      %parallel_loop3A_496 = arith.addi %parallel_loop3A_495, %mul3A_45 : vector<16xi32>
      %parallel_loop3A_497 = arith.index_cast %parallel_loop3A_485 : i32 to index
      %parallel_loop3A_498 = tpu.vector_load %arg17[%parallel_loop3A_497] {strides = array<i32>} : memref<4096xf32, #tpu.memory_space<vmem>>, vector<16xf32>,
      tpu.vector_store_idx %arg8[%parallel_loop3A_496], %parallel_loop3A_498 {add = true} : memref<16384xf32, #tpu.memory_space<vmem>>[vector<16xi32>], vector<16xf32>,
      %parallel_loop3A_499 = arith.index_cast %parallel_loop3A_485 : i32 to index
      %parallel_loop3A_500 = tpu.vector_load %arg19[%parallel_loop3A_499] {strides = array<i32>} : memref<4096xf32, #tpu.memory_space<vmem>>, vector<16xf32>,
      tpu.vector_store_idx %arg9[%parallel_loop3A_496], %parallel_loop3A_500 {add = true} : memref<16384xf32, #tpu.memory_space<vmem>>[vector<16xi32>], vector<16xf32>,
      %parallel_loop3A_501 = arith.index_cast %parallel_loop3A_485 : i32 to index
      %parallel_loop3A_502 = tpu.vector_load %arg21[%parallel_loop3A_501] {strides = array<i32>} : memref<4096xf32, #tpu.memory_space<vmem>>, vector<16xf32>,
      tpu.vector_store_idx %arg10[%parallel_loop3A_496], %parallel_loop3A_502 {add = true} : memref<16384xf32, #tpu.memory_space<vmem>>[vector<16xi32>], vector<16xf32>,
      tpu.vector_store_idx %arg11[%parallel_loop3A_496], %broadcast_in_dim3A_46 {add = true} : memref<16384xf32, #tpu.memory_space<vmem>>[vector<16xi32>], vector<16xf32>,
    } {sc.loop_unroll_factor = 4 : i64, sc.parallel_access}
    %add3A_297 = arith.constant 0 : i32
    %add3A_298 = arith.addi %add3A_35, %add3A_297 : i32
    %dma_start3A_299 = tpu.memref_slice %arg4[%add3A_298] : memref<1048576xi32, #tpu.memory_space<hbm>> -> memref<4096xi32, #tpu.memory_space<hbm>>
    %dma_start3A_300 = tpu.memref_slice %arg4[%add3A_298] : memref<1048576xi32, #tpu.memory_space<hbm>> -> memref<4096xi32, #tpu.memory_space<hbm>>
    tpu.enqueue_dma source(%dma_start3A_300 : memref<4096xi32, #tpu.memory_space<hbm>>) target(%arg12 : memref<4096xi32, #tpu.memory_space<vmem>>) target_semaphore(%arg32 : memref<!tpu.dma_semaphore, #tpu.memory_space<semaphore_mem>>)
    %dma_start3A_301 = tpu.memref_slice %arg3[%add3A_298] : memref<1048576xf32, #tpu.memory_space<hbm>> -> memref<4096xf32, #tpu.memory_space<hbm>>
    %dma_start3A_302 = tpu.memref_slice %arg3[%add3A_298] : memref<1048576xf32, #tpu.memory_space<hbm>> -> memref<4096xf32, #tpu.memory_space<hbm>>
    tpu.enqueue_dma source(%dma_start3A_302 : memref<4096xf32, #tpu.memory_space<hbm>>) target(%arg14 : memref<4096xf32, #tpu.memory_space<vmem>>) target_semaphore(%arg32 : memref<!tpu.dma_semaphore, #tpu.memory_space<semaphore_mem>>)
    %parallel_loop3A_303 = arith.constant 0 : i32
    %parallel_loop3A_304 = arith.constant 1024 : i32
    %parallel_loop3A_305 = arith.constant 16 : i32
    scf.for %parallel_loop3A_485 = %parallel_loop3A_303 to %parallel_loop3A_304 step %parallel_loop3A_305  : i32 {
      %parallel_loop3A_486 = arith.index_cast %parallel_loop3A_485 : i32 to index
      %parallel_loop3A_487 = tpu.vector_load %arg8[%parallel_loop3A_486] {strides = array<i32>} : memref<16384xf32, #tpu.memory_space<vmem>>, vector<16xf32>,
      %parallel_loop3A_488 = arith.constant 1024 : i32
      %parallel_loop3A_489 = arith.addi %parallel_loop3A_488, %parallel_loop3A_485 : i32
      %parallel_loop3A_490 = arith.index_cast %parallel_loop3A_489 : i32 to index
      %parallel_loop3A_491 = tpu.vector_load %arg8[%parallel_loop3A_490] {strides = array<i32>} : memref<16384xf32, #tpu.memory_space<vmem>>, vector<16xf32>,
      %parallel_loop3A_492 = arith.addf %parallel_loop3A_487, %parallel_loop3A_491 : vector<16xf32>
      %parallel_loop3A_493 = arith.constant 2048 : i32
      %parallel_loop3A_494 = arith.addi %parallel_loop3A_493, %parallel_loop3A_485 : i32
      %parallel_loop3A_495 = arith.index_cast %parallel_loop3A_494 : i32 to index
      %parallel_loop3A_496 = tpu.vector_load %arg8[%parallel_loop3A_495] {strides = array<i32>} : memref<16384xf32, #tpu.memory_space<vmem>>, vector<16xf32>,
      %parallel_loop3A_497 = arith.addf %parallel_loop3A_492, %parallel_loop3A_496 : vector<16xf32>
      %parallel_loop3A_498 = arith.constant 3072 : i32
      %parallel_loop3A_499 = arith.addi %parallel_loop3A_498, %parallel_loop3A_485 : i32
      %parallel_loop3A_500 = arith.index_cast %parallel_loop3A_499 : i32 to index
      %parallel_loop3A_501 = tpu.vector_load %arg8[%parallel_loop3A_500] {strides = array<i32>} : memref<16384xf32, #tpu.memory_space<vmem>>, vector<16xf32>,
      %parallel_loop3A_502 = arith.addf %parallel_loop3A_497, %parallel_loop3A_501 : vector<16xf32>
      %parallel_loop3A_503 = arith.constant 4096 : i32
      %parallel_loop3A_504 = arith.addi %parallel_loop3A_503, %parallel_loop3A_485 : i32
      %parallel_loop3A_505 = arith.index_cast %parallel_loop3A_504 : i32 to index
      %parallel_loop3A_506 = tpu.vector_load %arg8[%parallel_loop3A_505] {strides = array<i32>} : memref<16384xf32, #tpu.memory_space<vmem>>, vector<16xf32>,
      %parallel_loop3A_507 = arith.addf %parallel_loop3A_502, %parallel_loop3A_506 : vector<16xf32>
      %parallel_loop3A_508 = arith.constant 5120 : i32
      %parallel_loop3A_509 = arith.addi %parallel_loop3A_508, %parallel_loop3A_485 : i32
      %parallel_loop3A_510 = arith.index_cast %parallel_loop3A_509 : i32 to index
      %parallel_loop3A_511 = tpu.vector_load %arg8[%parallel_loop3A_510] {strides = array<i32>} : memref<16384xf32, #tpu.memory_space<vmem>>, vector<16xf32>,
      %parallel_loop3A_512 = arith.addf %parallel_loop3A_507, %parallel_loop3A_511 : vector<16xf32>
      %parallel_loop3A_513 = arith.constant 6144 : i32
      %parallel_loop3A_514 = arith.addi %parallel_loop3A_513, %parallel_loop3A_485 : i32
      %parallel_loop3A_515 = arith.index_cast %parallel_loop3A_514 : i32 to index
      %parallel_loop3A_516 = tpu.vector_load %arg8[%parallel_loop3A_515] {strides = array<i32>} : memref<16384xf32, #tpu.memory_space<vmem>>, vector<16xf32>,
      %parallel_loop3A_517 = arith.addf %parallel_loop3A_512, %parallel_loop3A_516 : vector<16xf32>
      %parallel_loop3A_518 = arith.constant 7168 : i32
      %parallel_loop3A_519 = arith.addi %parallel_loop3A_518, %parallel_loop3A_485 : i32
      %parallel_loop3A_520 = arith.index_cast %parallel_loop3A_519 : i32 to index
      %parallel_loop3A_521 = tpu.vector_load %arg8[%parallel_loop3A_520] {strides = array<i32>} : memref<16384xf32, #tpu.memory_space<vmem>>, vector<16xf32>,
      %parallel_loop3A_522 = arith.addf %parallel_loop3A_517, %parallel_loop3A_521 : vector<16xf32>
      %parallel_loop3A_523 = arith.constant 8192 : i32
      %parallel_loop3A_524 = arith.addi %parallel_loop3A_523, %parallel_loop3A_485 : i32
      %parallel_loop3A_525 = arith.index_cast %parallel_loop3A_524 : i32 to index
      %parallel_loop3A_526 = tpu.vector_load %arg8[%parallel_loop3A_525] {strides = array<i32>} : memref<16384xf32, #tpu.memory_space<vmem>>, vector<16xf32>,
      %parallel_loop3A_527 = arith.addf %parallel_loop3A_522, %parallel_loop3A_526 : vector<16xf32>
      %parallel_loop3A_528 = arith.constant 9216 : i32
      %parallel_loop3A_529 = arith.addi %parallel_loop3A_528, %parallel_loop3A_485 : i32
      %parallel_loop3A_530 = arith.index_cast %parallel_loop3A_529 : i32 to index
      %parallel_loop3A_531 = tpu.vector_load %arg8[%parallel_loop3A_530] {strides = array<i32>} : memref<16384xf32, #tpu.memory_space<vmem>>, vector<16xf32>,
      %parallel_loop3A_532 = arith.addf %parallel_loop3A_527, %parallel_loop3A_531 : vector<16xf32>
      %parallel_loop3A_533 = arith.constant 10240 : i32
      %parallel_loop3A_534 = arith.addi %parallel_loop3A_533, %parallel_loop3A_485 : i32
      %parallel_loop3A_535 = arith.index_cast %parallel_loop3A_534 : i32 to index
      %parallel_loop3A_536 = tpu.vector_load %arg8[%parallel_loop3A_535] {strides = array<i32>} : memref<16384xf32, #tpu.memory_space<vmem>>, vector<16xf32>,
      %parallel_loop3A_537 = arith.addf %parallel_loop3A_532, %parallel_loop3A_536 : vector<16xf32>
      %parallel_loop3A_538 = arith.constant 11264 : i32
      %parallel_loop3A_539 = arith.addi %parallel_loop3A_538, %parallel_loop3A_485 : i32
      %parallel_loop3A_540 = arith.index_cast %parallel_loop3A_539 : i32 to index
      %parallel_loop3A_541 = tpu.vector_load %arg8[%parallel_loop3A_540] {strides = array<i32>} : memref<16384xf32, #tpu.memory_space<vmem>>, vector<16xf32>,
      %parallel_loop3A_542 = arith.addf %parallel_loop3A_537, %parallel_loop3A_541 : vector<16xf32>
      %parallel_loop3A_543 = arith.constant 12288 : i32
      %parallel_loop3A_544 = arith.addi %parallel_loop3A_543, %parallel_loop3A_485 : i32
      %parallel_loop3A_545 = arith.index_cast %parallel_loop3A_544 : i32 to index
      %parallel_loop3A_546 = tpu.vector_load %arg8[%parallel_loop3A_545] {strides = array<i32>} : memref<16384xf32, #tpu.memory_space<vmem>>, vector<16xf32>,
      %parallel_loop3A_547 = arith.addf %parallel_loop3A_542, %parallel_loop3A_546 : vector<16xf32>
      %parallel_loop3A_548 = arith.constant 13312 : i32
      %parallel_loop3A_549 = arith.addi %parallel_loop3A_548, %parallel_loop3A_485 : i32
      %parallel_loop3A_550 = arith.index_cast %parallel_loop3A_549 : i32 to index
      %parallel_loop3A_551 = tpu.vector_load %arg8[%parallel_loop3A_550] {strides = array<i32>} : memref<16384xf32, #tpu.memory_space<vmem>>, vector<16xf32>,
      %parallel_loop3A_552 = arith.addf %parallel_loop3A_547, %parallel_loop3A_551 : vector<16xf32>
      %parallel_loop3A_553 = arith.constant 14336 : i32
      %parallel_loop3A_554 = arith.addi %parallel_loop3A_553, %parallel_loop3A_485 : i32
      %parallel_loop3A_555 = arith.index_cast %parallel_loop3A_554 : i32 to index
      %parallel_loop3A_556 = tpu.vector_load %arg8[%parallel_loop3A_555] {strides = array<i32>} : memref<16384xf32, #tpu.memory_space<vmem>>, vector<16xf32>,
      %parallel_loop3A_557 = arith.addf %parallel_loop3A_552, %parallel_loop3A_556 : vector<16xf32>
      %parallel_loop3A_558 = arith.constant 15360 : i32
      %parallel_loop3A_559 = arith.addi %parallel_loop3A_558, %parallel_loop3A_485 : i32
      %parallel_loop3A_560 = arith.index_cast %parallel_loop3A_559 : i32 to index
      %parallel_loop3A_561 = tpu.vector_load %arg8[%parallel_loop3A_560] {strides = array<i32>} : memref<16384xf32, #tpu.memory_space<vmem>>, vector<16xf32>,
      %parallel_loop3A_562 = arith.addf %parallel_loop3A_557, %parallel_loop3A_561 : vector<16xf32>
      %parallel_loop3A_563 = arith.constant 0 : i32
      %parallel_loop3A_564 = arith.index_cast %parallel_loop3A_563 : i32 to index
      %parallel_loop3A_565 = arith.index_cast %parallel_loop3A_485 : i32 to index
      %parallel_loop3A_566 = tpu.vector_load %arg24[%parallel_loop3A_564, %parallel_loop3A_565] {strides = array<i32>} : memref<4x1024xf32, #tpu.memory_space<vmem>>, vector<16xf32>,
      tpu.vector_store %arg24[%parallel_loop3A_564, %parallel_loop3A_565], %parallel_loop3A_562 {strides = array<i32>} : memref<4x1024xf32, #tpu.memory_space<vmem>>, vector<16xf32>,
      %parallel_loop3A_567 = arith.index_cast %parallel_loop3A_485 : i32 to index
      %parallel_loop3A_568 = tpu.vector_load %arg9[%parallel_loop3A_567] {strides = array<i32>} : memref<16384xf32, #tpu.memory_space<vmem>>, vector<16xf32>,
      %parallel_loop3A_569 = arith.constant 1024 : i32
      %parallel_loop3A_570 = arith.addi %parallel_loop3A_569, %parallel_loop3A_485 : i32
      %parallel_loop3A_571 = arith.index_cast %parallel_loop3A_570 : i32 to index
      %parallel_loop3A_572 = tpu.vector_load %arg9[%parallel_loop3A_571] {strides = array<i32>} : memref<16384xf32, #tpu.memory_space<vmem>>, vector<16xf32>,
      %parallel_loop3A_573 = arith.addf %parallel_loop3A_568, %parallel_loop3A_572 : vector<16xf32>
      %parallel_loop3A_574 = arith.constant 2048 : i32
      %parallel_loop3A_575 = arith.addi %parallel_loop3A_574, %parallel_loop3A_485 : i32
      %parallel_loop3A_576 = arith.index_cast %parallel_loop3A_575 : i32 to index
      %parallel_loop3A_577 = tpu.vector_load %arg9[%parallel_loop3A_576] {strides = array<i32>} : memref<16384xf32, #tpu.memory_space<vmem>>, vector<16xf32>,
      %parallel_loop3A_578 = arith.addf %parallel_loop3A_573, %parallel_loop3A_577 : vector<16xf32>
      %parallel_loop3A_579 = arith.constant 3072 : i32
      %parallel_loop3A_580 = arith.addi %parallel_loop3A_579, %parallel_loop3A_485 : i32
      %parallel_loop3A_581 = arith.index_cast %parallel_loop3A_580 : i32 to index
      %parallel_loop3A_582 = tpu.vector_load %arg9[%parallel_loop3A_581] {strides = array<i32>} : memref<16384xf32, #tpu.memory_space<vmem>>, vector<16xf32>,
      %parallel_loop3A_583 = arith.addf %parallel_loop3A_578, %parallel_loop3A_582 : vector<16xf32>
      %parallel_loop3A_584 = arith.constant 4096 : i32
      %parallel_loop3A_585 = arith.addi %parallel_loop3A_584, %parallel_loop3A_485 : i32
      %parallel_loop3A_586 = arith.index_cast %parallel_loop3A_585 : i32 to index
      %parallel_loop3A_587 = tpu.vector_load %arg9[%parallel_loop3A_586] {strides = array<i32>} : memref<16384xf32, #tpu.memory_space<vmem>>, vector<16xf32>,
      %parallel_loop3A_588 = arith.addf %parallel_loop3A_583, %parallel_loop3A_587 : vector<16xf32>
      %parallel_loop3A_589 = arith.constant 5120 : i32
      %parallel_loop3A_590 = arith.addi %parallel_loop3A_589, %parallel_loop3A_485 : i32
      %parallel_loop3A_591 = arith.index_cast %parallel_loop3A_590 : i32 to index
      %parallel_loop3A_592 = tpu.vector_load %arg9[%parallel_loop3A_591] {strides = array<i32>} : memref<16384xf32, #tpu.memory_space<vmem>>, vector<16xf32>,
      %parallel_loop3A_593 = arith.addf %parallel_loop3A_588, %parallel_loop3A_592 : vector<16xf32>
      %parallel_loop3A_594 = arith.constant 6144 : i32
      %parallel_loop3A_595 = arith.addi %parallel_loop3A_594, %parallel_loop3A_485 : i32
      %parallel_loop3A_596 = arith.index_cast %parallel_loop3A_595 : i32 to index
      %parallel_loop3A_597 = tpu.vector_load %arg9[%parallel_loop3A_596] {strides = array<i32>} : memref<16384xf32, #tpu.memory_space<vmem>>, vector<16xf32>,
      %parallel_loop3A_598 = arith.addf %parallel_loop3A_593, %parallel_loop3A_597 : vector<16xf32>
      %parallel_loop3A_599 = arith.constant 7168 : i32
      %parallel_loop3A_600 = arith.addi %parallel_loop3A_599, %parallel_loop3A_485 : i32
      %parallel_loop3A_601 = arith.index_cast %parallel_loop3A_600 : i32 to index
      %parallel_loop3A_602 = tpu.vector_load %arg9[%parallel_loop3A_601] {strides = array<i32>} : memref<16384xf32, #tpu.memory_space<vmem>>, vector<16xf32>,
      %parallel_loop3A_603 = arith.addf %parallel_loop3A_598, %parallel_loop3A_602 : vector<16xf32>
      %parallel_loop3A_604 = arith.constant 8192 : i32
      %parallel_loop3A_605 = arith.addi %parallel_loop3A_604, %parallel_loop3A_485 : i32
      %parallel_loop3A_606 = arith.index_cast %parallel_loop3A_605 : i32 to index
      %parallel_loop3A_607 = tpu.vector_load %arg9[%parallel_loop3A_606] {strides = array<i32>} : memref<16384xf32, #tpu.memory_space<vmem>>, vector<16xf32>,
      %parallel_loop3A_608 = arith.addf %parallel_loop3A_603, %parallel_loop3A_607 : vector<16xf32>
      %parallel_loop3A_609 = arith.constant 9216 : i32
      %parallel_loop3A_610 = arith.addi %parallel_loop3A_609, %parallel_loop3A_485 : i32
      %parallel_loop3A_611 = arith.index_cast %parallel_loop3A_610 : i32 to index
      %parallel_loop3A_612 = tpu.vector_load %arg9[%parallel_loop3A_611] {strides = array<i32>} : memref<16384xf32, #tpu.memory_space<vmem>>, vector<16xf32>,
      %parallel_loop3A_613 = arith.addf %parallel_loop3A_608, %parallel_loop3A_612 : vector<16xf32>
      %parallel_loop3A_614 = arith.constant 10240 : i32
      %parallel_loop3A_615 = arith.addi %parallel_loop3A_614, %parallel_loop3A_485 : i32
      %parallel_loop3A_616 = arith.index_cast %parallel_loop3A_615 : i32 to index
      %parallel_loop3A_617 = tpu.vector_load %arg9[%parallel_loop3A_616] {strides = array<i32>} : memref<16384xf32, #tpu.memory_space<vmem>>, vector<16xf32>,
      %parallel_loop3A_618 = arith.addf %parallel_loop3A_613, %parallel_loop3A_617 : vector<16xf32>
      %parallel_loop3A_619 = arith.constant 11264 : i32
      %parallel_loop3A_620 = arith.addi %parallel_loop3A_619, %parallel_loop3A_485 : i32
      %parallel_loop3A_621 = arith.index_cast %parallel_loop3A_620 : i32 to index
      %parallel_loop3A_622 = tpu.vector_load %arg9[%parallel_loop3A_621] {strides = array<i32>} : memref<16384xf32, #tpu.memory_space<vmem>>, vector<16xf32>,
      %parallel_loop3A_623 = arith.addf %parallel_loop3A_618, %parallel_loop3A_622 : vector<16xf32>
      %parallel_loop3A_624 = arith.constant 12288 : i32
      %parallel_loop3A_625 = arith.addi %parallel_loop3A_624, %parallel_loop3A_485 : i32
      %parallel_loop3A_626 = arith.index_cast %parallel_loop3A_625 : i32 to index
      %parallel_loop3A_627 = tpu.vector_load %arg9[%parallel_loop3A_626] {strides = array<i32>} : memref<16384xf32, #tpu.memory_space<vmem>>, vector<16xf32>,
      %parallel_loop3A_628 = arith.addf %parallel_loop3A_623, %parallel_loop3A_627 : vector<16xf32>
      %parallel_loop3A_629 = arith.constant 13312 : i32
      %parallel_loop3A_630 = arith.addi %parallel_loop3A_629, %parallel_loop3A_485 : i32
      %parallel_loop3A_631 = arith.index_cast %parallel_loop3A_630 : i32 to index
      %parallel_loop3A_632 = tpu.vector_load %arg9[%parallel_loop3A_631] {strides = array<i32>} : memref<16384xf32, #tpu.memory_space<vmem>>, vector<16xf32>,
      %parallel_loop3A_633 = arith.addf %parallel_loop3A_628, %parallel_loop3A_632 : vector<16xf32>
      %parallel_loop3A_634 = arith.constant 14336 : i32
      %parallel_loop3A_635 = arith.addi %parallel_loop3A_634, %parallel_loop3A_485 : i32
      %parallel_loop3A_636 = arith.index_cast %parallel_loop3A_635 : i32 to index
      %parallel_loop3A_637 = tpu.vector_load %arg9[%parallel_loop3A_636] {strides = array<i32>} : memref<16384xf32, #tpu.memory_space<vmem>>, vector<16xf32>,
      %parallel_loop3A_638 = arith.addf %parallel_loop3A_633, %parallel_loop3A_637 : vector<16xf32>
      %parallel_loop3A_639 = arith.constant 15360 : i32
      %parallel_loop3A_640 = arith.addi %parallel_loop3A_639, %parallel_loop3A_485 : i32
      %parallel_loop3A_641 = arith.index_cast %parallel_loop3A_640 : i32 to index
      %parallel_loop3A_642 = tpu.vector_load %arg9[%parallel_loop3A_641] {strides = array<i32>} : memref<16384xf32, #tpu.memory_space<vmem>>, vector<16xf32>,
      %parallel_loop3A_643 = arith.addf %parallel_loop3A_638, %parallel_loop3A_642 : vector<16xf32>
      %parallel_loop3A_644 = arith.constant 1 : i32
      %parallel_loop3A_645 = arith.index_cast %parallel_loop3A_644 : i32 to index
      %parallel_loop3A_646 = arith.index_cast %parallel_loop3A_485 : i32 to index
      %parallel_loop3A_647 = tpu.vector_load %arg24[%parallel_loop3A_645, %parallel_loop3A_646] {strides = array<i32>} : memref<4x1024xf32, #tpu.memory_space<vmem>>, vector<16xf32>,
      tpu.vector_store %arg24[%parallel_loop3A_645, %parallel_loop3A_646], %parallel_loop3A_643 {strides = array<i32>} : memref<4x1024xf32, #tpu.memory_space<vmem>>, vector<16xf32>,
      %parallel_loop3A_648 = arith.index_cast %parallel_loop3A_485 : i32 to index
      %parallel_loop3A_649 = tpu.vector_load %arg10[%parallel_loop3A_648] {strides = array<i32>} : memref<16384xf32, #tpu.memory_space<vmem>>, vector<16xf32>,
      %parallel_loop3A_650 = arith.constant 1024 : i32
      %parallel_loop3A_651 = arith.addi %parallel_loop3A_650, %parallel_loop3A_485 : i32
      %parallel_loop3A_652 = arith.index_cast %parallel_loop3A_651 : i32 to index
      %parallel_loop3A_653 = tpu.vector_load %arg10[%parallel_loop3A_652] {strides = array<i32>} : memref<16384xf32, #tpu.memory_space<vmem>>, vector<16xf32>,
      %parallel_loop3A_654 = arith.addf %parallel_loop3A_649, %parallel_loop3A_653 : vector<16xf32>
      %parallel_loop3A_655 = arith.constant 2048 : i32
      %parallel_loop3A_656 = arith.addi %parallel_loop3A_655, %parallel_loop3A_485 : i32
      %parallel_loop3A_657 = arith.index_cast %parallel_loop3A_656 : i32 to index
      %parallel_loop3A_658 = tpu.vector_load %arg10[%parallel_loop3A_657] {strides = array<i32>} : memref<16384xf32, #tpu.memory_space<vmem>>, vector<16xf32>,
      %parallel_loop3A_659 = arith.addf %parallel_loop3A_654, %parallel_loop3A_658 : vector<16xf32>
      %parallel_loop3A_660 = arith.constant 3072 : i32
      %parallel_loop3A_661 = arith.addi %parallel_loop3A_660, %parallel_loop3A_485 : i32
      %parallel_loop3A_662 = arith.index_cast %parallel_loop3A_661 : i32 to index
      %parallel_loop3A_663 = tpu.vector_load %arg10[%parallel_loop3A_662] {strides = array<i32>} : memref<16384xf32, #tpu.memory_space<vmem>>, vector<16xf32>,
      %parallel_loop3A_664 = arith.addf %parallel_loop3A_659, %parallel_loop3A_663 : vector<16xf32>
      %parallel_loop3A_665 = arith.constant 4096 : i32
      %parallel_loop3A_666 = arith.addi %parallel_loop3A_665, %parallel_loop3A_485 : i32
      %parallel_loop3A_667 = arith.index_cast %parallel_loop3A_666 : i32 to index
      %parallel_loop3A_668 = tpu.vector_load %arg10[%parallel_loop3A_667] {strides = array<i32>} : memref<16384xf32, #tpu.memory_space<vmem>>, vector<16xf32>,
      %parallel_loop3A_669 = arith.addf %parallel_loop3A_664, %parallel_loop3A_668 : vector<16xf32>
      %parallel_loop3A_670 = arith.constant 5120 : i32
      %parallel_loop3A_671 = arith.addi %parallel_loop3A_670, %parallel_loop3A_485 : i32
      %parallel_loop3A_672 = arith.index_cast %parallel_loop3A_671 : i32 to index
      %parallel_loop3A_673 = tpu.vector_load %arg10[%parallel_loop3A_672] {strides = array<i32>} : memref<16384xf32, #tpu.memory_space<vmem>>, vector<16xf32>,
      %parallel_loop3A_674 = arith.addf %parallel_loop3A_669, %parallel_loop3A_673 : vector<16xf32>
      %parallel_loop3A_675 = arith.constant 6144 : i32
      %parallel_loop3A_676 = arith.addi %parallel_loop3A_675, %parallel_loop3A_485 : i32
      %parallel_loop3A_677 = arith.index_cast %parallel_loop3A_676 : i32 to index
      %parallel_loop3A_678 = tpu.vector_load %arg10[%parallel_loop3A_677] {strides = array<i32>} : memref<16384xf32, #tpu.memory_space<vmem>>, vector<16xf32>,
      %parallel_loop3A_679 = arith.addf %parallel_loop3A_674, %parallel_loop3A_678 : vector<16xf32>
      %parallel_loop3A_680 = arith.constant 7168 : i32
      %parallel_loop3A_681 = arith.addi %parallel_loop3A_680, %parallel_loop3A_485 : i32
      %parallel_loop3A_682 = arith.index_cast %parallel_loop3A_681 : i32 to index
      %parallel_loop3A_683 = tpu.vector_load %arg10[%parallel_loop3A_682] {strides = array<i32>} : memref<16384xf32, #tpu.memory_space<vmem>>, vector<16xf32>,
      %parallel_loop3A_684 = arith.addf %parallel_loop3A_679, %parallel_loop3A_683 : vector<16xf32>
      %parallel_loop3A_685 = arith.constant 8192 : i32
      %parallel_loop3A_686 = arith.addi %parallel_loop3A_685, %parallel_loop3A_485 : i32
      %parallel_loop3A_687 = arith.index_cast %parallel_loop3A_686 : i32 to index
      %parallel_loop3A_688 = tpu.vector_load %arg10[%parallel_loop3A_687] {strides = array<i32>} : memref<16384xf32, #tpu.memory_space<vmem>>, vector<16xf32>,
      %parallel_loop3A_689 = arith.addf %parallel_loop3A_684, %parallel_loop3A_688 : vector<16xf32>
      %parallel_loop3A_690 = arith.constant 9216 : i32
      %parallel_loop3A_691 = arith.addi %parallel_loop3A_690, %parallel_loop3A_485 : i32
      %parallel_loop3A_692 = arith.index_cast %parallel_loop3A_691 : i32 to index
      %parallel_loop3A_693 = tpu.vector_load %arg10[%parallel_loop3A_692] {strides = array<i32>} : memref<16384xf32, #tpu.memory_space<vmem>>, vector<16xf32>,
      %parallel_loop3A_694 = arith.addf %parallel_loop3A_689, %parallel_loop3A_693 : vector<16xf32>
      %parallel_loop3A_695 = arith.constant 10240 : i32
      %parallel_loop3A_696 = arith.addi %parallel_loop3A_695, %parallel_loop3A_485 : i32
      %parallel_loop3A_697 = arith.index_cast %parallel_loop3A_696 : i32 to index
      %parallel_loop3A_698 = tpu.vector_load %arg10[%parallel_loop3A_697] {strides = array<i32>} : memref<16384xf32, #tpu.memory_space<vmem>>, vector<16xf32>,
      %parallel_loop3A_699 = arith.addf %parallel_loop3A_694, %parallel_loop3A_698 : vector<16xf32>
      %parallel_loop3A_700 = arith.constant 11264 : i32
      %parallel_loop3A_701 = arith.addi %parallel_loop3A_700, %parallel_loop3A_485 : i32
      %parallel_loop3A_702 = arith.index_cast %parallel_loop3A_701 : i32 to index
      %parallel_loop3A_703 = tpu.vector_load %arg10[%parallel_loop3A_702] {strides = array<i32>} : memref<16384xf32, #tpu.memory_space<vmem>>, vector<16xf32>,
      %parallel_loop3A_704 = arith.addf %parallel_loop3A_699, %parallel_loop3A_703 : vector<16xf32>
      %parallel_loop3A_705 = arith.constant 12288 : i32
      %parallel_loop3A_706 = arith.addi %parallel_loop3A_705, %parallel_loop3A_485 : i32
      %parallel_loop3A_707 = arith.index_cast %parallel_loop3A_706 : i32 to index
      %parallel_loop3A_708 = tpu.vector_load %arg10[%parallel_loop3A_707] {strides = array<i32>} : memref<16384xf32, #tpu.memory_space<vmem>>, vector<16xf32>,
      %parallel_loop3A_709 = arith.addf %parallel_loop3A_704, %parallel_loop3A_708 : vector<16xf32>
      %parallel_loop3A_710 = arith.constant 13312 : i32
      %parallel_loop3A_711 = arith.addi %parallel_loop3A_710, %parallel_loop3A_485 : i32
      %parallel_loop3A_712 = arith.index_cast %parallel_loop3A_711 : i32 to index
      %parallel_loop3A_713 = tpu.vector_load %arg10[%parallel_loop3A_712] {strides = array<i32>} : memref<16384xf32, #tpu.memory_space<vmem>>, vector<16xf32>,
      %parallel_loop3A_714 = arith.addf %parallel_loop3A_709, %parallel_loop3A_713 : vector<16xf32>
      %parallel_loop3A_715 = arith.constant 14336 : i32
      %parallel_loop3A_716 = arith.addi %parallel_loop3A_715, %parallel_loop3A_485 : i32
      %parallel_loop3A_717 = arith.index_cast %parallel_loop3A_716 : i32 to index
      %parallel_loop3A_718 = tpu.vector_load %arg10[%parallel_loop3A_717] {strides = array<i32>} : memref<16384xf32, #tpu.memory_space<vmem>>, vector<16xf32>,
      %parallel_loop3A_719 = arith.addf %parallel_loop3A_714, %parallel_loop3A_718 : vector<16xf32>
      %parallel_loop3A_720 = arith.constant 15360 : i32
      %parallel_loop3A_721 = arith.addi %parallel_loop3A_720, %parallel_loop3A_485 : i32
      %parallel_loop3A_722 = arith.index_cast %parallel_loop3A_721 : i32 to index
      %parallel_loop3A_723 = tpu.vector_load %arg10[%parallel_loop3A_722] {strides = array<i32>} : memref<16384xf32, #tpu.memory_space<vmem>>, vector<16xf32>,
      %parallel_loop3A_724 = arith.addf %parallel_loop3A_719, %parallel_loop3A_723 : vector<16xf32>
      %parallel_loop3A_725 = arith.constant 2 : i32
      %parallel_loop3A_726 = arith.index_cast %parallel_loop3A_725 : i32 to index
      %parallel_loop3A_727 = arith.index_cast %parallel_loop3A_485 : i32 to index
      %parallel_loop3A_728 = tpu.vector_load %arg24[%parallel_loop3A_726, %parallel_loop3A_727] {strides = array<i32>} : memref<4x1024xf32, #tpu.memory_space<vmem>>, vector<16xf32>,
      tpu.vector_store %arg24[%parallel_loop3A_726, %parallel_loop3A_727], %parallel_loop3A_724 {strides = array<i32>} : memref<4x1024xf32, #tpu.memory_space<vmem>>, vector<16xf32>,
      %parallel_loop3A_729 = arith.index_cast %parallel_loop3A_485 : i32 to index
      %parallel_loop3A_730 = tpu.vector_load %arg11[%parallel_loop3A_729] {strides = array<i32>} : memref<16384xf32, #tpu.memory_space<vmem>>, vector<16xf32>,
      %parallel_loop3A_731 = arith.constant 1024 : i32
      %parallel_loop3A_732 = arith.addi %parallel_loop3A_731, %parallel_loop3A_485 : i32
      %parallel_loop3A_733 = arith.index_cast %parallel_loop3A_732 : i32 to index
      %parallel_loop3A_734 = tpu.vector_load %arg11[%parallel_loop3A_733] {strides = array<i32>} : memref<16384xf32, #tpu.memory_space<vmem>>, vector<16xf32>,
      %parallel_loop3A_735 = arith.addf %parallel_loop3A_730, %parallel_loop3A_734 : vector<16xf32>
      %parallel_loop3A_736 = arith.constant 2048 : i32
      %parallel_loop3A_737 = arith.addi %parallel_loop3A_736, %parallel_loop3A_485 : i32
      %parallel_loop3A_738 = arith.index_cast %parallel_loop3A_737 : i32 to index
      %parallel_loop3A_739 = tpu.vector_load %arg11[%parallel_loop3A_738] {strides = array<i32>} : memref<16384xf32, #tpu.memory_space<vmem>>, vector<16xf32>,
      %parallel_loop3A_740 = arith.addf %parallel_loop3A_735, %parallel_loop3A_739 : vector<16xf32>
      %parallel_loop3A_741 = arith.constant 3072 : i32
      %parallel_loop3A_742 = arith.addi %parallel_loop3A_741, %parallel_loop3A_485 : i32
      %parallel_loop3A_743 = arith.index_cast %parallel_loop3A_742 : i32 to index
      %parallel_loop3A_744 = tpu.vector_load %arg11[%parallel_loop3A_743] {strides = array<i32>} : memref<16384xf32, #tpu.memory_space<vmem>>, vector<16xf32>,
      %parallel_loop3A_745 = arith.addf %parallel_loop3A_740, %parallel_loop3A_744 : vector<16xf32>
      %parallel_loop3A_746 = arith.constant 4096 : i32
      %parallel_loop3A_747 = arith.addi %parallel_loop3A_746, %parallel_loop3A_485 : i32
      %parallel_loop3A_748 = arith.index_cast %parallel_loop3A_747 : i32 to index
      %parallel_loop3A_749 = tpu.vector_load %arg11[%parallel_loop3A_748] {strides = array<i32>} : memref<16384xf32, #tpu.memory_space<vmem>>, vector<16xf32>,
      %parallel_loop3A_750 = arith.addf %parallel_loop3A_745, %parallel_loop3A_749 : vector<16xf32>
      %parallel_loop3A_751 = arith.constant 5120 : i32
      %parallel_loop3A_752 = arith.addi %parallel_loop3A_751, %parallel_loop3A_485 : i32
      %parallel_loop3A_753 = arith.index_cast %parallel_loop3A_752 : i32 to index
      %parallel_loop3A_754 = tpu.vector_load %arg11[%parallel_loop3A_753] {strides = array<i32>} : memref<16384xf32, #tpu.memory_space<vmem>>, vector<16xf32>,
      %parallel_loop3A_755 = arith.addf %parallel_loop3A_750, %parallel_loop3A_754 : vector<16xf32>
      %parallel_loop3A_756 = arith.constant 6144 : i32
      %parallel_loop3A_757 = arith.addi %parallel_loop3A_756, %parallel_loop3A_485 : i32
      %parallel_loop3A_758 = arith.index_cast %parallel_loop3A_757 : i32 to index
      %parallel_loop3A_759 = tpu.vector_load %arg11[%parallel_loop3A_758] {strides = array<i32>} : memref<16384xf32, #tpu.memory_space<vmem>>, vector<16xf32>,
      %parallel_loop3A_760 = arith.addf %parallel_loop3A_755, %parallel_loop3A_759 : vector<16xf32>
      %parallel_loop3A_761 = arith.constant 7168 : i32
      %parallel_loop3A_762 = arith.addi %parallel_loop3A_761, %parallel_loop3A_485 : i32
      %parallel_loop3A_763 = arith.index_cast %parallel_loop3A_762 : i32 to index
      %parallel_loop3A_764 = tpu.vector_load %arg11[%parallel_loop3A_763] {strides = array<i32>} : memref<16384xf32, #tpu.memory_space<vmem>>, vector<16xf32>,
      %parallel_loop3A_765 = arith.addf %parallel_loop3A_760, %parallel_loop3A_764 : vector<16xf32>
      %parallel_loop3A_766 = arith.constant 8192 : i32
      %parallel_loop3A_767 = arith.addi %parallel_loop3A_766, %parallel_loop3A_485 : i32
      %parallel_loop3A_768 = arith.index_cast %parallel_loop3A_767 : i32 to index
      %parallel_loop3A_769 = tpu.vector_load %arg11[%parallel_loop3A_768] {strides = array<i32>} : memref<16384xf32, #tpu.memory_space<vmem>>, vector<16xf32>,
      %parallel_loop3A_770 = arith.addf %parallel_loop3A_765, %parallel_loop3A_769 : vector<16xf32>
      %parallel_loop3A_771 = arith.constant 9216 : i32
      %parallel_loop3A_772 = arith.addi %parallel_loop3A_771, %parallel_loop3A_485 : i32
      %parallel_loop3A_773 = arith.index_cast %parallel_loop3A_772 : i32 to index
      %parallel_loop3A_774 = tpu.vector_load %arg11[%parallel_loop3A_773] {strides = array<i32>} : memref<16384xf32, #tpu.memory_space<vmem>>, vector<16xf32>,
      %parallel_loop3A_775 = arith.addf %parallel_loop3A_770, %parallel_loop3A_774 : vector<16xf32>
      %parallel_loop3A_776 = arith.constant 10240 : i32
      %parallel_loop3A_777 = arith.addi %parallel_loop3A_776, %parallel_loop3A_485 : i32
      %parallel_loop3A_778 = arith.index_cast %parallel_loop3A_777 : i32 to index
      %parallel_loop3A_779 = tpu.vector_load %arg11[%parallel_loop3A_778] {strides = array<i32>} : memref<16384xf32, #tpu.memory_space<vmem>>, vector<16xf32>,
      %parallel_loop3A_780 = arith.addf %parallel_loop3A_775, %parallel_loop3A_779 : vector<16xf32>
      %parallel_loop3A_781 = arith.constant 11264 : i32
      %parallel_loop3A_782 = arith.addi %parallel_loop3A_781, %parallel_loop3A_485 : i32
      %parallel_loop3A_783 = arith.index_cast %parallel_loop3A_782 : i32 to index
      %parallel_loop3A_784 = tpu.vector_load %arg11[%parallel_loop3A_783] {strides = array<i32>} : memref<16384xf32, #tpu.memory_space<vmem>>, vector<16xf32>,
      %parallel_loop3A_785 = arith.addf %parallel_loop3A_780, %parallel_loop3A_784 : vector<16xf32>
      %parallel_loop3A_786 = arith.constant 12288 : i32
      %parallel_loop3A_787 = arith.addi %parallel_loop3A_786, %parallel_loop3A_485 : i32
      %parallel_loop3A_788 = arith.index_cast %parallel_loop3A_787 : i32 to index
      %parallel_loop3A_789 = tpu.vector_load %arg11[%parallel_loop3A_788] {strides = array<i32>} : memref<16384xf32, #tpu.memory_space<vmem>>, vector<16xf32>,
      %parallel_loop3A_790 = arith.addf %parallel_loop3A_785, %parallel_loop3A_789 : vector<16xf32>
      %parallel_loop3A_791 = arith.constant 13312 : i32
      %parallel_loop3A_792 = arith.addi %parallel_loop3A_791, %parallel_loop3A_485 : i32
      %parallel_loop3A_793 = arith.index_cast %parallel_loop3A_792 : i32 to index
      %parallel_loop3A_794 = tpu.vector_load %arg11[%parallel_loop3A_793] {strides = array<i32>} : memref<16384xf32, #tpu.memory_space<vmem>>, vector<16xf32>,
      %parallel_loop3A_795 = arith.addf %parallel_loop3A_790, %parallel_loop3A_794 : vector<16xf32>
      %parallel_loop3A_796 = arith.constant 14336 : i32
      %parallel_loop3A_797 = arith.addi %parallel_loop3A_796, %parallel_loop3A_485 : i32
      %parallel_loop3A_798 = arith.index_cast %parallel_loop3A_797 : i32 to index
      %parallel_loop3A_799 = tpu.vector_load %arg11[%parallel_loop3A_798] {strides = array<i32>} : memref<16384xf32, #tpu.memory_space<vmem>>, vector<16xf32>,
      %parallel_loop3A_800 = arith.addf %parallel_loop3A_795, %parallel_loop3A_799 : vector<16xf32>
      %parallel_loop3A_801 = arith.constant 15360 : i32
      %parallel_loop3A_802 = arith.addi %parallel_loop3A_801, %parallel_loop3A_485 : i32
      %parallel_loop3A_803 = arith.index_cast %parallel_loop3A_802 : i32 to index
      %parallel_loop3A_804 = tpu.vector_load %arg11[%parallel_loop3A_803] {strides = array<i32>} : memref<16384xf32, #tpu.memory_space<vmem>>, vector<16xf32>,
      %parallel_loop3A_805 = arith.addf %parallel_loop3A_800, %parallel_loop3A_804 : vector<16xf32>
      %parallel_loop3A_806 = arith.constant 3 : i32
      %parallel_loop3A_807 = arith.index_cast %parallel_loop3A_806 : i32 to index
      %parallel_loop3A_808 = arith.index_cast %parallel_loop3A_485 : i32 to index
      %parallel_loop3A_809 = tpu.vector_load %arg24[%parallel_loop3A_807, %parallel_loop3A_808] {strides = array<i32>} : memref<4x1024xf32, #tpu.memory_space<vmem>>, vector<16xf32>,
      tpu.vector_store %arg24[%parallel_loop3A_807, %parallel_loop3A_808], %parallel_loop3A_805 {strides = array<i32>} : memref<4x1024xf32, #tpu.memory_space<vmem>>, vector<16xf32>,
    } {sc.loop_unroll_factor = 2 : i64, sc.parallel_access}
    "tpu.region"() ({
      %run_scoped3A = tpu.sem_alloc : memref<!tpu.dma_semaphore, #tpu.memory_space<semaphore_mem>>
      %dma_start3A_485 = arith.constant 0 : i32
      %dma_start3A_486 = arith.constant 0 : i32
      %dma_start3A_487 = tpu.memref_slice %arg30[%arg1, %dma_start3A_485, %dma_start3A_486] : memref<16x4x1024xf32, #tpu.memory_space<vmem_shared>> -> memref<1x4x1024xf32, #tpu.memory_space<vmem_shared>>
      %dma_start3A_488 = tpu.memref_squeeze %dma_start3A_487 : memref<1x4x1024xf32, #tpu.memory_space<vmem_shared>> -> memref<4x1024xf32, #tpu.memory_space<vmem_shared>>
      %dma_start3A_489 = arith.constant 0 : i32
      %dma_start3A_490 = arith.constant 0 : i32
      %dma_start3A_491 = tpu.memref_slice %arg30[%arg1, %dma_start3A_489, %dma_start3A_490] : memref<16x4x1024xf32, #tpu.memory_space<vmem_shared>> -> memref<1x4x1024xf32, #tpu.memory_space<vmem_shared>>
      %dma_start3A_492 = tpu.memref_squeeze %dma_start3A_491 : memref<1x4x1024xf32, #tpu.memory_space<vmem_shared>> -> memref<4x1024xf32, #tpu.memory_space<vmem_shared>>
      tpu.enqueue_dma source(%arg24 : memref<4x1024xf32, #tpu.memory_space<vmem>>) target(%dma_start3A_492 : memref<4x1024xf32, #tpu.memory_space<vmem_shared>>) target_semaphore(%run_scoped3A : memref<!tpu.dma_semaphore, #tpu.memory_space<semaphore_mem>>)
      %dma_wait3A_493 = arith.constant 0 : i32
      %dma_wait3A_494 = arith.constant 0 : i32
      %dma_wait3A_495 = tpu.memref_slice %arg30[%arg1, %dma_wait3A_493, %dma_wait3A_494] : memref<16x4x1024xf32, #tpu.memory_space<vmem_shared>> -> memref<1x4x1024xf32, #tpu.memory_space<vmem_shared>>
      %dma_wait3A_496 = tpu.memref_squeeze %dma_wait3A_495 : memref<1x4x1024xf32, #tpu.memory_space<vmem_shared>> -> memref<4x1024xf32, #tpu.memory_space<vmem_shared>>
      %dma_wait3A_497 = arith.constant 0 : i32
      %dma_wait3A_498 = arith.constant 0 : i32
      %dma_wait3A_499 = tpu.memref_slice %arg30[%arg1, %dma_wait3A_497, %dma_wait3A_498] : memref<16x4x1024xf32, #tpu.memory_space<vmem_shared>> -> memref<1x4x1024xf32, #tpu.memory_space<vmem_shared>>
      %dma_wait3A_500 = tpu.memref_squeeze %dma_wait3A_499 : memref<1x4x1024xf32, #tpu.memory_space<vmem_shared>> -> memref<4x1024xf32, #tpu.memory_space<vmem_shared>>
      tpu.wait_dma2 semaphore(%run_scoped3A : memref<!tpu.dma_semaphore, #tpu.memory_space<semaphore_mem>>) src(%arg24 : memref<4x1024xf32, #tpu.memory_space<vmem>>) dst(%dma_wait3A_500 : memref<4x1024xf32, #tpu.memory_space<vmem_shared>>)
      tpu.yield
    }) : () -> ()
    %barrier3A = arith.constant 0 : index
    tpu.barrier barrier_id(%barrier3A)
    %mul3A_306 = arith.constant 8 : i32
    %mul3A_307 = arith.muli %select_n3A, %mul3A_306 : i32
    %mul3A_308 = arith.constant 128 : i32
    %mul3A_309 = arith.muli %select_n3A_28, %mul3A_308 : i32
    "tpu.region"() ({
      %run_scoped3A = tpu.sem_alloc : memref<!tpu.dma_semaphore, #tpu.memory_space<semaphore_mem>>
      %dma_start3A_485 = arith.constant 0 : i32
      %dma_start3A_486 = tpu.memref_slice %arg30[%mul3A_307, %dma_start3A_485, %mul3A_309] : memref<16x4x1024xf32, #tpu.memory_space<vmem_shared>> -> memref<8x4x128xf32, #tpu.memory_space<vmem_shared>>
      %dma_start3A_487 = arith.constant 0 : i32
      %dma_start3A_488 = tpu.memref_slice %arg30[%mul3A_307, %dma_start3A_487, %mul3A_309] : memref<16x4x1024xf32, #tpu.memory_space<vmem_shared>> -> memref<8x4x128xf32, #tpu.memory_space<vmem_shared>>
      tpu.enqueue_dma source(%dma_start3A_488 : memref<8x4x128xf32, #tpu.memory_space<vmem_shared>>) target(%arg25 : memref<8x4x128xf32, #tpu.memory_space<vmem>>) target_semaphore(%run_scoped3A : memref<!tpu.dma_semaphore, #tpu.memory_space<semaphore_mem>>)
      %dma_wait3A_489 = arith.constant 0 : i32
      %dma_wait3A_490 = tpu.memref_slice %arg30[%mul3A_307, %dma_wait3A_489, %mul3A_309] : memref<16x4x1024xf32, #tpu.memory_space<vmem_shared>> -> memref<8x4x128xf32, #tpu.memory_space<vmem_shared>>
      %dma_wait3A_491 = arith.constant 0 : i32
      %dma_wait3A_492 = tpu.memref_slice %arg30[%mul3A_307, %dma_wait3A_491, %mul3A_309] : memref<16x4x1024xf32, #tpu.memory_space<vmem_shared>> -> memref<8x4x128xf32, #tpu.memory_space<vmem_shared>>
      tpu.wait_dma2 semaphore(%run_scoped3A : memref<!tpu.dma_semaphore, #tpu.memory_space<semaphore_mem>>) src(%dma_wait3A_492 : memref<8x4x128xf32, #tpu.memory_space<vmem_shared>>) dst(%arg25 : memref<8x4x128xf32, #tpu.memory_space<vmem>>)
      tpu.yield
    }) : () -> ()
    "tpu.region"() ({
      %run_scoped3A = tpu.sem_alloc : memref<!tpu.dma_semaphore, #tpu.memory_space<semaphore_mem>>
      %dma_start3A_485 = arith.constant 0 : i32
      %dma_start3A_486 = tpu.memref_slice %arg28[%dma_start3A_485] : memref<16xf32, #tpu.memory_space<vmem>> -> memref<9xf32, #tpu.memory_space<vmem>>
      %dma_start3A_487 = arith.constant 0 : i32
      %dma_start3A_488 = tpu.memref_slice %arg28[%dma_start3A_487] : memref<16xf32, #tpu.memory_space<vmem>> -> memref<9xf32, #tpu.memory_space<vmem>>
      tpu.enqueue_dma source(%arg5 : memref<9xf32, #tpu.memory_space<hbm>>) target(%dma_start3A_488 : memref<9xf32, #tpu.memory_space<vmem>>) target_semaphore(%run_scoped3A : memref<!tpu.dma_semaphore, #tpu.memory_space<semaphore_mem>>)
      %dma_wait3A_489 = arith.constant 0 : i32
      %dma_wait3A_490 = tpu.memref_slice %arg28[%dma_wait3A_489] : memref<16xf32, #tpu.memory_space<vmem>> -> memref<9xf32, #tpu.memory_space<vmem>>
      %dma_wait3A_491 = arith.constant 0 : i32
      %dma_wait3A_492 = tpu.memref_slice %arg28[%dma_wait3A_491] : memref<16xf32, #tpu.memory_space<vmem>> -> memref<9xf32, #tpu.memory_space<vmem>>
      tpu.wait_dma2 semaphore(%run_scoped3A : memref<!tpu.dma_semaphore, #tpu.memory_space<semaphore_mem>>) src(%arg5 : memref<9xf32, #tpu.memory_space<hbm>>) dst(%dma_wait3A_492 : memref<9xf32, #tpu.memory_space<vmem>>)
      tpu.yield
    }) : () -> ()
    "tpu.region"() ({
      %run_scoped3A = tpu.sem_alloc : memref<!tpu.dma_semaphore, #tpu.memory_space<semaphore_mem>>
      %dma_start3A_485 = arith.constant 0 : i32
      %dma_start3A_486 = tpu.memref_slice %arg29[%dma_start3A_485] : memref<16xf32, #tpu.memory_space<vmem>> -> memref<3xf32, #tpu.memory_space<vmem>>
      %dma_start3A_487 = arith.constant 0 : i32
      %dma_start3A_488 = tpu.memref_slice %arg29[%dma_start3A_487] : memref<16xf32, #tpu.memory_space<vmem>> -> memref<3xf32, #tpu.memory_space<vmem>>
      tpu.enqueue_dma source(%arg6 : memref<3xf32, #tpu.memory_space<hbm>>) target(%dma_start3A_488 : memref<3xf32, #tpu.memory_space<vmem>>) target_semaphore(%run_scoped3A : memref<!tpu.dma_semaphore, #tpu.memory_space<semaphore_mem>>)
      %dma_wait3A_489 = arith.constant 0 : i32
      %dma_wait3A_490 = tpu.memref_slice %arg29[%dma_wait3A_489] : memref<16xf32, #tpu.memory_space<vmem>> -> memref<3xf32, #tpu.memory_space<vmem>>
      %dma_wait3A_491 = arith.constant 0 : i32
      %dma_wait3A_492 = tpu.memref_slice %arg29[%dma_wait3A_491] : memref<16xf32, #tpu.memory_space<vmem>> -> memref<3xf32, #tpu.memory_space<vmem>>
      tpu.wait_dma2 semaphore(%run_scoped3A : memref<!tpu.dma_semaphore, #tpu.memory_space<semaphore_mem>>) src(%arg6 : memref<3xf32, #tpu.memory_space<hbm>>) dst(%dma_wait3A_492 : memref<3xf32, #tpu.memory_space<vmem>>)
      tpu.yield
    }) : () -> ()
    %get3A = arith.constant 0 : index
    %get3A_310 = tpu.vector_load %arg28[%get3A] {strides = array<i32>} : memref<16xf32, #tpu.memory_space<vmem>>, vector<16xf32>,
    %get3A_311 = arith.constant 0 : index
    %get3A_312 = tpu.vector_load %arg29[%get3A_311] {strides = array<i32>} : memref<16xf32, #tpu.memory_space<vmem>>, vector<16xf32>,
    %slice3A = vector.extract_strided_slice %get3A_310 {offsets = [0], sizes = [1], strides = [1]} : vector<16xf32> to vector<1xf32>
    %squeeze3A = vector.extract %slice3A[0] : f32 from vector<1xf32>
    %slice3A_313 = vector.extract_strided_slice %get3A_310 {offsets = [1], sizes = [1], strides = [1]} : vector<16xf32> to vector<1xf32>
    %squeeze3A_314 = vector.extract %slice3A_313[0] : f32 from vector<1xf32>
    %slice3A_315 = vector.extract_strided_slice %get3A_310 {offsets = [2], sizes = [1], strides = [1]} : vector<16xf32> to vector<1xf32>
    %squeeze3A_316 = vector.extract %slice3A_315[0] : f32 from vector<1xf32>
    %slice3A_317 = vector.extract_strided_slice %get3A_310 {offsets = [3], sizes = [1], strides = [1]} : vector<16xf32> to vector<1xf32>
    %squeeze3A_318 = vector.extract %slice3A_317[0] : f32 from vector<1xf32>
    %slice3A_319 = vector.extract_strided_slice %get3A_310 {offsets = [4], sizes = [1], strides = [1]} : vector<16xf32> to vector<1xf32>
    %squeeze3A_320 = vector.extract %slice3A_319[0] : f32 from vector<1xf32>
    %slice3A_321 = vector.extract_strided_slice %get3A_310 {offsets = [5], sizes = [1], strides = [1]} : vector<16xf32> to vector<1xf32>
    %squeeze3A_322 = vector.extract %slice3A_321[0] : f32 from vector<1xf32>
    %slice3A_323 = vector.extract_strided_slice %get3A_310 {offsets = [6], sizes = [1], strides = [1]} : vector<16xf32> to vector<1xf32>
    %squeeze3A_324 = vector.extract %slice3A_323[0] : f32 from vector<1xf32>
    %slice3A_325 = vector.extract_strided_slice %get3A_310 {offsets = [7], sizes = [1], strides = [1]} : vector<16xf32> to vector<1xf32>
    %squeeze3A_326 = vector.extract %slice3A_325[0] : f32 from vector<1xf32>
    %slice3A_327 = vector.extract_strided_slice %get3A_310 {offsets = [8], sizes = [1], strides = [1]} : vector<16xf32> to vector<1xf32>
    %squeeze3A_328 = vector.extract %slice3A_327[0] : f32 from vector<1xf32>
    %slice3A_329 = vector.extract_strided_slice %get3A_312 {offsets = [0], sizes = [1], strides = [1]} : vector<16xf32> to vector<1xf32>
    %squeeze3A_330 = vector.extract %slice3A_329[0] : f32 from vector<1xf32>
    %slice3A_331 = vector.extract_strided_slice %get3A_312 {offsets = [1], sizes = [1], strides = [1]} : vector<16xf32> to vector<1xf32>
    %squeeze3A_332 = vector.extract %slice3A_331[0] : f32 from vector<1xf32>
    %slice3A_333 = vector.extract_strided_slice %get3A_312 {offsets = [2], sizes = [1], strides = [1]} : vector<16xf32> to vector<1xf32>
    %squeeze3A_334 = vector.extract %slice3A_333[0] : f32 from vector<1xf32>
    %parallel_loop3A_335 = arith.constant 0 : i32
    %parallel_loop3A_336 = arith.constant 128 : i32
    %parallel_loop3A_337 = arith.constant 16 : i32
    scf.for %parallel_loop3A_485 = %parallel_loop3A_335 to %parallel_loop3A_336 step %parallel_loop3A_337  : i32 {
      %parallel_loop3A_486 = arith.constant 0 : i32
      %parallel_loop3A_487 = arith.constant 0 : i32
      %parallel_loop3A_488 = arith.index_cast %parallel_loop3A_486 : i32 to index
      %parallel_loop3A_489 = arith.index_cast %parallel_loop3A_487 : i32 to index
      %parallel_loop3A_490 = arith.index_cast %parallel_loop3A_485 : i32 to index
      %parallel_loop3A_491 = tpu.vector_load %arg25[%parallel_loop3A_488, %parallel_loop3A_489, %parallel_loop3A_490] {strides = array<i32>} : memref<8x4x128xf32, #tpu.memory_space<vmem>>, vector<16xf32>,
      %parallel_loop3A_492 = arith.constant 1 : i32
      %parallel_loop3A_493 = arith.constant 0 : i32
      %parallel_loop3A_494 = arith.index_cast %parallel_loop3A_492 : i32 to index
      %parallel_loop3A_495 = arith.index_cast %parallel_loop3A_493 : i32 to index
      %parallel_loop3A_496 = arith.index_cast %parallel_loop3A_485 : i32 to index
      %parallel_loop3A_497 = tpu.vector_load %arg25[%parallel_loop3A_494, %parallel_loop3A_495, %parallel_loop3A_496] {strides = array<i32>} : memref<8x4x128xf32, #tpu.memory_space<vmem>>, vector<16xf32>,
      %parallel_loop3A_498 = arith.addf %parallel_loop3A_491, %parallel_loop3A_497 : vector<16xf32>
      %parallel_loop3A_499 = arith.constant 2 : i32
      %parallel_loop3A_500 = arith.constant 0 : i32
      %parallel_loop3A_501 = arith.index_cast %parallel_loop3A_499 : i32 to index
      %parallel_loop3A_502 = arith.index_cast %parallel_loop3A_500 : i32 to index
      %parallel_loop3A_503 = arith.index_cast %parallel_loop3A_485 : i32 to index
      %parallel_loop3A_504 = tpu.vector_load %arg25[%parallel_loop3A_501, %parallel_loop3A_502, %parallel_loop3A_503] {strides = array<i32>} : memref<8x4x128xf32, #tpu.memory_space<vmem>>, vector<16xf32>,
      %parallel_loop3A_505 = arith.addf %parallel_loop3A_498, %parallel_loop3A_504 : vector<16xf32>
      %parallel_loop3A_506 = arith.constant 3 : i32
      %parallel_loop3A_507 = arith.constant 0 : i32
      %parallel_loop3A_508 = arith.index_cast %parallel_loop3A_506 : i32 to index
      %parallel_loop3A_509 = arith.index_cast %parallel_loop3A_507 : i32 to index
      %parallel_loop3A_510 = arith.index_cast %parallel_loop3A_485 : i32 to index
      %parallel_loop3A_511 = tpu.vector_load %arg25[%parallel_loop3A_508, %parallel_loop3A_509, %parallel_loop3A_510] {strides = array<i32>} : memref<8x4x128xf32, #tpu.memory_space<vmem>>, vector<16xf32>,
      %parallel_loop3A_512 = arith.addf %parallel_loop3A_505, %parallel_loop3A_511 : vector<16xf32>
      %parallel_loop3A_513 = arith.constant 4 : i32
      %parallel_loop3A_514 = arith.constant 0 : i32
      %parallel_loop3A_515 = arith.index_cast %parallel_loop3A_513 : i32 to index
      %parallel_loop3A_516 = arith.index_cast %parallel_loop3A_514 : i32 to index
      %parallel_loop3A_517 = arith.index_cast %parallel_loop3A_485 : i32 to index
      %parallel_loop3A_518 = tpu.vector_load %arg25[%parallel_loop3A_515, %parallel_loop3A_516, %parallel_loop3A_517] {strides = array<i32>} : memref<8x4x128xf32, #tpu.memory_space<vmem>>, vector<16xf32>,
      %parallel_loop3A_519 = arith.addf %parallel_loop3A_512, %parallel_loop3A_518 : vector<16xf32>
      %parallel_loop3A_520 = arith.constant 5 : i32
      %parallel_loop3A_521 = arith.constant 0 : i32
      %parallel_loop3A_522 = arith.index_cast %parallel_loop3A_520 : i32 to index
      %parallel_loop3A_523 = arith.index_cast %parallel_loop3A_521 : i32 to index
      %parallel_loop3A_524 = arith.index_cast %parallel_loop3A_485 : i32 to index
      %parallel_loop3A_525 = tpu.vector_load %arg25[%parallel_loop3A_522, %parallel_loop3A_523, %parallel_loop3A_524] {strides = array<i32>} : memref<8x4x128xf32, #tpu.memory_space<vmem>>, vector<16xf32>,
      %parallel_loop3A_526 = arith.addf %parallel_loop3A_519, %parallel_loop3A_525 : vector<16xf32>
      %parallel_loop3A_527 = arith.constant 6 : i32
      %parallel_loop3A_528 = arith.constant 0 : i32
      %parallel_loop3A_529 = arith.index_cast %parallel_loop3A_527 : i32 to index
      %parallel_loop3A_530 = arith.index_cast %parallel_loop3A_528 : i32 to index
      %parallel_loop3A_531 = arith.index_cast %parallel_loop3A_485 : i32 to index
      %parallel_loop3A_532 = tpu.vector_load %arg25[%parallel_loop3A_529, %parallel_loop3A_530, %parallel_loop3A_531] {strides = array<i32>} : memref<8x4x128xf32, #tpu.memory_space<vmem>>, vector<16xf32>,
      %parallel_loop3A_533 = arith.addf %parallel_loop3A_526, %parallel_loop3A_532 : vector<16xf32>
      %parallel_loop3A_534 = arith.constant 7 : i32
      %parallel_loop3A_535 = arith.constant 0 : i32
      %parallel_loop3A_536 = arith.index_cast %parallel_loop3A_534 : i32 to index
      %parallel_loop3A_537 = arith.index_cast %parallel_loop3A_535 : i32 to index
      %parallel_loop3A_538 = arith.index_cast %parallel_loop3A_485 : i32 to index
      %parallel_loop3A_539 = tpu.vector_load %arg25[%parallel_loop3A_536, %parallel_loop3A_537, %parallel_loop3A_538] {strides = array<i32>} : memref<8x4x128xf32, #tpu.memory_space<vmem>>, vector<16xf32>,
      %parallel_loop3A_540 = arith.addf %parallel_loop3A_533, %parallel_loop3A_539 : vector<16xf32>
      %parallel_loop3A_541 = arith.constant 0 : i32
      %parallel_loop3A_542 = arith.constant 1 : i32
      %parallel_loop3A_543 = arith.index_cast %parallel_loop3A_541 : i32 to index
      %parallel_loop3A_544 = arith.index_cast %parallel_loop3A_542 : i32 to index
      %parallel_loop3A_545 = arith.index_cast %parallel_loop3A_485 : i32 to index
      %parallel_loop3A_546 = tpu.vector_load %arg25[%parallel_loop3A_543, %parallel_loop3A_544, %parallel_loop3A_545] {strides = array<i32>} : memref<8x4x128xf32, #tpu.memory_space<vmem>>, vector<16xf32>,
      %parallel_loop3A_547 = arith.constant 1 : i32
      %parallel_loop3A_548 = arith.constant 1 : i32
      %parallel_loop3A_549 = arith.index_cast %parallel_loop3A_547 : i32 to index
      %parallel_loop3A_550 = arith.index_cast %parallel_loop3A_548 : i32 to index
      %parallel_loop3A_551 = arith.index_cast %parallel_loop3A_485 : i32 to index
      %parallel_loop3A_552 = tpu.vector_load %arg25[%parallel_loop3A_549, %parallel_loop3A_550, %parallel_loop3A_551] {strides = array<i32>} : memref<8x4x128xf32, #tpu.memory_space<vmem>>, vector<16xf32>,
      %parallel_loop3A_553 = arith.addf %parallel_loop3A_546, %parallel_loop3A_552 : vector<16xf32>
      %parallel_loop3A_554 = arith.constant 2 : i32
      %parallel_loop3A_555 = arith.constant 1 : i32
      %parallel_loop3A_556 = arith.index_cast %parallel_loop3A_554 : i32 to index
      %parallel_loop3A_557 = arith.index_cast %parallel_loop3A_555 : i32 to index
      %parallel_loop3A_558 = arith.index_cast %parallel_loop3A_485 : i32 to index
      %parallel_loop3A_559 = tpu.vector_load %arg25[%parallel_loop3A_556, %parallel_loop3A_557, %parallel_loop3A_558] {strides = array<i32>} : memref<8x4x128xf32, #tpu.memory_space<vmem>>, vector<16xf32>,
      %parallel_loop3A_560 = arith.addf %parallel_loop3A_553, %parallel_loop3A_559 : vector<16xf32>
      %parallel_loop3A_561 = arith.constant 3 : i32
      %parallel_loop3A_562 = arith.constant 1 : i32
      %parallel_loop3A_563 = arith.index_cast %parallel_loop3A_561 : i32 to index
      %parallel_loop3A_564 = arith.index_cast %parallel_loop3A_562 : i32 to index
      %parallel_loop3A_565 = arith.index_cast %parallel_loop3A_485 : i32 to index
      %parallel_loop3A_566 = tpu.vector_load %arg25[%parallel_loop3A_563, %parallel_loop3A_564, %parallel_loop3A_565] {strides = array<i32>} : memref<8x4x128xf32, #tpu.memory_space<vmem>>, vector<16xf32>,
      %parallel_loop3A_567 = arith.addf %parallel_loop3A_560, %parallel_loop3A_566 : vector<16xf32>
      %parallel_loop3A_568 = arith.constant 4 : i32
      %parallel_loop3A_569 = arith.constant 1 : i32
      %parallel_loop3A_570 = arith.index_cast %parallel_loop3A_568 : i32 to index
      %parallel_loop3A_571 = arith.index_cast %parallel_loop3A_569 : i32 to index
      %parallel_loop3A_572 = arith.index_cast %parallel_loop3A_485 : i32 to index
      %parallel_loop3A_573 = tpu.vector_load %arg25[%parallel_loop3A_570, %parallel_loop3A_571, %parallel_loop3A_572] {strides = array<i32>} : memref<8x4x128xf32, #tpu.memory_space<vmem>>, vector<16xf32>,
      %parallel_loop3A_574 = arith.addf %parallel_loop3A_567, %parallel_loop3A_573 : vector<16xf32>
      %parallel_loop3A_575 = arith.constant 5 : i32
      %parallel_loop3A_576 = arith.constant 1 : i32
      %parallel_loop3A_577 = arith.index_cast %parallel_loop3A_575 : i32 to index
      %parallel_loop3A_578 = arith.index_cast %parallel_loop3A_576 : i32 to index
      %parallel_loop3A_579 = arith.index_cast %parallel_loop3A_485 : i32 to index
      %parallel_loop3A_580 = tpu.vector_load %arg25[%parallel_loop3A_577, %parallel_loop3A_578, %parallel_loop3A_579] {strides = array<i32>} : memref<8x4x128xf32, #tpu.memory_space<vmem>>, vector<16xf32>,
      %parallel_loop3A_581 = arith.addf %parallel_loop3A_574, %parallel_loop3A_580 : vector<16xf32>
      %parallel_loop3A_582 = arith.constant 6 : i32
      %parallel_loop3A_583 = arith.constant 1 : i32
      %parallel_loop3A_584 = arith.index_cast %parallel_loop3A_582 : i32 to index
      %parallel_loop3A_585 = arith.index_cast %parallel_loop3A_583 : i32 to index
      %parallel_loop3A_586 = arith.index_cast %parallel_loop3A_485 : i32 to index
      %parallel_loop3A_587 = tpu.vector_load %arg25[%parallel_loop3A_584, %parallel_loop3A_585, %parallel_loop3A_586] {strides = array<i32>} : memref<8x4x128xf32, #tpu.memory_space<vmem>>, vector<16xf32>,
      %parallel_loop3A_588 = arith.addf %parallel_loop3A_581, %parallel_loop3A_587 : vector<16xf32>
      %parallel_loop3A_589 = arith.constant 7 : i32
      %parallel_loop3A_590 = arith.constant 1 : i32
      %parallel_loop3A_591 = arith.index_cast %parallel_loop3A_589 : i32 to index
      %parallel_loop3A_592 = arith.index_cast %parallel_loop3A_590 : i32 to index
      %parallel_loop3A_593 = arith.index_cast %parallel_loop3A_485 : i32 to index
      %parallel_loop3A_594 = tpu.vector_load %arg25[%parallel_loop3A_591, %parallel_loop3A_592, %parallel_loop3A_593] {strides = array<i32>} : memref<8x4x128xf32, #tpu.memory_space<vmem>>, vector<16xf32>,
      %parallel_loop3A_595 = arith.addf %parallel_loop3A_588, %parallel_loop3A_594 : vector<16xf32>
      %parallel_loop3A_596 = arith.constant 0 : i32
      %parallel_loop3A_597 = arith.constant 2 : i32
      %parallel_loop3A_598 = arith.index_cast %parallel_loop3A_596 : i32 to index
      %parallel_loop3A_599 = arith.index_cast %parallel_loop3A_597 : i32 to index
      %parallel_loop3A_600 = arith.index_cast %parallel_loop3A_485 : i32 to index
      %parallel_loop3A_601 = tpu.vector_load %arg25[%parallel_loop3A_598, %parallel_loop3A_599, %parallel_loop3A_600] {strides = array<i32>} : memref<8x4x128xf32, #tpu.memory_space<vmem>>, vector<16xf32>,
      %parallel_loop3A_602 = arith.constant 1 : i32
      %parallel_loop3A_603 = arith.constant 2 : i32
      %parallel_loop3A_604 = arith.index_cast %parallel_loop3A_602 : i32 to index
      %parallel_loop3A_605 = arith.index_cast %parallel_loop3A_603 : i32 to index
      %parallel_loop3A_606 = arith.index_cast %parallel_loop3A_485 : i32 to index
      %parallel_loop3A_607 = tpu.vector_load %arg25[%parallel_loop3A_604, %parallel_loop3A_605, %parallel_loop3A_606] {strides = array<i32>} : memref<8x4x128xf32, #tpu.memory_space<vmem>>, vector<16xf32>,
      %parallel_loop3A_608 = arith.addf %parallel_loop3A_601, %parallel_loop3A_607 : vector<16xf32>
      %parallel_loop3A_609 = arith.constant 2 : i32
      %parallel_loop3A_610 = arith.constant 2 : i32
      %parallel_loop3A_611 = arith.index_cast %parallel_loop3A_609 : i32 to index
      %parallel_loop3A_612 = arith.index_cast %parallel_loop3A_610 : i32 to index
      %parallel_loop3A_613 = arith.index_cast %parallel_loop3A_485 : i32 to index
      %parallel_loop3A_614 = tpu.vector_load %arg25[%parallel_loop3A_611, %parallel_loop3A_612, %parallel_loop3A_613] {strides = array<i32>} : memref<8x4x128xf32, #tpu.memory_space<vmem>>, vector<16xf32>,
      %parallel_loop3A_615 = arith.addf %parallel_loop3A_608, %parallel_loop3A_614 : vector<16xf32>
      %parallel_loop3A_616 = arith.constant 3 : i32
      %parallel_loop3A_617 = arith.constant 2 : i32
      %parallel_loop3A_618 = arith.index_cast %parallel_loop3A_616 : i32 to index
      %parallel_loop3A_619 = arith.index_cast %parallel_loop3A_617 : i32 to index
      %parallel_loop3A_620 = arith.index_cast %parallel_loop3A_485 : i32 to index
      %parallel_loop3A_621 = tpu.vector_load %arg25[%parallel_loop3A_618, %parallel_loop3A_619, %parallel_loop3A_620] {strides = array<i32>} : memref<8x4x128xf32, #tpu.memory_space<vmem>>, vector<16xf32>,
      %parallel_loop3A_622 = arith.addf %parallel_loop3A_615, %parallel_loop3A_621 : vector<16xf32>
      %parallel_loop3A_623 = arith.constant 4 : i32
      %parallel_loop3A_624 = arith.constant 2 : i32
      %parallel_loop3A_625 = arith.index_cast %parallel_loop3A_623 : i32 to index
      %parallel_loop3A_626 = arith.index_cast %parallel_loop3A_624 : i32 to index
      %parallel_loop3A_627 = arith.index_cast %parallel_loop3A_485 : i32 to index
      %parallel_loop3A_628 = tpu.vector_load %arg25[%parallel_loop3A_625, %parallel_loop3A_626, %parallel_loop3A_627] {strides = array<i32>} : memref<8x4x128xf32, #tpu.memory_space<vmem>>, vector<16xf32>,
      %parallel_loop3A_629 = arith.addf %parallel_loop3A_622, %parallel_loop3A_628 : vector<16xf32>
      %parallel_loop3A_630 = arith.constant 5 : i32
      %parallel_loop3A_631 = arith.constant 2 : i32
      %parallel_loop3A_632 = arith.index_cast %parallel_loop3A_630 : i32 to index
      %parallel_loop3A_633 = arith.index_cast %parallel_loop3A_631 : i32 to index
      %parallel_loop3A_634 = arith.index_cast %parallel_loop3A_485 : i32 to index
      %parallel_loop3A_635 = tpu.vector_load %arg25[%parallel_loop3A_632, %parallel_loop3A_633, %parallel_loop3A_634] {strides = array<i32>} : memref<8x4x128xf32, #tpu.memory_space<vmem>>, vector<16xf32>,
      %parallel_loop3A_636 = arith.addf %parallel_loop3A_629, %parallel_loop3A_635 : vector<16xf32>
      %parallel_loop3A_637 = arith.constant 6 : i32
      %parallel_loop3A_638 = arith.constant 2 : i32
      %parallel_loop3A_639 = arith.index_cast %parallel_loop3A_637 : i32 to index
      %parallel_loop3A_640 = arith.index_cast %parallel_loop3A_638 : i32 to index
      %parallel_loop3A_641 = arith.index_cast %parallel_loop3A_485 : i32 to index
      %parallel_loop3A_642 = tpu.vector_load %arg25[%parallel_loop3A_639, %parallel_loop3A_640, %parallel_loop3A_641] {strides = array<i32>} : memref<8x4x128xf32, #tpu.memory_space<vmem>>, vector<16xf32>,
      %parallel_loop3A_643 = arith.addf %parallel_loop3A_636, %parallel_loop3A_642 : vector<16xf32>
      %parallel_loop3A_644 = arith.constant 7 : i32
      %parallel_loop3A_645 = arith.constant 2 : i32
      %parallel_loop3A_646 = arith.index_cast %parallel_loop3A_644 : i32 to index
      %parallel_loop3A_647 = arith.index_cast %parallel_loop3A_645 : i32 to index
      %parallel_loop3A_648 = arith.index_cast %parallel_loop3A_485 : i32 to index
      %parallel_loop3A_649 = tpu.vector_load %arg25[%parallel_loop3A_646, %parallel_loop3A_647, %parallel_loop3A_648] {strides = array<i32>} : memref<8x4x128xf32, #tpu.memory_space<vmem>>, vector<16xf32>,
      %parallel_loop3A_650 = arith.addf %parallel_loop3A_643, %parallel_loop3A_649 : vector<16xf32>
      %parallel_loop3A_651 = arith.constant 0 : i32
      %parallel_loop3A_652 = arith.constant 3 : i32
      %parallel_loop3A_653 = arith.index_cast %parallel_loop3A_651 : i32 to index
      %parallel_loop3A_654 = arith.index_cast %parallel_loop3A_652 : i32 to index
      %parallel_loop3A_655 = arith.index_cast %parallel_loop3A_485 : i32 to index
      %parallel_loop3A_656 = tpu.vector_load %arg25[%parallel_loop3A_653, %parallel_loop3A_654, %parallel_loop3A_655] {strides = array<i32>} : memref<8x4x128xf32, #tpu.memory_space<vmem>>, vector<16xf32>,
      %parallel_loop3A_657 = arith.constant 1 : i32
      %parallel_loop3A_658 = arith.constant 3 : i32
      %parallel_loop3A_659 = arith.index_cast %parallel_loop3A_657 : i32 to index
      %parallel_loop3A_660 = arith.index_cast %parallel_loop3A_658 : i32 to index
      %parallel_loop3A_661 = arith.index_cast %parallel_loop3A_485 : i32 to index
      %parallel_loop3A_662 = tpu.vector_load %arg25[%parallel_loop3A_659, %parallel_loop3A_660, %parallel_loop3A_661] {strides = array<i32>} : memref<8x4x128xf32, #tpu.memory_space<vmem>>, vector<16xf32>,
      %parallel_loop3A_663 = arith.addf %parallel_loop3A_656, %parallel_loop3A_662 : vector<16xf32>
      %parallel_loop3A_664 = arith.constant 2 : i32
      %parallel_loop3A_665 = arith.constant 3 : i32
      %parallel_loop3A_666 = arith.index_cast %parallel_loop3A_664 : i32 to index
      %parallel_loop3A_667 = arith.index_cast %parallel_loop3A_665 : i32 to index
      %parallel_loop3A_668 = arith.index_cast %parallel_loop3A_485 : i32 to index
      %parallel_loop3A_669 = tpu.vector_load %arg25[%parallel_loop3A_666, %parallel_loop3A_667, %parallel_loop3A_668] {strides = array<i32>} : memref<8x4x128xf32, #tpu.memory_space<vmem>>, vector<16xf32>,
      %parallel_loop3A_670 = arith.addf %parallel_loop3A_663, %parallel_loop3A_669 : vector<16xf32>
      %parallel_loop3A_671 = arith.constant 3 : i32
      %parallel_loop3A_672 = arith.constant 3 : i32
      %parallel_loop3A_673 = arith.index_cast %parallel_loop3A_671 : i32 to index
      %parallel_loop3A_674 = arith.index_cast %parallel_loop3A_672 : i32 to index
      %parallel_loop3A_675 = arith.index_cast %parallel_loop3A_485 : i32 to index
      %parallel_loop3A_676 = tpu.vector_load %arg25[%parallel_loop3A_673, %parallel_loop3A_674, %parallel_loop3A_675] {strides = array<i32>} : memref<8x4x128xf32, #tpu.memory_space<vmem>>, vector<16xf32>,
      %parallel_loop3A_677 = arith.addf %parallel_loop3A_670, %parallel_loop3A_676 : vector<16xf32>
      %parallel_loop3A_678 = arith.constant 4 : i32
      %parallel_loop3A_679 = arith.constant 3 : i32
      %parallel_loop3A_680 = arith.index_cast %parallel_loop3A_678 : i32 to index
      %parallel_loop3A_681 = arith.index_cast %parallel_loop3A_679 : i32 to index
      %parallel_loop3A_682 = arith.index_cast %parallel_loop3A_485 : i32 to index
      %parallel_loop3A_683 = tpu.vector_load %arg25[%parallel_loop3A_680, %parallel_loop3A_681, %parallel_loop3A_682] {strides = array<i32>} : memref<8x4x128xf32, #tpu.memory_space<vmem>>, vector<16xf32>,
      %parallel_loop3A_684 = arith.addf %parallel_loop3A_677, %parallel_loop3A_683 : vector<16xf32>
      %parallel_loop3A_685 = arith.constant 5 : i32
      %parallel_loop3A_686 = arith.constant 3 : i32
      %parallel_loop3A_687 = arith.index_cast %parallel_loop3A_685 : i32 to index
      %parallel_loop3A_688 = arith.index_cast %parallel_loop3A_686 : i32 to index
      %parallel_loop3A_689 = arith.index_cast %parallel_loop3A_485 : i32 to index
      %parallel_loop3A_690 = tpu.vector_load %arg25[%parallel_loop3A_687, %parallel_loop3A_688, %parallel_loop3A_689] {strides = array<i32>} : memref<8x4x128xf32, #tpu.memory_space<vmem>>, vector<16xf32>,
      %parallel_loop3A_691 = arith.addf %parallel_loop3A_684, %parallel_loop3A_690 : vector<16xf32>
      %parallel_loop3A_692 = arith.constant 6 : i32
      %parallel_loop3A_693 = arith.constant 3 : i32
      %parallel_loop3A_694 = arith.index_cast %parallel_loop3A_692 : i32 to index
      %parallel_loop3A_695 = arith.index_cast %parallel_loop3A_693 : i32 to index
      %parallel_loop3A_696 = arith.index_cast %parallel_loop3A_485 : i32 to index
      %parallel_loop3A_697 = tpu.vector_load %arg25[%parallel_loop3A_694, %parallel_loop3A_695, %parallel_loop3A_696] {strides = array<i32>} : memref<8x4x128xf32, #tpu.memory_space<vmem>>, vector<16xf32>,
      %parallel_loop3A_698 = arith.addf %parallel_loop3A_691, %parallel_loop3A_697 : vector<16xf32>
      %parallel_loop3A_699 = arith.constant 7 : i32
      %parallel_loop3A_700 = arith.constant 3 : i32
      %parallel_loop3A_701 = arith.index_cast %parallel_loop3A_699 : i32 to index
      %parallel_loop3A_702 = arith.index_cast %parallel_loop3A_700 : i32 to index
      %parallel_loop3A_703 = arith.index_cast %parallel_loop3A_485 : i32 to index
      %parallel_loop3A_704 = tpu.vector_load %arg25[%parallel_loop3A_701, %parallel_loop3A_702, %parallel_loop3A_703] {strides = array<i32>} : memref<8x4x128xf32, #tpu.memory_space<vmem>>, vector<16xf32>,
      %parallel_loop3A_705 = arith.addf %parallel_loop3A_698, %parallel_loop3A_704 : vector<16xf32>
      %parallel_loop3A_706 = arith.constant 1.000000e+00 : f32
      %parallel_loop3A_707 = vector.broadcast %parallel_loop3A_706 : f32 to vector<16xf32>
      %parallel_loop3A_708 = arith.maximumf %parallel_loop3A_705, %parallel_loop3A_707 : vector<16xf32>
      %parallel_loop3A_709 = arith.constant 1.000000e+00 : f32
      %parallel_loop3A_710 = vector.broadcast %parallel_loop3A_709 : f32 to vector<16xf32>
      %parallel_loop3A_711 = arith.divf %parallel_loop3A_710, %parallel_loop3A_708 : vector<16xf32>
      %parallel_loop3A_712 = arith.mulf %parallel_loop3A_540, %parallel_loop3A_711 : vector<16xf32>
      %parallel_loop3A_713 = arith.mulf %parallel_loop3A_595, %parallel_loop3A_711 : vector<16xf32>
      %parallel_loop3A_714 = arith.mulf %parallel_loop3A_650, %parallel_loop3A_711 : vector<16xf32>
      %parallel_loop3A_715 = vector.broadcast %squeeze3A : f32 to vector<16xf32>
      %parallel_loop3A_716 = arith.mulf %parallel_loop3A_712, %parallel_loop3A_715 : vector<16xf32>
      %parallel_loop3A_717 = vector.broadcast %squeeze3A_318 : f32 to vector<16xf32>
      %parallel_loop3A_718 = arith.mulf %parallel_loop3A_713, %parallel_loop3A_717 : vector<16xf32>
      %parallel_loop3A_719 = arith.addf %parallel_loop3A_716, %parallel_loop3A_718 : vector<16xf32>
      %parallel_loop3A_720 = vector.broadcast %squeeze3A_324 : f32 to vector<16xf32>
      %parallel_loop3A_721 = arith.mulf %parallel_loop3A_714, %parallel_loop3A_720 : vector<16xf32>
      %parallel_loop3A_722 = arith.addf %parallel_loop3A_719, %parallel_loop3A_721 : vector<16xf32>
      %parallel_loop3A_723 = vector.broadcast %squeeze3A_330 : f32 to vector<16xf32>
      %parallel_loop3A_724 = arith.addf %parallel_loop3A_722, %parallel_loop3A_723 : vector<16xf32>
      %parallel_loop3A_725 = vector.broadcast %squeeze3A_314 : f32 to vector<16xf32>
      %parallel_loop3A_726 = arith.mulf %parallel_loop3A_712, %parallel_loop3A_725 : vector<16xf32>
      %parallel_loop3A_727 = vector.broadcast %squeeze3A_320 : f32 to vector<16xf32>
      %parallel_loop3A_728 = arith.mulf %parallel_loop3A_713, %parallel_loop3A_727 : vector<16xf32>
      %parallel_loop3A_729 = arith.addf %parallel_loop3A_726, %parallel_loop3A_728 : vector<16xf32>
      %parallel_loop3A_730 = vector.broadcast %squeeze3A_326 : f32 to vector<16xf32>
      %parallel_loop3A_731 = arith.mulf %parallel_loop3A_714, %parallel_loop3A_730 : vector<16xf32>
      %parallel_loop3A_732 = arith.addf %parallel_loop3A_729, %parallel_loop3A_731 : vector<16xf32>
      %parallel_loop3A_733 = vector.broadcast %squeeze3A_332 : f32 to vector<16xf32>
      %parallel_loop3A_734 = arith.addf %parallel_loop3A_732, %parallel_loop3A_733 : vector<16xf32>
      %parallel_loop3A_735 = vector.broadcast %squeeze3A_316 : f32 to vector<16xf32>
      %parallel_loop3A_736 = arith.mulf %parallel_loop3A_712, %parallel_loop3A_735 : vector<16xf32>
      %parallel_loop3A_737 = vector.broadcast %squeeze3A_322 : f32 to vector<16xf32>
      %parallel_loop3A_738 = arith.mulf %parallel_loop3A_713, %parallel_loop3A_737 : vector<16xf32>
      %parallel_loop3A_739 = arith.addf %parallel_loop3A_736, %parallel_loop3A_738 : vector<16xf32>
      %parallel_loop3A_740 = vector.broadcast %squeeze3A_328 : f32 to vector<16xf32>
      %parallel_loop3A_741 = arith.mulf %parallel_loop3A_714, %parallel_loop3A_740 : vector<16xf32>
      %parallel_loop3A_742 = arith.addf %parallel_loop3A_739, %parallel_loop3A_741 : vector<16xf32>
      %parallel_loop3A_743 = vector.broadcast %squeeze3A_334 : f32 to vector<16xf32>
      %parallel_loop3A_744 = arith.addf %parallel_loop3A_742, %parallel_loop3A_743 : vector<16xf32>
      %parallel_loop3A_745 = arith.maximumf %parallel_loop3A_734, %parallel_loop3A_744 : vector<16xf32>
      %parallel_loop3A_746 = arith.maximumf %parallel_loop3A_724, %parallel_loop3A_745 : vector<16xf32>
      %parallel_loop3A_747 = arith.subf %parallel_loop3A_724, %parallel_loop3A_746 : vector<16xf32>
      %parallel_loop3A_748 = math.exp %parallel_loop3A_747 : vector<16xf32>
      %parallel_loop3A_749 = arith.subf %parallel_loop3A_734, %parallel_loop3A_746 : vector<16xf32>
      %parallel_loop3A_750 = math.exp %parallel_loop3A_749 : vector<16xf32>
      %parallel_loop3A_751 = arith.subf %parallel_loop3A_744, %parallel_loop3A_746 : vector<16xf32>
      %parallel_loop3A_752 = math.exp %parallel_loop3A_751 : vector<16xf32>
      %parallel_loop3A_753 = arith.constant 2.000000e+00 : f32
      %parallel_loop3A_754 = vector.broadcast %parallel_loop3A_753 : f32 to vector<16xf32>
      %parallel_loop3A_755 = arith.mulf %parallel_loop3A_754, %parallel_loop3A_752 : vector<16xf32>
      %parallel_loop3A_756 = arith.addf %parallel_loop3A_750, %parallel_loop3A_755 : vector<16xf32>
      %parallel_loop3A_757 = arith.addf %parallel_loop3A_748, %parallel_loop3A_750 : vector<16xf32>
      %parallel_loop3A_758 = arith.addf %parallel_loop3A_757, %parallel_loop3A_752 : vector<16xf32>
      %parallel_loop3A_759 = arith.divf %parallel_loop3A_756, %parallel_loop3A_758 : vector<16xf32>
      %parallel_loop3A_760 = arith.constant 1.000000e+00 : f32
      %parallel_loop3A_761 = vector.broadcast %parallel_loop3A_760 : f32 to vector<16xf32>
      %parallel_loop3A_762 = arith.addf %parallel_loop3A_759, %parallel_loop3A_761 : vector<16xf32>
      %parallel_loop3A_763 = arith.index_cast %parallel_loop3A_485 : i32 to index
      %parallel_loop3A_764 = tpu.vector_load %arg26[%parallel_loop3A_763] {strides = array<i32>} : memref<128xf32, #tpu.memory_space<vmem>>, vector<16xf32>,
      tpu.vector_store %arg26[%parallel_loop3A_763], %parallel_loop3A_762 {strides = array<i32>} : memref<128xf32, #tpu.memory_space<vmem>>, vector<16xf32>,
    } {sc.loop_unroll_factor = 2 : i64, sc.parallel_access}
    "tpu.region"() ({
      %run_scoped3A = tpu.sem_alloc : memref<!tpu.dma_semaphore, #tpu.memory_space<semaphore_mem>>
      %dma_start3A_485 = tpu.memref_slice %arg31[%select_n3A, %mul3A_309] : memref<2x1024xf32, #tpu.memory_space<vmem_shared>> -> memref<1x128xf32, #tpu.memory_space<vmem_shared>>
      %dma_start3A_486 = tpu.memref_squeeze %dma_start3A_485 : memref<1x128xf32, #tpu.memory_space<vmem_shared>> -> memref<128xf32, #tpu.memory_space<vmem_shared>>
      %dma_start3A_487 = tpu.memref_slice %arg31[%select_n3A, %mul3A_309] : memref<2x1024xf32, #tpu.memory_space<vmem_shared>> -> memref<1x128xf32, #tpu.memory_space<vmem_shared>>
      %dma_start3A_488 = tpu.memref_squeeze %dma_start3A_487 : memref<1x128xf32, #tpu.memory_space<vmem_shared>> -> memref<128xf32, #tpu.memory_space<vmem_shared>>
      tpu.enqueue_dma source(%arg26 : memref<128xf32, #tpu.memory_space<vmem>>) target(%dma_start3A_488 : memref<128xf32, #tpu.memory_space<vmem_shared>>) target_semaphore(%run_scoped3A : memref<!tpu.dma_semaphore, #tpu.memory_space<semaphore_mem>>)
      %dma_wait3A_489 = tpu.memref_slice %arg31[%select_n3A, %mul3A_309] : memref<2x1024xf32, #tpu.memory_space<vmem_shared>> -> memref<1x128xf32, #tpu.memory_space<vmem_shared>>
      %dma_wait3A_490 = tpu.memref_squeeze %dma_wait3A_489 : memref<1x128xf32, #tpu.memory_space<vmem_shared>> -> memref<128xf32, #tpu.memory_space<vmem_shared>>
      %dma_wait3A_491 = tpu.memref_slice %arg31[%select_n3A, %mul3A_309] : memref<2x1024xf32, #tpu.memory_space<vmem_shared>> -> memref<1x128xf32, #tpu.memory_space<vmem_shared>>
      %dma_wait3A_492 = tpu.memref_squeeze %dma_wait3A_491 : memref<1x128xf32, #tpu.memory_space<vmem_shared>> -> memref<128xf32, #tpu.memory_space<vmem_shared>>
      tpu.wait_dma2 semaphore(%run_scoped3A : memref<!tpu.dma_semaphore, #tpu.memory_space<semaphore_mem>>) src(%arg26 : memref<128xf32, #tpu.memory_space<vmem>>) dst(%dma_wait3A_492 : memref<128xf32, #tpu.memory_space<vmem_shared>>)
      tpu.yield
    }) : () -> ()
    %barrier3A_338 = arith.constant 0 : index
    tpu.barrier barrier_id(%barrier3A_338)
    "tpu.region"() ({
      %run_scoped3A = tpu.sem_alloc : memref<!tpu.dma_semaphore, #tpu.memory_space<semaphore_mem>>
      %dma_start3A_485 = arith.constant 0 : i32
      %dma_start3A_486 = tpu.memref_slice %arg31[%select_n3A, %dma_start3A_485] : memref<2x1024xf32, #tpu.memory_space<vmem_shared>> -> memref<1x1024xf32, #tpu.memory_space<vmem_shared>>
      %dma_start3A_487 = tpu.memref_squeeze %dma_start3A_486 : memref<1x1024xf32, #tpu.memory_space<vmem_shared>> -> memref<1024xf32, #tpu.memory_space<vmem_shared>>
      %dma_start3A_488 = arith.constant 0 : i32
      %dma_start3A_489 = tpu.memref_slice %arg31[%select_n3A, %dma_start3A_488] : memref<2x1024xf32, #tpu.memory_space<vmem_shared>> -> memref<1x1024xf32, #tpu.memory_space<vmem_shared>>
      %dma_start3A_490 = tpu.memref_squeeze %dma_start3A_489 : memref<1x1024xf32, #tpu.memory_space<vmem_shared>> -> memref<1024xf32, #tpu.memory_space<vmem_shared>>
      tpu.enqueue_dma source(%dma_start3A_490 : memref<1024xf32, #tpu.memory_space<vmem_shared>>) target(%arg27 : memref<1024xf32, #tpu.memory_space<vmem>>) target_semaphore(%run_scoped3A : memref<!tpu.dma_semaphore, #tpu.memory_space<semaphore_mem>>)
      %dma_wait3A_491 = arith.constant 0 : i32
      %dma_wait3A_492 = tpu.memref_slice %arg31[%select_n3A, %dma_wait3A_491] : memref<2x1024xf32, #tpu.memory_space<vmem_shared>> -> memref<1x1024xf32, #tpu.memory_space<vmem_shared>>
      %dma_wait3A_493 = tpu.memref_squeeze %dma_wait3A_492 : memref<1x1024xf32, #tpu.memory_space<vmem_shared>> -> memref<1024xf32, #tpu.memory_space<vmem_shared>>
      %dma_wait3A_494 = arith.constant 0 : i32
      %dma_wait3A_495 = tpu.memref_slice %arg31[%select_n3A, %dma_wait3A_494] : memref<2x1024xf32, #tpu.memory_space<vmem_shared>> -> memref<1x1024xf32, #tpu.memory_space<vmem_shared>>
      %dma_wait3A_496 = tpu.memref_squeeze %dma_wait3A_495 : memref<1x1024xf32, #tpu.memory_space<vmem_shared>> -> memref<1024xf32, #tpu.memory_space<vmem_shared>>
      tpu.wait_dma2 semaphore(%run_scoped3A : memref<!tpu.dma_semaphore, #tpu.memory_space<semaphore_mem>>) src(%dma_wait3A_496 : memref<1024xf32, #tpu.memory_space<vmem_shared>>) dst(%arg27 : memref<1024xf32, #tpu.memory_space<vmem>>)
      tpu.yield
    }) : () -> ()
    %add3A_339 = arith.constant 4096 : i32
    %add3A_340 = arith.addi %add3A_35, %add3A_339 : i32
    %dma_start3A_341 = tpu.memref_slice %arg4[%add3A_340] : memref<1048576xi32, #tpu.memory_space<hbm>> -> memref<4096xi32, #tpu.memory_space<hbm>>
    %dma_start3A_342 = tpu.memref_slice %arg4[%add3A_340] : memref<1048576xi32, #tpu.memory_space<hbm>> -> memref<4096xi32, #tpu.memory_space<hbm>>
    tpu.enqueue_dma source(%dma_start3A_342 : memref<4096xi32, #tpu.memory_space<hbm>>) target(%arg13 : memref<4096xi32, #tpu.memory_space<vmem>>) target_semaphore(%arg33 : memref<!tpu.dma_semaphore, #tpu.memory_space<semaphore_mem>>)
    %dma_start3A_343 = tpu.memref_slice %arg3[%add3A_340] : memref<1048576xf32, #tpu.memory_space<hbm>> -> memref<4096xf32, #tpu.memory_space<hbm>>
    %dma_start3A_344 = tpu.memref_slice %arg3[%add3A_340] : memref<1048576xf32, #tpu.memory_space<hbm>> -> memref<4096xf32, #tpu.memory_space<hbm>>
    tpu.enqueue_dma source(%dma_start3A_344 : memref<4096xf32, #tpu.memory_space<hbm>>) target(%arg15 : memref<4096xf32, #tpu.memory_space<vmem>>) target_semaphore(%arg33 : memref<!tpu.dma_semaphore, #tpu.memory_space<semaphore_mem>>)
    %dma_wait3A_345 = tpu.memref_slice %arg4[%add3A_298] : memref<1048576xi32, #tpu.memory_space<hbm>> -> memref<4096xi32, #tpu.memory_space<hbm>>
    %dma_wait3A_346 = tpu.memref_slice %arg4[%add3A_298] : memref<1048576xi32, #tpu.memory_space<hbm>> -> memref<4096xi32, #tpu.memory_space<hbm>>
    tpu.wait_dma2 semaphore(%arg32 : memref<!tpu.dma_semaphore, #tpu.memory_space<semaphore_mem>>) src(%dma_wait3A_346 : memref<4096xi32, #tpu.memory_space<hbm>>) dst(%arg12 : memref<4096xi32, #tpu.memory_space<vmem>>)
    %dma_wait3A_347 = tpu.memref_slice %arg3[%add3A_298] : memref<1048576xf32, #tpu.memory_space<hbm>> -> memref<4096xf32, #tpu.memory_space<hbm>>
    %dma_wait3A_348 = tpu.memref_slice %arg3[%add3A_298] : memref<1048576xf32, #tpu.memory_space<hbm>> -> memref<4096xf32, #tpu.memory_space<hbm>>
    tpu.wait_dma2 semaphore(%arg32 : memref<!tpu.dma_semaphore, #tpu.memory_space<semaphore_mem>>) src(%dma_wait3A_348 : memref<4096xf32, #tpu.memory_space<hbm>>) dst(%arg14 : memref<4096xf32, #tpu.memory_space<vmem>>)
    %parallel_loop3A_349 = arith.constant 0 : i32
    %parallel_loop3A_350 = arith.constant 4096 : i32
    %parallel_loop3A_351 = arith.constant 16 : i32
    scf.for %parallel_loop3A_485 = %parallel_loop3A_349 to %parallel_loop3A_350 step %parallel_loop3A_351  : i32 {
      %parallel_loop3A_486 = arith.index_cast %parallel_loop3A_485 : i32 to index
      %parallel_loop3A_487 = tpu.vector_load %arg12[%parallel_loop3A_486] {strides = array<i32>} : memref<4096xi32, #tpu.memory_space<vmem>>, vector<16xi32>,
      %parallel_loop3A_488 = arith.index_cast %parallel_loop3A_485 : i32 to index
      %parallel_loop3A_489 = tpu.vector_load %arg14[%parallel_loop3A_488] {strides = array<i32>} : memref<4096xf32, #tpu.memory_space<vmem>>, vector<16xf32>,
      %parallel_loop3A_490 = arith.constant 5.000000e-01 : f32
      %parallel_loop3A_491 = vector.broadcast %parallel_loop3A_490 : f32 to vector<16xf32>
      %parallel_loop3A_492 = arith.cmpf ogt, %parallel_loop3A_489, %parallel_loop3A_491 : vector<16xf32>
      %parallel_loop3A_493 = arith.constant 0 : i32
      %parallel_loop3A_494 = vector.broadcast %parallel_loop3A_493 : i32 to vector<16xi32>
      %parallel_loop3A_495 = arith.select %parallel_loop3A_492, %parallel_loop3A_487, %parallel_loop3A_494 : vector<16xi1>, vector<16xi32>
      %parallel_loop3A_496 = tpu.vector_load_idx %arg27[%parallel_loop3A_495] : memref<1024xf32, #tpu.memory_space<vmem>>[vector<16xi32>], vector<16xf32>,
      %parallel_loop3A_497 = arith.constant 0 : i32
      %parallel_loop3A_498 = vector.broadcast %parallel_loop3A_497 : i32 to vector<16xi32>
      %parallel_loop3A_499 = arith.cmpi sgt, %parallel_loop3A_495, %parallel_loop3A_498 : vector<16xi32>
      %parallel_loop3A_500 = arith.select %parallel_loop3A_492, %broadcast_in_dim3A_46, %broadcast_in_dim3A_48 : vector<16xi1>, vector<16xf32>
      %parallel_loop3A_501 = arith.select %parallel_loop3A_499, %parallel_loop3A_496, %parallel_loop3A_500 : vector<16xi1>, vector<16xf32>
      %parallel_loop3A_502 = arith.index_cast %parallel_loop3A_485 : i32 to index
      %parallel_loop3A_503 = tpu.vector_load %arg22[%parallel_loop3A_502] {strides = array<i32>} : memref<4096xf32, #tpu.memory_space<vmem>>, vector<16xf32>,
      tpu.vector_store %arg22[%parallel_loop3A_502], %parallel_loop3A_501 {strides = array<i32>} : memref<4096xf32, #tpu.memory_space<vmem>>, vector<16xf32>,
    } {sc.loop_unroll_factor = 4 : i64, sc.parallel_access}
    %add3A_352 = arith.constant 0 : i32
    %add3A_353 = arith.addi %add3A_35, %add3A_352 : i32
    %dma_start3A_354 = tpu.memref_slice %arg7[%add3A_353] : memref<1048576xf32, #tpu.memory_space<hbm>> -> memref<4096xf32, #tpu.memory_space<hbm>>
    %dma_start3A_355 = tpu.memref_slice %arg7[%add3A_353] : memref<1048576xf32, #tpu.memory_space<hbm>> -> memref<4096xf32, #tpu.memory_space<hbm>>
    tpu.enqueue_dma source(%arg22 : memref<4096xf32, #tpu.memory_space<vmem>>) target(%dma_start3A_355 : memref<4096xf32, #tpu.memory_space<hbm>>) target_semaphore(%arg34 : memref<!tpu.dma_semaphore, #tpu.memory_space<semaphore_mem>>)
    %add3A_356 = arith.constant 8192 : i32
    %add3A_357 = arith.addi %add3A_35, %add3A_356 : i32
    %dma_start3A_358 = tpu.memref_slice %arg4[%add3A_357] : memref<1048576xi32, #tpu.memory_space<hbm>> -> memref<4096xi32, #tpu.memory_space<hbm>>
    %dma_start3A_359 = tpu.memref_slice %arg4[%add3A_357] : memref<1048576xi32, #tpu.memory_space<hbm>> -> memref<4096xi32, #tpu.memory_space<hbm>>
    tpu.enqueue_dma source(%dma_start3A_359 : memref<4096xi32, #tpu.memory_space<hbm>>) target(%arg12 : memref<4096xi32, #tpu.memory_space<vmem>>) target_semaphore(%arg32 : memref<!tpu.dma_semaphore, #tpu.memory_space<semaphore_mem>>)
    %dma_start3A_360 = tpu.memref_slice %arg3[%add3A_357] : memref<1048576xf32, #tpu.memory_space<hbm>> -> memref<4096xf32, #tpu.memory_space<hbm>>
    %dma_start3A_361 = tpu.memref_slice %arg3[%add3A_357] : memref<1048576xf32, #tpu.memory_space<hbm>> -> memref<4096xf32, #tpu.memory_space<hbm>>
    tpu.enqueue_dma source(%dma_start3A_361 : memref<4096xf32, #tpu.memory_space<hbm>>) target(%arg14 : memref<4096xf32, #tpu.memory_space<vmem>>) target_semaphore(%arg32 : memref<!tpu.dma_semaphore, #tpu.memory_space<semaphore_mem>>)
    %dma_wait3A_362 = tpu.memref_slice %arg4[%add3A_340] : memref<1048576xi32, #tpu.memory_space<hbm>> -> memref<4096xi32, #tpu.memory_space<hbm>>
    %dma_wait3A_363 = tpu.memref_slice %arg4[%add3A_340] : memref<1048576xi32, #tpu.memory_space<hbm>> -> memref<4096xi32, #tpu.memory_space<hbm>>
    tpu.wait_dma2 semaphore(%arg33 : memref<!tpu.dma_semaphore, #tpu.memory_space<semaphore_mem>>) src(%dma_wait3A_363 : memref<4096xi32, #tpu.memory_space<hbm>>) dst(%arg13 : memref<4096xi32, #tpu.memory_space<vmem>>)
    %dma_wait3A_364 = tpu.memref_slice %arg3[%add3A_340] : memref<1048576xf32, #tpu.memory_space<hbm>> -> memref<4096xf32, #tpu.memory_space<hbm>>
    %dma_wait3A_365 = tpu.memref_slice %arg3[%add3A_340] : memref<1048576xf32, #tpu.memory_space<hbm>> -> memref<4096xf32, #tpu.memory_space<hbm>>
    tpu.wait_dma2 semaphore(%arg33 : memref<!tpu.dma_semaphore, #tpu.memory_space<semaphore_mem>>) src(%dma_wait3A_365 : memref<4096xf32, #tpu.memory_space<hbm>>) dst(%arg15 : memref<4096xf32, #tpu.memory_space<vmem>>)
    %parallel_loop3A_366 = arith.constant 0 : i32
    %parallel_loop3A_367 = arith.constant 4096 : i32
    %parallel_loop3A_368 = arith.constant 16 : i32
    scf.for %parallel_loop3A_485 = %parallel_loop3A_366 to %parallel_loop3A_367 step %parallel_loop3A_368  : i32 {
      %parallel_loop3A_486 = arith.index_cast %parallel_loop3A_485 : i32 to index
      %parallel_loop3A_487 = tpu.vector_load %arg13[%parallel_loop3A_486] {strides = array<i32>} : memref<4096xi32, #tpu.memory_space<vmem>>, vector<16xi32>,
      %parallel_loop3A_488 = arith.index_cast %parallel_loop3A_485 : i32 to index
      %parallel_loop3A_489 = tpu.vector_load %arg15[%parallel_loop3A_488] {strides = array<i32>} : memref<4096xf32, #tpu.memory_space<vmem>>, vector<16xf32>,
      %parallel_loop3A_490 = arith.constant 5.000000e-01 : f32
      %parallel_loop3A_491 = vector.broadcast %parallel_loop3A_490 : f32 to vector<16xf32>
      %parallel_loop3A_492 = arith.cmpf ogt, %parallel_loop3A_489, %parallel_loop3A_491 : vector<16xf32>
      %parallel_loop3A_493 = arith.constant 0 : i32
      %parallel_loop3A_494 = vector.broadcast %parallel_loop3A_493 : i32 to vector<16xi32>
      %parallel_loop3A_495 = arith.select %parallel_loop3A_492, %parallel_loop3A_487, %parallel_loop3A_494 : vector<16xi1>, vector<16xi32>
      %parallel_loop3A_496 = tpu.vector_load_idx %arg27[%parallel_loop3A_495] : memref<1024xf32, #tpu.memory_space<vmem>>[vector<16xi32>], vector<16xf32>,
      %parallel_loop3A_497 = arith.constant 0 : i32
      %parallel_loop3A_498 = vector.broadcast %parallel_loop3A_497 : i32 to vector<16xi32>
      %parallel_loop3A_499 = arith.cmpi sgt, %parallel_loop3A_495, %parallel_loop3A_498 : vector<16xi32>
      %parallel_loop3A_500 = arith.select %parallel_loop3A_492, %broadcast_in_dim3A_46, %broadcast_in_dim3A_48 : vector<16xi1>, vector<16xf32>
      %parallel_loop3A_501 = arith.select %parallel_loop3A_499, %parallel_loop3A_496, %parallel_loop3A_500 : vector<16xi1>, vector<16xf32>
      %parallel_loop3A_502 = arith.index_cast %parallel_loop3A_485 : i32 to index
      %parallel_loop3A_503 = tpu.vector_load %arg23[%parallel_loop3A_502] {strides = array<i32>} : memref<4096xf32, #tpu.memory_space<vmem>>, vector<16xf32>,
      tpu.vector_store %arg23[%parallel_loop3A_502], %parallel_loop3A_501 {strides = array<i32>} : memref<4096xf32, #tpu.memory_space<vmem>>, vector<16xf32>,
    } {sc.loop_unroll_factor = 4 : i64, sc.parallel_access}
    %add3A_369 = arith.constant 4096 : i32
    %add3A_370 = arith.addi %add3A_35, %add3A_369 : i32
    %dma_start3A_371 = tpu.memref_slice %arg7[%add3A_370] : memref<1048576xf32, #tpu.memory_space<hbm>> -> memref<4096xf32, #tpu.memory_space<hbm>>
    %dma_start3A_372 = tpu.memref_slice %arg7[%add3A_370] : memref<1048576xf32, #tpu.memory_space<hbm>> -> memref<4096xf32, #tpu.memory_space<hbm>>
    tpu.enqueue_dma source(%arg23 : memref<4096xf32, #tpu.memory_space<vmem>>) target(%dma_start3A_372 : memref<4096xf32, #tpu.memory_space<hbm>>) target_semaphore(%arg34 : memref<!tpu.dma_semaphore, #tpu.memory_space<semaphore_mem>>)
    %add3A_373 = arith.constant 12288 : i32
    %add3A_374 = arith.addi %add3A_35, %add3A_373 : i32
    %dma_start3A_375 = tpu.memref_slice %arg4[%add3A_374] : memref<1048576xi32, #tpu.memory_space<hbm>> -> memref<4096xi32, #tpu.memory_space<hbm>>
    %dma_start3A_376 = tpu.memref_slice %arg4[%add3A_374] : memref<1048576xi32, #tpu.memory_space<hbm>> -> memref<4096xi32, #tpu.memory_space<hbm>>
    tpu.enqueue_dma source(%dma_start3A_376 : memref<4096xi32, #tpu.memory_space<hbm>>) target(%arg13 : memref<4096xi32, #tpu.memory_space<vmem>>) target_semaphore(%arg33 : memref<!tpu.dma_semaphore, #tpu.memory_space<semaphore_mem>>)
    %dma_start3A_377 = tpu.memref_slice %arg3[%add3A_374] : memref<1048576xf32, #tpu.memory_space<hbm>> -> memref<4096xf32, #tpu.memory_space<hbm>>
    %dma_start3A_378 = tpu.memref_slice %arg3[%add3A_374] : memref<1048576xf32, #tpu.memory_space<hbm>> -> memref<4096xf32, #tpu.memory_space<hbm>>
    tpu.enqueue_dma source(%dma_start3A_378 : memref<4096xf32, #tpu.memory_space<hbm>>) target(%arg15 : memref<4096xf32, #tpu.memory_space<vmem>>) target_semaphore(%arg33 : memref<!tpu.dma_semaphore, #tpu.memory_space<semaphore_mem>>)
    %dma_wait3A_379 = tpu.memref_slice %arg4[%add3A_357] : memref<1048576xi32, #tpu.memory_space<hbm>> -> memref<4096xi32, #tpu.memory_space<hbm>>
    %dma_wait3A_380 = tpu.memref_slice %arg4[%add3A_357] : memref<1048576xi32, #tpu.memory_space<hbm>> -> memref<4096xi32, #tpu.memory_space<hbm>>
    tpu.wait_dma2 semaphore(%arg32 : memref<!tpu.dma_semaphore, #tpu.memory_space<semaphore_mem>>) src(%dma_wait3A_380 : memref<4096xi32, #tpu.memory_space<hbm>>) dst(%arg12 : memref<4096xi32, #tpu.memory_space<vmem>>)
    %dma_wait3A_381 = tpu.memref_slice %arg3[%add3A_357] : memref<1048576xf32, #tpu.memory_space<hbm>> -> memref<4096xf32, #tpu.memory_space<hbm>>
    %dma_wait3A_382 = tpu.memref_slice %arg3[%add3A_357] : memref<1048576xf32, #tpu.memory_space<hbm>> -> memref<4096xf32, #tpu.memory_space<hbm>>
    tpu.wait_dma2 semaphore(%arg32 : memref<!tpu.dma_semaphore, #tpu.memory_space<semaphore_mem>>) src(%dma_wait3A_382 : memref<4096xf32, #tpu.memory_space<hbm>>) dst(%arg14 : memref<4096xf32, #tpu.memory_space<vmem>>)
    %dma_wait3A_383 = tpu.memref_slice %arg7[%add3A_353] : memref<1048576xf32, #tpu.memory_space<hbm>> -> memref<4096xf32, #tpu.memory_space<hbm>>
    %dma_wait3A_384 = tpu.memref_slice %arg7[%add3A_353] : memref<1048576xf32, #tpu.memory_space<hbm>> -> memref<4096xf32, #tpu.memory_space<hbm>>
    tpu.wait_dma2 semaphore(%arg34 : memref<!tpu.dma_semaphore, #tpu.memory_space<semaphore_mem>>) src(%arg22 : memref<4096xf32, #tpu.memory_space<vmem>>) dst(%dma_wait3A_384 : memref<4096xf32, #tpu.memory_space<hbm>>)
    %parallel_loop3A_385 = arith.constant 0 : i32
    %parallel_loop3A_386 = arith.constant 4096 : i32
    %parallel_loop3A_387 = arith.constant 16 : i32
    scf.for %parallel_loop3A_485 = %parallel_loop3A_385 to %parallel_loop3A_386 step %parallel_loop3A_387  : i32 {
      %parallel_loop3A_486 = arith.index_cast %parallel_loop3A_485 : i32 to index
      %parallel_loop3A_487 = tpu.vector_load %arg12[%parallel_loop3A_486] {strides = array<i32>} : memref<4096xi32, #tpu.memory_space<vmem>>, vector<16xi32>,
      %parallel_loop3A_488 = arith.index_cast %parallel_loop3A_485 : i32 to index
      %parallel_loop3A_489 = tpu.vector_load %arg14[%parallel_loop3A_488] {strides = array<i32>} : memref<4096xf32, #tpu.memory_space<vmem>>, vector<16xf32>,
      %parallel_loop3A_490 = arith.constant 5.000000e-01 : f32
      %parallel_loop3A_491 = vector.broadcast %parallel_loop3A_490 : f32 to vector<16xf32>
      %parallel_loop3A_492 = arith.cmpf ogt, %parallel_loop3A_489, %parallel_loop3A_491 : vector<16xf32>
      %parallel_loop3A_493 = arith.constant 0 : i32
      %parallel_loop3A_494 = vector.broadcast %parallel_loop3A_493 : i32 to vector<16xi32>
      %parallel_loop3A_495 = arith.select %parallel_loop3A_492, %parallel_loop3A_487, %parallel_loop3A_494 : vector<16xi1>, vector<16xi32>
      %parallel_loop3A_496 = tpu.vector_load_idx %arg27[%parallel_loop3A_495] : memref<1024xf32, #tpu.memory_space<vmem>>[vector<16xi32>], vector<16xf32>,
      %parallel_loop3A_497 = arith.constant 0 : i32
      %parallel_loop3A_498 = vector.broadcast %parallel_loop3A_497 : i32 to vector<16xi32>
      %parallel_loop3A_499 = arith.cmpi sgt, %parallel_loop3A_495, %parallel_loop3A_498 : vector<16xi32>
      %parallel_loop3A_500 = arith.select %parallel_loop3A_492, %broadcast_in_dim3A_46, %broadcast_in_dim3A_48 : vector<16xi1>, vector<16xf32>
      %parallel_loop3A_501 = arith.select %parallel_loop3A_499, %parallel_loop3A_496, %parallel_loop3A_500 : vector<16xi1>, vector<16xf32>
      %parallel_loop3A_502 = arith.index_cast %parallel_loop3A_485 : i32 to index
      %parallel_loop3A_503 = tpu.vector_load %arg22[%parallel_loop3A_502] {strides = array<i32>} : memref<4096xf32, #tpu.memory_space<vmem>>, vector<16xf32>,
      tpu.vector_store %arg22[%parallel_loop3A_502], %parallel_loop3A_501 {strides = array<i32>} : memref<4096xf32, #tpu.memory_space<vmem>>, vector<16xf32>,
    } {sc.loop_unroll_factor = 4 : i64, sc.parallel_access}
    %add3A_388 = arith.constant 8192 : i32
    %add3A_389 = arith.addi %add3A_35, %add3A_388 : i32
    %dma_start3A_390 = tpu.memref_slice %arg7[%add3A_389] : memref<1048576xf32, #tpu.memory_space<hbm>> -> memref<4096xf32, #tpu.memory_space<hbm>>
    %dma_start3A_391 = tpu.memref_slice %arg7[%add3A_389] : memref<1048576xf32, #tpu.memory_space<hbm>> -> memref<4096xf32, #tpu.memory_space<hbm>>
    tpu.enqueue_dma source(%arg22 : memref<4096xf32, #tpu.memory_space<vmem>>) target(%dma_start3A_391 : memref<4096xf32, #tpu.memory_space<hbm>>) target_semaphore(%arg34 : memref<!tpu.dma_semaphore, #tpu.memory_space<semaphore_mem>>)
    %add3A_392 = arith.constant 16384 : i32
    %add3A_393 = arith.addi %add3A_35, %add3A_392 : i32
    %dma_start3A_394 = tpu.memref_slice %arg4[%add3A_393] : memref<1048576xi32, #tpu.memory_space<hbm>> -> memref<4096xi32, #tpu.memory_space<hbm>>
    %dma_start3A_395 = tpu.memref_slice %arg4[%add3A_393] : memref<1048576xi32, #tpu.memory_space<hbm>> -> memref<4096xi32, #tpu.memory_space<hbm>>
    tpu.enqueue_dma source(%dma_start3A_395 : memref<4096xi32, #tpu.memory_space<hbm>>) target(%arg12 : memref<4096xi32, #tpu.memory_space<vmem>>) target_semaphore(%arg32 : memref<!tpu.dma_semaphore, #tpu.memory_space<semaphore_mem>>)
    %dma_start3A_396 = tpu.memref_slice %arg3[%add3A_393] : memref<1048576xf32, #tpu.memory_space<hbm>> -> memref<4096xf32, #tpu.memory_space<hbm>>
    %dma_start3A_397 = tpu.memref_slice %arg3[%add3A_393] : memref<1048576xf32, #tpu.memory_space<hbm>> -> memref<4096xf32, #tpu.memory_space<hbm>>
    tpu.enqueue_dma source(%dma_start3A_397 : memref<4096xf32, #tpu.memory_space<hbm>>) target(%arg14 : memref<4096xf32, #tpu.memory_space<vmem>>) target_semaphore(%arg32 : memref<!tpu.dma_semaphore, #tpu.memory_space<semaphore_mem>>)
    %dma_wait3A_398 = tpu.memref_slice %arg4[%add3A_374] : memref<1048576xi32, #tpu.memory_space<hbm>> -> memref<4096xi32, #tpu.memory_space<hbm>>
    %dma_wait3A_399 = tpu.memref_slice %arg4[%add3A_374] : memref<1048576xi32, #tpu.memory_space<hbm>> -> memref<4096xi32, #tpu.memory_space<hbm>>
    tpu.wait_dma2 semaphore(%arg33 : memref<!tpu.dma_semaphore, #tpu.memory_space<semaphore_mem>>) src(%dma_wait3A_399 : memref<4096xi32, #tpu.memory_space<hbm>>) dst(%arg13 : memref<4096xi32, #tpu.memory_space<vmem>>)
    %dma_wait3A_400 = tpu.memref_slice %arg3[%add3A_374] : memref<1048576xf32, #tpu.memory_space<hbm>> -> memref<4096xf32, #tpu.memory_space<hbm>>
    %dma_wait3A_401 = tpu.memref_slice %arg3[%add3A_374] : memref<1048576xf32, #tpu.memory_space<hbm>> -> memref<4096xf32, #tpu.memory_space<hbm>>
    tpu.wait_dma2 semaphore(%arg33 : memref<!tpu.dma_semaphore, #tpu.memory_space<semaphore_mem>>) src(%dma_wait3A_401 : memref<4096xf32, #tpu.memory_space<hbm>>) dst(%arg15 : memref<4096xf32, #tpu.memory_space<vmem>>)
    %dma_wait3A_402 = tpu.memref_slice %arg7[%add3A_370] : memref<1048576xf32, #tpu.memory_space<hbm>> -> memref<4096xf32, #tpu.memory_space<hbm>>
    %dma_wait3A_403 = tpu.memref_slice %arg7[%add3A_370] : memref<1048576xf32, #tpu.memory_space<hbm>> -> memref<4096xf32, #tpu.memory_space<hbm>>
    tpu.wait_dma2 semaphore(%arg34 : memref<!tpu.dma_semaphore, #tpu.memory_space<semaphore_mem>>) src(%arg23 : memref<4096xf32, #tpu.memory_space<vmem>>) dst(%dma_wait3A_403 : memref<4096xf32, #tpu.memory_space<hbm>>)
    %parallel_loop3A_404 = arith.constant 0 : i32
    %parallel_loop3A_405 = arith.constant 4096 : i32
    %parallel_loop3A_406 = arith.constant 16 : i32
    scf.for %parallel_loop3A_485 = %parallel_loop3A_404 to %parallel_loop3A_405 step %parallel_loop3A_406  : i32 {
      %parallel_loop3A_486 = arith.index_cast %parallel_loop3A_485 : i32 to index
      %parallel_loop3A_487 = tpu.vector_load %arg13[%parallel_loop3A_486] {strides = array<i32>} : memref<4096xi32, #tpu.memory_space<vmem>>, vector<16xi32>,
      %parallel_loop3A_488 = arith.index_cast %parallel_loop3A_485 : i32 to index
      %parallel_loop3A_489 = tpu.vector_load %arg15[%parallel_loop3A_488] {strides = array<i32>} : memref<4096xf32, #tpu.memory_space<vmem>>, vector<16xf32>,
      %parallel_loop3A_490 = arith.constant 5.000000e-01 : f32
      %parallel_loop3A_491 = vector.broadcast %parallel_loop3A_490 : f32 to vector<16xf32>
      %parallel_loop3A_492 = arith.cmpf ogt, %parallel_loop3A_489, %parallel_loop3A_491 : vector<16xf32>
      %parallel_loop3A_493 = arith.constant 0 : i32
      %parallel_loop3A_494 = vector.broadcast %parallel_loop3A_493 : i32 to vector<16xi32>
      %parallel_loop3A_495 = arith.select %parallel_loop3A_492, %parallel_loop3A_487, %parallel_loop3A_494 : vector<16xi1>, vector<16xi32>
      %parallel_loop3A_496 = tpu.vector_load_idx %arg27[%parallel_loop3A_495] : memref<1024xf32, #tpu.memory_space<vmem>>[vector<16xi32>], vector<16xf32>,
      %parallel_loop3A_497 = arith.constant 0 : i32
      %parallel_loop3A_498 = vector.broadcast %parallel_loop3A_497 : i32 to vector<16xi32>
      %parallel_loop3A_499 = arith.cmpi sgt, %parallel_loop3A_495, %parallel_loop3A_498 : vector<16xi32>
      %parallel_loop3A_500 = arith.select %parallel_loop3A_492, %broadcast_in_dim3A_46, %broadcast_in_dim3A_48 : vector<16xi1>, vector<16xf32>
      %parallel_loop3A_501 = arith.select %parallel_loop3A_499, %parallel_loop3A_496, %parallel_loop3A_500 : vector<16xi1>, vector<16xf32>
      %parallel_loop3A_502 = arith.index_cast %parallel_loop3A_485 : i32 to index
      %parallel_loop3A_503 = tpu.vector_load %arg23[%parallel_loop3A_502] {strides = array<i32>} : memref<4096xf32, #tpu.memory_space<vmem>>, vector<16xf32>,
      tpu.vector_store %arg23[%parallel_loop3A_502], %parallel_loop3A_501 {strides = array<i32>} : memref<4096xf32, #tpu.memory_space<vmem>>, vector<16xf32>,
    } {sc.loop_unroll_factor = 4 : i64, sc.parallel_access}
    %add3A_407 = arith.constant 12288 : i32
    %add3A_408 = arith.addi %add3A_35, %add3A_407 : i32
    %dma_start3A_409 = tpu.memref_slice %arg7[%add3A_408] : memref<1048576xf32, #tpu.memory_space<hbm>> -> memref<4096xf32, #tpu.memory_space<hbm>>
    %dma_start3A_410 = tpu.memref_slice %arg7[%add3A_408] : memref<1048576xf32, #tpu.memory_space<hbm>> -> memref<4096xf32, #tpu.memory_space<hbm>>
    tpu.enqueue_dma source(%arg23 : memref<4096xf32, #tpu.memory_space<vmem>>) target(%dma_start3A_410 : memref<4096xf32, #tpu.memory_space<hbm>>) target_semaphore(%arg34 : memref<!tpu.dma_semaphore, #tpu.memory_space<semaphore_mem>>)
    %add3A_411 = arith.constant 20480 : i32
    %add3A_412 = arith.addi %add3A_35, %add3A_411 : i32
    %dma_start3A_413 = tpu.memref_slice %arg4[%add3A_412] : memref<1048576xi32, #tpu.memory_space<hbm>> -> memref<4096xi32, #tpu.memory_space<hbm>>
    %dma_start3A_414 = tpu.memref_slice %arg4[%add3A_412] : memref<1048576xi32, #tpu.memory_space<hbm>> -> memref<4096xi32, #tpu.memory_space<hbm>>
    tpu.enqueue_dma source(%dma_start3A_414 : memref<4096xi32, #tpu.memory_space<hbm>>) target(%arg13 : memref<4096xi32, #tpu.memory_space<vmem>>) target_semaphore(%arg33 : memref<!tpu.dma_semaphore, #tpu.memory_space<semaphore_mem>>)
    %dma_start3A_415 = tpu.memref_slice %arg3[%add3A_412] : memref<1048576xf32, #tpu.memory_space<hbm>> -> memref<4096xf32, #tpu.memory_space<hbm>>
    %dma_start3A_416 = tpu.memref_slice %arg3[%add3A_412] : memref<1048576xf32, #tpu.memory_space<hbm>> -> memref<4096xf32, #tpu.memory_space<hbm>>
    tpu.enqueue_dma source(%dma_start3A_416 : memref<4096xf32, #tpu.memory_space<hbm>>) target(%arg15 : memref<4096xf32, #tpu.memory_space<vmem>>) target_semaphore(%arg33 : memref<!tpu.dma_semaphore, #tpu.memory_space<semaphore_mem>>)
    %dma_wait3A_417 = tpu.memref_slice %arg4[%add3A_393] : memref<1048576xi32, #tpu.memory_space<hbm>> -> memref<4096xi32, #tpu.memory_space<hbm>>
    %dma_wait3A_418 = tpu.memref_slice %arg4[%add3A_393] : memref<1048576xi32, #tpu.memory_space<hbm>> -> memref<4096xi32, #tpu.memory_space<hbm>>
    tpu.wait_dma2 semaphore(%arg32 : memref<!tpu.dma_semaphore, #tpu.memory_space<semaphore_mem>>) src(%dma_wait3A_418 : memref<4096xi32, #tpu.memory_space<hbm>>) dst(%arg12 : memref<4096xi32, #tpu.memory_space<vmem>>)
    %dma_wait3A_419 = tpu.memref_slice %arg3[%add3A_393] : memref<1048576xf32, #tpu.memory_space<hbm>> -> memref<4096xf32, #tpu.memory_space<hbm>>
    %dma_wait3A_420 = tpu.memref_slice %arg3[%add3A_393] : memref<1048576xf32, #tpu.memory_space<hbm>> -> memref<4096xf32, #tpu.memory_space<hbm>>
    tpu.wait_dma2 semaphore(%arg32 : memref<!tpu.dma_semaphore, #tpu.memory_space<semaphore_mem>>) src(%dma_wait3A_420 : memref<4096xf32, #tpu.memory_space<hbm>>) dst(%arg14 : memref<4096xf32, #tpu.memory_space<vmem>>)
    %dma_wait3A_421 = tpu.memref_slice %arg7[%add3A_389] : memref<1048576xf32, #tpu.memory_space<hbm>> -> memref<4096xf32, #tpu.memory_space<hbm>>
    %dma_wait3A_422 = tpu.memref_slice %arg7[%add3A_389] : memref<1048576xf32, #tpu.memory_space<hbm>> -> memref<4096xf32, #tpu.memory_space<hbm>>
    tpu.wait_dma2 semaphore(%arg34 : memref<!tpu.dma_semaphore, #tpu.memory_space<semaphore_mem>>) src(%arg22 : memref<4096xf32, #tpu.memory_space<vmem>>) dst(%dma_wait3A_422 : memref<4096xf32, #tpu.memory_space<hbm>>)
    %parallel_loop3A_423 = arith.constant 0 : i32
    %parallel_loop3A_424 = arith.constant 4096 : i32
    %parallel_loop3A_425 = arith.constant 16 : i32
    scf.for %parallel_loop3A_485 = %parallel_loop3A_423 to %parallel_loop3A_424 step %parallel_loop3A_425  : i32 {
      %parallel_loop3A_486 = arith.index_cast %parallel_loop3A_485 : i32 to index
      %parallel_loop3A_487 = tpu.vector_load %arg12[%parallel_loop3A_486] {strides = array<i32>} : memref<4096xi32, #tpu.memory_space<vmem>>, vector<16xi32>,
      %parallel_loop3A_488 = arith.index_cast %parallel_loop3A_485 : i32 to index
      %parallel_loop3A_489 = tpu.vector_load %arg14[%parallel_loop3A_488] {strides = array<i32>} : memref<4096xf32, #tpu.memory_space<vmem>>, vector<16xf32>,
      %parallel_loop3A_490 = arith.constant 5.000000e-01 : f32
      %parallel_loop3A_491 = vector.broadcast %parallel_loop3A_490 : f32 to vector<16xf32>
      %parallel_loop3A_492 = arith.cmpf ogt, %parallel_loop3A_489, %parallel_loop3A_491 : vector<16xf32>
      %parallel_loop3A_493 = arith.constant 0 : i32
      %parallel_loop3A_494 = vector.broadcast %parallel_loop3A_493 : i32 to vector<16xi32>
      %parallel_loop3A_495 = arith.select %parallel_loop3A_492, %parallel_loop3A_487, %parallel_loop3A_494 : vector<16xi1>, vector<16xi32>
      %parallel_loop3A_496 = tpu.vector_load_idx %arg27[%parallel_loop3A_495] : memref<1024xf32, #tpu.memory_space<vmem>>[vector<16xi32>], vector<16xf32>,
      %parallel_loop3A_497 = arith.constant 0 : i32
      %parallel_loop3A_498 = vector.broadcast %parallel_loop3A_497 : i32 to vector<16xi32>
      %parallel_loop3A_499 = arith.cmpi sgt, %parallel_loop3A_495, %parallel_loop3A_498 : vector<16xi32>
      %parallel_loop3A_500 = arith.select %parallel_loop3A_492, %broadcast_in_dim3A_46, %broadcast_in_dim3A_48 : vector<16xi1>, vector<16xf32>
      %parallel_loop3A_501 = arith.select %parallel_loop3A_499, %parallel_loop3A_496, %parallel_loop3A_500 : vector<16xi1>, vector<16xf32>
      %parallel_loop3A_502 = arith.index_cast %parallel_loop3A_485 : i32 to index
      %parallel_loop3A_503 = tpu.vector_load %arg22[%parallel_loop3A_502] {strides = array<i32>} : memref<4096xf32, #tpu.memory_space<vmem>>, vector<16xf32>,
      tpu.vector_store %arg22[%parallel_loop3A_502], %parallel_loop3A_501 {strides = array<i32>} : memref<4096xf32, #tpu.memory_space<vmem>>, vector<16xf32>,
    } {sc.loop_unroll_factor = 4 : i64, sc.parallel_access}
    %add3A_426 = arith.constant 16384 : i32
    %add3A_427 = arith.addi %add3A_35, %add3A_426 : i32
    %dma_start3A_428 = tpu.memref_slice %arg7[%add3A_427] : memref<1048576xf32, #tpu.memory_space<hbm>> -> memref<4096xf32, #tpu.memory_space<hbm>>
    %dma_start3A_429 = tpu.memref_slice %arg7[%add3A_427] : memref<1048576xf32, #tpu.memory_space<hbm>> -> memref<4096xf32, #tpu.memory_space<hbm>>
    tpu.enqueue_dma source(%arg22 : memref<4096xf32, #tpu.memory_space<vmem>>) target(%dma_start3A_429 : memref<4096xf32, #tpu.memory_space<hbm>>) target_semaphore(%arg34 : memref<!tpu.dma_semaphore, #tpu.memory_space<semaphore_mem>>)
    %add3A_430 = arith.constant 24576 : i32
    %add3A_431 = arith.addi %add3A_35, %add3A_430 : i32
    %dma_start3A_432 = tpu.memref_slice %arg4[%add3A_431] : memref<1048576xi32, #tpu.memory_space<hbm>> -> memref<4096xi32, #tpu.memory_space<hbm>>
    %dma_start3A_433 = tpu.memref_slice %arg4[%add3A_431] : memref<1048576xi32, #tpu.memory_space<hbm>> -> memref<4096xi32, #tpu.memory_space<hbm>>
    tpu.enqueue_dma source(%dma_start3A_433 : memref<4096xi32, #tpu.memory_space<hbm>>) target(%arg12 : memref<4096xi32, #tpu.memory_space<vmem>>) target_semaphore(%arg32 : memref<!tpu.dma_semaphore, #tpu.memory_space<semaphore_mem>>)
    %dma_start3A_434 = tpu.memref_slice %arg3[%add3A_431] : memref<1048576xf32, #tpu.memory_space<hbm>> -> memref<4096xf32, #tpu.memory_space<hbm>>
    %dma_start3A_435 = tpu.memref_slice %arg3[%add3A_431] : memref<1048576xf32, #tpu.memory_space<hbm>> -> memref<4096xf32, #tpu.memory_space<hbm>>
    tpu.enqueue_dma source(%dma_start3A_435 : memref<4096xf32, #tpu.memory_space<hbm>>) target(%arg14 : memref<4096xf32, #tpu.memory_space<vmem>>) target_semaphore(%arg32 : memref<!tpu.dma_semaphore, #tpu.memory_space<semaphore_mem>>)
    %dma_wait3A_436 = tpu.memref_slice %arg4[%add3A_412] : memref<1048576xi32, #tpu.memory_space<hbm>> -> memref<4096xi32, #tpu.memory_space<hbm>>
    %dma_wait3A_437 = tpu.memref_slice %arg4[%add3A_412] : memref<1048576xi32, #tpu.memory_space<hbm>> -> memref<4096xi32, #tpu.memory_space<hbm>>
    tpu.wait_dma2 semaphore(%arg33 : memref<!tpu.dma_semaphore, #tpu.memory_space<semaphore_mem>>) src(%dma_wait3A_437 : memref<4096xi32, #tpu.memory_space<hbm>>) dst(%arg13 : memref<4096xi32, #tpu.memory_space<vmem>>)
    %dma_wait3A_438 = tpu.memref_slice %arg3[%add3A_412] : memref<1048576xf32, #tpu.memory_space<hbm>> -> memref<4096xf32, #tpu.memory_space<hbm>>
    %dma_wait3A_439 = tpu.memref_slice %arg3[%add3A_412] : memref<1048576xf32, #tpu.memory_space<hbm>> -> memref<4096xf32, #tpu.memory_space<hbm>>
    tpu.wait_dma2 semaphore(%arg33 : memref<!tpu.dma_semaphore, #tpu.memory_space<semaphore_mem>>) src(%dma_wait3A_439 : memref<4096xf32, #tpu.memory_space<hbm>>) dst(%arg15 : memref<4096xf32, #tpu.memory_space<vmem>>)
    %dma_wait3A_440 = tpu.memref_slice %arg7[%add3A_408] : memref<1048576xf32, #tpu.memory_space<hbm>> -> memref<4096xf32, #tpu.memory_space<hbm>>
    %dma_wait3A_441 = tpu.memref_slice %arg7[%add3A_408] : memref<1048576xf32, #tpu.memory_space<hbm>> -> memref<4096xf32, #tpu.memory_space<hbm>>
    tpu.wait_dma2 semaphore(%arg34 : memref<!tpu.dma_semaphore, #tpu.memory_space<semaphore_mem>>) src(%arg23 : memref<4096xf32, #tpu.memory_space<vmem>>) dst(%dma_wait3A_441 : memref<4096xf32, #tpu.memory_space<hbm>>)
    %parallel_loop3A_442 = arith.constant 0 : i32
    %parallel_loop3A_443 = arith.constant 4096 : i32
    %parallel_loop3A_444 = arith.constant 16 : i32
    scf.for %parallel_loop3A_485 = %parallel_loop3A_442 to %parallel_loop3A_443 step %parallel_loop3A_444  : i32 {
      %parallel_loop3A_486 = arith.index_cast %parallel_loop3A_485 : i32 to index
      %parallel_loop3A_487 = tpu.vector_load %arg13[%parallel_loop3A_486] {strides = array<i32>} : memref<4096xi32, #tpu.memory_space<vmem>>, vector<16xi32>,
      %parallel_loop3A_488 = arith.index_cast %parallel_loop3A_485 : i32 to index
      %parallel_loop3A_489 = tpu.vector_load %arg15[%parallel_loop3A_488] {strides = array<i32>} : memref<4096xf32, #tpu.memory_space<vmem>>, vector<16xf32>,
      %parallel_loop3A_490 = arith.constant 5.000000e-01 : f32
      %parallel_loop3A_491 = vector.broadcast %parallel_loop3A_490 : f32 to vector<16xf32>
      %parallel_loop3A_492 = arith.cmpf ogt, %parallel_loop3A_489, %parallel_loop3A_491 : vector<16xf32>
      %parallel_loop3A_493 = arith.constant 0 : i32
      %parallel_loop3A_494 = vector.broadcast %parallel_loop3A_493 : i32 to vector<16xi32>
      %parallel_loop3A_495 = arith.select %parallel_loop3A_492, %parallel_loop3A_487, %parallel_loop3A_494 : vector<16xi1>, vector<16xi32>
      %parallel_loop3A_496 = tpu.vector_load_idx %arg27[%parallel_loop3A_495] : memref<1024xf32, #tpu.memory_space<vmem>>[vector<16xi32>], vector<16xf32>,
      %parallel_loop3A_497 = arith.constant 0 : i32
      %parallel_loop3A_498 = vector.broadcast %parallel_loop3A_497 : i32 to vector<16xi32>
      %parallel_loop3A_499 = arith.cmpi sgt, %parallel_loop3A_495, %parallel_loop3A_498 : vector<16xi32>
      %parallel_loop3A_500 = arith.select %parallel_loop3A_492, %broadcast_in_dim3A_46, %broadcast_in_dim3A_48 : vector<16xi1>, vector<16xf32>
      %parallel_loop3A_501 = arith.select %parallel_loop3A_499, %parallel_loop3A_496, %parallel_loop3A_500 : vector<16xi1>, vector<16xf32>
      %parallel_loop3A_502 = arith.index_cast %parallel_loop3A_485 : i32 to index
      %parallel_loop3A_503 = tpu.vector_load %arg23[%parallel_loop3A_502] {strides = array<i32>} : memref<4096xf32, #tpu.memory_space<vmem>>, vector<16xf32>,
      tpu.vector_store %arg23[%parallel_loop3A_502], %parallel_loop3A_501 {strides = array<i32>} : memref<4096xf32, #tpu.memory_space<vmem>>, vector<16xf32>,
    } {sc.loop_unroll_factor = 4 : i64, sc.parallel_access}
    %add3A_445 = arith.constant 20480 : i32
    %add3A_446 = arith.addi %add3A_35, %add3A_445 : i32
    %dma_start3A_447 = tpu.memref_slice %arg7[%add3A_446] : memref<1048576xf32, #tpu.memory_space<hbm>> -> memref<4096xf32, #tpu.memory_space<hbm>>
    %dma_start3A_448 = tpu.memref_slice %arg7[%add3A_446] : memref<1048576xf32, #tpu.memory_space<hbm>> -> memref<4096xf32, #tpu.memory_space<hbm>>
    tpu.enqueue_dma source(%arg23 : memref<4096xf32, #tpu.memory_space<vmem>>) target(%dma_start3A_448 : memref<4096xf32, #tpu.memory_space<hbm>>) target_semaphore(%arg34 : memref<!tpu.dma_semaphore, #tpu.memory_space<semaphore_mem>>)
    %add3A_449 = arith.constant 28672 : i32
    %add3A_450 = arith.addi %add3A_35, %add3A_449 : i32
    %dma_start3A_451 = tpu.memref_slice %arg4[%add3A_450] : memref<1048576xi32, #tpu.memory_space<hbm>> -> memref<4096xi32, #tpu.memory_space<hbm>>
    %dma_start3A_452 = tpu.memref_slice %arg4[%add3A_450] : memref<1048576xi32, #tpu.memory_space<hbm>> -> memref<4096xi32, #tpu.memory_space<hbm>>
    tpu.enqueue_dma source(%dma_start3A_452 : memref<4096xi32, #tpu.memory_space<hbm>>) target(%arg13 : memref<4096xi32, #tpu.memory_space<vmem>>) target_semaphore(%arg33 : memref<!tpu.dma_semaphore, #tpu.memory_space<semaphore_mem>>)
    %dma_start3A_453 = tpu.memref_slice %arg3[%add3A_450] : memref<1048576xf32, #tpu.memory_space<hbm>> -> memref<4096xf32, #tpu.memory_space<hbm>>
    %dma_start3A_454 = tpu.memref_slice %arg3[%add3A_450] : memref<1048576xf32, #tpu.memory_space<hbm>> -> memref<4096xf32, #tpu.memory_space<hbm>>
    tpu.enqueue_dma source(%dma_start3A_454 : memref<4096xf32, #tpu.memory_space<hbm>>) target(%arg15 : memref<4096xf32, #tpu.memory_space<vmem>>) target_semaphore(%arg33 : memref<!tpu.dma_semaphore, #tpu.memory_space<semaphore_mem>>)
    %dma_wait3A_455 = tpu.memref_slice %arg4[%add3A_431] : memref<1048576xi32, #tpu.memory_space<hbm>> -> memref<4096xi32, #tpu.memory_space<hbm>>
    %dma_wait3A_456 = tpu.memref_slice %arg4[%add3A_431] : memref<1048576xi32, #tpu.memory_space<hbm>> -> memref<4096xi32, #tpu.memory_space<hbm>>
    tpu.wait_dma2 semaphore(%arg32 : memref<!tpu.dma_semaphore, #tpu.memory_space<semaphore_mem>>) src(%dma_wait3A_456 : memref<4096xi32, #tpu.memory_space<hbm>>) dst(%arg12 : memref<4096xi32, #tpu.memory_space<vmem>>)
    %dma_wait3A_457 = tpu.memref_slice %arg3[%add3A_431] : memref<1048576xf32, #tpu.memory_space<hbm>> -> memref<4096xf32, #tpu.memory_space<hbm>>
    %dma_wait3A_458 = tpu.memref_slice %arg3[%add3A_431] : memref<1048576xf32, #tpu.memory_space<hbm>> -> memref<4096xf32, #tpu.memory_space<hbm>>
    tpu.wait_dma2 semaphore(%arg32 : memref<!tpu.dma_semaphore, #tpu.memory_space<semaphore_mem>>) src(%dma_wait3A_458 : memref<4096xf32, #tpu.memory_space<hbm>>) dst(%arg14 : memref<4096xf32, #tpu.memory_space<vmem>>)
    %dma_wait3A_459 = tpu.memref_slice %arg7[%add3A_427] : memref<1048576xf32, #tpu.memory_space<hbm>> -> memref<4096xf32, #tpu.memory_space<hbm>>
    %dma_wait3A_460 = tpu.memref_slice %arg7[%add3A_427] : memref<1048576xf32, #tpu.memory_space<hbm>> -> memref<4096xf32, #tpu.memory_space<hbm>>
    tpu.wait_dma2 semaphore(%arg34 : memref<!tpu.dma_semaphore, #tpu.memory_space<semaphore_mem>>) src(%arg22 : memref<4096xf32, #tpu.memory_space<vmem>>) dst(%dma_wait3A_460 : memref<4096xf32, #tpu.memory_space<hbm>>)
    %parallel_loop3A_461 = arith.constant 0 : i32
    %parallel_loop3A_462 = arith.constant 4096 : i32
    %parallel_loop3A_463 = arith.constant 16 : i32
    scf.for %parallel_loop3A_485 = %parallel_loop3A_461 to %parallel_loop3A_462 step %parallel_loop3A_463  : i32 {
      %parallel_loop3A_486 = arith.index_cast %parallel_loop3A_485 : i32 to index
      %parallel_loop3A_487 = tpu.vector_load %arg12[%parallel_loop3A_486] {strides = array<i32>} : memref<4096xi32, #tpu.memory_space<vmem>>, vector<16xi32>,
      %parallel_loop3A_488 = arith.index_cast %parallel_loop3A_485 : i32 to index
      %parallel_loop3A_489 = tpu.vector_load %arg14[%parallel_loop3A_488] {strides = array<i32>} : memref<4096xf32, #tpu.memory_space<vmem>>, vector<16xf32>,
      %parallel_loop3A_490 = arith.constant 5.000000e-01 : f32
      %parallel_loop3A_491 = vector.broadcast %parallel_loop3A_490 : f32 to vector<16xf32>
      %parallel_loop3A_492 = arith.cmpf ogt, %parallel_loop3A_489, %parallel_loop3A_491 : vector<16xf32>
      %parallel_loop3A_493 = arith.constant 0 : i32
      %parallel_loop3A_494 = vector.broadcast %parallel_loop3A_493 : i32 to vector<16xi32>
      %parallel_loop3A_495 = arith.select %parallel_loop3A_492, %parallel_loop3A_487, %parallel_loop3A_494 : vector<16xi1>, vector<16xi32>
      %parallel_loop3A_496 = tpu.vector_load_idx %arg27[%parallel_loop3A_495] : memref<1024xf32, #tpu.memory_space<vmem>>[vector<16xi32>], vector<16xf32>,
      %parallel_loop3A_497 = arith.constant 0 : i32
      %parallel_loop3A_498 = vector.broadcast %parallel_loop3A_497 : i32 to vector<16xi32>
      %parallel_loop3A_499 = arith.cmpi sgt, %parallel_loop3A_495, %parallel_loop3A_498 : vector<16xi32>
      %parallel_loop3A_500 = arith.select %parallel_loop3A_492, %broadcast_in_dim3A_46, %broadcast_in_dim3A_48 : vector<16xi1>, vector<16xf32>
      %parallel_loop3A_501 = arith.select %parallel_loop3A_499, %parallel_loop3A_496, %parallel_loop3A_500 : vector<16xi1>, vector<16xf32>
      %parallel_loop3A_502 = arith.index_cast %parallel_loop3A_485 : i32 to index
      %parallel_loop3A_503 = tpu.vector_load %arg22[%parallel_loop3A_502] {strides = array<i32>} : memref<4096xf32, #tpu.memory_space<vmem>>, vector<16xf32>,
      tpu.vector_store %arg22[%parallel_loop3A_502], %parallel_loop3A_501 {strides = array<i32>} : memref<4096xf32, #tpu.memory_space<vmem>>, vector<16xf32>,
    } {sc.loop_unroll_factor = 4 : i64, sc.parallel_access}
    %add3A_464 = arith.constant 24576 : i32
    %add3A_465 = arith.addi %add3A_35, %add3A_464 : i32
    %dma_start3A_466 = tpu.memref_slice %arg7[%add3A_465] : memref<1048576xf32, #tpu.memory_space<hbm>> -> memref<4096xf32, #tpu.memory_space<hbm>>
    %dma_start3A_467 = tpu.memref_slice %arg7[%add3A_465] : memref<1048576xf32, #tpu.memory_space<hbm>> -> memref<4096xf32, #tpu.memory_space<hbm>>
    tpu.enqueue_dma source(%arg22 : memref<4096xf32, #tpu.memory_space<vmem>>) target(%dma_start3A_467 : memref<4096xf32, #tpu.memory_space<hbm>>) target_semaphore(%arg34 : memref<!tpu.dma_semaphore, #tpu.memory_space<semaphore_mem>>)
    %dma_wait3A_468 = tpu.memref_slice %arg4[%add3A_450] : memref<1048576xi32, #tpu.memory_space<hbm>> -> memref<4096xi32, #tpu.memory_space<hbm>>
    %dma_wait3A_469 = tpu.memref_slice %arg4[%add3A_450] : memref<1048576xi32, #tpu.memory_space<hbm>> -> memref<4096xi32, #tpu.memory_space<hbm>>
    tpu.wait_dma2 semaphore(%arg33 : memref<!tpu.dma_semaphore, #tpu.memory_space<semaphore_mem>>) src(%dma_wait3A_469 : memref<4096xi32, #tpu.memory_space<hbm>>) dst(%arg13 : memref<4096xi32, #tpu.memory_space<vmem>>)
    %dma_wait3A_470 = tpu.memref_slice %arg3[%add3A_450] : memref<1048576xf32, #tpu.memory_space<hbm>> -> memref<4096xf32, #tpu.memory_space<hbm>>
    %dma_wait3A_471 = tpu.memref_slice %arg3[%add3A_450] : memref<1048576xf32, #tpu.memory_space<hbm>> -> memref<4096xf32, #tpu.memory_space<hbm>>
    tpu.wait_dma2 semaphore(%arg33 : memref<!tpu.dma_semaphore, #tpu.memory_space<semaphore_mem>>) src(%dma_wait3A_471 : memref<4096xf32, #tpu.memory_space<hbm>>) dst(%arg15 : memref<4096xf32, #tpu.memory_space<vmem>>)
    %dma_wait3A_472 = tpu.memref_slice %arg7[%add3A_446] : memref<1048576xf32, #tpu.memory_space<hbm>> -> memref<4096xf32, #tpu.memory_space<hbm>>
    %dma_wait3A_473 = tpu.memref_slice %arg7[%add3A_446] : memref<1048576xf32, #tpu.memory_space<hbm>> -> memref<4096xf32, #tpu.memory_space<hbm>>
    tpu.wait_dma2 semaphore(%arg34 : memref<!tpu.dma_semaphore, #tpu.memory_space<semaphore_mem>>) src(%arg23 : memref<4096xf32, #tpu.memory_space<vmem>>) dst(%dma_wait3A_473 : memref<4096xf32, #tpu.memory_space<hbm>>)
    %parallel_loop3A_474 = arith.constant 0 : i32
    %parallel_loop3A_475 = arith.constant 4096 : i32
    %parallel_loop3A_476 = arith.constant 16 : i32
    scf.for %parallel_loop3A_485 = %parallel_loop3A_474 to %parallel_loop3A_475 step %parallel_loop3A_476  : i32 {
      %parallel_loop3A_486 = arith.index_cast %parallel_loop3A_485 : i32 to index
      %parallel_loop3A_487 = tpu.vector_load %arg13[%parallel_loop3A_486] {strides = array<i32>} : memref<4096xi32, #tpu.memory_space<vmem>>, vector<16xi32>,
      %parallel_loop3A_488 = arith.index_cast %parallel_loop3A_485 : i32 to index
      %parallel_loop3A_489 = tpu.vector_load %arg15[%parallel_loop3A_488] {strides = array<i32>} : memref<4096xf32, #tpu.memory_space<vmem>>, vector<16xf32>,
      %parallel_loop3A_490 = arith.constant 5.000000e-01 : f32
      %parallel_loop3A_491 = vector.broadcast %parallel_loop3A_490 : f32 to vector<16xf32>
      %parallel_loop3A_492 = arith.cmpf ogt, %parallel_loop3A_489, %parallel_loop3A_491 : vector<16xf32>
      %parallel_loop3A_493 = arith.constant 0 : i32
      %parallel_loop3A_494 = vector.broadcast %parallel_loop3A_493 : i32 to vector<16xi32>
      %parallel_loop3A_495 = arith.select %parallel_loop3A_492, %parallel_loop3A_487, %parallel_loop3A_494 : vector<16xi1>, vector<16xi32>
      %parallel_loop3A_496 = tpu.vector_load_idx %arg27[%parallel_loop3A_495] : memref<1024xf32, #tpu.memory_space<vmem>>[vector<16xi32>], vector<16xf32>,
      %parallel_loop3A_497 = arith.constant 0 : i32
      %parallel_loop3A_498 = vector.broadcast %parallel_loop3A_497 : i32 to vector<16xi32>
      %parallel_loop3A_499 = arith.cmpi sgt, %parallel_loop3A_495, %parallel_loop3A_498 : vector<16xi32>
      %parallel_loop3A_500 = arith.select %parallel_loop3A_492, %broadcast_in_dim3A_46, %broadcast_in_dim3A_48 : vector<16xi1>, vector<16xf32>
      %parallel_loop3A_501 = arith.select %parallel_loop3A_499, %parallel_loop3A_496, %parallel_loop3A_500 : vector<16xi1>, vector<16xf32>
      %parallel_loop3A_502 = arith.index_cast %parallel_loop3A_485 : i32 to index
      %parallel_loop3A_503 = tpu.vector_load %arg23[%parallel_loop3A_502] {strides = array<i32>} : memref<4096xf32, #tpu.memory_space<vmem>>, vector<16xf32>,
      tpu.vector_store %arg23[%parallel_loop3A_502], %parallel_loop3A_501 {strides = array<i32>} : memref<4096xf32, #tpu.memory_space<vmem>>, vector<16xf32>,
    } {sc.loop_unroll_factor = 4 : i64, sc.parallel_access}
    %add3A_477 = arith.constant 28672 : i32
    %add3A_478 = arith.addi %add3A_35, %add3A_477 : i32
    %dma_start3A_479 = tpu.memref_slice %arg7[%add3A_478] : memref<1048576xf32, #tpu.memory_space<hbm>> -> memref<4096xf32, #tpu.memory_space<hbm>>
    %dma_start3A_480 = tpu.memref_slice %arg7[%add3A_478] : memref<1048576xf32, #tpu.memory_space<hbm>> -> memref<4096xf32, #tpu.memory_space<hbm>>
    tpu.enqueue_dma source(%arg23 : memref<4096xf32, #tpu.memory_space<vmem>>) target(%dma_start3A_480 : memref<4096xf32, #tpu.memory_space<hbm>>) target_semaphore(%arg34 : memref<!tpu.dma_semaphore, #tpu.memory_space<semaphore_mem>>)
    %dma_wait3A_481 = tpu.memref_slice %arg7[%add3A_465] : memref<1048576xf32, #tpu.memory_space<hbm>> -> memref<4096xf32, #tpu.memory_space<hbm>>
    %dma_wait3A_482 = tpu.memref_slice %arg7[%add3A_465] : memref<1048576xf32, #tpu.memory_space<hbm>> -> memref<4096xf32, #tpu.memory_space<hbm>>
    tpu.wait_dma2 semaphore(%arg34 : memref<!tpu.dma_semaphore, #tpu.memory_space<semaphore_mem>>) src(%arg22 : memref<4096xf32, #tpu.memory_space<vmem>>) dst(%dma_wait3A_482 : memref<4096xf32, #tpu.memory_space<hbm>>)
    %dma_wait3A_483 = tpu.memref_slice %arg7[%add3A_478] : memref<1048576xf32, #tpu.memory_space<hbm>> -> memref<4096xf32, #tpu.memory_space<hbm>>
    %dma_wait3A_484 = tpu.memref_slice %arg7[%add3A_478] : memref<1048576xf32, #tpu.memory_space<hbm>> -> memref<4096xf32, #tpu.memory_space<hbm>>
    tpu.wait_dma2 semaphore(%arg34 : memref<!tpu.dma_semaphore, #tpu.memory_space<semaphore_mem>>) src(%arg23 : memref<4096xf32, #tpu.memory_space<vmem>>) dst(%dma_wait3A_484 : memref<4096xf32, #tpu.memory_space<hbm>>)
    return
  }
}

</mosaic_0001>

<sc_bundles>
// kernel: _run.3.cloned.1.call-start
scs
__scs_entry_jumppad:
0x0: {  	(pc) =	sbr.rel $0x88, $3  }
0x1: {  	(tag) =	ssettag $0x0;
	lr =	simm.s32 $0x1  }
0x2: {  	[smem:$0x3F9C] =	sst lr;
	_ =	strace $0xD0000000  }
0x3: {  	_ = 	snop  }
0x4: {  	_ = 	snop  }
0x5: {  	_ = 	snop  }
0x6: {  	_ = 	snop  }
0x7: {  	_ = 	snop  }
__scs_overlays_trampoline_lowered:
0x8: {  	[smem:$0x3FAB] =	sst s0  }
0x9: {  	[smem:$0x3FAC] =	sst s1  }
0xa: {  	[smem:$0x3FAD] =	sst s2  }
0xb: {  	[smem:$0x3FAE] =	sst s3  }
0xc: {  	[smem:$0x3FAF] =	sst s4  }
0xd: {  	[smem:$0x3FB0] =	sst s5  }
0xe: {  	[smem:$0x3FB1] =	sst s6  }
0xf: {  	[smem:$0x3FB2] =	sst s7  }
0x10: {  	[smem:$0x3FB3] =	sst s8  }
0x11: {  	[smem:$0x3FB4] =	sst s9;
	s0 =	simm.s32 @!p0 $0x0  }
0x12: {  	s1 =	sld [smem:$0x3F9A];
	s0 =	simm.s32 @p0 $0x1  }
0x13: {  	[smem:$0x3FB5] =	sst s0;
	s0 =	simm.s32 @!p1 $0x0  }
0x14: {  	s2 =	sld [smem:$0x3F99];
	s0 =	simm.s32 @p1 $0x1  }
0x15: {  	[smem:$0x3FB6] =	sst s0;
	s0 =	simm.s32 @!p2 $0x0  }
0x16: {  	s3 =	sld [smem:$0x3FDB];
	s0 =	simm.s32 @p2 $0x1  }
0x17: {  	s4 =	simm.s32 $0x1BF5;
	[smem:$0x3FB8] =	sst s0  }
0x18: {  	s0 =	sld [smem:$0x3F9B];
	_ =	swait.ge [sflag:s4], $0x0  }
0x19: {  	s7 =	sld [smem:$0x3F9C]  }
0x1a: {  	s8 =	sadd.s32 $0xFFFFE003, lr  }
0x1b: {  	s9 =	sadd.s32 $0xFFFFFEF7, lr;
	s5 =	simm.s32 $0xFFFFFFFF;
	p2 =	slt.u32 s8, $0xFFFFF086  }
0x1c: {  	p1 =	slt.u32 s9, $0xF7A;
	s5 =	simm.s32 @!p2 $0x0  }
0x1d: {  	s5 =	simm.s32 @p1 $0x1;
	p0 =	seq.s32 s7, s2  }
0x1e: {  	s7 =	smul.u32 @!p0 $0xF7A, s2;
	p2 =	seq.s32 @!p0 s5, $0x0  }
0x1f: {  	s9 =	smul.u32 $0xF7A, s1;
	s8 =	simm.s32 @!p0 $0x1BF5;
	p2 =	por !p2, p0  }
0x20: {  	[sflag:s8] =	ssyncset.s32 @!p0 $0xFFFFF086;
	s6 =	sadd.s32 @!p0 s3, s7;
	s7 =	simm.s32 @!p0 $0x108  }
0x21: {  	s3 =	sadd.s32 s3, s9;
	s6 =	sadd.s32 @!p0 $0x88, s6;
	s7 =	simm.s32 @p2 $0x1082  }
0x22: {  	[simem:s7], [sflag:s8] =	dma.local @!p0 [hbm:s6], $0xF7A  }
0x23: {  	s9 =	sor.u32 $0xD0000000, s2;
	s6 =	simm.s32 $0x108;
	_ =	swait.ge @!p0 [sflag:s8], $0x0  }
0x24: {  	s3 =	sadd.s32 $0x88, s3;
	s6 =	simm.s32 @!p1 $0x1082;
	[sflag:s4] =	ssyncset.s32 $0xFFFFF086  }
0x25: {  	[simem:s6], [sflag:s4] =	dma.local [hbm:s3], $0xF7A  }
0x26: {  	[smem:$0x3F9C] =	sst s1;
	(tag) =	ssettag s2;
	_ =	strace s9  }
0x27: {  	s1 =	sld [smem:$0x3FAC]  }
0x28: {  	s2 =	sld [smem:$0x3FAD]  }
0x29: {  	s4 =	sld [smem:$0x3FAF]  }
0x2a: {  	p0 =	seq.s32 s5, $0x0;
	s5 =	sld [smem:$0x3FB0]  }
0x2b: {  	s6 =	sld [smem:$0x3FB1]  }
0x2c: {  	s7 =	sld [smem:$0x3FB2]  }
0x2d: {  	s3 =	simm.s32 $0x108;
	s8 =	sld [smem:$0x3FB3]  }
0x2e: {  	s3 =	simm.s32 @!p0 $0x1082;
	s9 =	sld [smem:$0x3FB4]  }
0x2f: {  	lr =	sadd.s32 s0, s3;
	s0 =	sld [smem:$0x3FAB]  }
0x30: {  	s3 =	sld [smem:$0x3FAE]  }
0x31: {  	[smem:$0x3FB7] =	sst s10  }
0x32: {  	s10 =	sld [smem:$0x3FB5];
	_ =	sdelay $0x3  }
0x33: {  	p0 =	seq.s32 s10, $0x1;
	s10 =	sld [smem:$0x3FB7];
	_ =	sdelay $0x3  }
0x34: {  	[smem:$0x3FB7] =	sst s10  }
0x35: {  	s10 =	sld [smem:$0x3FB6];
	_ =	sdelay $0x3  }
0x36: {  	p1 =	seq.s32 s10, $0x1;
	s10 =	sld [smem:$0x3FB7];
	_ =	sdelay $0x3  }
0x37: {  	[smem:$0x3FB7] =	sst s10  }
0x38: {  	s10 =	sld [smem:$0x3FB8]  }
0x39: {  	_ = 	snop;
	(pc) =	sbr.ind lr, $3  }
0x3a: {  	_ = 	snop  }
0x3b: {  	_ = 	snop  }
0x3c: {  	p2 =	seq.s32 s10, $0x1;
	s10 =	sld [smem:$0x3FB7]  }
0x3d: {  	_ =	shalt  }
0x3e: {  	_ =	shalt  }
0x3f: {  	_ =	shalt  }
0x40: {  	_ =	shalt  }
0x41: {  	_ =	shalt  }
0x42: {  	_ =	shalt  }
0x43: {  	_ =	shalt  }
0x44: {  	_ =	shalt  }
0x45: {  	_ =	shalt  }
0x46: {  	_ =	shalt  }
0x47: {  	_ =	shalt  }
0x48: {  	_ =	shalt  }
0x49: {  	_ =	shalt  }
0x4a: {  	_ =	shalt  }
0x4b: {  	_ =	shalt  }
0x4c: {  	_ =	shalt  }
0x4d: {  	_ =	shalt  }
0x4e: {  	_ =	shalt  }
0x4f: {  	_ =	shalt  }
0x50: {  	_ =	shalt  }
0x51: {  	_ =	shalt  }
0x52: {  	_ =	shalt  }
0x53: {  	_ =	shalt  }
0x54: {  	_ =	shalt  }
0x55: {  	_ =	shalt  }
0x56: {  	_ =	shalt  }
0x57: {  	_ =	shalt  }
0x58: {  	_ =	shalt  }
0x59: {  	_ =	shalt  }
0x5a: {  	_ =	shalt  }
0x5b: {  	_ =	shalt  }
0x5c: {  	_ =	shalt  }
0x5d: {  	_ =	shalt  }
0x5e: {  	_ =	shalt  }
0x5f: {  	_ =	shalt  }
0x60: {  	_ =	shalt  }
0x61: {  	_ =	shalt  }
0x62: {  	_ =	shalt  }
0x63: {  	_ =	shalt  }
0x64: {  	_ =	shalt  }
0x65: {  	_ =	shalt  }
0x66: {  	_ =	shalt  }
0x67: {  	_ =	shalt  }
0x68: {  	_ =	shalt  }
0x69: {  	_ =	shalt  }
0x6a: {  	_ =	shalt  }
0x6b: {  	_ =	shalt  }
0x6c: {  	_ =	shalt  }
0x6d: {  	_ =	shalt  }
0x6e: {  	_ =	shalt  }
0x6f: {  	_ =	shalt  }
0x70: {  	_ =	shalt  }
0x71: {  	_ =	shalt  }
0x72: {  	_ =	shalt  }
0x73: {  	_ =	shalt  }
0x74: {  	_ =	shalt  }
0x75: {  	_ =	shalt  }
0x76: {  	_ =	shalt  }
0x77: {  	_ =	shalt  }
0x78: {  	_ =	shalt  }
0x79: {  	_ =	shalt  }
0x7a: {  	_ =	shalt  }
0x7b: {  	_ =	shalt  }
0x7c: {  	_ =	shalt  }
0x7d: {  	_ =	shalt  }
0x7e: {  	_ =	shalt  }
0x7f: {  	_ =	shalt  }
0x80: {  	_ =	shalt  }
0x81: {  	_ =	shalt  }
0x82: {  	_ =	shalt  }
0x83: {  	_ =	shalt  }
0x84: {  	_ =	shalt  }
0x85: {  	_ =	shalt  }
0x86: {  	_ =	shalt  }
0x87: {  	_ =	shalt  }
.Lfunc_end0:
.L_simem_size_0:
called_computation_lowered:
.L_overlay_start_0:
0x88: {  	s2 =	sld [smem:$0x3FD9]  }
0x89: {  	s3 =	sld [smem:$0x3FFE];
	_ =	sdelay $0x1  }
0x8a: {  	s1 =	srdreg.scid  }
0x8b: {  	s0 =	sand.u32 $0x1, s1  }
0x8c: {  	s18 =	sshll.u32 s0, $0xA;
	s2 =	sadd.s32 s3, s2  }
0x8d: {  	s2 =	sadd.s32 s2, s18  }
0x8e: {  	[smem:$0x3FC3] =	sst s2  }
0x8f: {  	_ = 	snop  }
0x90: {  	s2 =	sld [smem:$0x3FC9]  }
0x91: {  	s19 =	sld [smem:$0x3FC8]  }
0x92: {  	s4 =	sld [smem:$0x3FC7]  }
0x93: {  	s5 =	sld [smem:$0x3FC6]  }
0x94: {  	s6 =	sld [smem:$0x3FC5]  }
0x95: {  	s7 =	sld [smem:$0x3FD0];
	(tm) =	ssettm $0x1  }
0x96: {  	s8 =	sld [smem:$0x3FFB];
	_ =	sdelay $0x3  }
0x97: {  	_ =	strace s8  }
0x98: {  	s8 =	sld [smem:$0x3FFC];
	_ =	sdelay $0x3  }
0x99: {  	_ =	strace s8  }
0x9a: {  	s8 =	sld [smem:$0x3FFD];
	_ =	sdelay $0x3  }
0x9b: {  	_ =	strace s8  }
0x9c: {  	_ =	strace $0x8FFFFFFF  }
0x9d: {  	s20 =	sld [smem:$0x3FDB];
	_ =	sdelay $0x1  }
0x9e: {  	s9 =	simm.s32 $_scs_section_size  }
0x9f: {  	s10 =	simm.s32 $_size__tile_overlayer_lowered;
	s11 =	simm.s32 $_tile_overlayer_lowered  }
0xa0: {  	s23 =	simm.s32 $0x1BFF;
	s22 =	sshll.u32 s11, $0x1;
	s8 =	sadd.s32 s9, s20  }
0xa1: {  	s12 =	simm.s32 $0x0;
	s21 =	sshll.u32 s10, $0x1;
	s10 =	sadd.s32 s22, s8  }
0xa2: {  	[timem:s12], [sflag:s23] =	dma.local [hbm:s10], s21  }
0xa3: {  	_ =	swait.ge [sflag:s23], s21  }
0xa4: {  	s9 =	ssub.s32 $0x0, s21;
	[sflag:s23] =	ssyncset.done $0x0  }
0xa5: {  	[sflag:s23] =	ssyncadd.s32 s9;
	_ =	sdelay $0x1  }
0xa6: {  	s24 =	simm.s32 $0x1B8B  }
0xa7: {  	_ =	swait.ge [sflag:s24], $0x1  }
0xa8: {  	[sflag:s24] =	ssyncset.done $0x0  }
0xa9: {  	s25 =	simm.s32 $0x1B8E;
	[sflag:s24] =	ssyncadd.s32 $0xFFFFFFFF  }
0xaa: {  	s26 =	simm.s32 $execute0_lowered;
	[smem:$0x3FD2] =	sst s25  }
0xab: {  	s9 =	sshll.u32 s26, $0x1;
	_ =	strace $0x80000046;
	[dreg:$0x1] =	wrdreg $0xFFFFFFFF  }
0xac: {  	s28 =	simm.s32 $_size_execute0_lowered;
	s8 =	sadd.s32 s8, s9;
	[dreg:$0x0] =	wrdreg $0x0  }
0xad: {  	s9 =	sshll.u32 s28, $0x1;
	[dreg:$0x2] =	wrdreg s8  }
0xae: {  	[dreg:$0x3] =	wrdreg s9  }
0xaf: {  	[dreg:$0x4] =	wrdreg $0xC0  }
0xb0: {  	_ =	task [dreg:s12], $0x5FFFF  }
0xb1: {  	[dreg:$0x1] =	wrdreg $0xFFFFFFFF  }
0xb2: {  	[dreg:$0x0] =	wrdreg $0x60  }
0xb3: {  	[dreg:$0x2] =	wrdreg s2  }
0xb4: {  	[dreg:$0x3] =	wrdreg s19  }
0xb5: {  	[dreg:$0x4] =	wrdreg s4  }
0xb6: {  	[dreg:$0x5] =	wrdreg s5  }
0xb7: {  	[dreg:$0x6] =	wrdreg s6  }
0xb8: {  	[dreg:$0x7] =	wrdreg s7  }
0xb9: {  	[dreg:$0x8] =	wrdreg $0x1E5800  }
0xba: {  	[dreg:$0x9] =	wrdreg $0x1F5800  }
0xbb: {  	[dreg:$0xa] =	wrdreg $0x9  }
0xbc: {  	_ =	task.clear_ibuf [dreg:s12], $0xBFFFF;
	_ =	strace $0x90000046  }
0xbd: {  	s29 =	simm.s32 $0x9;
	_ =	strace $0x80000048  }
0xbe: {  	_ =	swait.ge [sflag:s29], $0x1  }
0xbf: {  	[sflag:s29] =	ssyncadd.s32 $0xFFFFFFFF  }
0xc0: {  	_ =	strace $0x90000048  }
0xc1: {  	_ =	sfence  }
0xc2: {  	s30 =	sld [smem:$0x0];
	_ =	sdelay $0x2  }
0xc3: {  	s31 =	sshll.u32 s1, $0xD;
	s1 =	sshrl.u32 s1, $0x2  }
0xc4: {  	s3 =	sand.u32 $0x4000, s31;
	s1 =	sadd.s32 s1, s30  }
0xc5: {  	s0 =	sor.u32 s3, s0;
	s1 =	sshll.u32 s1, $0x11  }
0xc6: {  	s0 =	sor.u32 s1, s0  }
0xc7: {  	s0 =	sadd.s32 $0x8F2B, s0  }
0xc8: {  	[sflag:s0] =	ssyncadd.remote.s32 $0x1  }
0xc9: {  	_ =	sfence.sel $0xFFFF  }
0xca: {  	[dreg:$0x0] =	wrdreg $0xFFFFFFFF;
	(pc) =	sbr.abs _section_cstart, $3  }
0xcb: {  	[dreg:$0x1] =	wrdreg $0xFFFFFFFF  }
0xcc: {  	_ =	task.clear_ibuf [dreg:s12], $0x2FFFF;
	_ =	strace $0x9FFFFFFF  }
0xcd: {  	(tm) =	ssettm $0x7FFFFFFF  }
tec
execute0_lowered:
.L_overlay_start_1:
0x0: {  	(tag) =	ssettag $0x1  }
0x1: {  	s2 =	rddreg [dreg:$0x0]  }
0x2: {  	s3 =	rddreg [dreg:$0x1]  }
0x3: {  	s4 =	rddreg [dreg:$0x2]  }
0x4: {  	s0 =	rddreg [dreg:$0x5]  }
0x5: {  	s1 =	srdreg.scid;
	s5 =	rddreg [dreg:$0x6]  }
0x6: {  	s15 =	stileid.u32;
	s7 =	rddreg [dreg:$0x7]  }
0x7: {  	s6 =	sand.u32 $0x1, s1;
	s8 =	sshrl.u32 s15, $0x3;
	s1 =	simm.s32 $0x0  }
0x8: {  	s10 =	sand.u32 $0x7, s15;
	s15 =	sshll.u32 s15, $0xC;
	s9 =	sshll.u32 s6, $0x1  }
0x9: {  	s12 =	sshll.u32 s10, $0xF;
	[smem:$0x7FF] =	sst s1;
	s6 =	ssub.s32 $0x2, s6  }
0xa: {  	s15 =	sadd.s32 s15, s5;
	s25 =	sshll.u32 s8, $0xF;
	s26 =	sshll.u32 s10, $0x9  }
0xb: {  	s9 =	sor.u32 s8, s9;
	s13 =	sshrl.u32 s6, $0x1;
	[dreg:$0xb] =	wrdreg s15  }
0xc: {  	s5 =	sadd.s32 s25, s5;
	s8 =	sshll.u32 s8, $0x7;
	s11 =	sshll.u32 s9, $0x12  }
0xd: {  	s9 =	smul.u32 $0xC0000, s9;
	s6 =	ssub.s32 s6, s13;
	s11 =	sor.u32 s12, s11  }
0xe: {  	s5 =	sadd.s32 s26, s5;
	s7 =	sadd.s32 s8, s7;
	s11 =	sshrl.u32 s11, $0x3  }
0xf: {  	[dreg:$0xc] =	wrdreg s5;
	s9 =	sor.u32 s12, s9;
	s19 =	sadd.s32 s4, s11  }
0x10: {  	s9 =	sshrl.u32 s9, $0x3;
	s12 =	sor.u32 $0x600, s11;
	s13 =	sor.u32 $0x800, s11  }
0x11: {  	s14 =	sor.u32 $0xA00, s11;
	s16 =	sor.u32 $0xC00, s11;
	s5 =	sor.u32 $0xE00, s11  }
0x12: {  	s29 =	sadd.s32 s3, s11;
	s17 =	sadd.s32 s2, s9;
	s2 =	sor.u32 $0x200, s11  }
0x13: {  	s9 =	sor.u32 $0x400, s11;
	s21 =	sadd.s32 s4, s12;
	s22 =	sadd.s32 s4, s13  }
0x14: {  	s23 =	sadd.s32 s4, s14;
	s30 =	sadd.s32 s3, s12;
	s15 =	sadd.s32 s3, s14  }
0x15: {  	s24 =	sadd.s32 s3, s13;
	s26 =	sadd.s32 s3, s16;
	[dreg:$0x13] =	wrdreg s15  }
0x16: {  	s12 =	sadd.s32 s0, s12;
	s31 =	sadd.s32 s3, s2;
	[dreg:$0x14] =	wrdreg s26  }
0x17: {  	s28 =	sadd.s32 s3, s9;
	s3 =	sadd.s32 s3, s5;
	[dreg:$0x19] =	wrdreg s12  }
0x18: {  	s18 =	sadd.s32 s4, s2;
	s2 =	sadd.s32 s0, s2;
	[dreg:$0x15] =	wrdreg s3  }
0x19: {  	s8 =	sadd.s32 s4, s16;
	s15 =	sadd.s32 s0, s13;
	[dreg:$0x17] =	wrdreg s2  }
0x1a: {  	s25 =	sadd.s32 s4, s5;
	s26 =	sadd.s32 s0, s14;
	[dreg:$0x1a] =	wrdreg s15  }
0x1b: {  	s20 =	sadd.s32 s4, s9;
	s4 =	sadd.s32 s0, s16;
	[dreg:$0x1b] =	wrdreg s26  }
0x1c: {  	s3 =	sshll.u32 s10, $0x8;
	s10 =	sadd.s32 s0, s11;
	[dreg:$0x1c] =	wrdreg s4  }
0x1d: {  	s11 =	sadd.s32 s0, s9;
	[dreg:$0x16] =	wrdreg s10  }
0x1e: {  	s0 =	sadd.s32 s0, s5;
	[dreg:$0x18] =	wrdreg s11  }
0x1f: {  	[dreg:$0x1d] =	wrdreg s0  }
0x20: {  	s9 =	smax.u32 s6, $0x1;
	_ =	strace $0x80000047;
	[dreg:$0xd] =	wrdreg s7  }
0x21: {  	s10 =	sadd.s32 $0x8000, s17;
	[dreg:$0x1f] =	wrdreg s9  }
0x22: {  	s11 =	sadd.s32 $0x10000, s17;
	[smem:$0x7E6] =	sst s10  }
0x23: {  	s12 =	sadd.s32 $0x200, s17;
	[smem:$0x7E7] =	sst s11  }
0x24: {  	s13 =	sadd.s32 $0x8200, s17;
	[smem:$0x7E8] =	sst s12  }
0x25: {  	s14 =	sadd.s32 $0x10200, s17;
	[smem:$0x7E9] =	sst s13  }
0x26: {  	s15 =	sadd.s32 $0x400, s17;
	[smem:$0x7EA] =	sst s14  }
0x27: {  	s16 =	sadd.s32 $0x8400, s17;
	[smem:$0x7EB] =	sst s15  }
0x28: {  	s26 =	sadd.s32 $0x10400, s17;
	[smem:$0x7EC] =	sst s16  }
0x29: {  	s2 =	sadd.s32 $0x600, s17;
	[smem:$0x7ED] =	sst s26  }
0x2a: {  	s4 =	sadd.s32 $0x10600, s17;
	[smem:$0x7EE] =	sst s2  }
0x2b: {  	s5 =	sadd.s32 $0x800, s17;
	[smem:$0x7F0] =	sst s4  }
0x2c: {  	s6 =	sadd.s32 $0x8800, s17;
	[smem:$0x7F1] =	sst s5  }
0x2d: {  	[smem:$0x7F2] =	sst s6  }
0x2e: {  	[dreg:$0x9] =	wrdreg s17  }
0x2f: {  	[dreg:$0xa] =	wrdreg s18  }
0x30: {  	[dreg:$0xe] =	wrdreg s8  }
0x31: {  	[dreg:$0xf] =	wrdreg s25  }
0x32: {  	[dreg:$0x10] =	wrdreg s28  }
0x33: {  	[dreg:$0x11] =	wrdreg s30  }
0x34: {  	[dreg:$0x12] =	wrdreg s24  }
0x35: {  	s7 =	sadd.s32 s3, s7;
	[smem:$0x7FD] =	sst s31  }
0x36: {  	s3 =	sadd.s32 $0x8600, s17;
	[dreg:$0x1e] =	wrdreg s7  }
0x37: {  	s9 =	sadd.s32 $0xA00, s17;
	[smem:$0x7EF] =	sst s3  }
0x38: {  	s10 =	sadd.s32 $0x8A00, s17;
	[smem:$0x7F4] =	sst s9  }
0x39: {  	s11 =	sadd.s32 $0x10A00, s17;
	[smem:$0x7F5] =	sst s10  }
0x3a: {  	s12 =	sadd.s32 $0xC00, s17;
	[smem:$0x7F6] =	sst s11  }
0x3b: {  	s0 =	simm.s32 $0x1;
	s13 =	sadd.s32 $0x8C00, s17;
	[smem:$0x7F7] =	sst s12  }
0x3c: {  	s14 =	sadd.s32 $0x10C00, s17;
	s15 =	sadd.s32 $0xE00, s17;
	[smem:$0x7F8] =	sst s13  }
0x3d: {  	s16 =	sadd.s32 $0x8E00, s17;
	s26 =	sadd.s32 $0x10E00, s17;
	[smem:$0x7F9] =	sst s14  }
0x3e: {  	s2 =	simm.s32 $0x2;
	s4 =	simm.s32 $0x4;
	[smem:$0x7FA] =	sst s15  }
0x3f: {  	s5 =	simm.s32 $0x80;
	s6 =	simm.s32 $0x1E080;
	[smem:$0x7FB] =	sst s16  }
0x40: {  	s7 =	sadd.s32 $0x10800, s17;
	[smem:$0x7FC] =	sst s26;
	s9 =	simm.s32 $0x10000  }
0x41: {  	v1 =	vlaneseq.u32;
	s26 =	simm.s32 $0x4000;
	s11 =	simm.s32 $0x8000;
	s3 =	simm.s32 $0xC000  }
0x42: {  	v0 =	vimm.f32 $0.0e+00;
	v2 =	vimm.f32 $1.000000000e+00;
	v1 =	vmul.u32 $0x400, v1;
	s12 =	simm.s32 $0x3;
	s13 =	simm.s32 $0x0;
	[smem:$0x7F3] =	sst s7  }
.LBB2_1:
0x43: {  	[tilespmem:s9], [sflag:$0x1] =	stream.linear.gather [hbm4b:s19+s1], $0x1000, $0x38;
	[tilespmem:$0x1F600] =	vst v63  }
0x44: {  	s7 =	simm.s32 $0x12000;
	s10 =	rddreg [dreg:$0x9]  }
0x45: {  	[tilespmem:s7], [sflag:$0x1] =	stream.linear.gather [hbm4b:s29+s1], $0x1000, $0x38;
	[tilespmem:$0x1F600] =	vst v63  }
0x46: {  	s17 =	simm.s32 $0x14000;
	s14 =	sld [smem:$0x7E6]  }
0x47: {  	[tilespmem:s17], [sflag:$0x1] =	stream.linear.gather [hbm4b:s10+s1], $0x1000, $0x38;
	[tilespmem:$0x1F600] =	vst v63  }
0x48: {  	s15 =	simm.s32 $0x16000;
	s16 =	sld [smem:$0x7E7]  }
0x49: {  	[tilespmem:s15], [sflag:$0x1] =	stream.linear.gather [hbm4b:s14+s1], $0x1000, $0x38;
	[tilespmem:$0x1F600] =	vst v63  }
0x4a: {  	s17 =	simm.s32 $0x18000  }
0x4b: {  	[tilespmem:s17], [sflag:$0x1] =	stream.linear.gather [hbm4b:s16+s1], $0x1000, $0x38;
	[tilespmem:$0x1F600] =	vst v63  }
0x4c: {  	[tilespmem:s5+$0xFFFFFFC0] =	vst v0  }
0x4d: {  	[tilespmem:s5+$0x0] =	vst v0  }
0x4e: {  	[tilespmem:s5+$0x40] =	vst v0  }
0x4f: {  	s10 =	simm.s32 $0x4080;
	[tilespmem:s5+$0xFFFFFF80] =	vst v0  }
0x50: {  	[tilespmem:s10+$0xFFFFFFC0] =	vst v0  }
0x51: {  	[tilespmem:s10+$0x0] =	vst v0  }
0x52: {  	[tilespmem:s10+$0x40] =	vst v0  }
0x53: {  	s14 =	simm.s32 $0x8080;
	[tilespmem:s10+$0xFFFFFF80] =	vst v0  }
0x54: {  	[tilespmem:s14+$0xFFFFFFC0] =	vst v0  }
0x55: {  	[tilespmem:s14+$0x0] =	vst v0  }
0x56: {  	[tilespmem:s14+$0x40] =	vst v0  }
0x57: {  	s15 =	simm.s32 $0xC080;
	[tilespmem:s14+$0xFFFFFF80] =	vst v0  }
0x58: {  	[tilespmem:s15+$0xFFFFFFC0] =	vst v0  }
0x59: {  	[tilespmem:s15+$0x0] =	vst v0  }
0x5a: {  	[tilespmem:s15+$0x40] =	vst v0  }
0x5b: {  	[tilespmem:s15+$0xFFFFFF80] =	vst v0  }
0x5c: {  	[tilespmem:s5+$0xFFFFFFD0] =	vst v0  }
0x5d: {  	[tilespmem:s5+$0x10] =	vst v0  }
0x5e: {  	[tilespmem:s5+$0x50] =	vst v0  }
0x5f: {  	[tilespmem:s5+$0xFFFFFF90] =	vst v0  }
0x60: {  	[tilespmem:s10+$0xFFFFFFD0] =	vst v0  }
0x61: {  	[tilespmem:s10+$0x10] =	vst v0  }
0x62: {  	[tilespmem:s10+$0x50] =	vst v0  }
0x63: {  	[tilespmem:s10+$0xFFFFFF90] =	vst v0  }
0x64: {  	[tilespmem:s14+$0xFFFFFFD0] =	vst v0  }
0x65: {  	[tilespmem:s14+$0x10] =	vst v0  }
0x66: {  	[tilespmem:s14+$0x50] =	vst v0  }
0x67: {  	[tilespmem:s14+$0xFFFFFF90] =	vst v0  }
0x68: {  	[tilespmem:s15+$0xFFFFFFD0] =	vst v0  }
0x69: {  	[tilespmem:s15+$0x10] =	vst v0  }
0x6a: {  	[tilespmem:s15+$0x50] =	vst v0  }
0x6b: {  	[tilespmem:s15+$0xFFFFFF90] =	vst v0  }
0x6c: {  	[tilespmem:s5+$0xFFFFFFE0] =	vst v0  }
0x6d: {  	[tilespmem:s5+$0x20] =	vst v0  }
0x6e: {  	[tilespmem:s5+$0x60] =	vst v0  }
0x6f: {  	[tilespmem:s5+$0xFFFFFFA0] =	vst v0  }
0x70: {  	[tilespmem:s10+$0xFFFFFFE0] =	vst v0  }
0x71: {  	[tilespmem:s10+$0x20] =	vst v0  }
0x72: {  	[tilespmem:s10+$0x60] =	vst v0  }
0x73: {  	[tilespmem:s10+$0xFFFFFFA0] =	vst v0  }
0x74: {  	[tilespmem:s14+$0xFFFFFFE0] =	vst v0  }
0x75: {  	[tilespmem:s14+$0x20] =	vst v0  }
0x76: {  	[tilespmem:s14+$0x60] =	vst v0  }
0x77: {  	[tilespmem:s14+$0xFFFFFFA0] =	vst v0  }
0x78: {  	[tilespmem:s15+$0xFFFFFFE0] =	vst v0  }
0x79: {  	[tilespmem:s15+$0x20] =	vst v0  }
0x7a: {  	[tilespmem:s15+$0x60] =	vst v0  }
0x7b: {  	[tilespmem:s15+$0xFFFFFFA0] =	vst v0  }
0x7c: {  	[tilespmem:s5+$0xFFFFFFF0] =	vst v0  }
0x7d: {  	[tilespmem:s5+$0x30] =	vst v0  }
0x7e: {  	[tilespmem:s5+$0x70] =	vst v0  }
0x7f: {  	[tilespmem:s5+$0xFFFFFFB0] =	vst v0  }
0x80: {  	[tilespmem:s10+$0xFFFFFFF0] =	vst v0  }
0x81: {  	[tilespmem:s10+$0x30] =	vst v0  }
0x82: {  	[tilespmem:s10+$0x70] =	vst v0  }
0x83: {  	[tilespmem:s10+$0xFFFFFFB0] =	vst v0  }
0x84: {  	[tilespmem:s14+$0xFFFFFFF0] =	vst v0  }
0x85: {  	[tilespmem:s14+$0x30] =	vst v0  }
0x86: {  	[tilespmem:s14+$0x70] =	vst v0  }
0x87: {  	[tilespmem:s14+$0xFFFFFFB0] =	vst v0  }
0x88: {  	[tilespmem:s15+$0xFFFFFFF0] =	vst v0  }
0x89: {  	[tilespmem:s15+$0x30] =	vst v0  }
0x8a: {  	[tilespmem:s15+$0x70] =	vst v0  }
0x8b: {  	s16 =	simm.s32 $0x0;
	s17 =	simm.s32 $0x180;
	[tilespmem:s15+$0xFFFFFFB0] =	vst v0  }
.LBB2_2:
0x8c: {  	[tilespmem:s17+$0xFFFFFFC0] =	vst v0;
	s10 =	sadd.s32 $0x100, s10  }
0x8d: {  	s14 =	sadd.s32 $0x100, s14;
	[tilespmem:s10+$0xFFFFFFC0] =	vst v0  }
0x8e: {  	s15 =	sadd.s32 $0x100, s15;
	[tilespmem:s14+$0xFFFFFFC0] =	vst v0  }
0x8f: {  	[tilespmem:s15+$0xFFFFFFC0] =	vst v0  }
0x90: {  	[tilespmem:s17+$0xFFFFFFD0] =	vst v0  }
0x91: {  	[tilespmem:s10+$0xFFFFFFD0] =	vst v0  }
0x92: {  	[tilespmem:s14+$0xFFFFFFD0] =	vst v0  }
0x93: {  	[tilespmem:s15+$0xFFFFFFD0] =	vst v0  }
0x94: {  	[tilespmem:s17+$0xFFFFFFE0] =	vst v0  }
0x95: {  	[tilespmem:s10+$0xFFFFFFE0] =	vst v0  }
0x96: {  	[tilespmem:s14+$0xFFFFFFE0] =	vst v0  }
0x97: {  	[tilespmem:s15+$0xFFFFFFE0] =	vst v0  }
0x98: {  	[tilespmem:s17+$0xFFFFFFF0] =	vst v0  }
0x99: {  	[tilespmem:s10+$0xFFFFFFF0] =	vst v0  }
0x9a: {  	[tilespmem:s14+$0xFFFFFFF0] =	vst v0  }
0x9b: {  	[tilespmem:s15+$0xFFFFFFF0] =	vst v0  }
0x9c: {  	[tilespmem:s17+$0x0] =	vst v0  }
0x9d: {  	[tilespmem:s10+$0x0] =	vst v0  }
0x9e: {  	[tilespmem:s14+$0x0] =	vst v0  }
0x9f: {  	[tilespmem:s15+$0x0] =	vst v0  }
0xa0: {  	[tilespmem:s17+$0x10] =	vst v0  }
0xa1: {  	[tilespmem:s10+$0x10] =	vst v0  }
0xa2: {  	[tilespmem:s14+$0x10] =	vst v0  }
0xa3: {  	[tilespmem:s15+$0x10] =	vst v0  }
0xa4: {  	[tilespmem:s17+$0x20] =	vst v0  }
0xa5: {  	[tilespmem:s10+$0x20] =	vst v0  }
0xa6: {  	[tilespmem:s14+$0x20] =	vst v0  }
0xa7: {  	[tilespmem:s15+$0x20] =	vst v0  }
0xa8: {  	[tilespmem:s17+$0x30] =	vst v0  }
0xa9: {  	[tilespmem:s10+$0x30] =	vst v0  }
0xaa: {  	[tilespmem:s14+$0x30] =	vst v0  }
0xab: {  	[tilespmem:s15+$0x30] =	vst v0  }
0xac: {  	[tilespmem:s17+$0x40] =	vst v0  }
0xad: {  	[tilespmem:s10+$0x40] =	vst v0  }
0xae: {  	[tilespmem:s14+$0x40] =	vst v0  }
0xaf: {  	[tilespmem:s15+$0x40] =	vst v0  }
0xb0: {  	[tilespmem:s17+$0x50] =	vst v0  }
0xb1: {  	[tilespmem:s10+$0x50] =	vst v0  }
0xb2: {  	[tilespmem:s14+$0x50] =	vst v0  }
0xb3: {  	[tilespmem:s15+$0x50] =	vst v0  }
0xb4: {  	[tilespmem:s17+$0x60] =	vst v0  }
0xb5: {  	[tilespmem:s10+$0x60] =	vst v0  }
0xb6: {  	[tilespmem:s14+$0x60] =	vst v0  }
0xb7: {  	[tilespmem:s15+$0x60] =	vst v0  }
0xb8: {  	[tilespmem:s17+$0x70] =	vst v0  }
0xb9: {  	[tilespmem:s10+$0x70] =	vst v0  }
0xba: {  	[tilespmem:s14+$0x70] =	vst v0  }
0xbb: {  	[tilespmem:s15+$0x70] =	vst v0  }
0xbc: {  	[tilespmem:s17+$0xFFFFFF80] =	vst v0  }
0xbd: {  	[tilespmem:s10+$0xFFFFFF80] =	vst v0  }
0xbe: {  	[tilespmem:s14+$0xFFFFFF80] =	vst v0  }
0xbf: {  	[tilespmem:s15+$0xFFFFFF80] =	vst v0  }
0xc0: {  	[tilespmem:s17+$0xFFFFFF90] =	vst v0  }
0xc1: {  	[tilespmem:s10+$0xFFFFFF90] =	vst v0  }
0xc2: {  	[tilespmem:s14+$0xFFFFFF90] =	vst v0  }
0xc3: {  	[tilespmem:s15+$0xFFFFFF90] =	vst v0  }
0xc4: {  	[tilespmem:s17+$0xFFFFFFA0] =	vst v0  }
0xc5: {  	s16 =	sadd.s32 $0x100, s16;
	[tilespmem:s10+$0xFFFFFFA0] =	vst v0  }
0xc6: {  	p0 =	slt.u32 s16, $0x3F00;
	[tilespmem:s14+$0xFFFFFFA0] =	vst v0  }
.Ltmp0:
0xc7: {  	[tilespmem:s15+$0xFFFFFFA0] =	vst v0;
	(pc) =	sbr.rel @p0 .LBB2_2-.Ltmp0, $4  }
0xc8: {  	[tilespmem:s17+$0xFFFFFFB0] =	vst v0  }
0xc9: {  	[tilespmem:s10+$0xFFFFFFB0] =	vst v0  }
0xca: {  	[tilespmem:s14+$0xFFFFFFB0] =	vst v0  }
0xcb: {  	s17 =	sadd.s32 $0x100, s17;
	[tilespmem:s15+$0xFFFFFFB0] =	vst v0  }
0xcc: {  	s7 =	simm.s32 $0x11000  }
0xcd: {  	[tilespmem:s7], [sflag:$0x2] =	stream.linear.gather [hbm4b:s18+s1], $0x1000, $0x38;
	[tilespmem:$0x1F600] =	vst v63  }
0xce: {  	s14 =	simm.s32 $0x13000;
	s15 =	sld [smem:$0x7E8]  }
0xcf: {  	[tilespmem:s14], [sflag:$0x2] =	stream.linear.gather [hbm4b:s31+s1], $0x1000, $0x38;
	[tilespmem:$0x1F600] =	vst v63  }
0xd0: {  	s10 =	simm.s32 $0x15000;
	s16 =	sld [smem:$0x7E9]  }
0xd1: {  	[tilespmem:s10], [sflag:$0x2] =	stream.linear.gather [hbm4b:s15+s1], $0x1000, $0x38;
	[tilespmem:$0x1F600] =	vst v63  }
0xd2: {  	s17 =	simm.s32 $0x17000;
	s18 =	sld [smem:$0x7EA]  }
0xd3: {  	[tilespmem:s17], [sflag:$0x2] =	stream.linear.gather [hbm4b:s16+s1], $0x1000, $0x38;
	[tilespmem:$0x1F600] =	vst v63  }
0xd4: {  	s31 =	simm.s32 $0x19000  }
0xd5: {  	[tilespmem:s31], [sflag:$0x2] =	stream.linear.gather [hbm4b:s18+s1], $0x1000, $0x38;
	[tilespmem:$0x1F600] =	vst v63  }
0xd6: {  	_ =	swait.ge [sflag:s0], $0x1000  }
0xd7: {  	[sflag:s0] =	ssyncset.done $0x0  }
0xd8: {  	[sflag:s0] =	ssyncadd.s32 $0xFFFFF000  }
0xd9: {  	_ =	swait.ge [sflag:s0], $0x1000  }
0xda: {  	[sflag:s0] =	ssyncset.done $0x0  }
0xdb: {  	[sflag:s0] =	ssyncadd.s32 $0xFFFFF000  }
0xdc: {  	_ =	swait.ge [sflag:s0], $0x1000  }
0xdd: {  	[sflag:s0] =	ssyncset.done $0x0  }
0xde: {  	[sflag:s0] =	ssyncadd.s32 $0xFFFFF000  }
0xdf: {  	_ =	swait.ge [sflag:s0], $0x1000  }
0xe0: {  	[sflag:s0] =	ssyncset.done $0x0  }
0xe1: {  	[sflag:s0] =	ssyncadd.s32 $0xFFFFF000  }
0xe2: {  	_ =	swait.ge [sflag:s0], $0x1000  }
0xe3: {  	[sflag:s0] =	ssyncset.done $0x0  }
0xe4: {  	s15 =	simm.s32 $0x10020;
	[sflag:s0] =	ssyncadd.s32 $0xFFFFF000  }
0xe5: {  	s10 =	simm.s32 $0x12020;
	v3 =	vld [tilespmem:s15+$0x10]  }
0xe6: {  	v4 =	vld [tilespmem:s10+$0x10];
	_ =	sdelay $0x2  }
0xe7: {  	v5 =	vld [tilespmem:s15+$0xFFFFFFF0]  }
0xe8: {  	v6 =	vld [tilespmem:s10+$0xFFFFFFF0]  }
0xe9: {  	s14 =	simm.s32 $0x14020;
	v7 =	vld [tilespmem:s10+$0xFFFFFFE0];
	vm0 =	vgt.f32 v4, $5.000000000e-01;
	v3 =	vadd.s32 v1, v3  }
0xea: {  	v4 =	vld [tilespmem:s14+$0x10];
	v8 =	vsel vm0, v3, v1  }
0xeb: {  	v10 =	vld [tilespmem:s15+$0xFFFFFFE0]  }
0xec: {  	v9 =	vld [tilespmem:s15+$0x0]  }
0xed: {  	v11 =	vld [tilespmem:s10+$0x0];
	vm13 =	vgt.f32 v6, $5.000000000e-01;
	v3 =	vadd.s32 v1, v5  }
0xee: {  	v5 =	vld [tilespmem:s14+$0xFFFFFFF0];
	v3 =	vsel vm13, v3, v1  }
0xef: {  	s15 =	simm.s32 $0x16020;
	[tilespmem:v8+s1+$0x0] =	vst.idx.add.f32.msk $0xffff, v4  }
0xf0: {  	vm14 =	vgt.f32 v7, $5.000000000e-01;
	v4 =	vadd.s32 v1, v10;
	v6 =	vld [tilespmem:s15+$0x10]  }
0xf1: {  	v7 =	vld [tilespmem:s14+$0xFFFFFFE0];
	v12 =	vsel vm14, v4, v1  }
0xf2: {  	v62 =	vld [tilespmem:s14+$0x0]  }
0xf3: {  	vm15 =	vgt.f32 v11, $5.000000000e-01;
	v4 =	vadd.s32 v1, v9;
	[tilespmem:v3+s1+$0x0] =	vst.idx.add.f32.msk $0xffff, v5  }
0xf4: {  	v4 =	vsel vm15, v4, v1;
	v5 =	vld [tilespmem:s15+$0xFFFFFFF0]  }
0xf5: {  	[tilespmem:v8+s26+$0x0] =	vst.idx.add.f32.msk $0xffff, v6  }
0xf6: {  	s16 =	simm.s32 $0x18020;
	[tilespmem:v12+s1+$0x0] =	vst.idx.add.f32.msk $0xffff, v7  }
0xf7: {  	v6 =	vld [tilespmem:s16+$0x10]  }
0xf8: {  	v7 =	vld [tilespmem:s15+$0xFFFFFFE0]  }
0xf9: {  	[tilespmem:v4+s1+$0x0] =	vst.idx.add.f32.msk $0xffff, v62  }
0xfa: {  	[tilespmem:v3+s26+$0x0] =	vst.idx.add.f32.msk $0xffff, v5  }
0xfb: {  	v63 =	vld [tilespmem:s15+$0x0]  }
0xfc: {  	[tilespmem:v8+s11+$0x0] =	vst.idx.add.f32.msk $0xffff, v6  }
0xfd: {  	[tilespmem:v12+s26+$0x0] =	vst.idx.add.f32.msk $0xffff, v7  }
0xfe: {  	v7 =	vld [tilespmem:s16+$0xFFFFFFF0]  }
0xff: {  	v6 =	vld [tilespmem:s16+$0xFFFFFFE0]  }
0x100: {  	[tilespmem:v8+s3+$0x0] =	vst.idx.add.f32.msk $0xffff, v2  }
0x101: {  	[tilespmem:v4+s26+$0x0] =	vst.idx.add.f32.msk $0xffff, v63  }
0x102: {  	v5 =	vld [tilespmem:s16+$0x0]  }
0x103: {  	[tilespmem:v3+s11+$0x0] =	vst.idx.add.f32.msk $0xffff, v7  }
0x104: {  	[tilespmem:v12+s11+$0x0] =	vst.idx.add.f32.msk $0xffff, v6  }
0x105: {  	s17 =	simm.s32 $0x0;
	s18 =	simm.s32 $0x10060;
	[tilespmem:v12+s3+$0x0] =	vst.idx.add.f32.msk $0xffff, v2  }
.LBB2_4:
0x106: {  	v6 =	vld [tilespmem:s18+$0x10];
	s10 =	sadd.s32 $0x40, s10  }
0x107: {  	v7 =	vld [tilespmem:s10+$0x10]  }
0x108: {  	s17 =	sadd.s32 $0x40, s17;
	v8 =	vld [tilespmem:s10+$0xFFFFFFE0]  }
0x109: {  	p0 =	slt.u32 s17, $0xFC0;
	v9 =	vld [tilespmem:s18+$0xFFFFFFF0]  }
0x10a: {  	v10 =	vld [tilespmem:s10+$0xFFFFFFF0]  }
0x10b: {  	v11 =	vld [tilespmem:s18+$0x0]  }
0x10c: {  	s14 =	sadd.s32 $0x40, s14;
	v6 =	vadd.s32 v1, v6;
	v12 =	vld [tilespmem:s10+$0x0];
	vm0 =	vgt.f32 v7, $5.000000000e-01  }
0x10d: {  	vm1 =	vgt.f32 v8, $5.000000000e-01;
	v6 =	vsel vm0, v6, v1;
	v7 =	vld [tilespmem:s14+$0x10]  }
0x10e: {  	v8 =	vld [tilespmem:s18+$0xFFFFFFE0];
	v9 =	vadd.s32 v1, v9  }
0x10f: {  	v13 =	vld [tilespmem:s14+$0xFFFFFFE0];
	vm0 =	vgt.f32 v10, $5.000000000e-01  }
0x110: {  	v9 =	vsel vm0, v9, v1;
	v10 =	vld [tilespmem:s14+$0xFFFFFFF0];
	v11 =	vadd.s32 v1, v11  }
0x111: {  	vm0 =	vgt.f32 v12, $5.000000000e-01;
	v12 =	vld [tilespmem:s14+$0x0]  }
0x112: {  	s15 =	sadd.s32 $0x40, s15;
	v11 =	vsel vm0, v11, v1;
	[tilespmem:v6+s1+$0x0] =	vst.idx.add.f32.msk $0xffff, v7  }
0x113: {  	v7 =	vadd.s32 v1, v8;
	v8 =	vld [tilespmem:s15+$0x10]  }
0x114: {  	v7 =	vsel vm1, v7, v1;
	[tilespmem:v3+s3+$0x0] =	vst.idx.add.f32.msk $0xffff, v2;
	v3 =	vmov v9  }
0x115: {  	[tilespmem:v9+s1+$0x0] =	vst.idx.add.f32.msk $0xffff, v10  }
0x116: {  	v9 =	vld [tilespmem:s15+$0xFFFFFFF0]  }
0x117: {  	[tilespmem:v11+s1+$0x0] =	vst.idx.add.f32.msk $0xffff, v12  }
0x118: {  	s16 =	sadd.s32 $0x40, s16;
	[tilespmem:v6+s26+$0x0] =	vst.idx.add.f32.msk $0xffff, v8  }
0x119: {  	v8 =	vld [tilespmem:s16+$0x10]  }
0x11a: {  	[tilespmem:v7+s1+$0x0] =	vst.idx.add.f32.msk $0xffff, v13  }
0x11b: {  	v10 =	vld [tilespmem:s15+$0xFFFFFFE0]  }
0x11c: {  	v12 =	vld [tilespmem:s15+$0x0]  }
0x11d: {  	[tilespmem:v3+s26+$0x0] =	vst.idx.add.f32.msk $0xffff, v9  }
0x11e: {  	[tilespmem:v6+s11+$0x0] =	vst.idx.add.f32.msk $0xffff, v8  }
0x11f: {  	[tilespmem:v6+s3+$0x0] =	vst.idx.add.f32.msk $0xffff, v2  }
0x120: {  	[tilespmem:v7+s26+$0x0] =	vst.idx.add.f32.msk $0xffff, v10  }
0x121: {  	[tilespmem:v11+s26+$0x0] =	vst.idx.add.f32.msk $0xffff, v12  }
0x122: {  	v6 =	vld [tilespmem:s16+$0xFFFFFFE0]  }
0x123: {  	v8 =	vld [tilespmem:s16+$0xFFFFFFF0]  }
0x124: {  	v9 =	vld [tilespmem:s16+$0x0]  }
.Ltmp1:
0x125: {  	[tilespmem:v4+s11+$0x0] =	vst.idx.add.f32.msk $0xffff, v5;
	(pc) =	sbr.rel @p0 .LBB2_4-.Ltmp1, $4  }
0x126: {  	[tilespmem:v4+s3+$0x0] =	vst.idx.add.f32.msk $0xffff, v2;
	v4 =	vmov v11  }
0x127: {  	[tilespmem:v7+s11+$0x0] =	vst.idx.add.f32.msk $0xffff, v6  }
0x128: {  	[tilespmem:v7+s3+$0x0] =	vst.idx.add.f32.msk $0xffff, v2  }
0x129: {  	s18 =	sadd.s32 $0x40, s18;
	[tilespmem:v3+s11+$0x0] =	vst.idx.add.f32.msk $0xffff, v8;
	v5 =	vmov v9  }
0x12a: {  	_ =	sdelay $0x3  }
0x12b: {  	[tilespmem:v3+s3+$0x0] =	vst.idx.add.f32.msk $0xffff, v2  }
0x12c: {  	[tilespmem:v4+s11+$0x0] =	vst.idx.add.f32.msk $0xffff, v5  }
0x12d: {  	[tilespmem:v4+s3+$0x0] =	vst.idx.add.f32.msk $0xffff, v2  }
0x12e: {  	[tilespmem:s9], [sflag:$0x1] =	stream.linear.gather [hbm4b:s20+s1], $0x1000, $0x38;
	[tilespmem:$0x1F600] =	vst v63  }
0x12f: {  	s7 =	simm.s32 $0x12000;
	s16 =	sld [smem:$0x7EB]  }
0x130: {  	[tilespmem:s7], [sflag:$0x1] =	stream.linear.gather [hbm4b:s28+s1], $0x1000, $0x38;
	[tilespmem:$0x1F600] =	vst v63  }
0x131: {  	s10 =	simm.s32 $0x14000;
	s17 =	sld [smem:$0x7EC]  }
0x132: {  	[tilespmem:s10], [sflag:$0x1] =	stream.linear.gather [hbm4b:s16+s1], $0x1000, $0x38;
	[tilespmem:$0x1F600] =	vst v63  }
0x133: {  	s18 =	simm.s32 $0x16000;
	s28 =	sld [smem:$0x7ED]  }
0x134: {  	[tilespmem:s18], [sflag:$0x1] =	stream.linear.gather [hbm4b:s17+s1], $0x1000, $0x38;
	[tilespmem:$0x1F600] =	vst v63  }
0x135: {  	s31 =	simm.s32 $0x18000  }
0x136: {  	[tilespmem:s31], [sflag:$0x1] =	stream.linear.gather [hbm4b:s28+s1], $0x1000, $0x38;
	[tilespmem:$0x1F600] =	vst v63  }
0x137: {  	_ =	swait.ge [sflag:s2], $0x1000  }
0x138: {  	[sflag:s2] =	ssyncset.done $0x0  }
0x139: {  	[sflag:s2] =	ssyncadd.s32 $0xFFFFF000  }
0x13a: {  	_ =	swait.ge [sflag:s2], $0x1000  }
0x13b: {  	[sflag:s2] =	ssyncset.done $0x0  }
0x13c: {  	[sflag:s2] =	ssyncadd.s32 $0xFFFFF000  }
0x13d: {  	_ =	swait.ge [sflag:s2], $0x1000  }
0x13e: {  	[sflag:s2] =	ssyncset.done $0x0  }
0x13f: {  	[sflag:s2] =	ssyncadd.s32 $0xFFFFF000  }
0x140: {  	_ =	swait.ge [sflag:s2], $0x1000  }
0x141: {  	[sflag:s2] =	ssyncset.done $0x0  }
0x142: {  	[sflag:s2] =	ssyncadd.s32 $0xFFFFF000  }
0x143: {  	_ =	swait.ge [sflag:s2], $0x1000  }
0x144: {  	[sflag:s2] =	ssyncset.done $0x0  }
0x145: {  	s15 =	simm.s32 $0x11020;
	[sflag:s2] =	ssyncadd.s32 $0xFFFFF000  }
0x146: {  	s10 =	simm.s32 $0x13020;
	v3 =	vld [tilespmem:s15+$0x10]  }
0x147: {  	v4 =	vld [tilespmem:s10+$0x10];
	_ =	sdelay $0x2  }
0x148: {  	v5 =	vld [tilespmem:s15+$0xFFFFFFF0]  }
0x149: {  	v6 =	vld [tilespmem:s10+$0xFFFFFFF0]  }
0x14a: {  	s14 =	simm.s32 $0x15020;
	v7 =	vld [tilespmem:s10+$0xFFFFFFE0];
	vm0 =	vgt.f32 v4, $5.000000000e-01;
	v3 =	vadd.s32 v1, v3  }
0x14b: {  	v4 =	vld [tilespmem:s14+$0x10];
	v8 =	vsel vm0, v3, v1  }
0x14c: {  	v10 =	vld [tilespmem:s15+$0xFFFFFFE0]  }
0x14d: {  	v9 =	vld [tilespmem:s15+$0x0]  }
0x14e: {  	v11 =	vld [tilespmem:s10+$0x0];
	vm13 =	vgt.f32 v6, $5.000000000e-01;
	v3 =	vadd.s32 v1, v5  }
0x14f: {  	v5 =	vld [tilespmem:s14+$0xFFFFFFF0];
	v3 =	vsel vm13, v3, v1  }
0x150: {  	s15 =	simm.s32 $0x17020;
	[tilespmem:v8+s1+$0x0] =	vst.idx.add.f32.msk $0xffff, v4  }
0x151: {  	vm14 =	vgt.f32 v7, $5.000000000e-01;
	v4 =	vadd.s32 v1, v10;
	v6 =	vld [tilespmem:s15+$0x10]  }
0x152: {  	v7 =	vld [tilespmem:s14+$0xFFFFFFE0];
	v12 =	vsel vm14, v4, v1  }
0x153: {  	v62 =	vld [tilespmem:s14+$0x0]  }
0x154: {  	vm15 =	vgt.f32 v11, $5.000000000e-01;
	v4 =	vadd.s32 v1, v9;
	[tilespmem:v3+s1+$0x0] =	vst.idx.add.f32.msk $0xffff, v5  }
0x155: {  	v4 =	vsel vm15, v4, v1;
	v5 =	vld [tilespmem:s15+$0xFFFFFFF0]  }
0x156: {  	[tilespmem:v8+s26+$0x0] =	vst.idx.add.f32.msk $0xffff, v6  }
0x157: {  	s16 =	simm.s32 $0x19020;
	[tilespmem:v12+s1+$0x0] =	vst.idx.add.f32.msk $0xffff, v7  }
0x158: {  	v6 =	vld [tilespmem:s16+$0x10]  }
0x159: {  	v7 =	vld [tilespmem:s15+$0xFFFFFFE0]  }
0x15a: {  	[tilespmem:v4+s1+$0x0] =	vst.idx.add.f32.msk $0xffff, v62  }
0x15b: {  	[tilespmem:v3+s26+$0x0] =	vst.idx.add.f32.msk $0xffff, v5  }
0x15c: {  	v63 =	vld [tilespmem:s15+$0x0]  }
0x15d: {  	[tilespmem:v8+s11+$0x0] =	vst.idx.add.f32.msk $0xffff, v6  }
0x15e: {  	[tilespmem:v12+s26+$0x0] =	vst.idx.add.f32.msk $0xffff, v7  }
0x15f: {  	v7 =	vld [tilespmem:s16+$0xFFFFFFF0]  }
0x160: {  	v6 =	vld [tilespmem:s16+$0xFFFFFFE0]  }
0x161: {  	[tilespmem:v8+s3+$0x0] =	vst.idx.add.f32.msk $0xffff, v2  }
0x162: {  	[tilespmem:v4+s26+$0x0] =	vst.idx.add.f32.msk $0xffff, v63  }
0x163: {  	v5 =	vld [tilespmem:s16+$0x0]  }
0x164: {  	[tilespmem:v3+s11+$0x0] =	vst.idx.add.f32.msk $0xffff, v7  }
0x165: {  	[tilespmem:v12+s11+$0x0] =	vst.idx.add.f32.msk $0xffff, v6  }
0x166: {  	s17 =	simm.s32 $0x0;
	s18 =	simm.s32 $0x11060;
	[tilespmem:v12+s3+$0x0] =	vst.idx.add.f32.msk $0xffff, v2  }
.LBB2_6:
0x167: {  	v6 =	vld [tilespmem:s18+$0x10];
	s10 =	sadd.s32 $0x40, s10  }
0x168: {  	v7 =	vld [tilespmem:s10+$0x10]  }
0x169: {  	s17 =	sadd.s32 $0x40, s17;
	v8 =	vld [tilespmem:s10+$0xFFFFFFE0]  }
0x16a: {  	p0 =	slt.u32 s17, $0xFC0;
	v9 =	vld [tilespmem:s18+$0xFFFFFFF0]  }
0x16b: {  	v10 =	vld [tilespmem:s10+$0xFFFFFFF0]  }
0x16c: {  	v11 =	vld [tilespmem:s18+$0x0]  }
0x16d: {  	s14 =	sadd.s32 $0x40, s14;
	v6 =	vadd.s32 v1, v6;
	v12 =	vld [tilespmem:s10+$0x0];
	vm0 =	vgt.f32 v7, $5.000000000e-01  }
0x16e: {  	vm1 =	vgt.f32 v8, $5.000000000e-01;
	v6 =	vsel vm0, v6, v1;
	v7 =	vld [tilespmem:s14+$0x10]  }
0x16f: {  	v8 =	vld [tilespmem:s18+$0xFFFFFFE0];
	v9 =	vadd.s32 v1, v9  }
0x170: {  	v13 =	vld [tilespmem:s14+$0xFFFFFFE0];
	vm0 =	vgt.f32 v10, $5.000000000e-01  }
0x171: {  	v9 =	vsel vm0, v9, v1;
	v10 =	vld [tilespmem:s14+$0xFFFFFFF0];
	v11 =	vadd.s32 v1, v11  }
0x172: {  	vm0 =	vgt.f32 v12, $5.000000000e-01;
	v12 =	vld [tilespmem:s14+$0x0]  }
0x173: {  	s15 =	sadd.s32 $0x40, s15;
	v11 =	vsel vm0, v11, v1;
	[tilespmem:v6+s1+$0x0] =	vst.idx.add.f32.msk $0xffff, v7  }
0x174: {  	v7 =	vadd.s32 v1, v8;
	v8 =	vld [tilespmem:s15+$0x10]  }
0x175: {  	v7 =	vsel vm1, v7, v1;
	[tilespmem:v3+s3+$0x0] =	vst.idx.add.f32.msk $0xffff, v2;
	v3 =	vmov v9  }
0x176: {  	[tilespmem:v9+s1+$0x0] =	vst.idx.add.f32.msk $0xffff, v10  }
0x177: {  	v9 =	vld [tilespmem:s15+$0xFFFFFFF0]  }
0x178: {  	[tilespmem:v11+s1+$0x0] =	vst.idx.add.f32.msk $0xffff, v12  }
0x179: {  	s16 =	sadd.s32 $0x40, s16;
	[tilespmem:v6+s26+$0x0] =	vst.idx.add.f32.msk $0xffff, v8  }
0x17a: {  	v8 =	vld [tilespmem:s16+$0x10]  }
0x17b: {  	[tilespmem:v7+s1+$0x0] =	vst.idx.add.f32.msk $0xffff, v13  }
0x17c: {  	v10 =	vld [tilespmem:s15+$0xFFFFFFE0]  }
0x17d: {  	v12 =	vld [tilespmem:s15+$0x0]  }
0x17e: {  	[tilespmem:v3+s26+$0x0] =	vst.idx.add.f32.msk $0xffff, v9  }
0x17f: {  	[tilespmem:v6+s11+$0x0] =	vst.idx.add.f32.msk $0xffff, v8  }
0x180: {  	[tilespmem:v6+s3+$0x0] =	vst.idx.add.f32.msk $0xffff, v2  }
0x181: {  	[tilespmem:v7+s26+$0x0] =	vst.idx.add.f32.msk $0xffff, v10  }
0x182: {  	[tilespmem:v11+s26+$0x0] =	vst.idx.add.f32.msk $0xffff, v12  }
0x183: {  	v6 =	vld [tilespmem:s16+$0xFFFFFFE0]  }
0x184: {  	v8 =	vld [tilespmem:s16+$0xFFFFFFF0]  }
0x185: {  	v9 =	vld [tilespmem:s16+$0x0]  }
.Ltmp2:
0x186: {  	[tilespmem:v4+s11+$0x0] =	vst.idx.add.f32.msk $0xffff, v5;
	(pc) =	sbr.rel @p0 .LBB2_6-.Ltmp2, $4  }
0x187: {  	[tilespmem:v4+s3+$0x0] =	vst.idx.add.f32.msk $0xffff, v2;
	v4 =	vmov v11  }
0x188: {  	[tilespmem:v7+s11+$0x0] =	vst.idx.add.f32.msk $0xffff, v6  }
0x189: {  	[tilespmem:v7+s3+$0x0] =	vst.idx.add.f32.msk $0xffff, v2  }
0x18a: {  	s18 =	sadd.s32 $0x40, s18;
	[tilespmem:v3+s11+$0x0] =	vst.idx.add.f32.msk $0xffff, v8;
	v5 =	vmov v9  }
0x18b: {  	_ =	sdelay $0x3  }
0x18c: {  	[tilespmem:v3+s3+$0x0] =	vst.idx.add.f32.msk $0xffff, v2  }
0x18d: {  	[tilespmem:v4+s11+$0x0] =	vst.idx.add.f32.msk $0xffff, v5  }
0x18e: {  	s7 =	simm.s32 $0x11000;
	[tilespmem:v4+s3+$0x0] =	vst.idx.add.f32.msk $0xffff, v2  }
0x18f: {  	[tilespmem:s7], [sflag:$0x2] =	stream.linear.gather [hbm4b:s21+s1], $0x1000, $0x38;
	[tilespmem:$0x1F600] =	vst v63  }
0x190: {  	s16 =	simm.s32 $0x13000;
	s17 =	sld [smem:$0x7EE]  }
0x191: {  	[tilespmem:s16], [sflag:$0x2] =	stream.linear.gather [hbm4b:s30+s1], $0x1000, $0x38;
	[tilespmem:$0x1F600] =	vst v63  }
0x192: {  	s10 =	simm.s32 $0x15000;
	s18 =	sld [smem:$0x7EF]  }
0x193: {  	[tilespmem:s10], [sflag:$0x2] =	stream.linear.gather [hbm4b:s17+s1], $0x1000, $0x38;
	[tilespmem:$0x1F600] =	vst v63  }
0x194: {  	s28 =	simm.s32 $0x17000;
	s30 =	sld [smem:$0x7F0]  }
0x195: {  	[tilespmem:s28], [sflag:$0x2] =	stream.linear.gather [hbm4b:s18+s1], $0x1000, $0x38;
	[tilespmem:$0x1F600] =	vst v63  }
0x196: {  	s31 =	simm.s32 $0x19000  }
0x197: {  	[tilespmem:s31], [sflag:$0x2] =	stream.linear.gather [hbm4b:s30+s1], $0x1000, $0x38;
	[tilespmem:$0x1F600] =	vst v63  }
0x198: {  	_ =	swait.ge [sflag:s0], $0x1000  }
0x199: {  	[sflag:s0] =	ssyncset.done $0x0  }
0x19a: {  	[sflag:s0] =	ssyncadd.s32 $0xFFFFF000  }
0x19b: {  	_ =	swait.ge [sflag:s0], $0x1000  }
0x19c: {  	[sflag:s0] =	ssyncset.done $0x0  }
0x19d: {  	[sflag:s0] =	ssyncadd.s32 $0xFFFFF000  }
0x19e: {  	_ =	swait.ge [sflag:s0], $0x1000  }
0x19f: {  	[sflag:s0] =	ssyncset.done $0x0  }
0x1a0: {  	[sflag:s0] =	ssyncadd.s32 $0xFFFFF000  }
0x1a1: {  	_ =	swait.ge [sflag:s0], $0x1000  }
0x1a2: {  	[sflag:s0] =	ssyncset.done $0x0  }
0x1a3: {  	[sflag:s0] =	ssyncadd.s32 $0xFFFFF000  }
0x1a4: {  	_ =	swait.ge [sflag:s0], $0x1000  }
0x1a5: {  	[sflag:s0] =	ssyncset.done $0x0  }
0x1a6: {  	s15 =	simm.s32 $0x10020;
	[sflag:s0] =	ssyncadd.s32 $0xFFFFF000  }
0x1a7: {  	s10 =	simm.s32 $0x12020;
	v3 =	vld [tilespmem:s15+$0x10]  }
0x1a8: {  	v4 =	vld [tilespmem:s10+$0x10];
	_ =	sdelay $0x2  }
0x1a9: {  	v5 =	vld [tilespmem:s15+$0xFFFFFFF0]  }
0x1aa: {  	v6 =	vld [tilespmem:s10+$0xFFFFFFF0]  }
0x1ab: {  	s14 =	simm.s32 $0x14020;
	v7 =	vld [tilespmem:s10+$0xFFFFFFE0];
	vm0 =	vgt.f32 v4, $5.000000000e-01;
	v3 =	vadd.s32 v1, v3  }
0x1ac: {  	v4 =	vld [tilespmem:s14+$0x10];
	v8 =	vsel vm0, v3, v1  }
0x1ad: {  	v10 =	vld [tilespmem:s15+$0xFFFFFFE0]  }
0x1ae: {  	v9 =	vld [tilespmem:s15+$0x0]  }
0x1af: {  	v11 =	vld [tilespmem:s10+$0x0];
	vm13 =	vgt.f32 v6, $5.000000000e-01;
	v3 =	vadd.s32 v1, v5  }
0x1b0: {  	v5 =	vld [tilespmem:s14+$0xFFFFFFF0];
	v3 =	vsel vm13, v3, v1  }
0x1b1: {  	s15 =	simm.s32 $0x16020;
	[tilespmem:v8+s1+$0x0] =	vst.idx.add.f32.msk $0xffff, v4  }
0x1b2: {  	vm14 =	vgt.f32 v7, $5.000000000e-01;
	v4 =	vadd.s32 v1, v10;
	v6 =	vld [tilespmem:s15+$0x10]  }
0x1b3: {  	v7 =	vld [tilespmem:s14+$0xFFFFFFE0];
	v12 =	vsel vm14, v4, v1  }
0x1b4: {  	v62 =	vld [tilespmem:s14+$0x0]  }
0x1b5: {  	vm15 =	vgt.f32 v11, $5.000000000e-01;
	v4 =	vadd.s32 v1, v9;
	[tilespmem:v3+s1+$0x0] =	vst.idx.add.f32.msk $0xffff, v5  }
0x1b6: {  	v4 =	vsel vm15, v4, v1;
	v5 =	vld [tilespmem:s15+$0xFFFFFFF0]  }
0x1b7: {  	[tilespmem:v8+s26+$0x0] =	vst.idx.add.f32.msk $0xffff, v6  }
0x1b8: {  	s16 =	simm.s32 $0x18020;
	[tilespmem:v12+s1+$0x0] =	vst.idx.add.f32.msk $0xffff, v7  }
0x1b9: {  	v6 =	vld [tilespmem:s16+$0x10]  }
0x1ba: {  	v7 =	vld [tilespmem:s15+$0xFFFFFFE0]  }
0x1bb: {  	[tilespmem:v4+s1+$0x0] =	vst.idx.add.f32.msk $0xffff, v62  }
0x1bc: {  	[tilespmem:v3+s26+$0x0] =	vst.idx.add.f32.msk $0xffff, v5  }
0x1bd: {  	v63 =	vld [tilespmem:s15+$0x0]  }
0x1be: {  	[tilespmem:v8+s11+$0x0] =	vst.idx.add.f32.msk $0xffff, v6  }
0x1bf: {  	[tilespmem:v12+s26+$0x0] =	vst.idx.add.f32.msk $0xffff, v7  }
0x1c0: {  	v7 =	vld [tilespmem:s16+$0xFFFFFFF0]  }
0x1c1: {  	v6 =	vld [tilespmem:s16+$0xFFFFFFE0]  }
0x1c2: {  	[tilespmem:v8+s3+$0x0] =	vst.idx.add.f32.msk $0xffff, v2  }
0x1c3: {  	[tilespmem:v4+s26+$0x0] =	vst.idx.add.f32.msk $0xffff, v63  }
0x1c4: {  	v5 =	vld [tilespmem:s16+$0x0]  }
0x1c5: {  	[tilespmem:v3+s11+$0x0] =	vst.idx.add.f32.msk $0xffff, v7  }
0x1c6: {  	[tilespmem:v12+s11+$0x0] =	vst.idx.add.f32.msk $0xffff, v6  }
0x1c7: {  	s17 =	simm.s32 $0x0;
	s18 =	simm.s32 $0x10060;
	[tilespmem:v12+s3+$0x0] =	vst.idx.add.f32.msk $0xffff, v2  }
.LBB2_8:
0x1c8: {  	v6 =	vld [tilespmem:s18+$0x10];
	s10 =	sadd.s32 $0x40, s10  }
0x1c9: {  	v7 =	vld [tilespmem:s10+$0x10]  }
0x1ca: {  	s17 =	sadd.s32 $0x40, s17;
	v8 =	vld [tilespmem:s10+$0xFFFFFFE0]  }
0x1cb: {  	p0 =	slt.u32 s17, $0xFC0;
	v9 =	vld [tilespmem:s18+$0xFFFFFFF0]  }
0x1cc: {  	v10 =	vld [tilespmem:s10+$0xFFFFFFF0]  }
0x1cd: {  	v11 =	vld [tilespmem:s18+$0x0]  }
0x1ce: {  	s14 =	sadd.s32 $0x40, s14;
	v6 =	vadd.s32 v1, v6;
	v12 =	vld [tilespmem:s10+$0x0];
	vm0 =	vgt.f32 v7, $5.000000000e-01  }
0x1cf: {  	vm1 =	vgt.f32 v8, $5.000000000e-01;
	v6 =	vsel vm0, v6, v1;
	v7 =	vld [tilespmem:s14+$0x10]  }
0x1d0: {  	v8 =	vld [tilespmem:s18+$0xFFFFFFE0];
	v9 =	vadd.s32 v1, v9  }
0x1d1: {  	v13 =	vld [tilespmem:s14+$0xFFFFFFE0];
	vm0 =	vgt.f32 v10, $5.000000000e-01  }
0x1d2: {  	v9 =	vsel vm0, v9, v1;
	v10 =	vld [tilespmem:s14+$0xFFFFFFF0];
	v11 =	vadd.s32 v1, v11  }
0x1d3: {  	vm0 =	vgt.f32 v12, $5.000000000e-01;
	v12 =	vld [tilespmem:s14+$0x0]  }
0x1d4: {  	s15 =	sadd.s32 $0x40, s15;
	v11 =	vsel vm0, v11, v1;
	[tilespmem:v6+s1+$0x0] =	vst.idx.add.f32.msk $0xffff, v7  }
0x1d5: {  	v7 =	vadd.s32 v1, v8;
	v8 =	vld [tilespmem:s15+$0x10]  }
0x1d6: {  	v7 =	vsel vm1, v7, v1;
	[tilespmem:v3+s3+$0x0] =	vst.idx.add.f32.msk $0xffff, v2;
	v3 =	vmov v9  }
0x1d7: {  	[tilespmem:v9+s1+$0x0] =	vst.idx.add.f32.msk $0xffff, v10  }
0x1d8: {  	v9 =	vld [tilespmem:s15+$0xFFFFFFF0]  }
0x1d9: {  	[tilespmem:v11+s1+$0x0] =	vst.idx.add.f32.msk $0xffff, v12  }
0x1da: {  	s16 =	sadd.s32 $0x40, s16;
	[tilespmem:v6+s26+$0x0] =	vst.idx.add.f32.msk $0xffff, v8  }
0x1db: {  	v8 =	vld [tilespmem:s16+$0x10]  }
0x1dc: {  	[tilespmem:v7+s1+$0x0] =	vst.idx.add.f32.msk $0xffff, v13  }
0x1dd: {  	v10 =	vld [tilespmem:s15+$0xFFFFFFE0]  }
0x1de: {  	v12 =	vld [tilespmem:s15+$0x0]  }
0x1df: {  	[tilespmem:v3+s26+$0x0] =	vst.idx.add.f32.msk $0xffff, v9  }
0x1e0: {  	[tilespmem:v6+s11+$0x0] =	vst.idx.add.f32.msk $0xffff, v8  }
0x1e1: {  	[tilespmem:v6+s3+$0x0] =	vst.idx.add.f32.msk $0xffff, v2  }
0x1e2: {  	[tilespmem:v7+s26+$0x0] =	vst.idx.add.f32.msk $0xffff, v10  }
0x1e3: {  	[tilespmem:v11+s26+$0x0] =	vst.idx.add.f32.msk $0xffff, v12  }
0x1e4: {  	v6 =	vld [tilespmem:s16+$0xFFFFFFE0]  }
0x1e5: {  	v8 =	vld [tilespmem:s16+$0xFFFFFFF0]  }
0x1e6: {  	v9 =	vld [tilespmem:s16+$0x0]  }
.Ltmp3:
0x1e7: {  	[tilespmem:v4+s11+$0x0] =	vst.idx.add.f32.msk $0xffff, v5;
	(pc) =	sbr.rel @p0 .LBB2_8-.Ltmp3, $4  }
0x1e8: {  	[tilespmem:v4+s3+$0x0] =	vst.idx.add.f32.msk $0xffff, v2;
	v4 =	vmov v11  }
0x1e9: {  	[tilespmem:v7+s11+$0x0] =	vst.idx.add.f32.msk $0xffff, v6  }
0x1ea: {  	[tilespmem:v7+s3+$0x0] =	vst.idx.add.f32.msk $0xffff, v2  }
0x1eb: {  	s18 =	sadd.s32 $0x40, s18;
	[tilespmem:v3+s11+$0x0] =	vst.idx.add.f32.msk $0xffff, v8;
	v5 =	vmov v9  }
0x1ec: {  	_ =	sdelay $0x3  }
0x1ed: {  	[tilespmem:v3+s3+$0x0] =	vst.idx.add.f32.msk $0xffff, v2  }
0x1ee: {  	[tilespmem:v4+s11+$0x0] =	vst.idx.add.f32.msk $0xffff, v5  }
0x1ef: {  	[tilespmem:v4+s3+$0x0] =	vst.idx.add.f32.msk $0xffff, v2  }
0x1f0: {  	[tilespmem:s9], [sflag:$0x1] =	stream.linear.gather [hbm4b:s22+s1], $0x1000, $0x38;
	[tilespmem:$0x1F600] =	vst v63  }
0x1f1: {  	s7 =	simm.s32 $0x12000;
	s18 =	sld [smem:$0x7F1]  }
0x1f2: {  	[tilespmem:s7], [sflag:$0x1] =	stream.linear.gather [hbm4b:s24+s1], $0x1000, $0x38;
	[tilespmem:$0x1F600] =	vst v63  }
0x1f3: {  	s10 =	simm.s32 $0x14000;
	s24 =	sld [smem:$0x7F2]  }
0x1f4: {  	[tilespmem:s10], [sflag:$0x1] =	stream.linear.gather [hbm4b:s18+s1], $0x1000, $0x38;
	[tilespmem:$0x1F600] =	vst v63  }
0x1f5: {  	s28 =	simm.s32 $0x16000;
	s30 =	sld [smem:$0x7F3]  }
0x1f6: {  	[tilespmem:s28], [sflag:$0x1] =	stream.linear.gather [hbm4b:s24+s1], $0x1000, $0x38;
	[tilespmem:$0x1F600] =	vst v63  }
0x1f7: {  	s31 =	simm.s32 $0x18000  }
0x1f8: {  	[tilespmem:s31], [sflag:$0x1] =	stream.linear.gather [hbm4b:s30+s1], $0x1000, $0x38;
	[tilespmem:$0x1F600] =	vst v63  }
0x1f9: {  	_ =	swait.ge [sflag:s2], $0x1000  }
0x1fa: {  	[sflag:s2] =	ssyncset.done $0x0  }
0x1fb: {  	[sflag:s2] =	ssyncadd.s32 $0xFFFFF000  }
0x1fc: {  	_ =	swait.ge [sflag:s2], $0x1000  }
0x1fd: {  	[sflag:s2] =	ssyncset.done $0x0  }
0x1fe: {  	[sflag:s2] =	ssyncadd.s32 $0xFFFFF000  }
0x1ff: {  	_ =	swait.ge [sflag:s2], $0x1000  }
0x200: {  	[sflag:s2] =	ssyncset.done $0x0  }
0x201: {  	[sflag:s2] =	ssyncadd.s32 $0xFFFFF000  }
0x202: {  	_ =	swait.ge [sflag:s2], $0x1000  }
0x203: {  	[sflag:s2] =	ssyncset.done $0x0  }
0x204: {  	[sflag:s2] =	ssyncadd.s32 $0xFFFFF000  }
0x205: {  	_ =	swait.ge [sflag:s2], $0x1000  }
0x206: {  	[sflag:s2] =	ssyncset.done $0x0  }
0x207: {  	s15 =	simm.s32 $0x11020;
	[sflag:s2] =	ssyncadd.s32 $0xFFFFF000  }
0x208: {  	s10 =	simm.s32 $0x13020;
	v3 =	vld [tilespmem:s15+$0x10]  }
0x209: {  	v4 =	vld [tilespmem:s10+$0x10];
	_ =	sdelay $0x2  }
0x20a: {  	v5 =	vld [tilespmem:s15+$0xFFFFFFF0]  }
0x20b: {  	v6 =	vld [tilespmem:s10+$0xFFFFFFF0]  }
0x20c: {  	s14 =	simm.s32 $0x15020;
	v7 =	vld [tilespmem:s10+$0xFFFFFFE0];
	vm0 =	vgt.f32 v4, $5.000000000e-01;
	v3 =	vadd.s32 v1, v3  }
0x20d: {  	v4 =	vld [tilespmem:s14+$0x10];
	v8 =	vsel vm0, v3, v1  }
0x20e: {  	v10 =	vld [tilespmem:s15+$0xFFFFFFE0]  }
0x20f: {  	v9 =	vld [tilespmem:s15+$0x0]  }
0x210: {  	v11 =	vld [tilespmem:s10+$0x0];
	vm13 =	vgt.f32 v6, $5.000000000e-01;
	v3 =	vadd.s32 v1, v5  }
0x211: {  	v5 =	vld [tilespmem:s14+$0xFFFFFFF0];
	v3 =	vsel vm13, v3, v1  }
0x212: {  	s15 =	simm.s32 $0x17020;
	[tilespmem:v8+s1+$0x0] =	vst.idx.add.f32.msk $0xffff, v4  }
0x213: {  	vm14 =	vgt.f32 v7, $5.000000000e-01;
	v4 =	vadd.s32 v1, v10;
	v6 =	vld [tilespmem:s15+$0x10]  }
0x214: {  	v7 =	vld [tilespmem:s14+$0xFFFFFFE0];
	v12 =	vsel vm14, v4, v1  }
0x215: {  	v62 =	vld [tilespmem:s14+$0x0]  }
0x216: {  	vm15 =	vgt.f32 v11, $5.000000000e-01;
	v4 =	vadd.s32 v1, v9;
	[tilespmem:v3+s1+$0x0] =	vst.idx.add.f32.msk $0xffff, v5  }
0x217: {  	v4 =	vsel vm15, v4, v1;
	v5 =	vld [tilespmem:s15+$0xFFFFFFF0]  }
0x218: {  	[tilespmem:v8+s26+$0x0] =	vst.idx.add.f32.msk $0xffff, v6  }
0x219: {  	s16 =	simm.s32 $0x19020;
	[tilespmem:v12+s1+$0x0] =	vst.idx.add.f32.msk $0xffff, v7  }
0x21a: {  	v6 =	vld [tilespmem:s16+$0x10]  }
0x21b: {  	v7 =	vld [tilespmem:s15+$0xFFFFFFE0]  }
0x21c: {  	[tilespmem:v4+s1+$0x0] =	vst.idx.add.f32.msk $0xffff, v62  }
0x21d: {  	[tilespmem:v3+s26+$0x0] =	vst.idx.add.f32.msk $0xffff, v5  }
0x21e: {  	v63 =	vld [tilespmem:s15+$0x0]  }
0x21f: {  	[tilespmem:v8+s11+$0x0] =	vst.idx.add.f32.msk $0xffff, v6  }
0x220: {  	[tilespmem:v12+s26+$0x0] =	vst.idx.add.f32.msk $0xffff, v7  }
0x221: {  	v7 =	vld [tilespmem:s16+$0xFFFFFFF0]  }
0x222: {  	v6 =	vld [tilespmem:s16+$0xFFFFFFE0]  }
0x223: {  	[tilespmem:v8+s3+$0x0] =	vst.idx.add.f32.msk $0xffff, v2  }
0x224: {  	[tilespmem:v4+s26+$0x0] =	vst.idx.add.f32.msk $0xffff, v63  }
0x225: {  	v5 =	vld [tilespmem:s16+$0x0]  }
0x226: {  	[tilespmem:v3+s11+$0x0] =	vst.idx.add.f32.msk $0xffff, v7  }
0x227: {  	[tilespmem:v12+s11+$0x0] =	vst.idx.add.f32.msk $0xffff, v6  }
0x228: {  	s17 =	simm.s32 $0x0;
	s18 =	simm.s32 $0x11060;
	[tilespmem:v12+s3+$0x0] =	vst.idx.add.f32.msk $0xffff, v2  }
.LBB2_10:
0x229: {  	v6 =	vld [tilespmem:s18+$0x10];
	s10 =	sadd.s32 $0x40, s10  }
0x22a: {  	v7 =	vld [tilespmem:s10+$0x10]  }
0x22b: {  	s17 =	sadd.s32 $0x40, s17;
	v8 =	vld [tilespmem:s10+$0xFFFFFFE0]  }
0x22c: {  	p0 =	slt.u32 s17, $0xFC0;
	v9 =	vld [tilespmem:s18+$0xFFFFFFF0]  }
0x22d: {  	v10 =	vld [tilespmem:s10+$0xFFFFFFF0]  }
0x22e: {  	v11 =	vld [tilespmem:s18+$0x0]  }
0x22f: {  	s14 =	sadd.s32 $0x40, s14;
	v6 =	vadd.s32 v1, v6;
	v12 =	vld [tilespmem:s10+$0x0];
	vm0 =	vgt.f32 v7, $5.000000000e-01  }
0x230: {  	vm1 =	vgt.f32 v8, $5.000000000e-01;
	v6 =	vsel vm0, v6, v1;
	v7 =	vld [tilespmem:s14+$0x10]  }
0x231: {  	v8 =	vld [tilespmem:s18+$0xFFFFFFE0];
	v9 =	vadd.s32 v1, v9  }
0x232: {  	v13 =	vld [tilespmem:s14+$0xFFFFFFE0];
	vm0 =	vgt.f32 v10, $5.000000000e-01  }
0x233: {  	v9 =	vsel vm0, v9, v1;
	v10 =	vld [tilespmem:s14+$0xFFFFFFF0];
	v11 =	vadd.s32 v1, v11  }
0x234: {  	vm0 =	vgt.f32 v12, $5.000000000e-01;
	v12 =	vld [tilespmem:s14+$0x0]  }
0x235: {  	s15 =	sadd.s32 $0x40, s15;
	v11 =	vsel vm0, v11, v1;
	[tilespmem:v6+s1+$0x0] =	vst.idx.add.f32.msk $0xffff, v7  }
0x236: {  	v7 =	vadd.s32 v1, v8;
	v8 =	vld [tilespmem:s15+$0x10]  }
0x237: {  	v7 =	vsel vm1, v7, v1;
	[tilespmem:v3+s3+$0x0] =	vst.idx.add.f32.msk $0xffff, v2;
	v3 =	vmov v9  }
0x238: {  	[tilespmem:v9+s1+$0x0] =	vst.idx.add.f32.msk $0xffff, v10  }
0x239: {  	v9 =	vld [tilespmem:s15+$0xFFFFFFF0]  }
0x23a: {  	[tilespmem:v11+s1+$0x0] =	vst.idx.add.f32.msk $0xffff, v12  }
0x23b: {  	s16 =	sadd.s32 $0x40, s16;
	[tilespmem:v6+s26+$0x0] =	vst.idx.add.f32.msk $0xffff, v8  }
0x23c: {  	v8 =	vld [tilespmem:s16+$0x10]  }
0x23d: {  	[tilespmem:v7+s1+$0x0] =	vst.idx.add.f32.msk $0xffff, v13  }
0x23e: {  	v10 =	vld [tilespmem:s15+$0xFFFFFFE0]  }
0x23f: {  	v12 =	vld [tilespmem:s15+$0x0]  }
0x240: {  	[tilespmem:v3+s26+$0x0] =	vst.idx.add.f32.msk $0xffff, v9  }
0x241: {  	[tilespmem:v6+s11+$0x0] =	vst.idx.add.f32.msk $0xffff, v8  }
0x242: {  	[tilespmem:v6+s3+$0x0] =	vst.idx.add.f32.msk $0xffff, v2  }
0x243: {  	[tilespmem:v7+s26+$0x0] =	vst.idx.add.f32.msk $0xffff, v10  }
0x244: {  	[tilespmem:v11+s26+$0x0] =	vst.idx.add.f32.msk $0xffff, v12  }
0x245: {  	v6 =	vld [tilespmem:s16+$0xFFFFFFE0]  }
0x246: {  	v8 =	vld [tilespmem:s16+$0xFFFFFFF0]  }
0x247: {  	v9 =	vld [tilespmem:s16+$0x0]  }
.Ltmp4:
0x248: {  	[tilespmem:v4+s11+$0x0] =	vst.idx.add.f32.msk $0xffff, v5;
	(pc) =	sbr.rel @p0 .LBB2_10-.Ltmp4, $4  }
0x249: {  	[tilespmem:v4+s3+$0x0] =	vst.idx.add.f32.msk $0xffff, v2;
	v4 =	vmov v11  }
0x24a: {  	[tilespmem:v7+s11+$0x0] =	vst.idx.add.f32.msk $0xffff, v6  }
0x24b: {  	[tilespmem:v7+s3+$0x0] =	vst.idx.add.f32.msk $0xffff, v2  }
0x24c: {  	s18 =	sadd.s32 $0x40, s18;
	[tilespmem:v3+s11+$0x0] =	vst.idx.add.f32.msk $0xffff, v8;
	v5 =	vmov v9  }
0x24d: {  	_ =	sdelay $0x3  }
0x24e: {  	[tilespmem:v3+s3+$0x0] =	vst.idx.add.f32.msk $0xffff, v2  }
0x24f: {  	[tilespmem:v4+s11+$0x0] =	vst.idx.add.f32.msk $0xffff, v5  }
0x250: {  	s7 =	simm.s32 $0x11000;
	[tilespmem:v4+s3+$0x0] =	vst.idx.add.f32.msk $0xffff, v2  }
0x251: {  	[tilespmem:s7], [sflag:$0x2] =	stream.linear.gather [hbm4b:s23+s1], $0x1000, $0x38;
	[tilespmem:$0x1F600] =	vst v63  }
0x252: {  	s16 =	rddreg [dreg:$0x13]  }
0x253: {  	s10 =	simm.s32 $0x13000;
	s17 =	sld [smem:$0x7F4]  }
0x254: {  	[tilespmem:s10], [sflag:$0x2] =	stream.linear.gather [hbm4b:s16+s1], $0x1000, $0x38;
	[tilespmem:$0x1F600] =	vst v63  }
0x255: {  	s18 =	simm.s32 $0x15000;
	s24 =	sld [smem:$0x7F5]  }
0x256: {  	[tilespmem:s18], [sflag:$0x2] =	stream.linear.gather [hbm4b:s17+s1], $0x1000, $0x38;
	[tilespmem:$0x1F600] =	vst v63  }
0x257: {  	s28 =	simm.s32 $0x17000;
	s30 =	sld [smem:$0x7F6]  }
0x258: {  	[tilespmem:s28], [sflag:$0x2] =	stream.linear.gather [hbm4b:s24+s1], $0x1000, $0x38;
	[tilespmem:$0x1F600] =	vst v63  }
0x259: {  	s31 =	simm.s32 $0x19000  }
0x25a: {  	[tilespmem:s31], [sflag:$0x2] =	stream.linear.gather [hbm4b:s30+s1], $0x1000, $0x38;
	[tilespmem:$0x1F600] =	vst v63  }
0x25b: {  	_ =	swait.ge [sflag:s0], $0x1000  }
0x25c: {  	[sflag:s0] =	ssyncset.done $0x0  }
0x25d: {  	[sflag:s0] =	ssyncadd.s32 $0xFFFFF000  }
0x25e: {  	_ =	swait.ge [sflag:s0], $0x1000  }
0x25f: {  	[sflag:s0] =	ssyncset.done $0x0  }
0x260: {  	[sflag:s0] =	ssyncadd.s32 $0xFFFFF000  }
0x261: {  	_ =	swait.ge [sflag:s0], $0x1000  }
0x262: {  	[sflag:s0] =	ssyncset.done $0x0  }
0x263: {  	[sflag:s0] =	ssyncadd.s32 $0xFFFFF000  }
0x264: {  	_ =	swait.ge [sflag:s0], $0x1000  }
0x265: {  	[sflag:s0] =	ssyncset.done $0x0  }
0x266: {  	[sflag:s0] =	ssyncadd.s32 $0xFFFFF000  }
0x267: {  	_ =	swait.ge [sflag:s0], $0x1000  }
0x268: {  	[sflag:s0] =	ssyncset.done $0x0  }
0x269: {  	s15 =	simm.s32 $0x10020;
	[sflag:s0] =	ssyncadd.s32 $0xFFFFF000  }
0x26a: {  	s10 =	simm.s32 $0x12020;
	v3 =	vld [tilespmem:s15+$0x10]  }
0x26b: {  	v4 =	vld [tilespmem:s10+$0x10];
	_ =	sdelay $0x2  }
0x26c: {  	v5 =	vld [tilespmem:s15+$0xFFFFFFF0]  }
0x26d: {  	v6 =	vld [tilespmem:s10+$0xFFFFFFF0]  }
0x26e: {  	s14 =	simm.s32 $0x14020;
	v7 =	vld [tilespmem:s10+$0xFFFFFFE0];
	vm0 =	vgt.f32 v4, $5.000000000e-01;
	v3 =	vadd.s32 v1, v3  }
0x26f: {  	v4 =	vld [tilespmem:s14+$0x10];
	v8 =	vsel vm0, v3, v1  }
0x270: {  	v10 =	vld [tilespmem:s15+$0xFFFFFFE0]  }
0x271: {  	v9 =	vld [tilespmem:s15+$0x0]  }
0x272: {  	v11 =	vld [tilespmem:s10+$0x0];
	vm13 =	vgt.f32 v6, $5.000000000e-01;
	v3 =	vadd.s32 v1, v5  }
0x273: {  	v5 =	vld [tilespmem:s14+$0xFFFFFFF0];
	v3 =	vsel vm13, v3, v1  }
0x274: {  	s15 =	simm.s32 $0x16020;
	[tilespmem:v8+s1+$0x0] =	vst.idx.add.f32.msk $0xffff, v4  }
0x275: {  	vm14 =	vgt.f32 v7, $5.000000000e-01;
	v4 =	vadd.s32 v1, v10;
	v6 =	vld [tilespmem:s15+$0x10]  }
0x276: {  	v7 =	vld [tilespmem:s14+$0xFFFFFFE0];
	v12 =	vsel vm14, v4, v1  }
0x277: {  	v62 =	vld [tilespmem:s14+$0x0]  }
0x278: {  	vm15 =	vgt.f32 v11, $5.000000000e-01;
	v4 =	vadd.s32 v1, v9;
	[tilespmem:v3+s1+$0x0] =	vst.idx.add.f32.msk $0xffff, v5  }
0x279: {  	v4 =	vsel vm15, v4, v1;
	v5 =	vld [tilespmem:s15+$0xFFFFFFF0]  }
0x27a: {  	[tilespmem:v8+s26+$0x0] =	vst.idx.add.f32.msk $0xffff, v6  }
0x27b: {  	s16 =	simm.s32 $0x18020;
	[tilespmem:v12+s1+$0x0] =	vst.idx.add.f32.msk $0xffff, v7  }
0x27c: {  	v6 =	vld [tilespmem:s16+$0x10]  }
0x27d: {  	v7 =	vld [tilespmem:s15+$0xFFFFFFE0]  }
0x27e: {  	[tilespmem:v4+s1+$0x0] =	vst.idx.add.f32.msk $0xffff, v62  }
0x27f: {  	[tilespmem:v3+s26+$0x0] =	vst.idx.add.f32.msk $0xffff, v5  }
0x280: {  	v63 =	vld [tilespmem:s15+$0x0]  }
0x281: {  	[tilespmem:v8+s11+$0x0] =	vst.idx.add.f32.msk $0xffff, v6  }
0x282: {  	[tilespmem:v12+s26+$0x0] =	vst.idx.add.f32.msk $0xffff, v7  }
0x283: {  	v7 =	vld [tilespmem:s16+$0xFFFFFFF0]  }
0x284: {  	v6 =	vld [tilespmem:s16+$0xFFFFFFE0]  }
0x285: {  	[tilespmem:v8+s3+$0x0] =	vst.idx.add.f32.msk $0xffff, v2  }
0x286: {  	[tilespmem:v4+s26+$0x0] =	vst.idx.add.f32.msk $0xffff, v63  }
0x287: {  	v5 =	vld [tilespmem:s16+$0x0]  }
0x288: {  	[tilespmem:v3+s11+$0x0] =	vst.idx.add.f32.msk $0xffff, v7  }
0x289: {  	[tilespmem:v12+s11+$0x0] =	vst.idx.add.f32.msk $0xffff, v6  }
0x28a: {  	s17 =	simm.s32 $0x0;
	s18 =	simm.s32 $0x10060;
	[tilespmem:v12+s3+$0x0] =	vst.idx.add.f32.msk $0xffff, v2  }
.LBB2_12:
0x28b: {  	v6 =	vld [tilespmem:s18+$0x10];
	s10 =	sadd.s32 $0x40, s10  }
0x28c: {  	v7 =	vld [tilespmem:s10+$0x10]  }
0x28d: {  	s17 =	sadd.s32 $0x40, s17;
	v8 =	vld [tilespmem:s10+$0xFFFFFFE0]  }
0x28e: {  	p0 =	slt.u32 s17, $0xFC0;
	v9 =	vld [tilespmem:s18+$0xFFFFFFF0]  }
0x28f: {  	v10 =	vld [tilespmem:s10+$0xFFFFFFF0]  }
0x290: {  	v11 =	vld [tilespmem:s18+$0x0]  }
0x291: {  	s14 =	sadd.s32 $0x40, s14;
	v6 =	vadd.s32 v1, v6;
	v12 =	vld [tilespmem:s10+$0x0];
	vm0 =	vgt.f32 v7, $5.000000000e-01  }
0x292: {  	vm1 =	vgt.f32 v8, $5.000000000e-01;
	v6 =	vsel vm0, v6, v1;
	v7 =	vld [tilespmem:s14+$0x10]  }
0x293: {  	v8 =	vld [tilespmem:s18+$0xFFFFFFE0];
	v9 =	vadd.s32 v1, v9  }
0x294: {  	v13 =	vld [tilespmem:s14+$0xFFFFFFE0];
	vm0 =	vgt.f32 v10, $5.000000000e-01  }
0x295: {  	v9 =	vsel vm0, v9, v1;
	v10 =	vld [tilespmem:s14+$0xFFFFFFF0];
	v11 =	vadd.s32 v1, v11  }
0x296: {  	vm0 =	vgt.f32 v12, $5.000000000e-01;
	v12 =	vld [tilespmem:s14+$0x0]  }
0x297: {  	s15 =	sadd.s32 $0x40, s15;
	v11 =	vsel vm0, v11, v1;
	[tilespmem:v6+s1+$0x0] =	vst.idx.add.f32.msk $0xffff, v7  }
0x298: {  	v7 =	vadd.s32 v1, v8;
	v8 =	vld [tilespmem:s15+$0x10]  }
0x299: {  	v7 =	vsel vm1, v7, v1;
	[tilespmem:v3+s3+$0x0] =	vst.idx.add.f32.msk $0xffff, v2;
	v3 =	vmov v9  }
0x29a: {  	[tilespmem:v9+s1+$0x0] =	vst.idx.add.f32.msk $0xffff, v10  }
0x29b: {  	v9 =	vld [tilespmem:s15+$0xFFFFFFF0]  }
0x29c: {  	[tilespmem:v11+s1+$0x0] =	vst.idx.add.f32.msk $0xffff, v12  }
0x29d: {  	s16 =	sadd.s32 $0x40, s16;
	[tilespmem:v6+s26+$0x0] =	vst.idx.add.f32.msk $0xffff, v8  }
0x29e: {  	v8 =	vld [tilespmem:s16+$0x10]  }
0x29f: {  	[tilespmem:v7+s1+$0x0] =	vst.idx.add.f32.msk $0xffff, v13  }
0x2a0: {  	v10 =	vld [tilespmem:s15+$0xFFFFFFE0]  }
0x2a1: {  	v12 =	vld [tilespmem:s15+$0x0]  }
0x2a2: {  	[tilespmem:v3+s26+$0x0] =	vst.idx.add.f32.msk $0xffff, v9  }
0x2a3: {  	[tilespmem:v6+s11+$0x0] =	vst.idx.add.f32.msk $0xffff, v8  }
0x2a4: {  	[tilespmem:v6+s3+$0x0] =	vst.idx.add.f32.msk $0xffff, v2  }
0x2a5: {  	[tilespmem:v7+s26+$0x0] =	vst.idx.add.f32.msk $0xffff, v10  }
0x2a6: {  	[tilespmem:v11+s26+$0x0] =	vst.idx.add.f32.msk $0xffff, v12  }
0x2a7: {  	v6 =	vld [tilespmem:s16+$0xFFFFFFE0]  }
0x2a8: {  	v8 =	vld [tilespmem:s16+$0xFFFFFFF0]  }
0x2a9: {  	v9 =	vld [tilespmem:s16+$0x0]  }
.Ltmp5:
0x2aa: {  	[tilespmem:v4+s11+$0x0] =	vst.idx.add.f32.msk $0xffff, v5;
	(pc) =	sbr.rel @p0 .LBB2_12-.Ltmp5, $4  }
0x2ab: {  	[tilespmem:v4+s3+$0x0] =	vst.idx.add.f32.msk $0xffff, v2;
	v4 =	vmov v11  }
0x2ac: {  	[tilespmem:v7+s11+$0x0] =	vst.idx.add.f32.msk $0xffff, v6  }
0x2ad: {  	[tilespmem:v7+s3+$0x0] =	vst.idx.add.f32.msk $0xffff, v2  }
0x2ae: {  	s18 =	sadd.s32 $0x40, s18;
	[tilespmem:v3+s11+$0x0] =	vst.idx.add.f32.msk $0xffff, v8;
	v5 =	vmov v9  }
0x2af: {  	_ =	sdelay $0x3  }
0x2b0: {  	[tilespmem:v3+s3+$0x0] =	vst.idx.add.f32.msk $0xffff, v2  }
0x2b1: {  	[tilespmem:v4+s11+$0x0] =	vst.idx.add.f32.msk $0xffff, v5  }
0x2b2: {  	[tilespmem:v4+s3+$0x0] =	vst.idx.add.f32.msk $0xffff, v2  }
0x2b3: {  	[tilespmem:s9], [sflag:$0x1] =	stream.linear.gather [hbm4b:s8+s1], $0x1000, $0x38;
	[tilespmem:$0x1F600] =	vst v63  }
0x2b4: {  	s7 =	rddreg [dreg:$0x14]  }
0x2b5: {  	s16 =	simm.s32 $0x12000;
	s17 =	sld [smem:$0x7F7]  }
0x2b6: {  	[tilespmem:s16], [sflag:$0x1] =	stream.linear.gather [hbm4b:s7+s1], $0x1000, $0x38;
	[tilespmem:$0x1F600] =	vst v63  }
0x2b7: {  	s18 =	simm.s32 $0x14000;
	s24 =	sld [smem:$0x7F8]  }
0x2b8: {  	[tilespmem:s18], [sflag:$0x1] =	stream.linear.gather [hbm4b:s17+s1], $0x1000, $0x38;
	[tilespmem:$0x1F600] =	vst v63  }
0x2b9: {  	s28 =	simm.s32 $0x16000;
	s30 =	sld [smem:$0x7F9]  }
0x2ba: {  	[tilespmem:s28], [sflag:$0x1] =	stream.linear.gather [hbm4b:s24+s1], $0x1000, $0x38;
	[tilespmem:$0x1F600] =	vst v63  }
0x2bb: {  	s31 =	simm.s32 $0x18000  }
0x2bc: {  	[tilespmem:s31], [sflag:$0x1] =	stream.linear.gather [hbm4b:s30+s1], $0x1000, $0x38;
	[tilespmem:$0x1F600] =	vst v63  }
0x2bd: {  	_ =	swait.ge [sflag:s2], $0x1000  }
0x2be: {  	[sflag:s2] =	ssyncset.done $0x0  }
0x2bf: {  	[sflag:s2] =	ssyncadd.s32 $0xFFFFF000  }
0x2c0: {  	_ =	swait.ge [sflag:s2], $0x1000  }
0x2c1: {  	[sflag:s2] =	ssyncset.done $0x0  }
0x2c2: {  	[sflag:s2] =	ssyncadd.s32 $0xFFFFF000  }
0x2c3: {  	_ =	swait.ge [sflag:s2], $0x1000  }
0x2c4: {  	[sflag:s2] =	ssyncset.done $0x0  }
0x2c5: {  	[sflag:s2] =	ssyncadd.s32 $0xFFFFF000  }
0x2c6: {  	_ =	swait.ge [sflag:s2], $0x1000  }
0x2c7: {  	[sflag:s2] =	ssyncset.done $0x0  }
0x2c8: {  	[sflag:s2] =	ssyncadd.s32 $0xFFFFF000  }
0x2c9: {  	_ =	swait.ge [sflag:s2], $0x1000  }
0x2ca: {  	[sflag:s2] =	ssyncset.done $0x0  }
0x2cb: {  	s15 =	simm.s32 $0x11020;
	[sflag:s2] =	ssyncadd.s32 $0xFFFFF000  }
0x2cc: {  	s10 =	simm.s32 $0x13020;
	v3 =	vld [tilespmem:s15+$0x10]  }
0x2cd: {  	v4 =	vld [tilespmem:s10+$0x10];
	_ =	sdelay $0x2  }
0x2ce: {  	v5 =	vld [tilespmem:s15+$0xFFFFFFF0]  }
0x2cf: {  	v6 =	vld [tilespmem:s10+$0xFFFFFFF0]  }
0x2d0: {  	s14 =	simm.s32 $0x15020;
	v7 =	vld [tilespmem:s10+$0xFFFFFFE0];
	vm0 =	vgt.f32 v4, $5.000000000e-01;
	v3 =	vadd.s32 v1, v3  }
0x2d1: {  	v4 =	vld [tilespmem:s14+$0x10];
	v8 =	vsel vm0, v3, v1  }
0x2d2: {  	v10 =	vld [tilespmem:s15+$0xFFFFFFE0]  }
0x2d3: {  	v9 =	vld [tilespmem:s15+$0x0]  }
0x2d4: {  	v11 =	vld [tilespmem:s10+$0x0];
	vm13 =	vgt.f32 v6, $5.000000000e-01;
	v3 =	vadd.s32 v1, v5  }
0x2d5: {  	v5 =	vld [tilespmem:s14+$0xFFFFFFF0];
	v3 =	vsel vm13, v3, v1  }
0x2d6: {  	s15 =	simm.s32 $0x17020;
	[tilespmem:v8+s1+$0x0] =	vst.idx.add.f32.msk $0xffff, v4  }
0x2d7: {  	vm14 =	vgt.f32 v7, $5.000000000e-01;
	v4 =	vadd.s32 v1, v10;
	v6 =	vld [tilespmem:s15+$0x10]  }
0x2d8: {  	v7 =	vld [tilespmem:s14+$0xFFFFFFE0];
	v12 =	vsel vm14, v4, v1  }
0x2d9: {  	v62 =	vld [tilespmem:s14+$0x0]  }
0x2da: {  	vm15 =	vgt.f32 v11, $5.000000000e-01;
	v4 =	vadd.s32 v1, v9;
	[tilespmem:v3+s1+$0x0] =	vst.idx.add.f32.msk $0xffff, v5  }
0x2db: {  	v4 =	vsel vm15, v4, v1;
	v5 =	vld [tilespmem:s15+$0xFFFFFFF0]  }
0x2dc: {  	[tilespmem:v8+s26+$0x0] =	vst.idx.add.f32.msk $0xffff, v6  }
0x2dd: {  	s16 =	simm.s32 $0x19020;
	[tilespmem:v12+s1+$0x0] =	vst.idx.add.f32.msk $0xffff, v7  }
0x2de: {  	v6 =	vld [tilespmem:s16+$0x10]  }
0x2df: {  	v7 =	vld [tilespmem:s15+$0xFFFFFFE0]  }
0x2e0: {  	[tilespmem:v4+s1+$0x0] =	vst.idx.add.f32.msk $0xffff, v62  }
0x2e1: {  	[tilespmem:v3+s26+$0x0] =	vst.idx.add.f32.msk $0xffff, v5  }
0x2e2: {  	v63 =	vld [tilespmem:s15+$0x0]  }
0x2e3: {  	[tilespmem:v8+s11+$0x0] =	vst.idx.add.f32.msk $0xffff, v6  }
0x2e4: {  	[tilespmem:v12+s26+$0x0] =	vst.idx.add.f32.msk $0xffff, v7  }
0x2e5: {  	v7 =	vld [tilespmem:s16+$0xFFFFFFF0]  }
0x2e6: {  	v6 =	vld [tilespmem:s16+$0xFFFFFFE0]  }
0x2e7: {  	[tilespmem:v8+s3+$0x0] =	vst.idx.add.f32.msk $0xffff, v2  }
0x2e8: {  	[tilespmem:v4+s26+$0x0] =	vst.idx.add.f32.msk $0xffff, v63  }
0x2e9: {  	v5 =	vld [tilespmem:s16+$0x0]  }
0x2ea: {  	[tilespmem:v3+s11+$0x0] =	vst.idx.add.f32.msk $0xffff, v7  }
0x2eb: {  	[tilespmem:v12+s11+$0x0] =	vst.idx.add.f32.msk $0xffff, v6  }
0x2ec: {  	s17 =	simm.s32 $0x0;
	s18 =	simm.s32 $0x11060;
	[tilespmem:v12+s3+$0x0] =	vst.idx.add.f32.msk $0xffff, v2  }
.LBB2_14:
0x2ed: {  	v6 =	vld [tilespmem:s18+$0x10];
	s10 =	sadd.s32 $0x40, s10  }
0x2ee: {  	v7 =	vld [tilespmem:s10+$0x10]  }
0x2ef: {  	s17 =	sadd.s32 $0x40, s17;
	v8 =	vld [tilespmem:s10+$0xFFFFFFE0]  }
0x2f0: {  	p0 =	slt.u32 s17, $0xFC0;
	v9 =	vld [tilespmem:s18+$0xFFFFFFF0]  }
0x2f1: {  	v10 =	vld [tilespmem:s10+$0xFFFFFFF0]  }
0x2f2: {  	v11 =	vld [tilespmem:s18+$0x0]  }
0x2f3: {  	s14 =	sadd.s32 $0x40, s14;
	v6 =	vadd.s32 v1, v6;
	v12 =	vld [tilespmem:s10+$0x0];
	vm0 =	vgt.f32 v7, $5.000000000e-01  }
0x2f4: {  	vm1 =	vgt.f32 v8, $5.000000000e-01;
	v6 =	vsel vm0, v6, v1;
	v7 =	vld [tilespmem:s14+$0x10]  }
0x2f5: {  	v8 =	vld [tilespmem:s18+$0xFFFFFFE0];
	v9 =	vadd.s32 v1, v9  }
0x2f6: {  	v13 =	vld [tilespmem:s14+$0xFFFFFFE0];
	vm0 =	vgt.f32 v10, $5.000000000e-01  }
0x2f7: {  	v9 =	vsel vm0, v9, v1;
	v10 =	vld [tilespmem:s14+$0xFFFFFFF0];
	v11 =	vadd.s32 v1, v11  }
0x2f8: {  	vm0 =	vgt.f32 v12, $5.000000000e-01;
	v12 =	vld [tilespmem:s14+$0x0]  }
0x2f9: {  	s15 =	sadd.s32 $0x40, s15;
	v11 =	vsel vm0, v11, v1;
	[tilespmem:v6+s1+$0x0] =	vst.idx.add.f32.msk $0xffff, v7  }
0x2fa: {  	v7 =	vadd.s32 v1, v8;
	v8 =	vld [tilespmem:s15+$0x10]  }
0x2fb: {  	v7 =	vsel vm1, v7, v1;
	[tilespmem:v3+s3+$0x0] =	vst.idx.add.f32.msk $0xffff, v2;
	v3 =	vmov v9  }
0x2fc: {  	[tilespmem:v9+s1+$0x0] =	vst.idx.add.f32.msk $0xffff, v10  }
0x2fd: {  	v9 =	vld [tilespmem:s15+$0xFFFFFFF0]  }
0x2fe: {  	[tilespmem:v11+s1+$0x0] =	vst.idx.add.f32.msk $0xffff, v12  }
0x2ff: {  	s16 =	sadd.s32 $0x40, s16;
	[tilespmem:v6+s26+$0x0] =	vst.idx.add.f32.msk $0xffff, v8  }
0x300: {  	v8 =	vld [tilespmem:s16+$0x10]  }
0x301: {  	[tilespmem:v7+s1+$0x0] =	vst.idx.add.f32.msk $0xffff, v13  }
0x302: {  	v10 =	vld [tilespmem:s15+$0xFFFFFFE0]  }
0x303: {  	v12 =	vld [tilespmem:s15+$0x0]  }
0x304: {  	[tilespmem:v3+s26+$0x0] =	vst.idx.add.f32.msk $0xffff, v9  }
0x305: {  	[tilespmem:v6+s11+$0x0] =	vst.idx.add.f32.msk $0xffff, v8  }
0x306: {  	[tilespmem:v6+s3+$0x0] =	vst.idx.add.f32.msk $0xffff, v2  }
0x307: {  	[tilespmem:v7+s26+$0x0] =	vst.idx.add.f32.msk $0xffff, v10  }
0x308: {  	[tilespmem:v11+s26+$0x0] =	vst.idx.add.f32.msk $0xffff, v12  }
0x309: {  	v6 =	vld [tilespmem:s16+$0xFFFFFFE0]  }
0x30a: {  	v8 =	vld [tilespmem:s16+$0xFFFFFFF0]  }
0x30b: {  	v9 =	vld [tilespmem:s16+$0x0]  }
.Ltmp6:
0x30c: {  	[tilespmem:v4+s11+$0x0] =	vst.idx.add.f32.msk $0xffff, v5;
	(pc) =	sbr.rel @p0 .LBB2_14-.Ltmp6, $4  }
0x30d: {  	[tilespmem:v4+s3+$0x0] =	vst.idx.add.f32.msk $0xffff, v2;
	v4 =	vmov v11  }
0x30e: {  	[tilespmem:v7+s11+$0x0] =	vst.idx.add.f32.msk $0xffff, v6  }
0x30f: {  	[tilespmem:v7+s3+$0x0] =	vst.idx.add.f32.msk $0xffff, v2  }
0x310: {  	s18 =	sadd.s32 $0x40, s18;
	[tilespmem:v3+s11+$0x0] =	vst.idx.add.f32.msk $0xffff, v8;
	v5 =	vmov v9  }
0x311: {  	_ =	sdelay $0x3  }
0x312: {  	[tilespmem:v3+s3+$0x0] =	vst.idx.add.f32.msk $0xffff, v2  }
0x313: {  	[tilespmem:v4+s11+$0x0] =	vst.idx.add.f32.msk $0xffff, v5  }
0x314: {  	s7 =	simm.s32 $0x11000;
	[tilespmem:v4+s3+$0x0] =	vst.idx.add.f32.msk $0xffff, v2  }
0x315: {  	[tilespmem:s7], [sflag:$0x2] =	stream.linear.gather [hbm4b:s25+s1], $0x1000, $0x38;
	[tilespmem:$0x1F600] =	vst v63  }
0x316: {  	s16 =	rddreg [dreg:$0x15]  }
0x317: {  	s8 =	simm.s32 $0x13000;
	s17 =	sld [smem:$0x7FA]  }
0x318: {  	[tilespmem:s8], [sflag:$0x2] =	stream.linear.gather [hbm4b:s16+s1], $0x1000, $0x38;
	[tilespmem:$0x1F600] =	vst v63  }
0x319: {  	s18 =	simm.s32 $0x15000;
	s24 =	sld [smem:$0x7FB]  }
0x31a: {  	[tilespmem:s18], [sflag:$0x2] =	stream.linear.gather [hbm4b:s17+s1], $0x1000, $0x38;
	[tilespmem:$0x1F600] =	vst v63  }
0x31b: {  	s25 =	simm.s32 $0x17000;
	s30 =	sld [smem:$0x7FC]  }
0x31c: {  	[tilespmem:s25], [sflag:$0x2] =	stream.linear.gather [hbm4b:s24+s1], $0x1000, $0x38;
	[tilespmem:$0x1F600] =	vst v63  }
0x31d: {  	s31 =	simm.s32 $0x19000  }
0x31e: {  	[tilespmem:s31], [sflag:$0x2] =	stream.linear.gather [hbm4b:s30+s1], $0x1000, $0x38;
	[tilespmem:$0x1F600] =	vst v63  }
0x31f: {  	_ =	swait.ge [sflag:s0], $0x1000  }
0x320: {  	[sflag:s0] =	ssyncset.done $0x0  }
0x321: {  	[sflag:s0] =	ssyncadd.s32 $0xFFFFF000  }
0x322: {  	_ =	swait.ge [sflag:s0], $0x1000  }
0x323: {  	[sflag:s0] =	ssyncset.done $0x0  }
0x324: {  	[sflag:s0] =	ssyncadd.s32 $0xFFFFF000  }
0x325: {  	_ =	swait.ge [sflag:s0], $0x1000  }
0x326: {  	[sflag:s0] =	ssyncset.done $0x0  }
0x327: {  	[sflag:s0] =	ssyncadd.s32 $0xFFFFF000  }
0x328: {  	_ =	swait.ge [sflag:s0], $0x1000  }
0x329: {  	[sflag:s0] =	ssyncset.done $0x0  }
0x32a: {  	[sflag:s0] =	ssyncadd.s32 $0xFFFFF000  }
0x32b: {  	_ =	swait.ge [sflag:s0], $0x1000  }
0x32c: {  	[sflag:s0] =	ssyncset.done $0x0  }
0x32d: {  	s15 =	simm.s32 $0x10020;
	[sflag:s0] =	ssyncadd.s32 $0xFFFFF000  }
0x32e: {  	s10 =	simm.s32 $0x12020;
	v3 =	vld [tilespmem:s15+$0x10]  }
0x32f: {  	v4 =	vld [tilespmem:s10+$0x10];
	_ =	sdelay $0x2  }
0x330: {  	v5 =	vld [tilespmem:s15+$0xFFFFFFF0]  }
0x331: {  	v6 =	vld [tilespmem:s10+$0xFFFFFFF0]  }
0x332: {  	s14 =	simm.s32 $0x14020;
	v7 =	vld [tilespmem:s10+$0xFFFFFFE0];
	vm0 =	vgt.f32 v4, $5.000000000e-01;
	v3 =	vadd.s32 v1, v3  }
0x333: {  	v4 =	vld [tilespmem:s14+$0x10];
	v8 =	vsel vm0, v3, v1  }
0x334: {  	v10 =	vld [tilespmem:s15+$0xFFFFFFE0]  }
0x335: {  	v9 =	vld [tilespmem:s15+$0x0]  }
0x336: {  	v11 =	vld [tilespmem:s10+$0x0];
	vm13 =	vgt.f32 v6, $5.000000000e-01;
	v3 =	vadd.s32 v1, v5  }
0x337: {  	v5 =	vld [tilespmem:s14+$0xFFFFFFF0];
	v3 =	vsel vm13, v3, v1  }
0x338: {  	s15 =	simm.s32 $0x16020;
	[tilespmem:v8+s1+$0x0] =	vst.idx.add.f32.msk $0xffff, v4  }
0x339: {  	vm14 =	vgt.f32 v7, $5.000000000e-01;
	v4 =	vadd.s32 v1, v10;
	v6 =	vld [tilespmem:s15+$0x10]  }
0x33a: {  	v7 =	vld [tilespmem:s14+$0xFFFFFFE0];
	v12 =	vsel vm14, v4, v1  }
0x33b: {  	v62 =	vld [tilespmem:s14+$0x0]  }
0x33c: {  	vm15 =	vgt.f32 v11, $5.000000000e-01;
	v4 =	vadd.s32 v1, v9;
	[tilespmem:v3+s1+$0x0] =	vst.idx.add.f32.msk $0xffff, v5  }
0x33d: {  	v4 =	vsel vm15, v4, v1;
	v5 =	vld [tilespmem:s15+$0xFFFFFFF0]  }
0x33e: {  	[tilespmem:v8+s26+$0x0] =	vst.idx.add.f32.msk $0xffff, v6  }
0x33f: {  	s16 =	simm.s32 $0x18020;
	[tilespmem:v12+s1+$0x0] =	vst.idx.add.f32.msk $0xffff, v7  }
0x340: {  	v6 =	vld [tilespmem:s16+$0x10]  }
0x341: {  	v7 =	vld [tilespmem:s15+$0xFFFFFFE0]  }
0x342: {  	[tilespmem:v4+s1+$0x0] =	vst.idx.add.f32.msk $0xffff, v62  }
0x343: {  	[tilespmem:v3+s26+$0x0] =	vst.idx.add.f32.msk $0xffff, v5  }
0x344: {  	v63 =	vld [tilespmem:s15+$0x0]  }
0x345: {  	[tilespmem:v8+s11+$0x0] =	vst.idx.add.f32.msk $0xffff, v6  }
0x346: {  	[tilespmem:v12+s26+$0x0] =	vst.idx.add.f32.msk $0xffff, v7  }
0x347: {  	v7 =	vld [tilespmem:s16+$0xFFFFFFF0]  }
0x348: {  	v6 =	vld [tilespmem:s16+$0xFFFFFFE0]  }
0x349: {  	[tilespmem:v8+s3+$0x0] =	vst.idx.add.f32.msk $0xffff, v2  }
0x34a: {  	[tilespmem:v4+s26+$0x0] =	vst.idx.add.f32.msk $0xffff, v63  }
0x34b: {  	v5 =	vld [tilespmem:s16+$0x0]  }
0x34c: {  	[tilespmem:v3+s11+$0x0] =	vst.idx.add.f32.msk $0xffff, v7  }
0x34d: {  	[tilespmem:v12+s11+$0x0] =	vst.idx.add.f32.msk $0xffff, v6  }
0x34e: {  	s28 =	simm.s32 $0x10000;
	s17 =	simm.s32 $0x0;
	s18 =	simm.s32 $0x10060;
	[tilespmem:v12+s3+$0x0] =	vst.idx.add.f32.msk $0xffff, v2  }
.LBB2_16:
0x34f: {  	v6 =	vld [tilespmem:s18+$0x10];
	s10 =	sadd.s32 $0x40, s10  }
0x350: {  	v7 =	vld [tilespmem:s10+$0x10]  }
0x351: {  	s17 =	sadd.s32 $0x40, s17;
	v8 =	vld [tilespmem:s10+$0xFFFFFFE0]  }
0x352: {  	p0 =	slt.u32 s17, $0xFC0;
	v9 =	vld [tilespmem:s18+$0xFFFFFFF0]  }
0x353: {  	v10 =	vld [tilespmem:s10+$0xFFFFFFF0]  }
0x354: {  	v11 =	vld [tilespmem:s18+$0x0]  }
0x355: {  	s14 =	sadd.s32 $0x40, s14;
	v6 =	vadd.s32 v1, v6;
	v12 =	vld [tilespmem:s10+$0x0];
	vm0 =	vgt.f32 v7, $5.000000000e-01  }
0x356: {  	vm1 =	vgt.f32 v8, $5.000000000e-01;
	v6 =	vsel vm0, v6, v1;
	v7 =	vld [tilespmem:s14+$0x10]  }
0x357: {  	v8 =	vld [tilespmem:s18+$0xFFFFFFE0];
	v9 =	vadd.s32 v1, v9  }
0x358: {  	v13 =	vld [tilespmem:s14+$0xFFFFFFE0];
	vm0 =	vgt.f32 v10, $5.000000000e-01  }
0x359: {  	v9 =	vsel vm0, v9, v1;
	v10 =	vld [tilespmem:s14+$0xFFFFFFF0];
	v11 =	vadd.s32 v1, v11  }
0x35a: {  	vm0 =	vgt.f32 v12, $5.000000000e-01;
	v12 =	vld [tilespmem:s14+$0x0]  }
0x35b: {  	s15 =	sadd.s32 $0x40, s15;
	v11 =	vsel vm0, v11, v1;
	[tilespmem:v6+s1+$0x0] =	vst.idx.add.f32.msk $0xffff, v7  }
0x35c: {  	v7 =	vadd.s32 v1, v8;
	v8 =	vld [tilespmem:s15+$0x10]  }
0x35d: {  	v7 =	vsel vm1, v7, v1;
	[tilespmem:v3+s3+$0x0] =	vst.idx.add.f32.msk $0xffff, v2;
	v3 =	vmov v9  }
0x35e: {  	[tilespmem:v9+s1+$0x0] =	vst.idx.add.f32.msk $0xffff, v10  }
0x35f: {  	v9 =	vld [tilespmem:s15+$0xFFFFFFF0]  }
0x360: {  	[tilespmem:v11+s1+$0x0] =	vst.idx.add.f32.msk $0xffff, v12  }
0x361: {  	s16 =	sadd.s32 $0x40, s16;
	[tilespmem:v6+s26+$0x0] =	vst.idx.add.f32.msk $0xffff, v8  }
0x362: {  	v8 =	vld [tilespmem:s16+$0x10]  }
0x363: {  	[tilespmem:v7+s1+$0x0] =	vst.idx.add.f32.msk $0xffff, v13  }
0x364: {  	v10 =	vld [tilespmem:s15+$0xFFFFFFE0]  }
0x365: {  	v12 =	vld [tilespmem:s15+$0x0]  }
0x366: {  	[tilespmem:v3+s26+$0x0] =	vst.idx.add.f32.msk $0xffff, v9  }
0x367: {  	[tilespmem:v6+s11+$0x0] =	vst.idx.add.f32.msk $0xffff, v8  }
0x368: {  	[tilespmem:v6+s3+$0x0] =	vst.idx.add.f32.msk $0xffff, v2  }
0x369: {  	[tilespmem:v7+s26+$0x0] =	vst.idx.add.f32.msk $0xffff, v10  }
0x36a: {  	[tilespmem:v11+s26+$0x0] =	vst.idx.add.f32.msk $0xffff, v12  }
0x36b: {  	v6 =	vld [tilespmem:s16+$0xFFFFFFE0]  }
0x36c: {  	v8 =	vld [tilespmem:s16+$0xFFFFFFF0]  }
0x36d: {  	v9 =	vld [tilespmem:s16+$0x0]  }
.Ltmp7:
0x36e: {  	[tilespmem:v4+s11+$0x0] =	vst.idx.add.f32.msk $0xffff, v5;
	(pc) =	sbr.rel @p0 .LBB2_16-.Ltmp7, $4  }
0x36f: {  	[tilespmem:v4+s3+$0x0] =	vst.idx.add.f32.msk $0xffff, v2;
	v4 =	vmov v11  }
0x370: {  	[tilespmem:v7+s11+$0x0] =	vst.idx.add.f32.msk $0xffff, v6  }
0x371: {  	[tilespmem:v7+s3+$0x0] =	vst.idx.add.f32.msk $0xffff, v2  }
0x372: {  	s18 =	sadd.s32 $0x40, s18;
	[tilespmem:v3+s11+$0x0] =	vst.idx.add.f32.msk $0xffff, v8;
	v5 =	vmov v9  }
0x373: {  	_ =	sdelay $0x3  }
0x374: {  	[tilespmem:v3+s3+$0x0] =	vst.idx.add.f32.msk $0xffff, v2  }
0x375: {  	[tilespmem:v4+s11+$0x0] =	vst.idx.add.f32.msk $0xffff, v5  }
0x376: {  	[tilespmem:v4+s3+$0x0] =	vst.idx.add.f32.msk $0xffff, v2  }
0x377: {  	_ =	swait.ge [sflag:s2], $0x1000  }
0x378: {  	[sflag:s2] =	ssyncset.done $0x0  }
0x379: {  	[sflag:s2] =	ssyncadd.s32 $0xFFFFF000  }
0x37a: {  	_ =	swait.ge [sflag:s2], $0x1000  }
0x37b: {  	[sflag:s2] =	ssyncset.done $0x0  }
0x37c: {  	[sflag:s2] =	ssyncadd.s32 $0xFFFFF000  }
0x37d: {  	_ =	swait.ge [sflag:s2], $0x1000  }
0x37e: {  	[sflag:s2] =	ssyncset.done $0x0  }
0x37f: {  	[sflag:s2] =	ssyncadd.s32 $0xFFFFF000  }
0x380: {  	_ =	swait.ge [sflag:s2], $0x1000  }
0x381: {  	[sflag:s2] =	ssyncset.done $0x0  }
0x382: {  	[sflag:s2] =	ssyncadd.s32 $0xFFFFF000  }
0x383: {  	_ =	swait.ge [sflag:s2], $0x1000  }
0x384: {  	[sflag:s2] =	ssyncset.done $0x0  }
0x385: {  	s15 =	simm.s32 $0x11020;
	[sflag:s2] =	ssyncadd.s32 $0xFFFFF000  }
0x386: {  	s10 =	simm.s32 $0x13020;
	v3 =	vld [tilespmem:s15+$0x10]  }
0x387: {  	v4 =	vld [tilespmem:s10+$0x10];
	_ =	sdelay $0x2  }
0x388: {  	v5 =	vld [tilespmem:s15+$0xFFFFFFF0]  }
0x389: {  	v6 =	vld [tilespmem:s10+$0xFFFFFFF0]  }
0x38a: {  	s14 =	simm.s32 $0x15020;
	v7 =	vld [tilespmem:s10+$0xFFFFFFE0];
	vm0 =	vgt.f32 v4, $5.000000000e-01;
	v3 =	vadd.s32 v1, v3  }
0x38b: {  	v4 =	vld [tilespmem:s14+$0x10];
	v8 =	vsel vm0, v3, v1  }
0x38c: {  	v10 =	vld [tilespmem:s15+$0xFFFFFFE0]  }
0x38d: {  	v9 =	vld [tilespmem:s15+$0x0]  }
0x38e: {  	v11 =	vld [tilespmem:s10+$0x0];
	vm13 =	vgt.f32 v6, $5.000000000e-01;
	v3 =	vadd.s32 v1, v5  }
0x38f: {  	v5 =	vld [tilespmem:s14+$0xFFFFFFF0];
	v3 =	vsel vm13, v3, v1  }
0x390: {  	s15 =	simm.s32 $0x17020;
	[tilespmem:v8+s1+$0x0] =	vst.idx.add.f32.msk $0xffff, v4  }
0x391: {  	vm14 =	vgt.f32 v7, $5.000000000e-01;
	v4 =	vadd.s32 v1, v10;
	v6 =	vld [tilespmem:s15+$0x10]  }
0x392: {  	v7 =	vld [tilespmem:s14+$0xFFFFFFE0];
	v12 =	vsel vm14, v4, v1  }
0x393: {  	v62 =	vld [tilespmem:s14+$0x0]  }
0x394: {  	vm15 =	vgt.f32 v11, $5.000000000e-01;
	v4 =	vadd.s32 v1, v9;
	[tilespmem:v3+s1+$0x0] =	vst.idx.add.f32.msk $0xffff, v5  }
0x395: {  	v4 =	vsel vm15, v4, v1;
	v5 =	vld [tilespmem:s15+$0xFFFFFFF0]  }
0x396: {  	[tilespmem:v8+s26+$0x0] =	vst.idx.add.f32.msk $0xffff, v6  }
0x397: {  	s16 =	simm.s32 $0x19020;
	[tilespmem:v12+s1+$0x0] =	vst.idx.add.f32.msk $0xffff, v7  }
0x398: {  	v6 =	vld [tilespmem:s16+$0x10]  }
0x399: {  	v7 =	vld [tilespmem:s15+$0xFFFFFFE0]  }
0x39a: {  	[tilespmem:v4+s1+$0x0] =	vst.idx.add.f32.msk $0xffff, v62  }
0x39b: {  	[tilespmem:v3+s26+$0x0] =	vst.idx.add.f32.msk $0xffff, v5  }
0x39c: {  	v63 =	vld [tilespmem:s15+$0x0]  }
0x39d: {  	[tilespmem:v8+s11+$0x0] =	vst.idx.add.f32.msk $0xffff, v6  }
0x39e: {  	[tilespmem:v12+s26+$0x0] =	vst.idx.add.f32.msk $0xffff, v7  }
0x39f: {  	v7 =	vld [tilespmem:s16+$0xFFFFFFF0]  }
0x3a0: {  	v6 =	vld [tilespmem:s16+$0xFFFFFFE0]  }
0x3a1: {  	[tilespmem:v8+s3+$0x0] =	vst.idx.add.f32.msk $0xffff, v2  }
0x3a2: {  	[tilespmem:v4+s26+$0x0] =	vst.idx.add.f32.msk $0xffff, v63  }
0x3a3: {  	v5 =	vld [tilespmem:s16+$0x0]  }
0x3a4: {  	[tilespmem:v3+s11+$0x0] =	vst.idx.add.f32.msk $0xffff, v7  }
0x3a5: {  	s9 =	smov.u32 s23;
	s30 =	smov.u32 s22;
	s7 =	smov.u32 s21;
	[tilespmem:v12+s11+$0x0] =	vst.idx.add.f32.msk $0xffff, v6  }
0x3a6: {  	s8 =	smov.u32 s20;
	s17 =	simm.s32 $0x0;
	s18 =	simm.s32 $0x11060;
	[tilespmem:v12+s3+$0x0] =	vst.idx.add.f32.msk $0xffff, v2  }
.LBB2_18:
0x3a7: {  	v6 =	vld [tilespmem:s18+$0x10];
	s10 =	sadd.s32 $0x40, s10  }
0x3a8: {  	v7 =	vld [tilespmem:s10+$0x10]  }
0x3a9: {  	s17 =	sadd.s32 $0x40, s17;
	v8 =	vld [tilespmem:s10+$0xFFFFFFE0]  }
0x3aa: {  	p0 =	slt.u32 s17, $0xFC0;
	v9 =	vld [tilespmem:s18+$0xFFFFFFF0]  }
0x3ab: {  	v10 =	vld [tilespmem:s10+$0xFFFFFFF0]  }
0x3ac: {  	v11 =	vld [tilespmem:s18+$0x0]  }
0x3ad: {  	s14 =	sadd.s32 $0x40, s14;
	v6 =	vadd.s32 v1, v6;
	v12 =	vld [tilespmem:s10+$0x0];
	vm0 =	vgt.f32 v7, $5.000000000e-01  }
0x3ae: {  	vm1 =	vgt.f32 v8, $5.000000000e-01;
	v6 =	vsel vm0, v6, v1;
	v7 =	vld [tilespmem:s14+$0x10]  }
0x3af: {  	v8 =	vld [tilespmem:s18+$0xFFFFFFE0];
	v9 =	vadd.s32 v1, v9  }
0x3b0: {  	v13 =	vld [tilespmem:s14+$0xFFFFFFE0];
	vm0 =	vgt.f32 v10, $5.000000000e-01  }
0x3b1: {  	v9 =	vsel vm0, v9, v1;
	v10 =	vld [tilespmem:s14+$0xFFFFFFF0];
	v11 =	vadd.s32 v1, v11  }
0x3b2: {  	vm0 =	vgt.f32 v12, $5.000000000e-01;
	v12 =	vld [tilespmem:s14+$0x0]  }
0x3b3: {  	s15 =	sadd.s32 $0x40, s15;
	v11 =	vsel vm0, v11, v1;
	[tilespmem:v6+s1+$0x0] =	vst.idx.add.f32.msk $0xffff, v7  }
0x3b4: {  	v7 =	vadd.s32 v1, v8;
	v8 =	vld [tilespmem:s15+$0x10]  }
0x3b5: {  	v7 =	vsel vm1, v7, v1;
	[tilespmem:v3+s3+$0x0] =	vst.idx.add.f32.msk $0xffff, v2;
	v3 =	vmov v9  }
0x3b6: {  	[tilespmem:v9+s1+$0x0] =	vst.idx.add.f32.msk $0xffff, v10  }
0x3b7: {  	v9 =	vld [tilespmem:s15+$0xFFFFFFF0]  }
0x3b8: {  	[tilespmem:v11+s1+$0x0] =	vst.idx.add.f32.msk $0xffff, v12  }
0x3b9: {  	s16 =	sadd.s32 $0x40, s16;
	[tilespmem:v6+s26+$0x0] =	vst.idx.add.f32.msk $0xffff, v8  }
0x3ba: {  	v8 =	vld [tilespmem:s16+$0x10]  }
0x3bb: {  	[tilespmem:v7+s1+$0x0] =	vst.idx.add.f32.msk $0xffff, v13  }
0x3bc: {  	v10 =	vld [tilespmem:s15+$0xFFFFFFE0]  }
0x3bd: {  	v12 =	vld [tilespmem:s15+$0x0]  }
0x3be: {  	[tilespmem:v3+s26+$0x0] =	vst.idx.add.f32.msk $0xffff, v9  }
0x3bf: {  	[tilespmem:v6+s11+$0x0] =	vst.idx.add.f32.msk $0xffff, v8  }
0x3c0: {  	[tilespmem:v6+s3+$0x0] =	vst.idx.add.f32.msk $0xffff, v2  }
0x3c1: {  	[tilespmem:v7+s26+$0x0] =	vst.idx.add.f32.msk $0xffff, v10  }
0x3c2: {  	[tilespmem:v11+s26+$0x0] =	vst.idx.add.f32.msk $0xffff, v12  }
0x3c3: {  	v6 =	vld [tilespmem:s16+$0xFFFFFFE0]  }
0x3c4: {  	v8 =	vld [tilespmem:s16+$0xFFFFFFF0]  }
0x3c5: {  	v9 =	vld [tilespmem:s16+$0x0]  }
.Ltmp8:
0x3c6: {  	[tilespmem:v4+s11+$0x0] =	vst.idx.add.f32.msk $0xffff, v5;
	(pc) =	sbr.rel @p0 .LBB2_18-.Ltmp8, $4  }
0x3c7: {  	[tilespmem:v4+s3+$0x0] =	vst.idx.add.f32.msk $0xffff, v2;
	v4 =	vmov v11  }
0x3c8: {  	[tilespmem:v7+s11+$0x0] =	vst.idx.add.f32.msk $0xffff, v6  }
0x3c9: {  	[tilespmem:v7+s3+$0x0] =	vst.idx.add.f32.msk $0xffff, v2  }
0x3ca: {  	s18 =	sadd.s32 $0x40, s18;
	[tilespmem:v3+s11+$0x0] =	vst.idx.add.f32.msk $0xffff, v8;
	v5 =	vmov v9  }
0x3cb: {  	_ =	sdelay $0x3  }
0x3cc: {  	[tilespmem:v3+s3+$0x0] =	vst.idx.add.f32.msk $0xffff, v2  }
0x3cd: {  	[tilespmem:v4+s11+$0x0] =	vst.idx.add.f32.msk $0xffff, v5  }
0x3ce: {  	s14 =	simm.s32 $0x0;
	[tilespmem:v4+s3+$0x0] =	vst.idx.add.f32.msk $0xffff, v2  }
0x3cf: {  	[tilespmem:s28], [sflag:$0x1] =	stream.linear.gather [hbm4b:s19+s14], $0x1000, $0x38;
	[tilespmem:$0x1F600] =	vst v63  }
0x3d0: {  	s10 =	simm.s32 $0x12000;
	s15 =	simm.s32 $0x0  }
0x3d1: {  	[tilespmem:s10], [sflag:$0x1] =	stream.linear.gather [hbm4b:s29+s14], $0x1000, $0x38;
	[tilespmem:$0x1F600] =	vst v63  }
0x3d2: {  	v3 =	vld [tilespmem:s15+$0x10]  }
0x3d3: {  	v4 =	vld [tilespmem:s15+$0x410];
	_ =	sdelay $0x1  }
0x3d4: {  	v5 =	vld [tilespmem:s15+$0x810];
	_ =	sdelay $0x1  }
0x3d5: {  	v6 =	vld [tilespmem:s15+$0xC10]  }
0x3d6: {  	v3 =	vadd.f32 v4, v3  }
0x3d7: {  	v4 =	vld [tilespmem:s15+$0x1010]  }
0x3d8: {  	v3 =	vadd.f32 v5, v3  }
0x3d9: {  	v5 =	vld [tilespmem:s15+$0x1410]  }
0x3da: {  	v3 =	vadd.f32 v6, v3  }
0x3db: {  	v6 =	vld [tilespmem:s15+$0x1810]  }
0x3dc: {  	v3 =	vadd.f32 v4, v3  }
0x3dd: {  	v4 =	vld [tilespmem:s15+$0x1C10]  }
0x3de: {  	v7 =	vld [tilespmem:s15+$0x0];
	v3 =	vadd.f32 v5, v3  }
0x3df: {  	v5 =	vld [tilespmem:s15+$0x2010]  }
0x3e0: {  	v8 =	vld [tilespmem:s15+$0x400];
	v3 =	vadd.f32 v6, v3  }
0x3e1: {  	v6 =	vld [tilespmem:s15+$0x2410]  }
0x3e2: {  	v9 =	vld [tilespmem:s15+$0x800];
	v3 =	vadd.f32 v4, v3  }
0x3e3: {  	v4 =	vld [tilespmem:s15+$0x2810]  }
0x3e4: {  	v10 =	vld [tilespmem:s15+$0xC00];
	v3 =	vadd.f32 v5, v3  }
0x3e5: {  	v5 =	vld [tilespmem:s15+$0x2C10]  }
0x3e6: {  	v7 =	vadd.f32 v8, v7;
	v8 =	vld [tilespmem:s15+$0x1000];
	v3 =	vadd.f32 v6, v3  }
0x3e7: {  	v6 =	vld [tilespmem:s15+$0x3010]  }
0x3e8: {  	v7 =	vadd.f32 v9, v7;
	v9 =	vld [tilespmem:s15+$0x1400];
	v3 =	vadd.f32 v4, v3  }
0x3e9: {  	v4 =	vld [tilespmem:s15+$0x3410]  }
0x3ea: {  	v7 =	vadd.f32 v10, v7;
	v10 =	vld [tilespmem:s15+$0x1800];
	v3 =	vadd.f32 v5, v3  }
0x3eb: {  	v5 =	vld [tilespmem:s15+$0x3810]  }
0x3ec: {  	v7 =	vadd.f32 v8, v7;
	v8 =	vld [tilespmem:s15+$0x1C00];
	v3 =	vadd.f32 v6, v3  }
0x3ed: {  	v6 =	vld [tilespmem:s15+$0x3C10]  }
0x3ee: {  	v7 =	vadd.f32 v9, v7;
	v3 =	vadd.f32 v4, v3  }
0x3ef: {  	v4 =	vld [tilespmem:s15+$0x2000]  }
0x3f0: {  	v7 =	vadd.f32 v10, v7;
	v3 =	vadd.f32 v5, v3  }
0x3f1: {  	s16 =	simm.s32 $0x10;
	s20 =	sand.u32 $0xE00, s14;
	v5 =	vld [tilespmem:s15+$0x2400]  }
0x3f2: {  	s16 =	sand.u32 $0x70, s16;
	s10 =	sor.u32 $0x1C000, s20;
	v7 =	vadd.f32 v8, v7;
	v3 =	vadd.f32 v6, v3  }
0x3f3: {  	s16 =	sor.u32 s16, s10;
	v6 =	vld [tilespmem:s15+$0x2800]  }
0x3f4: {  	v8 =	vld [tilespmem:s15+$0x2C00];
	v4 =	vadd.f32 v4, v7;
	[tilespmem:s16+$0x0] =	vst v3  }
0x3f5: {  	v3 =	vld [tilespmem:s15+$0x4010]  }
0x3f6: {  	v4 =	vadd.f32 v5, v4;
	v5 =	vld [tilespmem:s15+$0x4410]  }
0x3f7: {  	v7 =	vld [tilespmem:s15+$0x3000]  }
0x3f8: {  	v4 =	vadd.f32 v6, v4;
	v6 =	vld [tilespmem:s15+$0x4810]  }
0x3f9: {  	v9 =	vld [tilespmem:s15+$0x3400]  }
0x3fa: {  	v4 =	vadd.f32 v8, v4;
	v8 =	vld [tilespmem:s15+$0x4C10]  }
0x3fb: {  	v10 =	vld [tilespmem:s15+$0x3800];
	v3 =	vadd.f32 v5, v3  }
0x3fc: {  	v5 =	vld [tilespmem:s15+$0x5010];
	v4 =	vadd.f32 v7, v4  }
0x3fd: {  	v7 =	vld [tilespmem:s15+$0x3C00];
	v3 =	vadd.f32 v6, v3  }
0x3fe: {  	v6 =	vld [tilespmem:s15+$0x5410];
	v4 =	vadd.f32 v9, v4  }
0x3ff: {  	v3 =	vadd.f32 v8, v3  }
0x400: {  	v8 =	vld [tilespmem:s15+$0x5810];
	v4 =	vadd.f32 v10, v4  }
0x401: {  	s17 =	simm.s32 $0x0;
	v3 =	vadd.f32 v5, v3  }
0x402: {  	s17 =	sand.u32 $0x60, s17;
	v5 =	vld [tilespmem:s15+$0x5C10];
	v4 =	vadd.f32 v7, v4  }
0x403: {  	s10 =	sor.u32 s17, s10;
	v3 =	vadd.f32 v6, v3  }
0x404: {  	[tilespmem:s10+$0x0] =	vst v4;
	v4 =	vld [tilespmem:s15+$0x6010]  }
0x405: {  	v7 =	vld [tilespmem:s15+$0x6410];
	v3 =	vadd.f32 v8, v3  }
0x406: {  	v6 =	vld [tilespmem:s15+$0x4000]  }
0x407: {  	v8 =	vld [tilespmem:s15+$0x4400];
	v3 =	vadd.f32 v5, v3  }
0x408: {  	v5 =	vld [tilespmem:s15+$0x6810]  }
0x409: {  	v9 =	vld [tilespmem:s15+$0x4800];
	v3 =	vadd.f32 v4, v3  }
0x40a: {  	v4 =	vld [tilespmem:s15+$0x6C10]  }
0x40b: {  	v10 =	vld [tilespmem:s15+$0x4C00];
	v3 =	vadd.f32 v7, v3  }
0x40c: {  	v6 =	vadd.f32 v8, v6;
	v7 =	vld [tilespmem:s15+$0x7010]  }
0x40d: {  	v8 =	vld [tilespmem:s15+$0x5000];
	v3 =	vadd.f32 v5, v3  }
0x40e: {  	v6 =	vadd.f32 v9, v6;
	v5 =	vld [tilespmem:s15+$0x7410]  }
0x40f: {  	v9 =	vld [tilespmem:s15+$0x5400];
	v3 =	vadd.f32 v4, v3  }
0x410: {  	v6 =	vadd.f32 v10, v6;
	v4 =	vld [tilespmem:s15+$0x7810]  }
0x411: {  	v10 =	vld [tilespmem:s15+$0x5800];
	v3 =	vadd.f32 v7, v3  }
0x412: {  	v6 =	vadd.f32 v8, v6;
	v7 =	vld [tilespmem:s15+$0x7C10]  }
0x413: {  	v3 =	vadd.f32 v5, v3;
	v5 =	vld [tilespmem:s15+$0x5C00]  }
0x414: {  	v6 =	vadd.f32 v9, v6  }
0x415: {  	v3 =	vadd.f32 v4, v3;
	v4 =	vld [tilespmem:s15+$0x6000]  }
0x416: {  	v6 =	vadd.f32 v10, v6  }
0x417: {  	v3 =	vadd.f32 v7, v3;
	v7 =	vld [tilespmem:s15+$0x6400]  }
0x418: {  	v8 =	vld [tilespmem:s15+$0x6800];
	v5 =	vadd.f32 v5, v6  }
0x419: {  	v6 =	vld [tilespmem:s15+$0x6C00];
	[tilespmem:s16+$0x80] =	vst v3  }
0x41a: {  	v3 =	vld [tilespmem:s15+$0x8010];
	v4 =	vadd.f32 v4, v5  }
0x41b: {  	v5 =	vld [tilespmem:s15+$0x8410]  }
0x41c: {  	v9 =	vld [tilespmem:s15+$0x7000];
	v4 =	vadd.f32 v7, v4  }
0x41d: {  	v7 =	vld [tilespmem:s15+$0x8810]  }
0x41e: {  	v10 =	vld [tilespmem:s15+$0x7400];
	v4 =	vadd.f32 v8, v4  }
0x41f: {  	v8 =	vld [tilespmem:s15+$0x8C10]  }
0x420: {  	v3 =	vadd.f32 v5, v3;
	v5 =	vld [tilespmem:s15+$0x9010];
	v4 =	vadd.f32 v6, v4  }
0x421: {  	v6 =	vld [tilespmem:s15+$0x7800]  }
0x422: {  	v3 =	vadd.f32 v7, v3;
	v7 =	vld [tilespmem:s15+$0x9410];
	v4 =	vadd.f32 v9, v4  }
0x423: {  	v9 =	vld [tilespmem:s15+$0x7C00]  }
0x424: {  	v3 =	vadd.f32 v8, v3;
	v4 =	vadd.f32 v10, v4  }
0x425: {  	v8 =	vld [tilespmem:s15+$0x9810]  }
0x426: {  	v3 =	vadd.f32 v5, v3;
	v4 =	vadd.f32 v6, v4  }
0x427: {  	v5 =	vld [tilespmem:s15+$0x9C10]  }
0x428: {  	v3 =	vadd.f32 v7, v3;
	v4 =	vadd.f32 v9, v4  }
0x429: {  	v6 =	vld [tilespmem:s15+$0xA010]  }
0x42a: {  	v3 =	vadd.f32 v8, v3;
	[tilespmem:s10+$0x80] =	vst v4;
	v4 =	vld [tilespmem:s15+$0xA410]  }
0x42b: {  	v19 =	vld [tilespmem:s15+$0x8000]  }
0x42c: {  	v3 =	vadd.f32 v5, v3;
	v5 =	vld [tilespmem:s15+$0xA810]  }
0x42d: {  	v20 =	vld [tilespmem:s15+$0x8400]  }
0x42e: {  	v21 =	vld [tilespmem:s15+$0x8800]  }
0x42f: {  	v22 =	vld [tilespmem:s15+$0x8C00]  }
0x430: {  	v23 =	vld [tilespmem:s15+$0x9000];
	v3 =	vadd.f32 v6, v3  }
0x431: {  	v6 =	vld [tilespmem:s15+$0xAC10]  }
0x432: {  	v24 =	vld [tilespmem:s15+$0x9400];
	v3 =	vadd.f32 v4, v3  }
0x433: {  	v4 =	vld [tilespmem:s15+$0xB010]  }
0x434: {  	v25 =	vld [tilespmem:s15+$0x9800];
	v3 =	vadd.f32 v5, v3  }
0x435: {  	v5 =	vld [tilespmem:s15+$0xB410]  }
0x436: {  	v26 =	vld [tilespmem:s15+$0x9C00];
	v3 =	vadd.f32 v6, v3  }
0x437: {  	v6 =	vld [tilespmem:s15+$0xB810]  }
0x438: {  	v27 =	vld [tilespmem:s15+$0xA000];
	v3 =	vadd.f32 v4, v3  }
0x439: {  	v4 =	vld [tilespmem:s15+$0xBC10]  }
0x43a: {  	v28 =	vld [tilespmem:s15+$0xA400];
	v3 =	vadd.f32 v5, v3  }
0x43b: {  	v29 =	vld [tilespmem:s15+$0xA800]  }
0x43c: {  	v30 =	vld [tilespmem:s15+$0xAC00];
	v3 =	vadd.f32 v6, v3  }
0x43d: {  	v31 =	vld [tilespmem:s15+$0xB000]  }
0x43e: {  	v32 =	vld [tilespmem:s15+$0xB400];
	v3 =	vadd.f32 v4, v3  }
0x43f: {  	v33 =	vld [tilespmem:s15+$0xB800]  }
0x440: {  	v34 =	vld [tilespmem:s15+$0xBC00];
	[tilespmem:s16+$0x100] =	vst v3  }
0x441: {  	v17 =	vld [tilespmem:s15+$0xC010]  }
0x442: {  	v18 =	vld [tilespmem:s15+$0xC410]  }
0x443: {  	v16 =	vld [tilespmem:s15+$0xC810]  }
0x444: {  	v15 =	vld [tilespmem:s15+$0xCC10]  }
0x445: {  	v14 =	vld [tilespmem:s15+$0xD010]  }
0x446: {  	v13 =	vld [tilespmem:s15+$0xD410]  }
0x447: {  	v12 =	vld [tilespmem:s15+$0xD810]  }
0x448: {  	v11 =	vld [tilespmem:s15+$0xDC10]  }
0x449: {  	s16 =	simm.s32 $0x20;
	v10 =	vld [tilespmem:s15+$0xE010]  }
0x44a: {  	v3 =	vld [tilespmem:s16+$0x10]  }
0x44b: {  	v9 =	vld [tilespmem:s15+$0xE410]  }
0x44c: {  	v4 =	vld [tilespmem:s16+$0x410]  }
0x44d: {  	v8 =	vld [tilespmem:s15+$0xE810]  }
0x44e: {  	v5 =	vld [tilespmem:s16+$0x810]  }
0x44f: {  	v7 =	vld [tilespmem:s15+$0xEC10]  }
0x450: {  	v35 =	vld [tilespmem:s16+$0xC10]  }
0x451: {  	v6 =	vld [tilespmem:s15+$0xF010];
	v3 =	vadd.f32 v4, v3  }
0x452: {  	v36 =	vld [tilespmem:s16+$0x1010]  }
0x453: {  	v63 =	vld [tilespmem:s16+$0x1410];
	v3 =	vadd.f32 v5, v3  }
0x454: {  	v19 =	vadd.f32 v20, v19;
	v37 =	vld [tilespmem:s16+$0x1810]  }
0x455: {  	v38 =	vld [tilespmem:s16+$0x1C10];
	v3 =	vadd.f32 v35, v3  }
0x456: {  	v19 =	vadd.f32 v21, v19;
	v39 =	vld [tilespmem:s16+$0x0]  }
0x457: {  	v40 =	vld [tilespmem:s16+$0x2010];
	v35 =	vadd.f32 v36, v3  }
0x458: {  	v19 =	vadd.f32 v22, v19;
	v41 =	vld [tilespmem:s16+$0x400]  }
0x459: {  	v42 =	vld [tilespmem:s16+$0x2410];
	v20 =	vadd.f32 v63, v35  }
0x45a: {  	v19 =	vadd.f32 v23, v19;
	v43 =	vld [tilespmem:s16+$0x800]  }
0x45b: {  	v44 =	vld [tilespmem:s16+$0x2810];
	v20 =	vadd.f32 v37, v20  }
0x45c: {  	v19 =	vadd.f32 v24, v19;
	v45 =	vld [tilespmem:s16+$0xC00]  }
0x45d: {  	v46 =	vld [tilespmem:s16+$0x2C10];
	v20 =	vadd.f32 v38, v20  }
0x45e: {  	v19 =	vadd.f32 v25, v19;
	v47 =	vld [tilespmem:s16+$0x1000]  }
0x45f: {  	v48 =	vld [tilespmem:s16+$0x3010];
	v20 =	vadd.f32 v40, v20  }
0x460: {  	v19 =	vadd.f32 v26, v19;
	v49 =	vld [tilespmem:s16+$0x1400]  }
0x461: {  	v50 =	vld [tilespmem:s16+$0x3410];
	v21 =	vadd.f32 v41, v39;
	v20 =	vadd.f32 v42, v20  }
0x462: {  	v19 =	vadd.f32 v27, v19;
	v51 =	vld [tilespmem:s16+$0x1800]  }
0x463: {  	v52 =	vld [tilespmem:s16+$0x3810];
	v21 =	vadd.f32 v43, v21;
	v20 =	vadd.f32 v44, v20  }
0x464: {  	v53 =	vld [tilespmem:s16+$0x1C00];
	v19 =	vadd.f32 v28, v19  }
0x465: {  	v54 =	vld [tilespmem:s16+$0x3C10];
	v21 =	vadd.f32 v45, v21;
	v20 =	vadd.f32 v46, v20  }
0x466: {  	v55 =	vld [tilespmem:s16+$0x2000];
	v19 =	vadd.f32 v29, v19  }
0x467: {  	v56 =	vld [tilespmem:s16+$0x2400];
	v21 =	vadd.f32 v47, v21;
	v20 =	vadd.f32 v48, v20  }
0x468: {  	v57 =	vld [tilespmem:s16+$0x2800];
	v19 =	vadd.f32 v30, v19  }
0x469: {  	v58 =	vld [tilespmem:s16+$0x2C00];
	v21 =	vadd.f32 v49, v21;
	v20 =	vadd.f32 v50, v20  }
0x46a: {  	v59 =	vld [tilespmem:s16+$0x3000];
	v19 =	vadd.f32 v31, v19  }
0x46b: {  	s17 =	simm.s32 $0x80;
	v60 =	vld [tilespmem:s16+$0x3400];
	v21 =	vadd.f32 v51, v21;
	v20 =	vadd.f32 v52, v20  }
0x46c: {  	s21 =	simm.s32 $0x30;
	s18 =	sand.u32 $0xE00, s17;
	v61 =	vld [tilespmem:s16+$0x3800];
	v19 =	vadd.f32 v32, v19  }
0x46d: {  	s22 =	sand.u32 $0x70, s21;
	s20 =	sor.u32 $0x1C000, s18;
	v4 =	vld [tilespmem:s15+$0xF810];
	v21 =	vadd.f32 v53, v21;
	v20 =	vadd.f32 v54, v20  }
0x46e: {  	s25 =	smov.u32 s19;
	s19 =	sor.u32 s22, s20;
	v5 =	vld [tilespmem:s15+$0xF410]  }
0x46f: {  	v3 =	vld [tilespmem:s15+$0xFC10];
	v19 =	vadd.f32 v33, v19;
	v21 =	vadd.f32 v55, v21;
	[tilespmem:s19+$0x0] =	vst v20  }
0x470: {  	v20 =	vld [tilespmem:s16+$0x4010]  }
0x471: {  	v19 =	vadd.f32 v34, v19;
	v21 =	vadd.f32 v56, v21;
	v62 =	vld [tilespmem:s16+$0x4410]  }
0x472: {  	v63 =	vld [tilespmem:s16+$0x3C00]  }
0x473: {  	v17 =	vadd.f32 v18, v17;
	[tilespmem:s10+$0x100] =	vst v19;
	v30 =	vadd.f32 v57, v21;
	v31 =	vld [tilespmem:s16+$0x4810]  }
0x474: {  	v23 =	vld [tilespmem:s15+$0xC000]  }
0x475: {  	v16 =	vadd.f32 v16, v17;
	v19 =	vadd.f32 v58, v30;
	v32 =	vld [tilespmem:s16+$0x4C10]  }
0x476: {  	v25 =	vld [tilespmem:s15+$0xC400];
	v20 =	vadd.f32 v62, v20  }
0x477: {  	v15 =	vadd.f32 v15, v16;
	v19 =	vadd.f32 v59, v19;
	v33 =	vld [tilespmem:s16+$0x5010]  }
0x478: {  	v26 =	vld [tilespmem:s15+$0xCC00];
	v20 =	vadd.f32 v31, v20  }
0x479: {  	v14 =	vadd.f32 v14, v15;
	v19 =	vadd.f32 v60, v19;
	v34 =	vld [tilespmem:s16+$0x5410]  }
0x47a: {  	v24 =	vld [tilespmem:s15+$0xD000];
	v20 =	vadd.f32 v32, v20  }
0x47b: {  	v13 =	vadd.f32 v13, v14;
	v19 =	vadd.f32 v61, v19;
	v35 =	vld [tilespmem:s16+$0x5810]  }
0x47c: {  	s18 =	simm.s32 $0x20;
	v27 =	vld [tilespmem:s15+$0xD400];
	v20 =	vadd.f32 v33, v20  }
0x47d: {  	s23 =	sand.u32 $0x60, s18;
	v12 =	vadd.f32 v12, v13;
	v19 =	vadd.f32 v63, v19;
	v36 =	vld [tilespmem:s16+$0x5C10]  }
0x47e: {  	s21 =	sor.u32 s23, s20;
	v21 =	vld [tilespmem:s15+$0xC800];
	v20 =	vadd.f32 v34, v20  }
0x47f: {  	v11 =	vadd.f32 v11, v12;
	[tilespmem:s21+$0x0] =	vst v19;
	v37 =	vld [tilespmem:s16+$0x6010]  }
0x480: {  	v38 =	vld [tilespmem:s16+$0x4000];
	v20 =	vadd.f32 v35, v20  }
0x481: {  	v10 =	vadd.f32 v10, v11;
	v39 =	vld [tilespmem:s16+$0x6410]  }
0x482: {  	v40 =	vld [tilespmem:s16+$0x4400];
	v20 =	vadd.f32 v36, v20  }
0x483: {  	v9 =	vadd.f32 v9, v10;
	v41 =	vld [tilespmem:s16+$0x6810]  }
0x484: {  	v42 =	vld [tilespmem:s16+$0x4800];
	v19 =	vadd.f32 v37, v20  }
0x485: {  	v8 =	vadd.f32 v8, v9;
	v43 =	vld [tilespmem:s16+$0x6C10]  }
0x486: {  	v44 =	vld [tilespmem:s16+$0x4C00];
	v19 =	vadd.f32 v39, v19  }
0x487: {  	v7 =	vadd.f32 v7, v8;
	v45 =	vld [tilespmem:s16+$0x7010]  }
0x488: {  	v46 =	vld [tilespmem:s16+$0x5000];
	v29 =	vadd.f32 v40, v38;
	v19 =	vadd.f32 v41, v19  }
0x489: {  	v6 =	vadd.f32 v6, v7;
	v47 =	vld [tilespmem:s16+$0x7410]  }
0x48a: {  	v48 =	vld [tilespmem:s16+$0x5400];
	v29 =	vadd.f32 v42, v29;
	v19 =	vadd.f32 v43, v19  }
0x48b: {  	v5 =	vadd.f32 v5, v6;
	v49 =	vld [tilespmem:s16+$0x7810]  }
0x48c: {  	v50 =	vld [tilespmem:s16+$0x5800];
	v29 =	vadd.f32 v44, v29;
	v19 =	vadd.f32 v45, v19  }
0x48d: {  	v5 =	vadd.f32 v4, v5;
	v51 =	vld [tilespmem:s16+$0x7C10]  }
0x48e: {  	v4 =	vld [tilespmem:s15+$0xF000];
	v29 =	vadd.f32 v46, v29;
	v19 =	vadd.f32 v47, v19  }
0x48f: {  	v52 =	vld [tilespmem:s16+$0x5C00]  }
0x490: {  	v53 =	vld [tilespmem:s16+$0x6000];
	v29 =	vadd.f32 v48, v29;
	v19 =	vadd.f32 v49, v19  }
0x491: {  	v54 =	vld [tilespmem:s16+$0x6400]  }
0x492: {  	v55 =	vld [tilespmem:s16+$0x6800];
	v29 =	vadd.f32 v50, v29;
	v19 =	vadd.f32 v51, v19  }
0x493: {  	v56 =	vld [tilespmem:s16+$0x6C00]  }
0x494: {  	v57 =	vld [tilespmem:s16+$0x7000];
	v29 =	vadd.f32 v52, v29;
	[tilespmem:s19+$0x80] =	vst v19  }
0x495: {  	v19 =	vld [tilespmem:s16+$0x8010]  }
0x496: {  	v28 =	vadd.f32 v53, v29;
	v59 =	vld [tilespmem:s16+$0x8410]  }
0x497: {  	v58 =	vld [tilespmem:s16+$0x7400]  }
0x498: {  	v28 =	vadd.f32 v54, v28;
	v61 =	vld [tilespmem:s16+$0x8810]  }
0x499: {  	v60 =	vld [tilespmem:s16+$0x7800]  }
0x49a: {  	v20 =	vadd.f32 v55, v28;
	v63 =	vld [tilespmem:s16+$0x8C10]  }
0x49b: {  	v62 =	vld [tilespmem:s16+$0x7C00];
	v19 =	vadd.f32 v59, v19  }
0x49c: {  	v20 =	vadd.f32 v56, v20;
	v37 =	vld [tilespmem:s16+$0x9010]  }
0x49d: {  	v38 =	vld [tilespmem:s15+$0xDC00];
	v19 =	vadd.f32 v61, v19  }
0x49e: {  	v20 =	vadd.f32 v57, v20;
	v39 =	vld [tilespmem:s16+$0x9410]  }
0x49f: {  	v40 =	vld [tilespmem:s15+$0xE000];
	v19 =	vadd.f32 v63, v19  }
0x4a0: {  	v20 =	vadd.f32 v58, v20;
	v41 =	vld [tilespmem:s16+$0x9810]  }
0x4a1: {  	v42 =	vld [tilespmem:s15+$0xE400];
	v19 =	vadd.f32 v37, v19  }
0x4a2: {  	v20 =	vadd.f32 v60, v20;
	v43 =	vld [tilespmem:s16+$0x9C10]  }
0x4a3: {  	v44 =	vld [tilespmem:s15+$0xE800];
	v19 =	vadd.f32 v39, v19  }
0x4a4: {  	v20 =	vadd.f32 v62, v20;
	v45 =	vld [tilespmem:s16+$0xA010]  }
0x4a5: {  	v46 =	vld [tilespmem:s15+$0xEC00];
	v19 =	vadd.f32 v41, v19  }
0x4a6: {  	[tilespmem:s21+$0x80] =	vst v20;
	v47 =	vld [tilespmem:s16+$0xA410]  }
0x4a7: {  	v20 =	vld [tilespmem:s16+$0x8000];
	v19 =	vadd.f32 v43, v19  }
0x4a8: {  	v48 =	vld [tilespmem:s16+$0xA810]  }
0x4a9: {  	v49 =	vld [tilespmem:s16+$0x8400];
	v19 =	vadd.f32 v45, v19  }
0x4aa: {  	v50 =	vld [tilespmem:s16+$0xAC10]  }
0x4ab: {  	v51 =	vld [tilespmem:s16+$0x8800];
	v18 =	vadd.f32 v47, v19  }
0x4ac: {  	v15 =	vld [tilespmem:s16+$0xB010]  }
0x4ad: {  	v52 =	vld [tilespmem:s16+$0x8C00];
	v17 =	vadd.f32 v48, v18  }
0x4ae: {  	v53 =	vld [tilespmem:s16+$0xB410];
	v14 =	vadd.f32 v49, v20  }
0x4af: {  	v54 =	vld [tilespmem:s16+$0x9000];
	v16 =	vadd.f32 v50, v17  }
0x4b0: {  	v13 =	vadd.f32 v51, v14;
	v14 =	vld [tilespmem:s16+$0xB810]  }
0x4b1: {  	v55 =	vadd.f32 v25, v23;
	v56 =	vld [tilespmem:s16+$0x9400];
	v15 =	vadd.f32 v15, v16  }
0x4b2: {  	v12 =	vadd.f32 v52, v13;
	v13 =	vld [tilespmem:s16+$0xBC10]  }
0x4b3: {  	v57 =	vadd.f32 v21, v55;
	v58 =	vld [tilespmem:s16+$0x9800];
	v15 =	vadd.f32 v53, v15  }
0x4b4: {  	v36 =	vld [tilespmem:s15+$0xD800];
	v11 =	vadd.f32 v54, v12  }
0x4b5: {  	v59 =	vadd.f32 v26, v57;
	v12 =	vld [tilespmem:s16+$0x9C00];
	v14 =	vadd.f32 v14, v15  }
0x4b6: {  	v61 =	vld [tilespmem:s16+$0xAC00];
	v10 =	vadd.f32 v56, v11  }
0x4b7: {  	v60 =	vadd.f32 v24, v59;
	v15 =	vld [tilespmem:s16+$0xA000];
	v13 =	vadd.f32 v13, v14  }
0x4b8: {  	v11 =	vld [tilespmem:s16+$0xA400];
	v10 =	vadd.f32 v58, v10  }
0x4b9: {  	v9 =	vadd.f32 v27, v60;
	v14 =	vld [tilespmem:s16+$0xA800];
	[tilespmem:s19+$0x100] =	vst v13  }
0x4ba: {  	v10 =	vadd.f32 v12, v10;
	v12 =	vld [tilespmem:s16+$0xC010]  }
0x4bb: {  	v8 =	vadd.f32 v36, v9;
	v9 =	vld [tilespmem:s16+$0xC410]  }
0x4bc: {  	v63 =	vadd.f32 v3, v5;
	v5 =	vld [tilespmem:s15+$0xF400];
	v10 =	vadd.f32 v15, v10  }
0x4bd: {  	v7 =	vadd.f32 v38, v8;
	v62 =	vld [tilespmem:s16+$0xC810]  }
0x4be: {  	v13 =	vld [tilespmem:s16+$0xB000];
	v10 =	vadd.f32 v11, v10  }
0x4bf: {  	v6 =	vadd.f32 v40, v7;
	v11 =	vld [tilespmem:s16+$0xCC10]  }
0x4c0: {  	v15 =	vld [tilespmem:s16+$0xB400];
	v10 =	vadd.f32 v14, v10;
	v9 =	vadd.f32 v9, v12  }
0x4c1: {  	s24 =	smov.u32 s29;
	s28 =	sand.u32 $0x7, s14;
	v6 =	vadd.f32 v42, v6;
	v14 =	vld [tilespmem:s16+$0xD010]  }
0x4c2: {  	s31 =	simm.s32 $0x1;
	s29 =	sand.u32 $0x3, s14;
	s10 =	sshll.u32 s28, $0x4;
	v8 =	vld [tilespmem:s16+$0xB800];
	v10 =	vadd.f32 v61, v10;
	v12 =	vadd.f32 v62, v9  }
0x4c3: {  	s22 =	simm.s32 $0x2;
	s20 =	sand.u32 $0x3, s31;
	s10 =	sadd.s32 $0x0, s10;
	v3 =	vadd.f32 v44, v6;
	v9 =	vld [tilespmem:s16+$0xD410]  }
0x4c4: {  	s20 =	sshll.u32 s20, $0x5;
	s10 =	sadd.s32 $0x10, s10;
	v7 =	vld [tilespmem:s16+$0xBC00];
	s19 =	sshll.u32 s29, $0x5;
	v6 =	vadd.f32 v13, v10;
	v11 =	vadd.f32 v11, v12  }
0x4c5: {  	s20 =	sadd.s32 $0x80, s20;
	s10 =	sor.u32 $0x180, s10;
	v3 =	vadd.f32 v46, v3;
	s19 =	sadd.s32 $0x0, s19;
	v10 =	vld [tilespmem:s16+$0xD810]  }
0x4c6: {  	s20 =	sor.u32 $0x180, s20;
	[tilespmem:s10+$0x1C000] =	vst v63;
	s10 =	simm.s32 $0x80;
	s19 =	sor.u32 $0x180, s19;
	v12 =	vadd.f32 v15, v6;
	v6 =	vld [tilespmem:s15+$0xF800];
	v11 =	vadd.f32 v14, v11  }
.LBB2_20:
0x4c7: {  	s23 =	sand.u32 $0x3, s22;
	v13 =	vld [tilespmem:s16+$0xDC10];
	v3 =	vadd.f32 v4, v3  }
0x4c8: {  	s17 =	sadd.s32 $0x80, s17;
	s23 =	sshll.u32 s23, $0x5;
	v4 =	vadd.f32 v8, v12;
	v8 =	vadd.f32 v9, v11;
	v9 =	vld [tilespmem:s15+$0xFC00];
	s15 =	smov.u32 s16  }
0x4c9: {  	s16 =	sshra.s32 s17, $0x2;
	s23 =	sadd.s32 s23, s17;
	v11 =	vld [tilespmem:s15+$0xE010];
	v3 =	vadd.f32 v5, v3  }
0x4ca: {  	s23 =	sor.u32 $0x180, s23;
	v5 =	vld [tilespmem:s16+$0x10];
	v4 =	vadd.f32 v7, v4;
	v7 =	vadd.f32 v10, v8  }
0x4cb: {  	v8 =	vld [tilespmem:s15+$0xE410];
	v3 =	vadd.f32 v6, v3  }
0x4cc: {  	v6 =	vld [tilespmem:s16+$0x410];
	[tilespmem:s21+$0x100] =	vst v4;
	v4 =	vadd.f32 v13, v7  }
0x4cd: {  	v7 =	vld [tilespmem:s15+$0xE810];
	v3 =	vadd.f32 v9, v3  }
0x4ce: {  	v9 =	vld [tilespmem:s16+$0x810];
	v4 =	vadd.f32 v11, v4  }
0x4cf: {  	v10 =	vld [tilespmem:s15+$0xEC10];
	[tilespmem:s19+$0x1C000] =	vst v3;
	s19 =	smov.u32 s20;
	s20 =	smov.u32 s23  }
0x4d0: {  	v3 =	vld [tilespmem:s16+$0xC10];
	v4 =	vadd.f32 v8, v4  }
0x4d1: {  	v5 =	vadd.f32 v6, v5;
	v6 =	vld [tilespmem:s15+$0xF010]  }
0x4d2: {  	v8 =	vld [tilespmem:s16+$0x1010];
	v4 =	vadd.f32 v7, v4  }
0x4d3: {  	v5 =	vadd.f32 v9, v5;
	v7 =	vld [tilespmem:s15+$0xF410]  }
0x4d4: {  	v9 =	vld [tilespmem:s16+$0x1410];
	v4 =	vadd.f32 v10, v4  }
0x4d5: {  	v3 =	vadd.f32 v3, v5;
	v5 =	vld [tilespmem:s15+$0xF810]  }
0x4d6: {  	v10 =	vld [tilespmem:s16+$0x1810];
	v4 =	vadd.f32 v6, v4  }
0x4d7: {  	v3 =	vadd.f32 v8, v3;
	v6 =	vld [tilespmem:s15+$0xFC10]  }
0x4d8: {  	s14 =	sadd.s32 $0x2, s14;
	v8 =	vld [tilespmem:s16+$0x1C10];
	v4 =	vadd.f32 v7, v4  }
0x4d9: {  	s21 =	sand.u32 $0x7, s14;
	v7 =	vld [tilespmem:s16+$0x0];
	v3 =	vadd.f32 v9, v3  }
0x4da: {  	s21 =	sshll.u32 s21, $0x4;
	v9 =	vld [tilespmem:s16+$0x2010];
	v4 =	vadd.f32 v5, v4  }
0x4db: {  	s21 =	sadd.s32 s10, s21;
	s10 =	smov.u32 s17;
	v5 =	vld [tilespmem:s16+$0x400];
	v3 =	vadd.f32 v10, v3  }
0x4dc: {  	s21 =	sadd.s32 $0x10, s21;
	v10 =	vld [tilespmem:s16+$0x2410];
	v4 =	vadd.f32 v6, v4  }
0x4dd: {  	s21 =	sor.u32 $0x180, s21;
	v6 =	vld [tilespmem:s16+$0x800];
	v3 =	vadd.f32 v8, v3  }
0x4de: {  	v8 =	vld [tilespmem:s16+$0x2810];
	[tilespmem:s21+$0x1C000] =	vst v4  }
0x4df: {  	v4 =	vld [tilespmem:s16+$0xC00];
	v3 =	vadd.f32 v9, v3  }
0x4e0: {  	v5 =	vadd.f32 v5, v7;
	v7 =	vld [tilespmem:s16+$0x2C10]  }
0x4e1: {  	v9 =	vld [tilespmem:s16+$0x1000];
	v3 =	vadd.f32 v10, v3  }
0x4e2: {  	v5 =	vadd.f32 v6, v5;
	v6 =	vld [tilespmem:s16+$0x3010]  }
0x4e3: {  	v10 =	vld [tilespmem:s16+$0x1400];
	v3 =	vadd.f32 v8, v3  }
0x4e4: {  	v4 =	vadd.f32 v4, v5;
	v5 =	vld [tilespmem:s16+$0x3410]  }
0x4e5: {  	v8 =	vld [tilespmem:s16+$0x1800];
	v3 =	vadd.f32 v7, v3  }
0x4e6: {  	v4 =	vadd.f32 v9, v4;
	v7 =	vld [tilespmem:s16+$0x3810]  }
0x4e7: {  	v9 =	vld [tilespmem:s16+$0x1C00];
	v3 =	vadd.f32 v6, v3  }
0x4e8: {  	v4 =	vadd.f32 v10, v4;
	v6 =	vld [tilespmem:s16+$0x3C10]  }
0x4e9: {  	v10 =	vld [tilespmem:s16+$0x2000];
	v3 =	vadd.f32 v5, v3  }
0x4ea: {  	v4 =	vadd.f32 v8, v4;
	v5 =	vld [tilespmem:s16+$0x2400]  }
0x4eb: {  	v8 =	vld [tilespmem:s16+$0x2800];
	v3 =	vadd.f32 v7, v3  }
0x4ec: {  	s23 =	sadd.s32 $0x30, s18;
	s18 =	sadd.s32 $0x20, s18;
	s21 =	sand.u32 $0xE00, s17;
	v4 =	vadd.f32 v9, v4;
	v7 =	vld [tilespmem:s16+$0x2C00]  }
0x4ed: {  	s29 =	sand.u32 $0x60, s18;
	s23 =	sand.u32 $0x70, s23;
	s31 =	sor.u32 $0x1C000, s21;
	v9 =	vld [tilespmem:s16+$0x3000];
	v3 =	vadd.f32 v6, v3  }
0x4ee: {  	p0 =	slt.u32 s18, $0x3E0;
	s21 =	sor.u32 s29, s31;
	s23 =	sor.u32 s23, s31;
	v4 =	vadd.f32 v10, v4;
	v6 =	vld [tilespmem:s16+$0x3400]  }
0x4ef: {  	v10 =	vld [tilespmem:s16+$0x3800];
	[tilespmem:s23+$0x0] =	vst v3  }
0x4f0: {  	v3 =	vadd.f32 v5, v4;
	v4 =	vld [tilespmem:s16+$0x4010]  }
0x4f1: {  	v5 =	vld [tilespmem:s16+$0x4410]  }
0x4f2: {  	v3 =	vadd.f32 v8, v3;
	v8 =	vld [tilespmem:s16+$0x3C00]  }
0x4f3: {  	v11 =	vld [tilespmem:s16+$0x4810]  }
0x4f4: {  	v3 =	vadd.f32 v7, v3;
	v7 =	vld [tilespmem:s15+$0xC000]  }
0x4f5: {  	v12 =	vld [tilespmem:s16+$0x4C10]  }
0x4f6: {  	v3 =	vadd.f32 v9, v3;
	v4 =	vadd.f32 v5, v4;
	v5 =	vld [tilespmem:s15+$0xC400]  }
0x4f7: {  	v9 =	vld [tilespmem:s16+$0x5010]  }
0x4f8: {  	v3 =	vadd.f32 v6, v3;
	v4 =	vadd.f32 v11, v4;
	v6 =	vld [tilespmem:s15+$0xC800]  }
0x4f9: {  	v11 =	vld [tilespmem:s16+$0x5410]  }
0x4fa: {  	v3 =	vadd.f32 v10, v3;
	v4 =	vadd.f32 v12, v4;
	v10 =	vld [tilespmem:s15+$0xCC00]  }
0x4fb: {  	v12 =	vld [tilespmem:s16+$0x5810];
	v5 =	vadd.f32 v5, v7  }
0x4fc: {  	v3 =	vadd.f32 v8, v3;
	v4 =	vadd.f32 v9, v4;
	v7 =	vld [tilespmem:s15+$0xD000]  }
0x4fd: {  	v8 =	vld [tilespmem:s16+$0x5C10];
	v5 =	vadd.f32 v6, v5  }
0x4fe: {  	[tilespmem:s21+$0x0] =	vst v3;
	v3 =	vadd.f32 v11, v4;
	v4 =	vld [tilespmem:s15+$0xD400]  }
0x4ff: {  	v6 =	vld [tilespmem:s16+$0x6010];
	v5 =	vadd.f32 v10, v5  }
0x500: {  	v9 =	vld [tilespmem:s16+$0x4000];
	v3 =	vadd.f32 v12, v3  }
0x501: {  	v10 =	vld [tilespmem:s16+$0x6410];
	v5 =	vadd.f32 v7, v5  }
0x502: {  	v7 =	vld [tilespmem:s16+$0x4400];
	v3 =	vadd.f32 v8, v3  }
0x503: {  	v8 =	vld [tilespmem:s16+$0x6810];
	v4 =	vadd.f32 v4, v5  }
0x504: {  	v5 =	vld [tilespmem:s16+$0x4800];
	v3 =	vadd.f32 v6, v3  }
0x505: {  	v6 =	vld [tilespmem:s16+$0x6C10]  }
0x506: {  	v11 =	vld [tilespmem:s16+$0x4C00];
	v3 =	vadd.f32 v10, v3  }
0x507: {  	v7 =	vadd.f32 v7, v9;
	v9 =	vld [tilespmem:s16+$0x7010]  }
0x508: {  	v10 =	vld [tilespmem:s16+$0x5000];
	v3 =	vadd.f32 v8, v3  }
0x509: {  	v5 =	vadd.f32 v5, v7;
	v7 =	vld [tilespmem:s16+$0x7410]  }
0x50a: {  	v8 =	vld [tilespmem:s16+$0x5400];
	v3 =	vadd.f32 v6, v3  }
0x50b: {  	v5 =	vadd.f32 v11, v5;
	v6 =	vld [tilespmem:s16+$0x7810]  }
0x50c: {  	v11 =	vld [tilespmem:s16+$0x5800];
	v3 =	vadd.f32 v9, v3  }
0x50d: {  	v5 =	vadd.f32 v10, v5;
	v9 =	vld [tilespmem:s16+$0x7C10]  }
0x50e: {  	v10 =	vld [tilespmem:s16+$0x5C00];
	v3 =	vadd.f32 v7, v3  }
0x50f: {  	v5 =	vadd.f32 v8, v5;
	v7 =	vld [tilespmem:s16+$0x6000]  }
0x510: {  	v8 =	vld [tilespmem:s16+$0x6400];
	v3 =	vadd.f32 v6, v3  }
0x511: {  	v5 =	vadd.f32 v11, v5;
	v6 =	vld [tilespmem:s16+$0x6800]  }
0x512: {  	v11 =	vld [tilespmem:s16+$0x6C00];
	v3 =	vadd.f32 v9, v3  }
0x513: {  	v5 =	vadd.f32 v10, v5;
	v9 =	vld [tilespmem:s16+$0x7000]  }
0x514: {  	v10 =	vld [tilespmem:s16+$0x7400];
	[tilespmem:s23+$0x80] =	vst v3  }
0x515: {  	v3 =	vadd.f32 v7, v5;
	v5 =	vld [tilespmem:s16+$0x8010]  }
0x516: {  	v7 =	vld [tilespmem:s16+$0x8410]  }
0x517: {  	v3 =	vadd.f32 v8, v3;
	v8 =	vld [tilespmem:s16+$0x7800]  }
0x518: {  	v12 =	vld [tilespmem:s16+$0x8810]  }
0x519: {  	v3 =	vadd.f32 v6, v3;
	v6 =	vld [tilespmem:s16+$0x7C00]  }
0x51a: {  	v13 =	vld [tilespmem:s16+$0x8C10]  }
0x51b: {  	v3 =	vadd.f32 v11, v3;
	v5 =	vadd.f32 v7, v5;
	v7 =	vld [tilespmem:s15+$0xD800]  }
0x51c: {  	v11 =	vld [tilespmem:s16+$0x9010]  }
0x51d: {  	v3 =	vadd.f32 v9, v3;
	v5 =	vadd.f32 v12, v5;
	v9 =	vld [tilespmem:s15+$0xDC00]  }
0x51e: {  	v12 =	vld [tilespmem:s16+$0x9410]  }
0x51f: {  	v3 =	vadd.f32 v10, v3;
	v5 =	vadd.f32 v13, v5;
	v10 =	vld [tilespmem:s15+$0xE000]  }
0x520: {  	v13 =	vld [tilespmem:s16+$0x9810];
	v4 =	vadd.f32 v7, v4  }
0x521: {  	v3 =	vadd.f32 v8, v3;
	v5 =	vadd.f32 v11, v5;
	v7 =	vld [tilespmem:s15+$0xE400]  }
0x522: {  	v8 =	vld [tilespmem:s16+$0x9C10];
	v4 =	vadd.f32 v9, v4  }
0x523: {  	v3 =	vadd.f32 v6, v3;
	v5 =	vadd.f32 v12, v5;
	v6 =	vld [tilespmem:s15+$0xE800]  }
0x524: {  	v9 =	vld [tilespmem:s16+$0xA010];
	v4 =	vadd.f32 v10, v4  }
0x525: {  	[tilespmem:s21+$0x80] =	vst v3;
	v3 =	vadd.f32 v13, v5;
	v5 =	vld [tilespmem:s15+$0xEC00]  }
0x526: {  	v10 =	vld [tilespmem:s16+$0xA410];
	v4 =	vadd.f32 v7, v4  }
0x527: {  	v7 =	vld [tilespmem:s16+$0x8000];
	v3 =	vadd.f32 v8, v3  }
0x528: {  	v8 =	vld [tilespmem:s16+$0xA810];
	v4 =	vadd.f32 v6, v4  }
0x529: {  	v6 =	vld [tilespmem:s16+$0x8400];
	v9 =	vadd.f32 v9, v3  }
0x52a: {  	v11 =	vld [tilespmem:s16+$0xAC10];
	v3 =	vadd.f32 v5, v4  }
0x52b: {  	v4 =	vld [tilespmem:s16+$0x8800];
	v5 =	vadd.f32 v10, v9  }
0x52c: {  	v9 =	vld [tilespmem:s16+$0xB010]  }
0x52d: {  	v10 =	vld [tilespmem:s16+$0x8C00];
	v5 =	vadd.f32 v8, v5  }
0x52e: {  	v6 =	vadd.f32 v6, v7;
	v7 =	vld [tilespmem:s16+$0xB410]  }
0x52f: {  	v8 =	vld [tilespmem:s16+$0x9000];
	v5 =	vadd.f32 v11, v5  }
0x530: {  	v4 =	vadd.f32 v4, v6;
	v6 =	vld [tilespmem:s16+$0xB810]  }
0x531: {  	v11 =	vld [tilespmem:s16+$0x9400];
	v5 =	vadd.f32 v9, v5  }
0x532: {  	v4 =	vadd.f32 v10, v4;
	v9 =	vld [tilespmem:s16+$0xBC10]  }
0x533: {  	v10 =	vld [tilespmem:s16+$0x9800];
	v5 =	vadd.f32 v7, v5  }
0x534: {  	v4 =	vadd.f32 v8, v4;
	v7 =	vld [tilespmem:s16+$0x9C00]  }
0x535: {  	v8 =	vld [tilespmem:s16+$0xA000];
	v5 =	vadd.f32 v6, v5  }
0x536: {  	v4 =	vadd.f32 v11, v4;
	v6 =	vld [tilespmem:s16+$0xA400]  }
0x537: {  	v11 =	vld [tilespmem:s16+$0xA800];
	v5 =	vadd.f32 v9, v5  }
0x538: {  	v4 =	vadd.f32 v10, v4;
	v9 =	vld [tilespmem:s16+$0xAC00]  }
0x539: {  	v10 =	vld [tilespmem:s16+$0xB000];
	[tilespmem:s23+$0x100] =	vst v5  }
0x53a: {  	v4 =	vadd.f32 v7, v4;
	v5 =	vld [tilespmem:s16+$0xC010]  }
0x53b: {  	v12 =	vld [tilespmem:s16+$0xC410]  }
0x53c: {  	v4 =	vadd.f32 v8, v4;
	v13 =	vld [tilespmem:s16+$0xB400]  }
0x53d: {  	v14 =	vld [tilespmem:s16+$0xC810]  }
0x53e: {  	v4 =	vadd.f32 v6, v4;
	v8 =	vld [tilespmem:s16+$0xB800]  }
0x53f: {  	v6 =	vld [tilespmem:s16+$0xCC10]  }
0x540: {  	v4 =	vadd.f32 v11, v4;
	v7 =	vld [tilespmem:s16+$0xBC00];
	v5 =	vadd.f32 v12, v5  }
0x541: {  	v11 =	vld [tilespmem:s16+$0xD010]  }
.Ltmp9:
0x542: {  	v12 =	vadd.f32 v9, v4;
	v5 =	vadd.f32 v14, v5;
	v4 =	vld [tilespmem:s15+$0xF000];
	(pc) =	sbr.rel @p0 .LBB2_20-.Ltmp9, $4  }
0x543: {  	v9 =	vld [tilespmem:s16+$0xD410]  }
0x544: {  	v12 =	vadd.f32 v10, v12;
	v6 =	vadd.f32 v6, v5;
	v5 =	vld [tilespmem:s15+$0xF400]  }
0x545: {  	v10 =	vld [tilespmem:s16+$0xD810]  }
0x546: {  	s22 =	sadd.s32 $0x1, s22;
	v12 =	vadd.f32 v13, v12;
	v11 =	vadd.f32 v11, v6;
	v6 =	vld [tilespmem:s15+$0xF800]  }
0x547: {  	_ = 	snop  }
0x548: {  	v8 =	vadd.f32 v8, v12;
	_ =	sdelay $0x1  }
0x549: {  	v7 =	vadd.f32 v7, v8;
	_ =	sdelay $0x1  }
0x54a: {  	[tilespmem:s21+$0x100] =	vst v7  }
0x54b: {  	v7 =	vld [tilespmem:s16+$0xC000]  }
0x54c: {  	v8 =	vld [tilespmem:s16+$0xC400];
	_ =	sdelay $0x1  }
0x54d: {  	v12 =	vld [tilespmem:s16+$0xC800];
	_ =	sdelay $0x1  }
0x54e: {  	v13 =	vld [tilespmem:s16+$0xCC00]  }
0x54f: {  	v7 =	vadd.f32 v8, v7  }
0x550: {  	v8 =	vld [tilespmem:s16+$0xD000]  }
0x551: {  	v7 =	vadd.f32 v12, v7  }
0x552: {  	v12 =	vld [tilespmem:s16+$0xD400]  }
0x553: {  	v14 =	vld [tilespmem:s16+$0xDC10];
	v7 =	vadd.f32 v13, v7  }
0x554: {  	v13 =	vld [tilespmem:s16+$0xD800]  }
0x555: {  	v15 =	vld [tilespmem:s15+$0xFC00];
	v7 =	vadd.f32 v8, v7  }
0x556: {  	v8 =	vadd.f32 v9, v11;
	v9 =	vld [tilespmem:s16+$0xDC00]  }
0x557: {  	v11 =	vld [tilespmem:s16+$0xE010];
	v7 =	vadd.f32 v12, v7  }
0x558: {  	v8 =	vadd.f32 v10, v8;
	v10 =	vld [tilespmem:s16+$0xE000]  }
0x559: {  	v12 =	vld [tilespmem:s16+$0xE410];
	v7 =	vadd.f32 v13, v7  }
0x55a: {  	v8 =	vadd.f32 v14, v8;
	v13 =	vld [tilespmem:s16+$0xE400]  }
0x55b: {  	v14 =	vld [tilespmem:s16+$0xE810];
	v7 =	vadd.f32 v9, v7  }
0x55c: {  	v8 =	vadd.f32 v11, v8;
	v9 =	vld [tilespmem:s16+$0xE800]  }
0x55d: {  	v11 =	vld [tilespmem:s16+$0xEC10];
	v7 =	vadd.f32 v10, v7  }
0x55e: {  	v8 =	vadd.f32 v12, v8;
	v10 =	vld [tilespmem:s16+$0xEC00]  }
0x55f: {  	v12 =	vld [tilespmem:s16+$0xF010];
	v7 =	vadd.f32 v13, v7  }
0x560: {  	v8 =	vadd.f32 v14, v8;
	v13 =	vld [tilespmem:s16+$0xF000]  }
0x561: {  	v14 =	vld [tilespmem:s16+$0xF410];
	v7 =	vadd.f32 v9, v7  }
0x562: {  	v8 =	vadd.f32 v11, v8;
	v9 =	vld [tilespmem:s16+$0xF400]  }
0x563: {  	v3 =	vadd.f32 v4, v3;
	v4 =	vld [tilespmem:s16+$0xF810];
	v7 =	vadd.f32 v10, v7  }
0x564: {  	v8 =	vadd.f32 v12, v8;
	v10 =	vld [tilespmem:s16+$0xF800]  }
0x565: {  	v3 =	vadd.f32 v5, v3;
	v5 =	vld [tilespmem:s16+$0xFC10];
	v7 =	vadd.f32 v13, v7  }
0x566: {  	s14 =	sadd.s32 $0x2, s14;
	v11 =	vld [tilespmem:s16+$0xFC00];
	v8 =	vadd.f32 v14, v8  }
0x567: {  	s14 =	sand.u32 $0x7, s14;
	v3 =	vadd.f32 v6, v3;
	v6 =	vadd.f32 v9, v7  }
0x568: {  	s14 =	sshll.u32 s14, $0x4;
	v4 =	vadd.f32 v4, v8  }
0x569: {  	s10 =	sadd.s32 s10, s14;
	v3 =	vadd.f32 v15, v3;
	v6 =	vadd.f32 v10, v6  }
0x56a: {  	s10 =	sadd.s32 $0x10, s10;
	v4 =	vadd.f32 v5, v4  }
0x56b: {  	s10 =	sor.u32 $0x180, s10;
	[tilespmem:s19+$0x1C000] =	vst v3;
	v3 =	vadd.f32 v11, v6  }
0x56c: {  	[tilespmem:s10+$0x1C000] =	vst v4  }
0x56d: {  	[tilespmem:s20+$0x1C000] =	vst v3  }
0x56e: {  	s16 =	simm.s32 $0x1C000;
	s10 =	rddreg [dreg:$0xb]  }
0x56f: {  	[spmem:s10] =	stream.linear.scatter [tilespmem:s16], [sflag:$0x4], $0x1000, $0x38;
	[tilespmem:$0x1F600] =	vst v63  }
0x570: {  	_ =	swait.ge [sflag:s4], $0x1000  }
0x571: {  	[sflag:s4] =	ssyncset.done $0x0  }
0x572: {  	[sflag:s4] =	ssyncadd.s32 $0xFFFFF000  }
0x573: {  	s18 =	simm.s32 $0x200;
	[bflag:$0x0] =	sbarrier.arrive $0xFFFF  }
0x574: {  	s19 =	simm.s32 $0x1000;
	s20 =	simm.s32 $0x1D000;
	s17 =	rddreg [dreg:$0xc]  }
0x575: {  	[tilespmem:s20], [sflag:$0x4] =	stream.strided.gather [spmem:s17], $0x1000, s19, s18, $0x38;
	[tilespmem:$0x1F600] =	vst v63  }
0x576: {  	_ =	swait.ge [sflag:s4], $0x1000  }
0x577: {  	[sflag:s4] =	ssyncset.done $0x0  }
0x578: {  	[sflag:s4] =	ssyncadd.s32 $0xFFFFF000  }
0x579: {  	s22 =	simm.s32 $0x1E480;
	s21 =	rddreg [dreg:$0x3]  }
0x57a: {  	[tilespmem:s22], [sflag:$0x4] =	stream.linear.gather [hbm4b:s21+s1], $0x9, $0x38;
	[tilespmem:$0x1F600] =	vst v63  }
0x57b: {  	_ =	swait.ge [sflag:s4], $0x9  }
0x57c: {  	[sflag:s4] =	ssyncset.done $0x0  }
0x57d: {  	[sflag:s4] =	ssyncadd.s32 $0xFFFFFFF7  }
0x57e: {  	s28 =	simm.s32 $0x1E500;
	s23 =	rddreg [dreg:$0x4]  }
0x57f: {  	[tilespmem:s28], [sflag:$0x4] =	stream.linear.gather [hbm4b:s23+s1], $0x3, $0x38;
	[tilespmem:$0x1F600] =	vst v63  }
0x580: {  	_ =	swait.ge [sflag:s4], $0x3  }
0x581: {  	[sflag:s4] =	ssyncset.done $0x0  }
0x582: {  	[sflag:s4] =	ssyncadd.s32 $0xFFFFFFFD  }
0x583: {  	v12 =	vld [tilespmem:$0x1E480]  }
0x584: {  	s29 =	simm.s32 $0x1D800;
	v14 =	vld [tilespmem:$0x1E500]  }
0x585: {  	v10 =	vld [tilespmem:s29+$0x710]  }
0x586: {  	v6 =	vld [tilespmem:s29+$0x510]  }
0x587: {  	v4 =	vld [tilespmem:s29+$0x310]  }
0x588: {  	v3 =	vld [tilespmem:s29+$0x110]  }
0x589: {  	v5 =	vld [tilespmem:s29+$0xFFFFFF10]  }
0x58a: {  	v7 =	vld [tilespmem:s29+$0xFFFFFD10]  }
0x58b: {  	v8 =	vld [tilespmem:s29+$0xFFFFF990]  }
0x58c: {  	v9 =	vld [tilespmem:s29+$0xFFFFFB90]  }
0x58d: {  	v11 =	vld [tilespmem:s29+$0xFFFFF910]  }
0x58e: {  	v13 =	vld [tilespmem:s29+$0xFFFFFD90]  }
0x58f: {  	v15 =	vld [tilespmem:s29+$0xFFFFFB10]  }
0x590: {  	v16 =	vld [tilespmem:s29+$0xFFFFFF90]  }
0x591: {  	v17 =	vld [tilespmem:s29+$0x790]  }
0x592: {  	v18 =	vld [tilespmem:s29+$0x190]  }
0x593: {  	v19 =	vld [tilespmem:s29+$0xFFFFF810]  }
0x594: {  	v20 =	vld [tilespmem:s29+$0x390]  }
0x595: {  	v21 =	vld [tilespmem:s29+$0xFFFFFA10];
	v8 =	vadd.f32 v9, v8  }
0x596: {  	v22 =	vld [tilespmem:s29+$0x590]  }
0x597: {  	v23 =	vld [tilespmem:s29+$0xFFFFFA90];
	v8 =	vadd.f32 v13, v8  }
0x598: {  	v24 =	vld [tilespmem:s29+$0xFFFFFC90]  }
0x599: {  	v25 =	vld [tilespmem:s29+$0xFFFFFE90];
	v8 =	vadd.f32 v16, v8  }
0x59a: {  	v26 =	vld [tilespmem:s29+$0x90]  }
0x59b: {  	v9 =	vld [tilespmem:s29+$0xFFFFF890];
	v8 =	vadd.f32 v18, v8  }
0x59c: {  	v13 =	vld [tilespmem:s29+$0xFFFFFC10]  }
0x59d: {  	v27 =	vld [tilespmem:s29+$0x290];
	v8 =	vadd.f32 v20, v8  }
0x59e: {  	v11 =	vadd.f32 v15, v11;
	v16 =	vld [tilespmem:s29+$0xFFFFFE10]  }
0x59f: {  	v19 =	vadd.f32 v21, v19;
	v21 =	vld [tilespmem:s29+$0xFFFFFB80];
	v8 =	vadd.f32 v22, v8  }
0x5a0: {  	v7 =	vadd.f32 v7, v11;
	v9 =	vadd.f32 v23, v9;
	v18 =	vld [tilespmem:s29+$0x10]  }
0x5a1: {  	v13 =	vadd.f32 v13, v19;
	v19 =	vld [tilespmem:s29+$0xFFFFF980];
	v8 =	vadd.f32 v17, v8  }
0x5a2: {  	v5 =	vadd.f32 v5, v7;
	v20 =	vld [tilespmem:s29+$0x210]  }
0x5a3: {  	v9 =	vadd.f32 v24, v9;
	v7 =	vadd.f32 v16, v13;
	v13 =	vld [tilespmem:s29+$0xFFFFFD80];
	v8 =	vmax.f32 v8, $1.000000000e+00  }
0x5a4: {  	v22 =	vld [tilespmem:s29+$0x410];
	(erf) = vrcp.f32 v8  }
0x5a5: {  	v60 =	vld [tilespmem:s29+$0x580];
	v7 =	vadd.f32 v18, v7;
	v8 =	vadd.f32 v25, v9  }
0x5a6: {  	v15 =	vld [tilespmem:s29+$0x490];
	v5 =	vadd.f32 v3, v5;
	v19 =	vadd.f32 v21, v19  }
0x5a7: {  	v17 =	vld [tilespmem:s29+$0x610];
	v7 =	vadd.f32 v20, v7;
	v8 =	vadd.f32 v26, v8  }
0x5a8: {  	v11 =	vld [tilespmem:s29+$0x690];
	v19 =	vadd.f32 v13, v19;
	v9 =	vadd.f32 v4, v5  }
0x5a9: {  	v62 =	vld [tilespmem:s29+$0xFFFFFA00];
	v3 =	vbroadcast v12, $0x0;
	v22 =	vadd.f32 v22, v7;
	v20 =	vadd.f32 v27, v8  }
0x5aa: {  	v63 =	vld [tilespmem:s29+$0xFFFFFA80];
	v13 =	vbroadcast v14, $0x2;
	v5 =	vbroadcast v12, $0x3;
	v61 =	vadd.f32 v6, v9  }
0x5ab: {  	v28 =	vld [tilespmem:s29+$0xFFFFF800];
	v4 =	vbroadcast v12, $0x6;
	v7 =	vbroadcast v12, $0x7;
	v15 =	vadd.f32 v15, v20  }
0x5ac: {  	v29 =	vld [tilespmem:s29+$0x780];
	v9 =	vbroadcast v12, $0x4;
	v17 =	vadd.f32 v17, v22;
	v25 =	vadd.f32 v10, v61  }
0x5ad: {  	v31 =	vld [tilespmem:s29+$0xFFFFFC80];
	v8 =	vbroadcast v12, $0x1;
	v10 =	vbroadcast v12, $0x2;
	v15 =	vadd.f32 v11, v15;
	v22 =	vpop (erf)  }
0x5ae: {  	v34 =	vld [tilespmem:s29+$0xFFFFF900];
	v11 =	vbroadcast v12, $0x5;
	v25 =	vmul.f32 v22, v25  }
0x5af: {  	v37 =	vld [tilespmem:s29+$0xFFFFFB00];
	v17 =	vmul.f32 v22, v17;
	v15 =	vmul.f32 v22, v15  }
0x5b0: {  	v16 =	vld [tilespmem:s29+$0xFFFFFF80];
	v12 =	vbroadcast v12, $0x8;
	v30 =	vmul.f32 v25, v7  }
0x5b1: {  	v42 =	vld [tilespmem:s29+$0xFFFFFE80];
	v32 =	vmul.f32 v17, v8;
	v33 =	vmul.f32 v15, v9  }
0x5b2: {  	v18 =	vld [tilespmem:s29+$0x180];
	v35 =	vmul.f32 v17, v10;
	v36 =	vmul.f32 v15, v11  }
0x5b3: {  	v43 =	vld [tilespmem:s29+$0xFFFFFD00];
	v17 =	vmul.f32 v17, v3;
	v15 =	vmul.f32 v15, v5  }
0x5b4: {  	v23 =	vld [tilespmem:s29+$0x380];
	v41 =	vmul.f32 v25, v12;
	v32 =	vadd.f32 v33, v32;
	v40 =	vadd.f32 v36, v35  }
0x5b5: {  	v45 =	vld [tilespmem:s29+$0x0];
	v16 =	vadd.f32 v16, v19;
	v15 =	vadd.f32 v15, v17;
	v17 =	vmul.f32 v25, v4  }
0x5b6: {  	v47 =	vld [tilespmem:s29+$0xFFFFFF00];
	v6 =	vbroadcast v14, $0x1;
	v30 =	vadd.f32 v32, v30;
	v44 =	vadd.f32 v40, v41  }
0x5b7: {  	v14 =	vbroadcast v14, $0x0;
	v16 =	vadd.f32 v18, v16;
	v20 =	vld [tilespmem:s29+$0xFFFFF880];
	v15 =	vadd.f32 v15, v17  }
0x5b8: {  	v22 =	vld [tilespmem:s29+$0xFFFFFC00];
	v19 =	vadd.f32 v30, v6;
	v46 =	vadd.f32 v44, v13  }
0x5b9: {  	v38 =	vld [tilespmem:s29+$0x280];
	v16 =	vadd.f32 v23, v16;
	v15 =	vadd.f32 v15, v14  }
0x5ba: {  	v21 =	vld [tilespmem:s29+$0xFFFFFE00];
	v48 =	vmax.f32 v19, v46  }
0x5bb: {  	v49 =	vld [tilespmem:s29+$0x100];
	v26 =	vadd.f32 v62, v28;
	v16 =	vadd.f32 v60, v16;
	v23 =	vmax.f32 v15, v48  }
0x5bc: {  	v39 =	vld [tilespmem:s29+$0x400];
	v20 =	vadd.f32 v63, v20;
	v15 =	vsub.f32 v15, v23  }
0x5bd: {  	v50 =	vld [tilespmem:s29+$0x480];
	v22 =	vadd.f32 v22, v26;
	v19 =	vsub.f32 v19, v23  }
0x5be: {  	v16 =	vadd.f32 v29, v16;
	v20 =	vadd.f32 v31, v20;
	v17 =	vld [tilespmem:s29+$0x80];
	v15 =	vmul.f32 $1.442695020e+00, v15  }
0x5bf: {  	v51 =	vld [tilespmem:s29+$0x300];
	v21 =	vadd.f32 v21, v22;
	v22 =	vadd.f32 v37, v34;
	v19 =	vmul.f32 $1.442695020e+00, v19  }
0x5c0: {  	v52 =	vld [tilespmem:s29+$0x600];
	v16 =	vmax.f32 v16, $1.000000000e+00;
	(erf) = vpow2.f32 v15  }
0x5c1: {  	s31 =	simm.s32 $0x1D820;
	v18 =	vld [tilespmem:s29+$0x200];
	v20 =	vadd.f32 v42, v20;
	v22 =	vadd.f32 v43, v22;
	(erf) = vpow2.f32 v19  }
0x5c2: {  	v53 =	vld [tilespmem:s31+$0xFFFFFD10];
	(erf) = vrcp.f32 v16  }
0x5c3: {  	v55 =	vld [tilespmem:s31+$0xFFFFF990];
	v17 =	vadd.f32 v17, v20;
	v22 =	vadd.f32 v47, v22  }
0x5c4: {  	v21 =	vadd.f32 v45, v21;
	v19 =	vld [tilespmem:s29+$0x500]  }
0x5c5: {  	v17 =	vadd.f32 v38, v17;
	v22 =	vadd.f32 v49, v22;
	v15 =	vld [tilespmem:s29+$0x680]  }
0x5c6: {  	v18 =	vadd.f32 v18, v21;
	v16 =	vld [tilespmem:s29+$0x700]  }
0x5c7: {  	v56 =	vld [tilespmem:s31+$0xFFFFFB90];
	v17 =	vadd.f32 v50, v17;
	v22 =	vadd.f32 v51, v22  }
0x5c8: {  	v57 =	vld [tilespmem:s31+$0xFFFFF910];
	v23 =	vsub.f32 v46, v23;
	v18 =	vadd.f32 v39, v18  }
0x5c9: {  	v58 =	vld [tilespmem:s31+$0xFFFFFB10];
	v19 =	vadd.f32 v19, v22;
	v54 =	vpop (erf)  }
0x5ca: {  	v62 =	vld [tilespmem:s31+$0x190];
	v23 =	vmul.f32 $1.442695020e+00, v23;
	v18 =	vadd.f32 v52, v18;
	v27 =	vpop (erf)  }
0x5cb: {  	v61 =	vld [tilespmem:s31+$0x790];
	v15 =	vadd.f32 v15, v17;
	v16 =	vadd.f32 v16, v19;
	v17 =	vpop (erf)  }
0x5cc: {  	v29 =	vld [tilespmem:s31+$0xFFFFFF10];
	(erf) = vpow2.f32 v23;
	v18 =	vmul.f32 v17, v18  }
0x5cd: {  	v63 =	vld [tilespmem:s31+$0xFFFFF810];
	v15 =	vmul.f32 v17, v15;
	v16 =	vmul.f32 v17, v16  }
0x5ce: {  	v25 =	vld [tilespmem:s31+$0x510];
	v19 =	vmul.f32 v18, v8;
	v59 =	vmul.f32 v18, v10  }
0x5cf: {  	v22 =	vld [tilespmem:s31+$0xFFFFFD90];
	v60 =	vmul.f32 v15, v9;
	v17 =	vmul.f32 v15, v11  }
0x5d0: {  	v26 =	vld [tilespmem:s31+$0x710];
	v18 =	vmul.f32 v18, v3;
	v15 =	vmul.f32 v15, v5  }
0x5d1: {  	v41 =	vld [tilespmem:s31+$0xFFFFFE90];
	v42 =	vmul.f32 v16, v7;
	v43 =	vmul.f32 v16, v12;
	v19 =	vadd.f32 v60, v19  }
0x5d2: {  	v23 =	vld [tilespmem:s31+$0xFFFFFF90];
	v16 =	vmul.f32 v16, v4;
	v15 =	vadd.f32 v15, v18;
	v18 =	vadd.f32 v56, v55  }
0x5d3: {  	v45 =	vld [tilespmem:s31+$0xFFFFFA10];
	v17 =	vadd.f32 v17, v59;
	v19 =	vadd.f32 v19, v42  }
0x5d4: {  	v15 =	vadd.f32 v15, v16;
	v16 =	vadd.f32 v22, v18;
	v18 =	vld [tilespmem:s31+$0xFFFFF890]  }
0x5d5: {  	v17 =	vadd.f32 v17, v43;
	v22 =	vld [tilespmem:s31+$0xFFFFFA90]  }
0x5d6: {  	v32 =	vadd.f32 v58, v57;
	v44 =	vld [tilespmem:s31+$0x390];
	v19 =	vadd.f32 v19, v6  }
0x5d7: {  	v20 =	vld [tilespmem:s31+$0x310];
	v17 =	vadd.f32 v17, v13;
	v16 =	vadd.f32 v23, v16  }
0x5d8: {  	v46 =	vld [tilespmem:s31+$0x590];
	v24 =	vadd.f32 v27, v54;
	v15 =	vadd.f32 v15, v14  }
0x5d9: {  	v21 =	vld [tilespmem:s31+$0x110];
	v28 =	vadd.f32 v45, v63;
	v40 =	vpop (erf);
	v47 =	vmax.f32 v19, v17;
	v16 =	vadd.f32 v62, v16  }
0x5da: {  	v48 =	vld [tilespmem:s31+$0xFFFFFC90];
	v24 =	vadd.f32 v24, v40;
	v34 =	vmax.f32 v15, v47;
	v18 =	vadd.f32 v22, v18  }
0x5db: {  	v23 =	vld [tilespmem:s31+$0xFFFFFC10];
	v15 =	vsub.f32 v15, v34;
	v16 =	vadd.f32 v44, v16  }
0x5dc: {  	v49 =	vld [tilespmem:s31+$0xFFFFFE10];
	v22 =	vadd.f32 v53, v32;
	v19 =	vsub.f32 v19, v34  }
0x5dd: {  	v50 =	vld [tilespmem:s31+$0x10];
	v17 =	vsub.f32 v17, v34;
	v15 =	vmul.f32 $1.442695020e+00, v15;
	v16 =	vadd.f32 v46, v16  }
0x5de: {  	v51 =	vld [tilespmem:s31+$0x90];
	(erf) = vrcp.f32 v24;
	v22 =	vadd.f32 v29, v22;
	v19 =	vmul.f32 $1.442695020e+00, v19  }
0x5df: {  	v52 =	vld [tilespmem:s31+$0x210];
	v17 =	vmul.f32 $1.442695020e+00, v17;
	(erf) = vpow2.f32 v15;
	v16 =	vadd.f32 v61, v16  }
0x5e0: {  	v54 =	vld [tilespmem:s31+$0xFFFFF980];
	v23 =	vadd.f32 v23, v28;
	v18 =	vadd.f32 v48, v18;
	(erf) = vpow2.f32 v19  }
0x5e1: {  	v21 =	vadd.f32 v21, v22;
	v22 =	vld [tilespmem:s31+$0xFFFFFB80];
	(erf) = vpow2.f32 v17;
	v16 =	vmax.f32 v16, $1.000000000e+00  }
0x5e2: {  	v23 =	vadd.f32 v49, v23;
	v15 =	vld [tilespmem:s31+$0x290];
	(erf) = vrcp.f32 v16  }
0x5e3: {  	v18 =	vadd.f32 v41, v18;
	v19 =	vld [tilespmem:s31+$0x410]  }
0x5e4: {  	v23 =	vadd.f32 v50, v23;
	v17 =	vld [tilespmem:s31+$0x490]  }
0x5e5: {  	v53 =	vld [tilespmem:s31+$0x610];
	v18 =	vadd.f32 v51, v18  }
0x5e6: {  	v20 =	vadd.f32 v20, v21;
	v16 =	vld [tilespmem:s31+$0x690];
	v23 =	vadd.f32 v52, v23  }
0x5e7: {  	v56 =	vadd.f32 v40, v40;
	v57 =	vpop (erf);
	v15 =	vadd.f32 v15, v18  }
0x5e8: {  	v55 =	vld [tilespmem:s31+$0xFFFFFD80];
	v20 =	vadd.f32 v25, v20;
	v22 =	vadd.f32 v22, v54;
	v58 =	vpop (erf)  }
0x5e9: {  	v63 =	vld [tilespmem:s31+$0xFFFFF880];
	v19 =	vadd.f32 v19, v23;
	v15 =	vadd.f32 v17, v15;
	v60 =	vpop (erf)  }
0x5ea: {  	v21 =	vld [tilespmem:s31+$0xFFFFFF80];
	v20 =	vadd.f32 v26, v20;
	v23 =	vpop (erf);
	v61 =	vadd.f32 v60, v58  }
0x5eb: {  	v40 =	vld [tilespmem:s31+$0xFFFFFA80];
	v19 =	vadd.f32 v53, v19;
	v15 =	vadd.f32 v16, v15;
	v16 =	vpop (erf)  }
0x5ec: {  	v18 =	vld [tilespmem:s31+$0x180];
	v20 =	vmul.f32 v16, v20;
	v26 =	vadd.f32 v61, v23  }
0x5ed: {  	v45 =	vld [tilespmem:s31+$0xFFFFFC00];
	v22 =	vadd.f32 v55, v22;
	v19 =	vmul.f32 v16, v19;
	v15 =	vmul.f32 v16, v15  }
0x5ee: {  	v59 =	vld [tilespmem:s31+$0x380];
	v27 =	vadd.f32 v56, v27;
	v41 =	vmul.f32 v20, v7;
	(erf) = vrcp.f32 v26  }
0x5ef: {  	v42 =	vld [tilespmem:s31+$0x780];
	v21 =	vadd.f32 v21, v22;
	v43 =	vmul.f32 v19, v8;
	v44 =	vmul.f32 v15, v9  }
0x5f0: {  	v62 =	vld [tilespmem:s31+$0xFFFFFA00];
	v28 =	vadd.f32 v40, v63;
	v46 =	vmul.f32 v19, v10;
	v47 =	vmul.f32 v15, v11  }
0x5f1: {  	v17 =	vld [tilespmem:s31+$0x580];
	v18 =	vadd.f32 v18, v21;
	v19 =	vmul.f32 v19, v3;
	v15 =	vmul.f32 v15, v5  }
0x5f2: {  	v22 =	vld [tilespmem:s31+$0xFFFFFC80];
	v49 =	vmul.f32 v20, v12;
	v26 =	vadd.f32 v44, v43;
	v35 =	vadd.f32 v47, v46  }
0x5f3: {  	v18 =	vadd.f32 v59, v18;
	v16 =	vld [tilespmem:s31+$0xFFFFF800];
	v15 =	vadd.f32 v15, v19;
	v19 =	vmul.f32 v20, v4  }
0x5f4: {  	v48 =	vld [tilespmem:s31+$0xFFFFF900];
	v20 =	vadd.f32 v26, v41;
	v51 =	vadd.f32 v35, v49  }
0x5f5: {  	v50 =	vld [tilespmem:s31+$0xFFFFFE00];
	v23 =	vadd.f32 v23, v23;
	v15 =	vadd.f32 v15, v19  }
0x5f6: {  	v52 =	vld [tilespmem:s31+$0xFFFFFE80];
	v19 =	vadd.f32 v20, v6;
	v32 =	vadd.f32 v51, v13  }
0x5f7: {  	v27 =	vmul.f32 v57, v27;
	v53 =	vld [tilespmem:s31+$0x80];
	v17 =	vadd.f32 v17, v18;
	v15 =	vadd.f32 v15, v14  }
0x5f8: {  	v21 =	vld [tilespmem:s31+$0xFFFFFB00];
	v22 =	vadd.f32 v22, v28;
	v16 =	vadd.f32 v62, v16;
	v54 =	vmax.f32 v19, v32  }
0x5f9: {  	v18 =	vld [tilespmem:s31+$0x0];
	v23 =	vadd.f32 v23, v60;
	v17 =	vadd.f32 v42, v17;
	v57 =	vmax.f32 v15, v54  }
0x5fa: {  	v16 =	vadd.f32 v45, v16;
	v15 =	vsub.f32 v15, v57  }
0x5fb: {  	v63 =	vld [tilespmem:s31+$0x480];
	v22 =	vadd.f32 v52, v22;
	v60 =	vmax.f32 v17, $1.000000000e+00;
	v56 =	vpop (erf);
	v17 =	vsub.f32 v19, v57  }
0x5fc: {  	v20 =	vld [tilespmem:s31+$0xFFFFFD00];
	v16 =	vadd.f32 v50, v16;
	v23 =	vmul.f32 v56, v23;
	v15 =	vmul.f32 $1.442695020e+00, v15  }
0x5fd: {  	v55 =	vld [tilespmem:s31+$0xFFFFFF00];
	v19 =	vadd.f32 v21, v48;
	v62 =	vmul.f32 $1.442695020e+00, v17;
	v17 =	vsub.f32 v32, v57  }
0x5fe: {  	v58 =	vld [tilespmem:s31+$0x200];
	(erf) = vpow2.f32 v15;
	v15 =	vadd.f32 v18, v16;
	v18 =	vadd.f32 v53, v22  }
0x5ff: {  	v59 =	vld [tilespmem:s31+$0x280];
	v22 =	vadd.f32 $1.000000000e+00, v23;
	v23 =	vmul.f32 $1.442695020e+00, v17;
	(erf) = vpow2.f32 v62  }
0x600: {  	v21 =	vld [tilespmem:s31+$0x100];
	(erf) = vrcp.f32 v60  }
0x601: {  	v61 =	vld [tilespmem:s31+$0x400];
	v19 =	vadd.f32 v20, v19;
	(erf) = vpow2.f32 v23  }
0x602: {  	v16 =	vld [tilespmem:s31+$0x300]  }
0x603: {  	v27 =	vadd.f32 $1.000000000e+00, v27;
	v20 =	vadd.f32 v55, v19;
	v17 =	vld [tilespmem:s31+$0x600]  }
0x604: {  	s10 =	simm.s32 $0x1E010;
	v19 =	vld [tilespmem:s31+$0x680];
	v15 =	vadd.f32 v58, v15;
	v18 =	vadd.f32 v59, v18  }
0x605: {  	[tilespmem:s10+$0x0] =	vst v27;
	v21 =	vadd.f32 v21, v20;
	v20 =	vld [tilespmem:s31+$0x500]  }
0x606: {  	s15 =	simm.s32 $0x1D840;
	s14 =	simm.s32 $0x20;
	[tilespmem:s10+$0xFFFFFFF0] =	vst v22;
	v23 =	vadd.f32 v61, v15;
	v22 =	vadd.f32 v63, v18;
	v18 =	vld [tilespmem:s31+$0x700]  }
.LBB2_22:
0x607: {  	v15 =	vld [tilespmem:s15+$0x710];
	v21 =	vadd.f32 v16, v21;
	v24 =	vpop (erf)  }
0x608: {  	v16 =	vld [tilespmem:s15+$0x510];
	v27 =	vadd.f32 v17, v23;
	v25 =	vpop (erf)  }
0x609: {  	v17 =	vld [tilespmem:s15+$0x310];
	v19 =	vadd.f32 v19, v22;
	v22 =	vadd.f32 v25, v24;
	v24 =	vpop (erf)  }
0x60a: {  	v26 =	vld [tilespmem:s15+$0x110];
	v20 =	vadd.f32 v20, v21;
	v21 =	vmul.f32 v24, v27;
	v23 =	vpop (erf)  }
0x60b: {  	v27 =	vld [tilespmem:s15+$0xFFFFFF10];
	v19 =	vmul.f32 v24, v19;
	v22 =	vadd.f32 v22, v23  }
0x60c: {  	v28 =	vld [tilespmem:s15+$0xFFFFFD10];
	v18 =	vadd.f32 v18, v20;
	v20 =	vmul.f32 v21, v8;
	v29 =	vmul.f32 v21, v10  }
0x60d: {  	v30 =	vld [tilespmem:s15+$0xFFFFF990];
	v31 =	vmul.f32 v19, v9;
	(erf) = vrcp.f32 v22  }
0x60e: {  	v22 =	vld [tilespmem:s15+$0xFFFFFB90];
	v18 =	vmul.f32 v24, v18;
	v24 =	vmul.f32 v19, v11  }
0x60f: {  	v21 =	vmul.f32 v21, v3;
	v19 =	vmul.f32 v19, v5;
	v32 =	vld [tilespmem:s15+$0xFFFFF910];
	v20 =	vadd.f32 v31, v20  }
0x610: {  	v31 =	vld [tilespmem:s15+$0xFFFFFD90];
	v33 =	vmul.f32 v18, v7;
	v24 =	vadd.f32 v24, v29;
	v29 =	vmul.f32 v18, v12  }
0x611: {  	s14 =	sadd.s32 $0x20, s14;
	v19 =	vadd.f32 v19, v21;
	v18 =	vmul.f32 v18, v4;
	v34 =	vld [tilespmem:s15+$0xFFFFFB10]  }
0x612: {  	p0 =	slt.u32 s14, $0x60;
	v21 =	vld [tilespmem:s15+$0xFFFFFF90];
	v20 =	vadd.f32 v20, v33;
	v24 =	vadd.f32 v24, v29  }
0x613: {  	v23 =	vadd.f32 v23, v23;
	v22 =	vadd.f32 v22, v30;
	v29 =	vld [tilespmem:s15+$0x790]  }
0x614: {  	v18 =	vadd.f32 v19, v18;
	v30 =	vld [tilespmem:s15+$0x190];
	v19 =	vadd.f32 v20, v6  }
0x615: {  	v23 =	vadd.f32 v23, v25;
	v20 =	vld [tilespmem:s15+$0xFFFFF810];
	v22 =	vadd.f32 v31, v22  }
0x616: {  	v18 =	vadd.f32 v18, v14;
	v24 =	vadd.f32 v24, v13;
	v25 =	vld [tilespmem:s15+$0x390];
	v31 =	vpop (erf)  }
0x617: {  	v33 =	vld [tilespmem:s15+$0xFFFFFA10];
	v21 =	vadd.f32 v21, v22;
	v22 =	vmul.f32 v31, v23  }
0x618: {  	v31 =	vmax.f32 v19, v24;
	v23 =	vld [tilespmem:s15+$0x590]  }
0x619: {  	v35 =	vld [tilespmem:s15+$0xFFFFF890];
	v21 =	vadd.f32 v30, v21;
	v30 =	vmax.f32 v18, v31;
	v22 =	vadd.f32 $1.000000000e+00, v22  }
0x61a: {  	s10 =	sadd.s32 $0x20, s10;
	v31 =	vld [tilespmem:s15+$0xFFFFFA90];
	v18 =	vsub.f32 v18, v30;
	v19 =	vsub.f32 v19, v30  }
0x61b: {  	v24 =	vsub.f32 v24, v30;
	v36 =	vld [tilespmem:s15+$0xFFFFFC10];
	v21 =	vadd.f32 v25, v21;
	[tilespmem:s10+$0x0] =	vst v22  }
0x61c: {  	v22 =	vld [tilespmem:s15+$0xFFFFFC90];
	v18 =	vmul.f32 $1.442695020e+00, v18;
	v19 =	vmul.f32 $1.442695020e+00, v19  }
0x61d: {  	v25 =	vld [tilespmem:s15+$0xFFFFFE10];
	v21 =	vadd.f32 v23, v21;
	v23 =	vmul.f32 $1.442695020e+00, v24  }
0x61e: {  	v30 =	vadd.f32 v34, v32;
	v20 =	vadd.f32 v33, v20;
	v24 =	vld [tilespmem:s15+$0xFFFFFE90];
	(erf) = vpow2.f32 v18  }
0x61f: {  	v18 =	vld [tilespmem:s15+$0x10];
	v31 =	vadd.f32 v31, v35;
	v21 =	vadd.f32 v29, v21;
	(erf) = vpow2.f32 v19  }
0x620: {  	v28 =	vadd.f32 v28, v30;
	v19 =	vld [tilespmem:s15+$0x90];
	(erf) = vpow2.f32 v23  }
0x621: {  	v20 =	vadd.f32 v36, v20;
	v23 =	vld [tilespmem:s15+$0x210];
	v22 =	vadd.f32 v22, v31;
	v21 =	vmax.f32 v21, $1.000000000e+00  }
0x622: {  	v27 =	vadd.f32 v27, v28;
	v29 =	vld [tilespmem:s15+$0x290];
	(erf) = vrcp.f32 v21  }
0x623: {  	v20 =	vadd.f32 v25, v20;
	v21 =	vld [tilespmem:s15+$0x410];
	v22 =	vadd.f32 v24, v22  }
0x624: {  	v25 =	vadd.f32 v26, v27;
	v24 =	vld [tilespmem:s15+$0x490]  }
0x625: {  	v18 =	vadd.f32 v18, v20;
	v20 =	vld [tilespmem:s15+$0x610];
	v19 =	vadd.f32 v19, v22  }
0x626: {  	v27 =	vadd.f32 v17, v25;
	v22 =	vld [tilespmem:s15+$0x690]  }
0x627: {  	v18 =	vadd.f32 v23, v18;
	v25 =	vld [tilespmem:s15+$0xFFFFF980];
	v19 =	vadd.f32 v29, v19;
	v23 =	vpop (erf)  }
0x628: {  	v16 =	vadd.f32 v16, v27;
	v26 =	vld [tilespmem:s15+$0xFFFFFB80];
	v17 =	vpop (erf)  }
0x629: {  	v18 =	vadd.f32 v21, v18;
	v27 =	vld [tilespmem:s15+$0xFFFFFD80];
	v19 =	vadd.f32 v24, v19;
	v21 =	vpop (erf)  }
0x62a: {  	v15 =	vadd.f32 v15, v16;
	v16 =	vadd.f32 v17, v23;
	v24 =	vld [tilespmem:s15+$0xFFFFFF80]  }
0x62b: {  	v18 =	vadd.f32 v20, v18;
	v23 =	vld [tilespmem:s15+$0x180];
	v19 =	vadd.f32 v22, v19;
	v20 =	vpop (erf)  }
0x62c: {  	v28 =	vadd.f32 v21, v21;
	v16 =	vadd.f32 v16, v21;
	v22 =	vld [tilespmem:s15+$0x380];
	v15 =	vmul.f32 v20, v15  }
0x62d: {  	v18 =	vmul.f32 v20, v18;
	v21 =	vadd.f32 v26, v25;
	v25 =	vld [tilespmem:s15+$0x580];
	v19 =	vmul.f32 v20, v19  }
0x62e: {  	v17 =	vadd.f32 v28, v17;
	v20 =	vld [tilespmem:s15+$0xFFFFFA00];
	v26 =	vmul.f32 v15, v7;
	(erf) = vrcp.f32 v16  }
0x62f: {  	v16 =	vld [tilespmem:s15+$0xFFFFF880];
	v21 =	vadd.f32 v27, v21;
	v27 =	vmul.f32 v18, v8;
	v28 =	vmul.f32 v19, v9  }
0x630: {  	v30 =	vmul.f32 v18, v10;
	v31 =	vmul.f32 v19, v11;
	v29 =	vld [tilespmem:s15+$0xFFFFFA80]  }
0x631: {  	v18 =	vmul.f32 v18, v3;
	v19 =	vmul.f32 v19, v5;
	v32 =	vld [tilespmem:s15+$0xFFFFF800];
	v21 =	vadd.f32 v24, v21  }
0x632: {  	v27 =	vadd.f32 v28, v27;
	v28 =	vadd.f32 v31, v30;
	v30 =	vmul.f32 v15, v12;
	v24 =	vld [tilespmem:s15+$0x780]  }
0x633: {  	v18 =	vadd.f32 v19, v18;
	v15 =	vmul.f32 v15, v4;
	v31 =	vld [tilespmem:s15+$0xFFFFFC00];
	v21 =	vadd.f32 v23, v21  }
0x634: {  	v23 =	vadd.f32 v27, v26;
	v26 =	vadd.f32 v28, v30;
	v19 =	vld [tilespmem:s15+$0xFFFFFC80]  }
0x635: {  	v15 =	vadd.f32 v18, v15;
	v27 =	vld [tilespmem:s15+$0xFFFFF900];
	v21 =	vadd.f32 v22, v21  }
0x636: {  	v22 =	vadd.f32 v23, v6;
	v23 =	vadd.f32 v26, v13;
	v18 =	vld [tilespmem:s15+$0xFFFFFB00]  }
0x637: {  	v15 =	vadd.f32 v15, v14;
	v26 =	vld [tilespmem:s15+$0xFFFFFE00];
	v21 =	vadd.f32 v25, v21;
	v25 =	vpop (erf)  }
0x638: {  	v16 =	vadd.f32 v29, v16;
	v20 =	vadd.f32 v20, v32;
	v29 =	vmax.f32 v22, v23;
	v28 =	vld [tilespmem:s15+$0xFFFFFE80]  }
0x639: {  	v17 =	vmul.f32 v25, v17;
	v30 =	vld [tilespmem:s15+$0xFFFFFD00];
	v21 =	vadd.f32 v24, v21;
	v24 =	vmax.f32 v15, v29  }
0x63a: {  	v20 =	vadd.f32 v31, v20;
	v25 =	vld [tilespmem:s15+$0x0];
	v15 =	vsub.f32 v15, v24  }
0x63b: {  	v16 =	vadd.f32 v19, v16;
	v22 =	vsub.f32 v22, v24;
	v19 =	vld [tilespmem:s15+$0x80];
	v21 =	vmax.f32 v21, $1.000000000e+00  }
0x63c: {  	v18 =	vadd.f32 v18, v27;
	v20 =	vadd.f32 v26, v20;
	v26 =	vld [tilespmem:s15+$0xFFFFFF00];
	v15 =	vmul.f32 $1.442695020e+00, v15  }
0x63d: {  	v23 =	vsub.f32 v23, v24;
	v22 =	vmul.f32 $1.442695020e+00, v22;
	v27 =	vld [tilespmem:s15+$0x200];
	v16 =	vadd.f32 v28, v16  }
0x63e: {  	v24 =	vld [tilespmem:s15+$0x280];
	v18 =	vadd.f32 v30, v18;
	(erf) = vpow2.f32 v15;
	v15 =	vadd.f32 $1.000000000e+00, v17  }
0x63f: {  	v23 =	vmul.f32 $1.442695020e+00, v23;
	v17 =	vadd.f32 v25, v20;
	v20 =	vld [tilespmem:s15+$0x100];
	(erf) = vpow2.f32 v22  }
0x640: {  	v22 =	vld [tilespmem:s15+$0x400];
	v19 =	vadd.f32 v19, v16;
	(erf) = vrcp.f32 v21;
	[tilespmem:s10+$0xFFFFFFF0] =	vst v15  }
0x641: {  	v15 =	vld [tilespmem:s15+$0x480];
	v18 =	vadd.f32 v26, v18;
	(erf) = vpow2.f32 v23  }
.Ltmp10:
0x642: {  	v23 =	vadd.f32 v27, v17;
	v16 =	vld [tilespmem:s15+$0x300];
	(pc) =	sbr.rel @p0 .LBB2_22-.Ltmp10, $4  }
0x643: {  	v17 =	vld [tilespmem:s15+$0x600];
	v24 =	vadd.f32 v24, v19  }
0x644: {  	v19 =	vld [tilespmem:s15+$0x680];
	v21 =	vadd.f32 v20, v18  }
0x645: {  	v23 =	vadd.f32 v22, v23;
	v20 =	vld [tilespmem:s15+$0x500]  }
0x646: {  	v22 =	vadd.f32 v15, v24;
	v18 =	vld [tilespmem:s15+$0x700];
	s15 =	sadd.s32 $0x20, s15  }
0x647: {  	v15 =	vpop (erf)  }
0x648: {  	v16 =	vadd.f32 v16, v21;
	v17 =	vadd.f32 v17, v23;
	v60 =	vpop (erf)  }
0x649: {  	v19 =	vadd.f32 v19, v22;
	v61 =	vpop (erf)  }
0x64a: {  	v16 =	vadd.f32 v20, v16;
	v17 =	vmul.f32 v61, v17  }
0x64b: {  	v19 =	vmul.f32 v61, v19  }
0x64c: {  	v16 =	vadd.f32 v18, v16;
	v8 =	vmul.f32 v17, v8  }
0x64d: {  	v10 =	vmul.f32 v17, v10;
	v9 =	vmul.f32 v19, v9  }
0x64e: {  	v11 =	vmul.f32 v19, v11;
	v16 =	vmul.f32 v61, v16  }
0x64f: {  	v3 =	vmul.f32 v17, v3;
	v5 =	vmul.f32 v19, v5;
	v8 =	vadd.f32 v9, v8  }
0x650: {  	v9 =	vadd.f32 v11, v10;
	v7 =	vmul.f32 v16, v7;
	v10 =	vmul.f32 v16, v12  }
0x651: {  	v3 =	vadd.f32 v5, v3;
	v4 =	vmul.f32 v16, v4  }
0x652: {  	v5 =	vadd.f32 v8, v7;
	v7 =	vadd.f32 v9, v10  }
0x653: {  	v3 =	vadd.f32 v3, v4  }
0x654: {  	v4 =	vadd.f32 v5, v6;
	v5 =	vadd.f32 v7, v13  }
0x655: {  	v3 =	vadd.f32 v3, v14  }
0x656: {  	v6 =	vmax.f32 v4, v5  }
0x657: {  	v7 =	vadd.f32 v60, v15;
	v6 =	vmax.f32 v3, v6  }
0x658: {  	v8 =	vpop (erf);
	v3 =	vsub.f32 v3, v6  }
0x659: {  	v7 =	vadd.f32 v7, v8;
	v4 =	vsub.f32 v4, v6  }
0x65a: {  	v3 =	vmul.f32 $1.442695020e+00, v3  }
0x65b: {  	(erf) = vrcp.f32 v7;
	v5 =	vsub.f32 v5, v6;
	v4 =	vmul.f32 $1.442695020e+00, v4  }
0x65c: {  	(erf) = vpow2.f32 v3  }
0x65d: {  	v3 =	vmul.f32 $1.442695020e+00, v5;
	(erf) = vpow2.f32 v4;
	_ =	sdelay $0x1  }
0x65e: {  	(erf) = vpow2.f32 v3;
	_ =	sdelay $0x4  }
0x65f: {  	v3 =	vpop (erf)  }
0x660: {  	v4 =	vpop (erf)  }
0x661: {  	v5 =	vpop (erf)  }
0x662: {  	v4 =	vadd.f32 v5, v4  }
0x663: {  	v6 =	vpop (erf)  }
0x664: {  	v4 =	vadd.f32 v4, v6;
	_ =	sdelay $0x1  }
0x665: {  	(erf) = vrcp.f32 v4;
	_ =	sdelay $0x2  }
0x666: {  	v4 =	vadd.f32 v8, v8;
	_ =	sdelay $0x1  }
0x667: {  	v4 =	vadd.f32 v4, v60  }
0x668: {  	v6 =	vadd.f32 v6, v6;
	_ =	sdelay $0x1  }
0x669: {  	v5 =	vadd.f32 v6, v5  }
0x66a: {  	v3 =	vmul.f32 v3, v4;
	v4 =	vpop (erf)  }
0x66b: {  	v4 =	vmul.f32 v4, v5  }
0x66c: {  	v3 =	vadd.f32 $1.000000000e+00, v3  }
0x66d: {  	s10 =	sadd.s32 $0x20, s10;
	v4 =	vadd.f32 $1.000000000e+00, v4  }
0x66e: {  	[tilespmem:s10+$0x0] =	vst v3  }
0x66f: {  	[tilespmem:s10+$0xFFFFFFF0] =	vst v4  }
0x670: {  	s14 =	simm.s32 $0x1E000;
	s10 =	rddreg [dreg:$0x1e]  }
0x671: {  	[spmem:s10] =	stream.linear.scatter [tilespmem:s14], [sflag:$0x4], $0x80, $0x38;
	[tilespmem:$0x1F600] =	vst v63  }
0x672: {  	_ =	swait.ge [sflag:s4], $0x80  }
0x673: {  	[sflag:s4] =	ssyncset.done $0x0  }
0x674: {  	[sflag:s4] =	ssyncadd.s32 $0xFFFFFF80  }
0x675: {  	[bflag:$0x0] =	sbarrier.arrive $0xFFFF  }
0x676: {  	s20 =	simm.s32 $0x100;
	s19 =	rddreg [dreg:$0xd]  }
0x677: {  	[tilespmem:s6], [sflag:$0x4] =	stream.strided.gather [spmem:s19], $0x400, s20, s5, $0x38;
	[tilespmem:$0x1F600] =	vst v63  }
0x678: {  	_ =	swait.ge [sflag:s4], $0x400  }
0x679: {  	[sflag:s4] =	ssyncset.done $0x0;
	s18 =	rddreg [dreg:$0xa]  }
0x67a: {  	s21 =	simm.s32 $0x11000;
	s31 =	sld [smem:$0x7FD];
	[sflag:s4] =	ssyncadd.s32 $0xFFFFFC00  }
0x67b: {  	[tilespmem:s21], [sflag:$0x2] =	stream.linear.gather [hbm4b:s18+s1], $0x1000, $0x38;
	[tilespmem:$0x1F600] =	vst v63  }
0x67c: {  	s22 =	simm.s32 $0x13000  }
0x67d: {  	[tilespmem:s22], [sflag:$0x2] =	stream.linear.gather [hbm4b:s31+s1], $0x1000, $0x38;
	[tilespmem:$0x1F600] =	vst v63  }
0x67e: {  	_ =	swait.ge [sflag:s0], $0x1000  }
0x67f: {  	[sflag:s0] =	ssyncset.done $0x0  }
0x680: {  	[sflag:s0] =	ssyncadd.s32 $0xFFFFF000  }
0x681: {  	_ =	swait.ge [sflag:s0], $0x1000  }
0x682: {  	[sflag:s0] =	ssyncset.done $0x0  }
0x683: {  	s23 =	simm.s32 $0x12020;
	[sflag:s0] =	ssyncadd.s32 $0xFFFFF000  }
0x684: {  	s28 =	simm.s32 $0x10020;
	v3 =	vld [tilespmem:s23+$0x10]  }
0x685: {  	v4 =	vld [tilespmem:s28+$0x10]  }
0x686: {  	v5 =	vld [tilespmem:s23+$0xFFFFFFE0]  }
0x687: {  	v6 =	vld [tilespmem:s23+$0x0]  }
0x688: {  	v8 =	vld [tilespmem:s28+$0xFFFFFFF0]  }
0x689: {  	v9 =	vld [tilespmem:s28+$0x0]  }
0x68a: {  	s29 =	simm.s32 $0x12060;
	v10 =	vld [tilespmem:s28+$0xFFFFFFE0]  }
0x68b: {  	v12 =	vld [tilespmem:s29+$0x10]  }
0x68c: {  	v18 =	vld [tilespmem:s29+$0x0];
	vm2 =	vgt.f32 v3, $5.000000000e-01  }
0x68d: {  	s10 =	simm.s32 $0x10060;
	v3 =	vld [tilespmem:s23+$0xFFFFFFF0];
	v7 =	vnsel vm2, $0x0, v4  }
0x68e: {  	v13 =	vld [tilespmem:s10+$0x10];
	_ =	sdelay $0x1  }
0x68f: {  	v14 =	vld [tilespmem:s29+$0xFFFFFFE0];
	vm0 =	vgt.f32 v5, $5.000000000e-01;
	vm3 =	vgt.f32 v6, $5.000000000e-01  }
0x690: {  	v17 =	vld [tilespmem:s29+$0xFFFFFFF0];
	vm6 =	vgt.f32 v18, $5.000000000e-01;
	v4 =	vsel vm0, $0x3F800000, v0;
	v10 =	vnsel vm0, $0x0, v10  }
0x691: {  	v19 =	vnsel vm3, $0x0, v9;
	vm0 =	vgt.f32 v12, $5.000000000e-01;
	vm1 =	vgt.f32 v3, $5.000000000e-01;
	v11 =	vld.idx.msk [tilespmem:v7+s6+$0x0], $0xffff  }
0x692: {  	v62 =	vld [tilespmem:s10+$0xFFFFFFF0];
	v6 =	vnsel vm0, $0x0, v13;
	vm5 =	vgt.s32 v7, $0x0;
	v8 =	vnsel vm1, $0x0, v8  }
0x693: {  	v63 =	vld [tilespmem:s10+$0x0];
	v3 =	vsel vm3, $0x3F800000, v0;
	vm3 =	vgt.s32 v19, $0x0;
	v5 =	vsel vm1, $0x3F800000, v0  }
0x694: {  	v16 =	vld [tilespmem:s10+$0xFFFFFFE0];
	vm1 =	vgt.s32 v10, $0x0;
	v7 =	vsel vm2, $0x3F800000, v0;
	vm4 =	vgt.s32 v8, $0x0  }
0x695: {  	v15 =	vld.idx.msk [tilespmem:v10+s6+$0x0], $0xffff;
	vm3 =	vmmov vm3;
	vm2 =	vmmov vm4;
	vm4 =	vgt.f32 v17, $5.000000000e-01  }
0x696: {  	s15 =	simm.s32 $0x40;
	s16 =	simm.s32 $0x120A0;
	s17 =	simm.s32 $0x1A000;
	v12 =	vld.idx.msk [tilespmem:v19+s6+$0x0], $0xffff;
	vm1 =	vmmov vm1;
	v9 =	vsel vm4, $0x3F800000, v0;
	v7 =	vsel vm5, v11, v7  }
0x697: {  	s14 =	simm.s32 $0x1A020;
	s19 =	smov.u32 s25;
	s20 =	smov.u32 s8;
	vm5 =	vgt.f32 v14, $5.000000000e-01;
	v14 =	vld.idx.msk [tilespmem:v8+s6+$0x0], $0xffff;
	v8 =	vnsel vm4, $0x0, v62;
	v11 =	vsel vm6, $0x3F800000, v0  }
0x698: {  	s21 =	smov.u32 s7;
	s22 =	smov.u32 s30;
	s23 =	smov.u32 s9;
	v13 =	vld.idx.msk [tilespmem:v6+s6+$0x0], $0xffff;
	v10 =	vsel vm5, $0x3F800000, v0;
	[tilespmem:s14+$0x10] =	vst v7;
	vm4 =	vgt.s32 v8, $0x0;
	v7 =	vnsel vm6, $0x0, v63  }
.LBB2_24:
0x699: {  	v17 =	vld [tilespmem:s16+$0x10];
	s15 =	sadd.s32 $0x40, s15;
	v18 =	vnsel vm5, $0x0, v16;
	vm5 =	vgt.s32 v7, $0x0;
	s10 =	sadd.s32 $0x40, s10  }
0x69a: {  	v16 =	vld [tilespmem:s10+$0x10];
	p0 =	slt.u32 s15, $0xFC0;
	vm6 =	vgt.s32 v18, $0x0  }
0x69b: {  	v15 =	vsel vm1, v15, v4;
	v4 =	vmov v10;
	v19 =	vld [tilespmem:s16+$0xFFFFFFE0];
	vm1 =	vmmov vm6  }
0x69c: {  	v10 =	vsel vm2, v14, v5;
	v5 =	vmov v9;
	vm2 =	vmmov vm4;
	v20 =	vld [tilespmem:s16+$0xFFFFFFF0];
	[tilespmem:s14+$0xFFFFFFE0] =	vst v15  }
0x69d: {  	vm4 =	vgt.s32 v6, $0x0;
	v6 =	vsel vm0, $0x3F800000, v0;
	v9 =	vsel vm3, v12, v3;
	v3 =	vmovc v11;
	v14 =	vld [tilespmem:s16+$0x0];
	[tilespmem:s14+$0xFFFFFFF0] =	vst v10  }
0x69e: {  	vm3 =	vmmov vm5;
	v10 =	vsel vm4, v13, v6;
	v11 =	vld [tilespmem:s10+$0xFFFFFFF0];
	vm0 =	vgt.f32 v17, $5.000000000e-01;
	[tilespmem:s14+$0x0] =	vst v9;
	s14 =	sadd.s32 $0x40, s14  }
0x69f: {  	v13 =	vld [tilespmem:s10+$0x0];
	v6 =	vnsel vm0, $0x0, v16;
	[tilespmem:s14+$0x10] =	vst v10  }
.Ltmp11:
0x6a0: {  	v16 =	vld [tilespmem:s10+$0xFFFFFFE0];
	vm5 =	vgt.f32 v19, $5.000000000e-01;
	(pc) =	sbr.rel @p0 .LBB2_24-.Ltmp11, $4  }
0x6a1: {  	v10 =	vsel vm5, $0x3F800000, v0;
	vm4 =	vgt.f32 v20, $5.000000000e-01;
	v15 =	vld.idx.msk [tilespmem:v18+s6+$0x0], $0xffff  }
0x6a2: {  	v9 =	vsel vm4, $0x3F800000, v0;
	vm6 =	vgt.f32 v14, $5.000000000e-01;
	v14 =	vld.idx.msk [tilespmem:v8+s6+$0x0], $0xffff  }
0x6a3: {  	v8 =	vnsel vm4, $0x0, v11;
	v11 =	vsel vm6, $0x3F800000, v0;
	v12 =	vld.idx.msk [tilespmem:v7+s6+$0x0], $0xffff  }
0x6a4: {  	s16 =	sadd.s32 $0x40, s16;
	vm4 =	vgt.s32 v8, $0x0;
	v7 =	vnsel vm6, $0x0, v13;
	v13 =	vld.idx.msk [tilespmem:v6+s6+$0x0], $0xffff  }
0x6a5: {  	v16 =	vnsel vm5, $0x0, v16;
	_ =	sdelay $0x4  }
0x6a6: {  	v17 =	vld.idx.msk [tilespmem:v16+s6+$0x0], $0xffff  }
0x6a7: {  	v8 =	vld.idx.msk [tilespmem:v8+s6+$0x0], $0xffff;
	v4 =	vsel vm1, v15, v4  }
0x6a8: {  	vm1 =	vgt.s32 v16, $0x0;
	[tilespmem:s14+$0xFFFFFFE0] =	vst v4;
	v4 =	vsel vm2, v14, v5;
	v5 =	vld.idx.msk [tilespmem:v7+s6+$0x0], $0xffff  }
0x6a9: {  	vm2 =	vgt.s32 v6, $0x0;
	v6 =	vsel vm0, $0x3F800000, v0;
	[tilespmem:s14+$0xFFFFFFF0] =	vst v4;
	v3 =	vsel vm3, v12, v3  }
0x6aa: {  	s10 =	sadd.s32 $0x40, s14;
	vm0 =	vmmov vm1;
	v4 =	vsel vm2, v13, v6;
	[tilespmem:s14+$0x0] =	vst v3  }
0x6ab: {  	vm1 =	vgt.s32 v7, $0x0;
	vm2 =	vmmov vm4;
	[tilespmem:s10+$0x10] =	vst v4;
	v3 =	vsel vm0, v17, v10  }
0x6ac: {  	vm0 =	vmmov vm1;
	[tilespmem:s10+$0xFFFFFFE0] =	vst v3;
	v3 =	vsel vm2, v8, v9  }
0x6ad: {  	[tilespmem:s10+$0xFFFFFFF0] =	vst v3;
	v3 =	vsel vm0, v5, v11  }
0x6ae: {  	[tilespmem:s10+$0x0] =	vst v3  }
0x6af: {  	s7 =	rddreg [dreg:$0x16]  }
0x6b0: {  	[hbm4b:s7+s1] =	stream.linear.scatter [tilespmem:s17], [sflag:$0x3], $0x1000, $0x38;
	[tilespmem:$0x1F600] =	vst v63  }
0x6b1: {  	s9 =	simm.s32 $0x10000  }
0x6b2: {  	[tilespmem:s9], [sflag:$0x1] =	stream.linear.gather [hbm4b:s20+s1], $0x1000, $0x38;
	[tilespmem:$0x1F600] =	vst v63  }
0x6b3: {  	s15 =	simm.s32 $0x12000;
	s28 =	rddreg [dreg:$0x10]  }
0x6b4: {  	[tilespmem:s15], [sflag:$0x1] =	stream.linear.gather [hbm4b:s28+s1], $0x1000, $0x38;
	[tilespmem:$0x1F600] =	vst v63  }
0x6b5: {  	_ =	swait.ge [sflag:s2], $0x1000  }
0x6b6: {  	[sflag:s2] =	ssyncset.done $0x0  }
0x6b7: {  	[sflag:s2] =	ssyncadd.s32 $0xFFFFF000  }
0x6b8: {  	_ =	swait.ge [sflag:s2], $0x1000  }
0x6b9: {  	[sflag:s2] =	ssyncset.done $0x0  }
0x6ba: {  	s16 =	simm.s32 $0x13020;
	[sflag:s2] =	ssyncadd.s32 $0xFFFFF000  }
0x6bb: {  	s25 =	simm.s32 $0x11020;
	v3 =	vld [tilespmem:s16+$0x10]  }
0x6bc: {  	v4 =	vld [tilespmem:s25+$0x10]  }
0x6bd: {  	v5 =	vld [tilespmem:s16+$0xFFFFFFE0]  }
0x6be: {  	v7 =	vld [tilespmem:s16+$0x0]  }
0x6bf: {  	v8 =	vld [tilespmem:s25+$0xFFFFFFF0]  }
0x6c0: {  	v9 =	vld [tilespmem:s25+$0x0]  }
0x6c1: {  	s29 =	simm.s32 $0x13060;
	v10 =	vld [tilespmem:s25+$0xFFFFFFE0];
	vm1 =	vgt.f32 v3, $5.000000000e-01  }
0x6c2: {  	v14 =	vld [tilespmem:s29+$0xFFFFFFE0];
	v6 =	vnsel vm1, $0x0, v4  }
0x6c3: {  	v18 =	vld [tilespmem:s29+$0x0]  }
0x6c4: {  	v3 =	vld [tilespmem:s16+$0xFFFFFFF0]  }
0x6c5: {  	s10 =	simm.s32 $0x11060;
	v12 =	vld [tilespmem:s29+$0x10]  }
0x6c6: {  	v13 =	vld [tilespmem:s10+$0x10]  }
0x6c7: {  	vm0 =	vgt.f32 v5, $5.000000000e-01;
	vm3 =	vgt.f32 v7, $5.000000000e-01;
	v11 =	vld.idx.msk [tilespmem:v6+s6+$0x0], $0xffff  }
0x6c8: {  	v17 =	vld [tilespmem:s29+$0xFFFFFFF0];
	vm5 =	vgt.f32 v14, $5.000000000e-01;
	vm6 =	vgt.f32 v18, $5.000000000e-01;
	v7 =	vnsel vm0, $0x0, v10  }
0x6c9: {  	v20 =	vld [tilespmem:s10+$0xFFFFFFF0];
	v4 =	vsel vm0, $0x3F800000, v0;
	v19 =	vnsel vm3, $0x0, v9;
	vm2 =	vgt.f32 v3, $5.000000000e-01  }
0x6ca: {  	v21 =	vld [tilespmem:s10+$0x0];
	vm0 =	vgt.f32 v12, $5.000000000e-01;
	v9 =	vsel vm1, $0x3F800000, v0;
	v8 =	vnsel vm2, $0x0, v8  }
0x6cb: {  	v5 =	vsel vm2, $0x3F800000, v0;
	vm2 =	vgt.s32 v6, $0x0;
	v6 =	vnsel vm0, $0x0, v13  }
0x6cc: {  	s14 =	simm.s32 $0x1B020;
	v16 =	vld [tilespmem:s10+$0xFFFFFFE0];
	v10 =	vsel vm5, $0x3F800000, v0;
	vm1 =	vgt.s32 v7, $0x0;
	v11 =	vsel vm2, v11, v9  }
0x6cd: {  	v3 =	vsel vm3, $0x3F800000, v0;
	vm3 =	vgt.s32 v19, $0x0;
	v15 =	vld.idx.msk [tilespmem:v7+s6+$0x0], $0xffff;
	vm4 =	vgt.s32 v8, $0x0;
	[tilespmem:s14+$0x10] =	vst v11  }
0x6ce: {  	v12 =	vld.idx.msk [tilespmem:v19+s6+$0x0], $0xffff;
	vm2 =	vmmov vm1;
	vm1 =	vmmov vm4;
	vm4 =	vgt.f32 v17, $5.000000000e-01;
	s8 =	rddreg [dreg:$0xe]  }
0x6cf: {  	vm3 =	vmmov vm3;
	v7 =	vnsel vm6, $0x0, v21;
	v14 =	vld.idx.msk [tilespmem:v8+s6+$0x0], $0xffff;
	v8 =	vnsel vm4, $0x0, v20;
	s25 =	rddreg [dreg:$0xf]  }
0x6d0: {  	s15 =	simm.s32 $0x40;
	s16 =	simm.s32 $0x130A0;
	v13 =	vld.idx.msk [tilespmem:v6+s6+$0x0], $0xffff;
	v9 =	vsel vm4, $0x3F800000, v0;
	v11 =	vsel vm6, $0x3F800000, v0;
	vm4 =	vgt.s32 v8, $0x0;
	s30 =	rddreg [dreg:$0x11]  }
.LBB2_26:
0x6d1: {  	v17 =	vld [tilespmem:s16+$0x10];
	s15 =	sadd.s32 $0x40, s15;
	v18 =	vnsel vm5, $0x0, v16;
	vm5 =	vgt.s32 v7, $0x0;
	s10 =	sadd.s32 $0x40, s10  }
0x6d2: {  	v16 =	vld [tilespmem:s10+$0x10];
	p0 =	slt.u32 s15, $0xFC0;
	vm6 =	vgt.s32 v18, $0x0  }
0x6d3: {  	v15 =	vsel vm2, v15, v4;
	v4 =	vmov v10;
	v19 =	vld [tilespmem:s16+$0xFFFFFFE0];
	vm2 =	vmmov vm6  }
0x6d4: {  	v10 =	vsel vm1, v14, v5;
	v5 =	vmov v9;
	vm1 =	vmmov vm4;
	v20 =	vld [tilespmem:s16+$0xFFFFFFF0];
	[tilespmem:s14+$0xFFFFFFE0] =	vst v15  }
0x6d5: {  	vm4 =	vgt.s32 v6, $0x0;
	v6 =	vsel vm0, $0x3F800000, v0;
	v9 =	vsel vm3, v12, v3;
	v3 =	vmovc v11;
	v14 =	vld [tilespmem:s16+$0x0];
	[tilespmem:s14+$0xFFFFFFF0] =	vst v10  }
0x6d6: {  	vm3 =	vmmov vm5;
	v10 =	vsel vm4, v13, v6;
	v11 =	vld [tilespmem:s10+$0xFFFFFFF0];
	vm0 =	vgt.f32 v17, $5.000000000e-01;
	[tilespmem:s14+$0x0] =	vst v9;
	s14 =	sadd.s32 $0x40, s14  }
0x6d7: {  	v13 =	vld [tilespmem:s10+$0x0];
	v6 =	vnsel vm0, $0x0, v16;
	[tilespmem:s14+$0x10] =	vst v10  }
.Ltmp12:
0x6d8: {  	v16 =	vld [tilespmem:s10+$0xFFFFFFE0];
	vm5 =	vgt.f32 v19, $5.000000000e-01;
	(pc) =	sbr.rel @p0 .LBB2_26-.Ltmp12, $4  }
0x6d9: {  	v10 =	vsel vm5, $0x3F800000, v0;
	vm4 =	vgt.f32 v20, $5.000000000e-01;
	v15 =	vld.idx.msk [tilespmem:v18+s6+$0x0], $0xffff  }
0x6da: {  	v9 =	vsel vm4, $0x3F800000, v0;
	vm6 =	vgt.f32 v14, $5.000000000e-01;
	v14 =	vld.idx.msk [tilespmem:v8+s6+$0x0], $0xffff  }
0x6db: {  	v8 =	vnsel vm4, $0x0, v11;
	v11 =	vsel vm6, $0x3F800000, v0;
	v12 =	vld.idx.msk [tilespmem:v7+s6+$0x0], $0xffff  }
0x6dc: {  	s16 =	sadd.s32 $0x40, s16;
	vm4 =	vgt.s32 v8, $0x0;
	v7 =	vnsel vm6, $0x0, v13;
	v13 =	vld.idx.msk [tilespmem:v6+s6+$0x0], $0xffff  }
0x6dd: {  	v16 =	vnsel vm5, $0x0, v16;
	_ =	sdelay $0x4  }
0x6de: {  	v17 =	vld.idx.msk [tilespmem:v16+s6+$0x0], $0xffff  }
0x6df: {  	v8 =	vld.idx.msk [tilespmem:v8+s6+$0x0], $0xffff;
	v4 =	vsel vm2, v15, v4  }
0x6e0: {  	vm2 =	vgt.s32 v16, $0x0;
	[tilespmem:s14+$0xFFFFFFE0] =	vst v4;
	v4 =	vsel vm1, v14, v5;
	v5 =	vld.idx.msk [tilespmem:v7+s6+$0x0], $0xffff  }
0x6e1: {  	vm1 =	vgt.s32 v6, $0x0;
	v6 =	vsel vm0, $0x3F800000, v0;
	[tilespmem:s14+$0xFFFFFFF0] =	vst v4;
	v3 =	vsel vm3, v12, v3  }
0x6e2: {  	s10 =	sadd.s32 $0x40, s14;
	vm0 =	vmmov vm2;
	v4 =	vsel vm1, v13, v6;
	[tilespmem:s14+$0x0] =	vst v3  }
0x6e3: {  	vm2 =	vmmov vm4;
	vm1 =	vgt.s32 v7, $0x0;
	[tilespmem:s10+$0x10] =	vst v4;
	v3 =	vsel vm0, v17, v10  }
0x6e4: {  	vm0 =	vmmov vm1;
	[tilespmem:s10+$0xFFFFFFE0] =	vst v3;
	v3 =	vsel vm2, v8, v9  }
0x6e5: {  	[tilespmem:s10+$0xFFFFFFF0] =	vst v3;
	v3 =	vsel vm0, v5, v11  }
0x6e6: {  	[tilespmem:s10+$0x0] =	vst v3  }
0x6e7: {  	s15 =	simm.s32 $0x1B000;
	s7 =	rddreg [dreg:$0x17]  }
0x6e8: {  	[hbm4b:s7+s1] =	stream.linear.scatter [tilespmem:s15], [sflag:$0x3], $0x1000, $0x38;
	[tilespmem:$0x1F600] =	vst v63  }
0x6e9: {  	s16 =	simm.s32 $0x11000  }
0x6ea: {  	[tilespmem:s16], [sflag:$0x2] =	stream.linear.gather [hbm4b:s21+s1], $0x1000, $0x38;
	[tilespmem:$0x1F600] =	vst v63  }
0x6eb: {  	s10 =	simm.s32 $0x13000  }
0x6ec: {  	[tilespmem:s10], [sflag:$0x2] =	stream.linear.gather [hbm4b:s30+s1], $0x1000, $0x38;
	[tilespmem:$0x1F600] =	vst v63  }
0x6ed: {  	_ =	swait.ge [sflag:s0], $0x1000  }
0x6ee: {  	[sflag:s0] =	ssyncset.done $0x0  }
0x6ef: {  	[sflag:s0] =	ssyncadd.s32 $0xFFFFF000  }
0x6f0: {  	_ =	swait.ge [sflag:s0], $0x1000  }
0x6f1: {  	[sflag:s0] =	ssyncset.done $0x0  }
0x6f2: {  	[sflag:s0] =	ssyncadd.s32 $0xFFFFF000  }
0x6f3: {  	_ =	swait.ge [sflag:s12], $0x1000  }
0x6f4: {  	[sflag:s12] =	ssyncset.done $0x0  }
0x6f5: {  	s14 =	simm.s32 $0x12020;
	[sflag:s12] =	ssyncadd.s32 $0xFFFFF000  }
0x6f6: {  	s15 =	simm.s32 $0x10020;
	v3 =	vld [tilespmem:s14+$0x10]  }
0x6f7: {  	v4 =	vld [tilespmem:s15+$0x10]  }
0x6f8: {  	v5 =	vld [tilespmem:s14+$0xFFFFFFE0]  }
0x6f9: {  	v7 =	vld [tilespmem:s14+$0x0]  }
0x6fa: {  	v8 =	vld [tilespmem:s15+$0xFFFFFFF0]  }
0x6fb: {  	v9 =	vld [tilespmem:s15+$0x0]  }
0x6fc: {  	s16 =	simm.s32 $0x12060;
	v10 =	vld [tilespmem:s15+$0xFFFFFFE0]  }
0x6fd: {  	v14 =	vld [tilespmem:s16+$0xFFFFFFE0];
	vm1 =	vgt.f32 v3, $5.000000000e-01  }
0x6fe: {  	v18 =	vld [tilespmem:s16+$0x0];
	v6 =	vnsel vm1, $0x0, v4  }
0x6ff: {  	v3 =	vld [tilespmem:s14+$0xFFFFFFF0]  }
0x700: {  	s10 =	simm.s32 $0x10060;
	v12 =	vld [tilespmem:s16+$0x10]  }
0x701: {  	v13 =	vld [tilespmem:s10+$0x10]  }
0x702: {  	v17 =	vld [tilespmem:s16+$0xFFFFFFF0];
	vm0 =	vgt.f32 v5, $5.000000000e-01;
	vm3 =	vgt.f32 v7, $5.000000000e-01  }
0x703: {  	vm5 =	vgt.f32 v14, $5.000000000e-01;
	vm6 =	vgt.f32 v18, $5.000000000e-01;
	v7 =	vnsel vm0, $0x0, v10;
	v11 =	vld.idx.msk [tilespmem:v6+s6+$0x0], $0xffff  }
0x704: {  	v20 =	vld [tilespmem:s10+$0xFFFFFFF0];
	v4 =	vsel vm0, $0x3F800000, v0;
	v19 =	vnsel vm3, $0x0, v9;
	vm2 =	vgt.f32 v3, $5.000000000e-01  }
0x705: {  	v21 =	vld [tilespmem:s10+$0x0];
	vm0 =	vgt.f32 v12, $5.000000000e-01;
	v9 =	vsel vm1, $0x3F800000, v0;
	v8 =	vnsel vm2, $0x0, v8  }
0x706: {  	v5 =	vsel vm2, $0x3F800000, v0;
	vm2 =	vgt.s32 v6, $0x0;
	v6 =	vnsel vm0, $0x0, v13  }
0x707: {  	v16 =	vld [tilespmem:s10+$0xFFFFFFE0];
	v10 =	vsel vm5, $0x3F800000, v0;
	vm1 =	vgt.s32 v7, $0x0;
	v3 =	vsel vm3, $0x3F800000, v0  }
0x708: {  	vm3 =	vgt.s32 v19, $0x0;
	v15 =	vld.idx.msk [tilespmem:v7+s6+$0x0], $0xffff;
	vm4 =	vgt.s32 v8, $0x0;
	v11 =	vsel vm2, v11, v9  }
0x709: {  	v12 =	vld.idx.msk [tilespmem:v19+s6+$0x0], $0xffff;
	vm2 =	vmmov vm1;
	vm1 =	vmmov vm4;
	vm4 =	vgt.f32 v17, $5.000000000e-01  }
0x70a: {  	s14 =	simm.s32 $0x1A020;
	vm3 =	vmmov vm3;
	v7 =	vnsel vm6, $0x0, v21;
	v14 =	vld.idx.msk [tilespmem:v8+s6+$0x0], $0xffff;
	v8 =	vnsel vm4, $0x0, v20  }
0x70b: {  	s29 =	smov.u32 s24;
	s15 =	simm.s32 $0x40;
	s16 =	simm.s32 $0x120A0;
	v13 =	vld.idx.msk [tilespmem:v6+s6+$0x0], $0xffff;
	v9 =	vsel vm4, $0x3F800000, v0;
	[tilespmem:s14+$0x10] =	vst v11;
	v11 =	vsel vm6, $0x3F800000, v0;
	vm4 =	vgt.s32 v8, $0x0  }
.LBB2_28:
0x70c: {  	v17 =	vld [tilespmem:s16+$0x10];
	s15 =	sadd.s32 $0x40, s15;
	v18 =	vnsel vm5, $0x0, v16;
	vm5 =	vgt.s32 v7, $0x0;
	s10 =	sadd.s32 $0x40, s10  }
0x70d: {  	v16 =	vld [tilespmem:s10+$0x10];
	p0 =	slt.u32 s15, $0xFC0;
	vm6 =	vgt.s32 v18, $0x0  }
0x70e: {  	v15 =	vsel vm2, v15, v4;
	v4 =	vmov v10;
	v19 =	vld [tilespmem:s16+$0xFFFFFFE0];
	vm2 =	vmmov vm6  }
0x70f: {  	v10 =	vsel vm1, v14, v5;
	v5 =	vmov v9;
	vm1 =	vmmov vm4;
	v20 =	vld [tilespmem:s16+$0xFFFFFFF0];
	[tilespmem:s14+$0xFFFFFFE0] =	vst v15  }
0x710: {  	vm4 =	vgt.s32 v6, $0x0;
	v6 =	vsel vm0, $0x3F800000, v0;
	v9 =	vsel vm3, v12, v3;
	v3 =	vmovc v11;
	v14 =	vld [tilespmem:s16+$0x0];
	[tilespmem:s14+$0xFFFFFFF0] =	vst v10  }
0x711: {  	vm3 =	vmmov vm5;
	v10 =	vsel vm4, v13, v6;
	v11 =	vld [tilespmem:s10+$0xFFFFFFF0];
	vm0 =	vgt.f32 v17, $5.000000000e-01;
	[tilespmem:s14+$0x0] =	vst v9;
	s14 =	sadd.s32 $0x40, s14  }
0x712: {  	v13 =	vld [tilespmem:s10+$0x0];
	v6 =	vnsel vm0, $0x0, v16;
	[tilespmem:s14+$0x10] =	vst v10  }
.Ltmp13:
0x713: {  	v16 =	vld [tilespmem:s10+$0xFFFFFFE0];
	vm5 =	vgt.f32 v19, $5.000000000e-01;
	(pc) =	sbr.rel @p0 .LBB2_28-.Ltmp13, $4  }
0x714: {  	v10 =	vsel vm5, $0x3F800000, v0;
	vm4 =	vgt.f32 v20, $5.000000000e-01;
	v15 =	vld.idx.msk [tilespmem:v18+s6+$0x0], $0xffff  }
0x715: {  	v9 =	vsel vm4, $0x3F800000, v0;
	vm6 =	vgt.f32 v14, $5.000000000e-01;
	v14 =	vld.idx.msk [tilespmem:v8+s6+$0x0], $0xffff  }
0x716: {  	v8 =	vnsel vm4, $0x0, v11;
	v11 =	vsel vm6, $0x3F800000, v0;
	v12 =	vld.idx.msk [tilespmem:v7+s6+$0x0], $0xffff  }
0x717: {  	s16 =	sadd.s32 $0x40, s16;
	vm4 =	vgt.s32 v8, $0x0;
	v7 =	vnsel vm6, $0x0, v13;
	v13 =	vld.idx.msk [tilespmem:v6+s6+$0x0], $0xffff  }
0x718: {  	v16 =	vnsel vm5, $0x0, v16;
	_ =	sdelay $0x4  }
0x719: {  	v17 =	vld.idx.msk [tilespmem:v16+s6+$0x0], $0xffff  }
0x71a: {  	v8 =	vld.idx.msk [tilespmem:v8+s6+$0x0], $0xffff;
	v4 =	vsel vm2, v15, v4  }
0x71b: {  	vm2 =	vgt.s32 v16, $0x0;
	[tilespmem:s14+$0xFFFFFFE0] =	vst v4;
	v4 =	vsel vm1, v14, v5;
	v5 =	vld.idx.msk [tilespmem:v7+s6+$0x0], $0xffff  }
0x71c: {  	vm1 =	vgt.s32 v6, $0x0;
	v6 =	vsel vm0, $0x3F800000, v0;
	[tilespmem:s14+$0xFFFFFFF0] =	vst v4;
	v3 =	vsel vm3, v12, v3  }
0x71d: {  	s10 =	sadd.s32 $0x40, s14;
	vm0 =	vmmov vm2;
	v4 =	vsel vm1, v13, v6;
	[tilespmem:s14+$0x0] =	vst v3  }
0x71e: {  	vm2 =	vmmov vm4;
	vm1 =	vgt.s32 v7, $0x0;
	[tilespmem:s10+$0x10] =	vst v4;
	v3 =	vsel vm0, v17, v10  }
0x71f: {  	vm0 =	vmmov vm1;
	[tilespmem:s10+$0xFFFFFFE0] =	vst v3;
	v3 =	vsel vm2, v8, v9  }
0x720: {  	[tilespmem:s10+$0xFFFFFFF0] =	vst v3;
	v3 =	vsel vm0, v5, v11  }
0x721: {  	[tilespmem:s10+$0x0] =	vst v3  }
0x722: {  	s7 =	rddreg [dreg:$0x18]  }
0x723: {  	[hbm4b:s7+s1] =	stream.linear.scatter [tilespmem:s17], [sflag:$0x3], $0x1000, $0x38;
	[tilespmem:$0x1F600] =	vst v63  }
0x724: {  	_ = 	snop  }
0x725: {  	[tilespmem:s9], [sflag:$0x1] =	stream.linear.gather [hbm4b:s22+s1], $0x1000, $0x38;
	[tilespmem:$0x1F600] =	vst v63  }
0x726: {  	s10 =	simm.s32 $0x12000;
	s24 =	rddreg [dreg:$0x12]  }
0x727: {  	[tilespmem:s10], [sflag:$0x1] =	stream.linear.gather [hbm4b:s24+s1], $0x1000, $0x38;
	[tilespmem:$0x1F600] =	vst v63  }
0x728: {  	_ =	swait.ge [sflag:s2], $0x1000  }
0x729: {  	[sflag:s2] =	ssyncset.done $0x0  }
0x72a: {  	[sflag:s2] =	ssyncadd.s32 $0xFFFFF000  }
0x72b: {  	_ =	swait.ge [sflag:s2], $0x1000  }
0x72c: {  	[sflag:s2] =	ssyncset.done $0x0  }
0x72d: {  	[sflag:s2] =	ssyncadd.s32 $0xFFFFF000  }
0x72e: {  	_ =	swait.ge [sflag:s12], $0x1000  }
0x72f: {  	[sflag:s12] =	ssyncset.done $0x0  }
0x730: {  	s14 =	simm.s32 $0x13020;
	[sflag:s12] =	ssyncadd.s32 $0xFFFFF000  }
0x731: {  	s15 =	simm.s32 $0x11020;
	v3 =	vld [tilespmem:s14+$0x10]  }
0x732: {  	v4 =	vld [tilespmem:s15+$0x10]  }
0x733: {  	v5 =	vld [tilespmem:s14+$0xFFFFFFE0]  }
0x734: {  	v7 =	vld [tilespmem:s14+$0x0]  }
0x735: {  	v8 =	vld [tilespmem:s15+$0xFFFFFFF0]  }
0x736: {  	v9 =	vld [tilespmem:s15+$0x0]  }
0x737: {  	s16 =	simm.s32 $0x13060;
	v10 =	vld [tilespmem:s15+$0xFFFFFFE0]  }
0x738: {  	v14 =	vld [tilespmem:s16+$0xFFFFFFE0];
	vm1 =	vgt.f32 v3, $5.000000000e-01  }
0x739: {  	v18 =	vld [tilespmem:s16+$0x0];
	v6 =	vnsel vm1, $0x0, v4  }
0x73a: {  	v3 =	vld [tilespmem:s14+$0xFFFFFFF0]  }
0x73b: {  	s10 =	simm.s32 $0x11060;
	v12 =	vld [tilespmem:s16+$0x10]  }
0x73c: {  	v13 =	vld [tilespmem:s10+$0x10]  }
0x73d: {  	v17 =	vld [tilespmem:s16+$0xFFFFFFF0];
	vm0 =	vgt.f32 v5, $5.000000000e-01;
	vm3 =	vgt.f32 v7, $5.000000000e-01  }
0x73e: {  	vm5 =	vgt.f32 v14, $5.000000000e-01;
	vm6 =	vgt.f32 v18, $5.000000000e-01;
	v7 =	vnsel vm0, $0x0, v10;
	v11 =	vld.idx.msk [tilespmem:v6+s6+$0x0], $0xffff  }
0x73f: {  	v20 =	vld [tilespmem:s10+$0xFFFFFFF0];
	v4 =	vsel vm0, $0x3F800000, v0;
	v19 =	vnsel vm3, $0x0, v9;
	vm2 =	vgt.f32 v3, $5.000000000e-01  }
0x740: {  	v21 =	vld [tilespmem:s10+$0x0];
	vm0 =	vgt.f32 v12, $5.000000000e-01;
	v9 =	vsel vm1, $0x3F800000, v0;
	v8 =	vnsel vm2, $0x0, v8  }
0x741: {  	v5 =	vsel vm2, $0x3F800000, v0;
	vm2 =	vgt.s32 v6, $0x0;
	v6 =	vnsel vm0, $0x0, v13  }
0x742: {  	v16 =	vld [tilespmem:s10+$0xFFFFFFE0];
	v10 =	vsel vm5, $0x3F800000, v0;
	vm1 =	vgt.s32 v7, $0x0;
	v3 =	vsel vm3, $0x3F800000, v0  }
0x743: {  	vm3 =	vgt.s32 v19, $0x0;
	v15 =	vld.idx.msk [tilespmem:v7+s6+$0x0], $0xffff;
	vm4 =	vgt.s32 v8, $0x0;
	v11 =	vsel vm2, v11, v9  }
0x744: {  	v12 =	vld.idx.msk [tilespmem:v19+s6+$0x0], $0xffff;
	vm2 =	vmmov vm1;
	vm1 =	vmmov vm4;
	vm4 =	vgt.f32 v17, $5.000000000e-01  }
0x745: {  	s14 =	simm.s32 $0x1B020;
	vm3 =	vmmov vm3;
	v7 =	vnsel vm6, $0x0, v21;
	v14 =	vld.idx.msk [tilespmem:v8+s6+$0x0], $0xffff;
	v8 =	vnsel vm4, $0x0, v20  }
0x746: {  	s15 =	simm.s32 $0x40;
	s16 =	simm.s32 $0x130A0;
	v13 =	vld.idx.msk [tilespmem:v6+s6+$0x0], $0xffff;
	v9 =	vsel vm4, $0x3F800000, v0;
	[tilespmem:s14+$0x10] =	vst v11;
	v11 =	vsel vm6, $0x3F800000, v0;
	vm4 =	vgt.s32 v8, $0x0  }
.LBB2_30:
0x747: {  	v17 =	vld [tilespmem:s16+$0x10];
	s15 =	sadd.s32 $0x40, s15;
	v18 =	vnsel vm5, $0x0, v16;
	vm5 =	vgt.s32 v7, $0x0;
	s10 =	sadd.s32 $0x40, s10  }
0x748: {  	v16 =	vld [tilespmem:s10+$0x10];
	p0 =	slt.u32 s15, $0xFC0;
	vm6 =	vgt.s32 v18, $0x0  }
0x749: {  	v15 =	vsel vm2, v15, v4;
	v4 =	vmov v10;
	v19 =	vld [tilespmem:s16+$0xFFFFFFE0];
	vm2 =	vmmov vm6  }
0x74a: {  	v10 =	vsel vm1, v14, v5;
	v5 =	vmov v9;
	vm1 =	vmmov vm4;
	v20 =	vld [tilespmem:s16+$0xFFFFFFF0];
	[tilespmem:s14+$0xFFFFFFE0] =	vst v15  }
0x74b: {  	vm4 =	vgt.s32 v6, $0x0;
	v6 =	vsel vm0, $0x3F800000, v0;
	v9 =	vsel vm3, v12, v3;
	v3 =	vmovc v11;
	v14 =	vld [tilespmem:s16+$0x0];
	[tilespmem:s14+$0xFFFFFFF0] =	vst v10  }
0x74c: {  	vm3 =	vmmov vm5;
	v10 =	vsel vm4, v13, v6;
	v11 =	vld [tilespmem:s10+$0xFFFFFFF0];
	vm0 =	vgt.f32 v17, $5.000000000e-01;
	[tilespmem:s14+$0x0] =	vst v9;
	s14 =	sadd.s32 $0x40, s14  }
0x74d: {  	v13 =	vld [tilespmem:s10+$0x0];
	v6 =	vnsel vm0, $0x0, v16;
	[tilespmem:s14+$0x10] =	vst v10  }
.Ltmp14:
0x74e: {  	v16 =	vld [tilespmem:s10+$0xFFFFFFE0];
	vm5 =	vgt.f32 v19, $5.000000000e-01;
	(pc) =	sbr.rel @p0 .LBB2_30-.Ltmp14, $4  }
0x74f: {  	v10 =	vsel vm5, $0x3F800000, v0;
	vm4 =	vgt.f32 v20, $5.000000000e-01;
	v15 =	vld.idx.msk [tilespmem:v18+s6+$0x0], $0xffff  }
0x750: {  	v9 =	vsel vm4, $0x3F800000, v0;
	vm6 =	vgt.f32 v14, $5.000000000e-01;
	v14 =	vld.idx.msk [tilespmem:v8+s6+$0x0], $0xffff  }
0x751: {  	v8 =	vnsel vm4, $0x0, v11;
	v11 =	vsel vm6, $0x3F800000, v0;
	v12 =	vld.idx.msk [tilespmem:v7+s6+$0x0], $0xffff  }
0x752: {  	s16 =	sadd.s32 $0x40, s16;
	vm4 =	vgt.s32 v8, $0x0;
	v7 =	vnsel vm6, $0x0, v13;
	v13 =	vld.idx.msk [tilespmem:v6+s6+$0x0], $0xffff  }
0x753: {  	v16 =	vnsel vm5, $0x0, v16;
	_ =	sdelay $0x4  }
0x754: {  	v17 =	vld.idx.msk [tilespmem:v16+s6+$0x0], $0xffff  }
0x755: {  	v8 =	vld.idx.msk [tilespmem:v8+s6+$0x0], $0xffff;
	v4 =	vsel vm2, v15, v4  }
0x756: {  	vm2 =	vgt.s32 v16, $0x0;
	[tilespmem:s14+$0xFFFFFFE0] =	vst v4;
	v4 =	vsel vm1, v14, v5;
	v5 =	vld.idx.msk [tilespmem:v7+s6+$0x0], $0xffff  }
0x757: {  	vm1 =	vgt.s32 v6, $0x0;
	v6 =	vsel vm0, $0x3F800000, v0;
	[tilespmem:s14+$0xFFFFFFF0] =	vst v4;
	v3 =	vsel vm3, v12, v3  }
0x758: {  	s10 =	sadd.s32 $0x40, s14;
	vm0 =	vmmov vm2;
	v4 =	vsel vm1, v13, v6;
	[tilespmem:s14+$0x0] =	vst v3  }
0x759: {  	vm2 =	vmmov vm4;
	vm1 =	vgt.s32 v7, $0x0;
	[tilespmem:s10+$0x10] =	vst v4;
	v3 =	vsel vm0, v17, v10  }
0x75a: {  	vm0 =	vmmov vm1;
	[tilespmem:s10+$0xFFFFFFE0] =	vst v3;
	v3 =	vsel vm2, v8, v9  }
0x75b: {  	[tilespmem:s10+$0xFFFFFFF0] =	vst v3;
	v3 =	vsel vm0, v5, v11  }
0x75c: {  	[tilespmem:s10+$0x0] =	vst v3  }
0x75d: {  	s16 =	simm.s32 $0x1B000;
	s7 =	rddreg [dreg:$0x19]  }
0x75e: {  	[hbm4b:s7+s1] =	stream.linear.scatter [tilespmem:s16], [sflag:$0x3], $0x1000, $0x38;
	[tilespmem:$0x1F600] =	vst v63  }
0x75f: {  	s14 =	simm.s32 $0x11000  }
0x760: {  	[tilespmem:s14], [sflag:$0x2] =	stream.linear.gather [hbm4b:s23+s1], $0x1000, $0x38;
	[tilespmem:$0x1F600] =	vst v63  }
0x761: {  	s15 =	rddreg [dreg:$0x13];
	s16 =	simm.s32 $0x13000  }
0x762: {  	[tilespmem:s16], [sflag:$0x2] =	stream.linear.gather [hbm4b:s15+s1], $0x1000, $0x38;
	[tilespmem:$0x1F600] =	vst v63  }
0x763: {  	_ =	swait.ge [sflag:s0], $0x1000  }
0x764: {  	[sflag:s0] =	ssyncset.done $0x0  }
0x765: {  	[sflag:s0] =	ssyncadd.s32 $0xFFFFF000  }
0x766: {  	_ =	swait.ge [sflag:s0], $0x1000  }
0x767: {  	[sflag:s0] =	ssyncset.done $0x0  }
0x768: {  	[sflag:s0] =	ssyncadd.s32 $0xFFFFF000  }
0x769: {  	_ =	swait.ge [sflag:s12], $0x1000  }
0x76a: {  	[sflag:s12] =	ssyncset.done $0x0  }
0x76b: {  	s14 =	simm.s32 $0x12020;
	[sflag:s12] =	ssyncadd.s32 $0xFFFFF000  }
0x76c: {  	s15 =	simm.s32 $0x10020;
	v3 =	vld [tilespmem:s14+$0x10]  }
0x76d: {  	v4 =	vld [tilespmem:s15+$0x10]  }
0x76e: {  	v5 =	vld [tilespmem:s14+$0xFFFFFFE0]  }
0x76f: {  	v7 =	vld [tilespmem:s14+$0x0]  }
0x770: {  	v8 =	vld [tilespmem:s15+$0xFFFFFFF0]  }
0x771: {  	v9 =	vld [tilespmem:s15+$0x0]  }
0x772: {  	s16 =	simm.s32 $0x12060;
	v10 =	vld [tilespmem:s15+$0xFFFFFFE0]  }
0x773: {  	v14 =	vld [tilespmem:s16+$0xFFFFFFE0];
	vm1 =	vgt.f32 v3, $5.000000000e-01  }
0x774: {  	v18 =	vld [tilespmem:s16+$0x0];
	v6 =	vnsel vm1, $0x0, v4  }
0x775: {  	v3 =	vld [tilespmem:s14+$0xFFFFFFF0]  }
0x776: {  	s10 =	simm.s32 $0x10060;
	v12 =	vld [tilespmem:s16+$0x10]  }
0x777: {  	v13 =	vld [tilespmem:s10+$0x10]  }
0x778: {  	v17 =	vld [tilespmem:s16+$0xFFFFFFF0];
	vm0 =	vgt.f32 v5, $5.000000000e-01;
	vm3 =	vgt.f32 v7, $5.000000000e-01  }
0x779: {  	vm5 =	vgt.f32 v14, $5.000000000e-01;
	vm6 =	vgt.f32 v18, $5.000000000e-01;
	v7 =	vnsel vm0, $0x0, v10;
	v11 =	vld.idx.msk [tilespmem:v6+s6+$0x0], $0xffff  }
0x77a: {  	v20 =	vld [tilespmem:s10+$0xFFFFFFF0];
	v4 =	vsel vm0, $0x3F800000, v0;
	v19 =	vnsel vm3, $0x0, v9;
	vm2 =	vgt.f32 v3, $5.000000000e-01  }
0x77b: {  	v21 =	vld [tilespmem:s10+$0x0];
	vm0 =	vgt.f32 v12, $5.000000000e-01;
	v9 =	vsel vm1, $0x3F800000, v0;
	v8 =	vnsel vm2, $0x0, v8  }
0x77c: {  	v5 =	vsel vm2, $0x3F800000, v0;
	vm2 =	vgt.s32 v6, $0x0;
	v6 =	vnsel vm0, $0x0, v13  }
0x77d: {  	v16 =	vld [tilespmem:s10+$0xFFFFFFE0];
	v10 =	vsel vm5, $0x3F800000, v0;
	vm1 =	vgt.s32 v7, $0x0;
	v3 =	vsel vm3, $0x3F800000, v0  }
0x77e: {  	vm3 =	vgt.s32 v19, $0x0;
	v15 =	vld.idx.msk [tilespmem:v7+s6+$0x0], $0xffff;
	vm4 =	vgt.s32 v8, $0x0;
	v11 =	vsel vm2, v11, v9  }
0x77f: {  	v12 =	vld.idx.msk [tilespmem:v19+s6+$0x0], $0xffff;
	vm2 =	vmmov vm1;
	vm1 =	vmmov vm4;
	vm4 =	vgt.f32 v17, $5.000000000e-01  }
0x780: {  	s14 =	simm.s32 $0x1A020;
	vm3 =	vmmov vm3;
	v7 =	vnsel vm6, $0x0, v21;
	v14 =	vld.idx.msk [tilespmem:v8+s6+$0x0], $0xffff;
	v8 =	vnsel vm4, $0x0, v20  }
0x781: {  	s15 =	simm.s32 $0x40;
	s16 =	simm.s32 $0x120A0;
	v13 =	vld.idx.msk [tilespmem:v6+s6+$0x0], $0xffff;
	v9 =	vsel vm4, $0x3F800000, v0;
	[tilespmem:s14+$0x10] =	vst v11;
	v11 =	vsel vm6, $0x3F800000, v0;
	vm4 =	vgt.s32 v8, $0x0  }
.LBB2_32:
0x782: {  	v17 =	vld [tilespmem:s16+$0x10];
	s15 =	sadd.s32 $0x40, s15;
	v18 =	vnsel vm5, $0x0, v16;
	vm5 =	vgt.s32 v7, $0x0;
	s10 =	sadd.s32 $0x40, s10  }
0x783: {  	v16 =	vld [tilespmem:s10+$0x10];
	p0 =	slt.u32 s15, $0xFC0;
	vm6 =	vgt.s32 v18, $0x0  }
0x784: {  	v15 =	vsel vm2, v15, v4;
	v4 =	vmov v10;
	v19 =	vld [tilespmem:s16+$0xFFFFFFE0];
	vm2 =	vmmov vm6  }
0x785: {  	v10 =	vsel vm1, v14, v5;
	v5 =	vmov v9;
	vm1 =	vmmov vm4;
	v20 =	vld [tilespmem:s16+$0xFFFFFFF0];
	[tilespmem:s14+$0xFFFFFFE0] =	vst v15  }
0x786: {  	vm4 =	vgt.s32 v6, $0x0;
	v6 =	vsel vm0, $0x3F800000, v0;
	v9 =	vsel vm3, v12, v3;
	v3 =	vmovc v11;
	v14 =	vld [tilespmem:s16+$0x0];
	[tilespmem:s14+$0xFFFFFFF0] =	vst v10  }
0x787: {  	vm3 =	vmmov vm5;
	v10 =	vsel vm4, v13, v6;
	v11 =	vld [tilespmem:s10+$0xFFFFFFF0];
	vm0 =	vgt.f32 v17, $5.000000000e-01;
	[tilespmem:s14+$0x0] =	vst v9;
	s14 =	sadd.s32 $0x40, s14  }
0x788: {  	v13 =	vld [tilespmem:s10+$0x0];
	v6 =	vnsel vm0, $0x0, v16;
	[tilespmem:s14+$0x10] =	vst v10  }
.Ltmp15:
0x789: {  	v16 =	vld [tilespmem:s10+$0xFFFFFFE0];
	vm5 =	vgt.f32 v19, $5.000000000e-01;
	(pc) =	sbr.rel @p0 .LBB2_32-.Ltmp15, $4  }
0x78a: {  	v10 =	vsel vm5, $0x3F800000, v0;
	vm4 =	vgt.f32 v20, $5.000000000e-01;
	v15 =	vld.idx.msk [tilespmem:v18+s6+$0x0], $0xffff  }
0x78b: {  	v9 =	vsel vm4, $0x3F800000, v0;
	vm6 =	vgt.f32 v14, $5.000000000e-01;
	v14 =	vld.idx.msk [tilespmem:v8+s6+$0x0], $0xffff  }
0x78c: {  	v8 =	vnsel vm4, $0x0, v11;
	v11 =	vsel vm6, $0x3F800000, v0;
	v12 =	vld.idx.msk [tilespmem:v7+s6+$0x0], $0xffff  }
0x78d: {  	s16 =	sadd.s32 $0x40, s16;
	vm4 =	vgt.s32 v8, $0x0;
	v7 =	vnsel vm6, $0x0, v13;
	v13 =	vld.idx.msk [tilespmem:v6+s6+$0x0], $0xffff  }
0x78e: {  	v16 =	vnsel vm5, $0x0, v16;
	_ =	sdelay $0x4  }
0x78f: {  	v17 =	vld.idx.msk [tilespmem:v16+s6+$0x0], $0xffff  }
0x790: {  	v8 =	vld.idx.msk [tilespmem:v8+s6+$0x0], $0xffff;
	v4 =	vsel vm2, v15, v4  }
0x791: {  	vm2 =	vgt.s32 v16, $0x0;
	[tilespmem:s14+$0xFFFFFFE0] =	vst v4;
	v4 =	vsel vm1, v14, v5;
	v5 =	vld.idx.msk [tilespmem:v7+s6+$0x0], $0xffff  }
0x792: {  	vm1 =	vgt.s32 v6, $0x0;
	v6 =	vsel vm0, $0x3F800000, v0;
	[tilespmem:s14+$0xFFFFFFF0] =	vst v4;
	v3 =	vsel vm3, v12, v3  }
0x793: {  	s10 =	sadd.s32 $0x40, s14;
	vm0 =	vmmov vm2;
	v4 =	vsel vm1, v13, v6;
	[tilespmem:s14+$0x0] =	vst v3  }
0x794: {  	vm2 =	vmmov vm4;
	vm1 =	vgt.s32 v7, $0x0;
	[tilespmem:s10+$0x10] =	vst v4;
	v3 =	vsel vm0, v17, v10  }
0x795: {  	vm0 =	vmmov vm1;
	[tilespmem:s10+$0xFFFFFFE0] =	vst v3;
	v3 =	vsel vm2, v8, v9  }
0x796: {  	[tilespmem:s10+$0xFFFFFFF0] =	vst v3;
	v3 =	vsel vm0, v5, v11  }
0x797: {  	[tilespmem:s10+$0x0] =	vst v3  }
0x798: {  	s7 =	rddreg [dreg:$0x1a]  }
0x799: {  	[hbm4b:s7+s1] =	stream.linear.scatter [tilespmem:s17], [sflag:$0x3], $0x1000, $0x38;
	[tilespmem:$0x1F600] =	vst v63  }
0x79a: {  	_ = 	snop  }
0x79b: {  	[tilespmem:s9], [sflag:$0x1] =	stream.linear.gather [hbm4b:s8+s1], $0x1000, $0x38;
	[tilespmem:$0x1F600] =	vst v63  }
0x79c: {  	s16 =	simm.s32 $0x12000;
	s15 =	rddreg [dreg:$0x14]  }
0x79d: {  	[tilespmem:s16], [sflag:$0x1] =	stream.linear.gather [hbm4b:s15+s1], $0x1000, $0x38;
	[tilespmem:$0x1F600] =	vst v63  }
0x79e: {  	_ =	swait.ge [sflag:s2], $0x1000  }
0x79f: {  	[sflag:s2] =	ssyncset.done $0x0  }
0x7a0: {  	[sflag:s2] =	ssyncadd.s32 $0xFFFFF000  }
0x7a1: {  	_ =	swait.ge [sflag:s2], $0x1000  }
0x7a2: {  	[sflag:s2] =	ssyncset.done $0x0  }
0x7a3: {  	[sflag:s2] =	ssyncadd.s32 $0xFFFFF000  }
0x7a4: {  	_ =	swait.ge [sflag:s12], $0x1000  }
0x7a5: {  	[sflag:s12] =	ssyncset.done $0x0  }
0x7a6: {  	s14 =	simm.s32 $0x13020;
	[sflag:s12] =	ssyncadd.s32 $0xFFFFF000  }
0x7a7: {  	s15 =	simm.s32 $0x11020;
	v3 =	vld [tilespmem:s14+$0x10]  }
0x7a8: {  	v4 =	vld [tilespmem:s15+$0x10]  }
0x7a9: {  	v5 =	vld [tilespmem:s14+$0xFFFFFFE0]  }
0x7aa: {  	v7 =	vld [tilespmem:s14+$0x0]  }
0x7ab: {  	v8 =	vld [tilespmem:s15+$0xFFFFFFF0]  }
0x7ac: {  	v9 =	vld [tilespmem:s15+$0x0]  }
0x7ad: {  	s16 =	simm.s32 $0x13060;
	v10 =	vld [tilespmem:s15+$0xFFFFFFE0]  }
0x7ae: {  	v14 =	vld [tilespmem:s16+$0xFFFFFFE0];
	vm1 =	vgt.f32 v3, $5.000000000e-01  }
0x7af: {  	v18 =	vld [tilespmem:s16+$0x0];
	v6 =	vnsel vm1, $0x0, v4  }
0x7b0: {  	v3 =	vld [tilespmem:s14+$0xFFFFFFF0]  }
0x7b1: {  	s10 =	simm.s32 $0x11060;
	v12 =	vld [tilespmem:s16+$0x10]  }
0x7b2: {  	v13 =	vld [tilespmem:s10+$0x10]  }
0x7b3: {  	v17 =	vld [tilespmem:s16+$0xFFFFFFF0];
	vm0 =	vgt.f32 v5, $5.000000000e-01;
	vm3 =	vgt.f32 v7, $5.000000000e-01  }
0x7b4: {  	vm5 =	vgt.f32 v14, $5.000000000e-01;
	vm6 =	vgt.f32 v18, $5.000000000e-01;
	v7 =	vnsel vm0, $0x0, v10;
	v11 =	vld.idx.msk [tilespmem:v6+s6+$0x0], $0xffff  }
0x7b5: {  	v20 =	vld [tilespmem:s10+$0xFFFFFFF0];
	v4 =	vsel vm0, $0x3F800000, v0;
	v19 =	vnsel vm3, $0x0, v9;
	vm2 =	vgt.f32 v3, $5.000000000e-01  }
0x7b6: {  	v21 =	vld [tilespmem:s10+$0x0];
	vm0 =	vgt.f32 v12, $5.000000000e-01;
	v9 =	vsel vm1, $0x3F800000, v0;
	v8 =	vnsel vm2, $0x0, v8  }
0x7b7: {  	v5 =	vsel vm2, $0x3F800000, v0;
	vm2 =	vgt.s32 v6, $0x0;
	v6 =	vnsel vm0, $0x0, v13  }
0x7b8: {  	v16 =	vld [tilespmem:s10+$0xFFFFFFE0];
	v10 =	vsel vm5, $0x3F800000, v0;
	vm1 =	vgt.s32 v7, $0x0;
	v3 =	vsel vm3, $0x3F800000, v0  }
0x7b9: {  	vm3 =	vgt.s32 v19, $0x0;
	v15 =	vld.idx.msk [tilespmem:v7+s6+$0x0], $0xffff;
	vm4 =	vgt.s32 v8, $0x0;
	v11 =	vsel vm2, v11, v9  }
0x7ba: {  	v12 =	vld.idx.msk [tilespmem:v19+s6+$0x0], $0xffff;
	vm2 =	vmmov vm1;
	vm1 =	vmmov vm4;
	vm4 =	vgt.f32 v17, $5.000000000e-01  }
0x7bb: {  	s14 =	simm.s32 $0x1B020;
	vm3 =	vmmov vm3;
	v7 =	vnsel vm6, $0x0, v21;
	v14 =	vld.idx.msk [tilespmem:v8+s6+$0x0], $0xffff;
	v8 =	vnsel vm4, $0x0, v20  }
0x7bc: {  	s15 =	simm.s32 $0x40;
	s16 =	simm.s32 $0x130A0;
	v13 =	vld.idx.msk [tilespmem:v6+s6+$0x0], $0xffff;
	v9 =	vsel vm4, $0x3F800000, v0;
	[tilespmem:s14+$0x10] =	vst v11;
	v11 =	vsel vm6, $0x3F800000, v0;
	vm4 =	vgt.s32 v8, $0x0  }
.LBB2_34:
0x7bd: {  	v17 =	vld [tilespmem:s16+$0x10];
	s15 =	sadd.s32 $0x40, s15;
	v18 =	vnsel vm5, $0x0, v16;
	vm5 =	vgt.s32 v7, $0x0;
	s10 =	sadd.s32 $0x40, s10  }
0x7be: {  	v16 =	vld [tilespmem:s10+$0x10];
	p0 =	slt.u32 s15, $0xFC0;
	vm6 =	vgt.s32 v18, $0x0  }
0x7bf: {  	v15 =	vsel vm2, v15, v4;
	v4 =	vmov v10;
	v19 =	vld [tilespmem:s16+$0xFFFFFFE0];
	vm2 =	vmmov vm6  }
0x7c0: {  	v10 =	vsel vm1, v14, v5;
	v5 =	vmov v9;
	vm1 =	vmmov vm4;
	v20 =	vld [tilespmem:s16+$0xFFFFFFF0];
	[tilespmem:s14+$0xFFFFFFE0] =	vst v15  }
0x7c1: {  	vm4 =	vgt.s32 v6, $0x0;
	v6 =	vsel vm0, $0x3F800000, v0;
	v9 =	vsel vm3, v12, v3;
	v3 =	vmovc v11;
	v14 =	vld [tilespmem:s16+$0x0];
	[tilespmem:s14+$0xFFFFFFF0] =	vst v10  }
0x7c2: {  	vm3 =	vmmov vm5;
	v10 =	vsel vm4, v13, v6;
	v11 =	vld [tilespmem:s10+$0xFFFFFFF0];
	vm0 =	vgt.f32 v17, $5.000000000e-01;
	[tilespmem:s14+$0x0] =	vst v9;
	s14 =	sadd.s32 $0x40, s14  }
0x7c3: {  	v13 =	vld [tilespmem:s10+$0x0];
	v6 =	vnsel vm0, $0x0, v16;
	[tilespmem:s14+$0x10] =	vst v10  }
.Ltmp16:
0x7c4: {  	v16 =	vld [tilespmem:s10+$0xFFFFFFE0];
	vm5 =	vgt.f32 v19, $5.000000000e-01;
	(pc) =	sbr.rel @p0 .LBB2_34-.Ltmp16, $4  }
0x7c5: {  	v10 =	vsel vm5, $0x3F800000, v0;
	vm4 =	vgt.f32 v20, $5.000000000e-01;
	v15 =	vld.idx.msk [tilespmem:v18+s6+$0x0], $0xffff  }
0x7c6: {  	v9 =	vsel vm4, $0x3F800000, v0;
	vm6 =	vgt.f32 v14, $5.000000000e-01;
	v14 =	vld.idx.msk [tilespmem:v8+s6+$0x0], $0xffff  }
0x7c7: {  	v8 =	vnsel vm4, $0x0, v11;
	v11 =	vsel vm6, $0x3F800000, v0;
	v12 =	vld.idx.msk [tilespmem:v7+s6+$0x0], $0xffff  }
0x7c8: {  	s16 =	sadd.s32 $0x40, s16;
	vm4 =	vgt.s32 v8, $0x0;
	v7 =	vnsel vm6, $0x0, v13;
	v13 =	vld.idx.msk [tilespmem:v6+s6+$0x0], $0xffff  }
0x7c9: {  	v16 =	vnsel vm5, $0x0, v16;
	_ =	sdelay $0x4  }
0x7ca: {  	v17 =	vld.idx.msk [tilespmem:v16+s6+$0x0], $0xffff  }
0x7cb: {  	v8 =	vld.idx.msk [tilespmem:v8+s6+$0x0], $0xffff;
	v4 =	vsel vm2, v15, v4  }
0x7cc: {  	vm2 =	vgt.s32 v16, $0x0;
	[tilespmem:s14+$0xFFFFFFE0] =	vst v4;
	v4 =	vsel vm1, v14, v5;
	v5 =	vld.idx.msk [tilespmem:v7+s6+$0x0], $0xffff  }
0x7cd: {  	vm1 =	vgt.s32 v6, $0x0;
	v6 =	vsel vm0, $0x3F800000, v0;
	[tilespmem:s14+$0xFFFFFFF0] =	vst v4;
	v3 =	vsel vm3, v12, v3  }
0x7ce: {  	s10 =	sadd.s32 $0x40, s14;
	vm0 =	vmmov vm2;
	v4 =	vsel vm1, v13, v6;
	[tilespmem:s14+$0x0] =	vst v3  }
0x7cf: {  	vm2 =	vmmov vm4;
	vm1 =	vgt.s32 v7, $0x0;
	[tilespmem:s10+$0x10] =	vst v4;
	v3 =	vsel vm0, v17, v10  }
0x7d0: {  	vm0 =	vmmov vm1;
	[tilespmem:s10+$0xFFFFFFE0] =	vst v3;
	v3 =	vsel vm2, v8, v9  }
0x7d1: {  	[tilespmem:s10+$0xFFFFFFF0] =	vst v3;
	v3 =	vsel vm0, v5, v11  }
0x7d2: {  	[tilespmem:s10+$0x0] =	vst v3  }
0x7d3: {  	s16 =	simm.s32 $0x1B000;
	s7 =	rddreg [dreg:$0x1b]  }
0x7d4: {  	[hbm4b:s7+s1] =	stream.linear.scatter [tilespmem:s16], [sflag:$0x3], $0x1000, $0x38;
	[tilespmem:$0x1F600] =	vst v63  }
0x7d5: {  	s14 =	simm.s32 $0x11000  }
0x7d6: {  	[tilespmem:s14], [sflag:$0x2] =	stream.linear.gather [hbm4b:s25+s1], $0x1000, $0x38;
	[tilespmem:$0x1F600] =	vst v63  }
0x7d7: {  	s15 =	rddreg [dreg:$0x15];
	s16 =	simm.s32 $0x13000  }
0x7d8: {  	[tilespmem:s16], [sflag:$0x2] =	stream.linear.gather [hbm4b:s15+s1], $0x1000, $0x38;
	[tilespmem:$0x1F600] =	vst v63  }
0x7d9: {  	_ =	swait.ge [sflag:s0], $0x1000  }
0x7da: {  	[sflag:s0] =	ssyncset.done $0x0  }
0x7db: {  	[sflag:s0] =	ssyncadd.s32 $0xFFFFF000  }
0x7dc: {  	_ =	swait.ge [sflag:s0], $0x1000  }
0x7dd: {  	[sflag:s0] =	ssyncset.done $0x0  }
0x7de: {  	[sflag:s0] =	ssyncadd.s32 $0xFFFFF000  }
0x7df: {  	_ =	swait.ge [sflag:s12], $0x1000  }
0x7e0: {  	[sflag:s12] =	ssyncset.done $0x0  }
0x7e1: {  	s14 =	simm.s32 $0x12020;
	[sflag:s12] =	ssyncadd.s32 $0xFFFFF000  }
0x7e2: {  	s15 =	simm.s32 $0x10020;
	v3 =	vld [tilespmem:s14+$0x10]  }
0x7e3: {  	v4 =	vld [tilespmem:s15+$0x10]  }
0x7e4: {  	v5 =	vld [tilespmem:s14+$0xFFFFFFE0]  }
0x7e5: {  	v7 =	vld [tilespmem:s14+$0x0]  }
0x7e6: {  	v8 =	vld [tilespmem:s15+$0xFFFFFFF0]  }
0x7e7: {  	v9 =	vld [tilespmem:s15+$0x0]  }
0x7e8: {  	s16 =	simm.s32 $0x12060;
	v10 =	vld [tilespmem:s15+$0xFFFFFFE0]  }
0x7e9: {  	v14 =	vld [tilespmem:s16+$0xFFFFFFE0];
	vm1 =	vgt.f32 v3, $5.000000000e-01  }
0x7ea: {  	v18 =	vld [tilespmem:s16+$0x0];
	v6 =	vnsel vm1, $0x0, v4  }
0x7eb: {  	v3 =	vld [tilespmem:s14+$0xFFFFFFF0]  }
0x7ec: {  	s10 =	simm.s32 $0x10060;
	v12 =	vld [tilespmem:s16+$0x10]  }
0x7ed: {  	v13 =	vld [tilespmem:s10+$0x10]  }
0x7ee: {  	v17 =	vld [tilespmem:s16+$0xFFFFFFF0];
	vm0 =	vgt.f32 v5, $5.000000000e-01;
	vm3 =	vgt.f32 v7, $5.000000000e-01  }
0x7ef: {  	vm5 =	vgt.f32 v14, $5.000000000e-01;
	vm6 =	vgt.f32 v18, $5.000000000e-01;
	v7 =	vnsel vm0, $0x0, v10;
	v11 =	vld.idx.msk [tilespmem:v6+s6+$0x0], $0xffff  }
0x7f0: {  	v20 =	vld [tilespmem:s10+$0xFFFFFFF0];
	v4 =	vsel vm0, $0x3F800000, v0;
	v19 =	vnsel vm3, $0x0, v9;
	vm2 =	vgt.f32 v3, $5.000000000e-01  }
0x7f1: {  	v21 =	vld [tilespmem:s10+$0x0];
	vm0 =	vgt.f32 v12, $5.000000000e-01;
	v9 =	vsel vm1, $0x3F800000, v0;
	v8 =	vnsel vm2, $0x0, v8  }
0x7f2: {  	v5 =	vsel vm2, $0x3F800000, v0;
	vm2 =	vgt.s32 v6, $0x0;
	v6 =	vnsel vm0, $0x0, v13  }
0x7f3: {  	v16 =	vld [tilespmem:s10+$0xFFFFFFE0];
	v10 =	vsel vm5, $0x3F800000, v0;
	vm1 =	vgt.s32 v7, $0x0;
	v3 =	vsel vm3, $0x3F800000, v0  }
0x7f4: {  	vm3 =	vgt.s32 v19, $0x0;
	v15 =	vld.idx.msk [tilespmem:v7+s6+$0x0], $0xffff;
	vm4 =	vgt.s32 v8, $0x0;
	v11 =	vsel vm2, v11, v9  }
0x7f5: {  	v12 =	vld.idx.msk [tilespmem:v19+s6+$0x0], $0xffff;
	vm2 =	vmmov vm1;
	vm1 =	vmmov vm4;
	vm4 =	vgt.f32 v17, $5.000000000e-01  }
0x7f6: {  	s14 =	simm.s32 $0x1A020;
	vm3 =	vmmov vm3;
	v7 =	vnsel vm6, $0x0, v21;
	v14 =	vld.idx.msk [tilespmem:v8+s6+$0x0], $0xffff;
	v8 =	vnsel vm4, $0x0, v20  }
0x7f7: {  	s15 =	simm.s32 $0x40;
	s16 =	simm.s32 $0x120A0;
	v13 =	vld.idx.msk [tilespmem:v6+s6+$0x0], $0xffff;
	v9 =	vsel vm4, $0x3F800000, v0;
	[tilespmem:s14+$0x10] =	vst v11;
	v11 =	vsel vm6, $0x3F800000, v0;
	vm4 =	vgt.s32 v8, $0x0  }
.LBB2_36:
0x7f8: {  	v17 =	vld [tilespmem:s16+$0x10];
	s15 =	sadd.s32 $0x40, s15;
	v18 =	vnsel vm5, $0x0, v16;
	vm5 =	vgt.s32 v7, $0x0;
	s10 =	sadd.s32 $0x40, s10  }
0x7f9: {  	v16 =	vld [tilespmem:s10+$0x10];
	p0 =	slt.u32 s15, $0xFC0;
	vm6 =	vgt.s32 v18, $0x0  }
0x7fa: {  	v15 =	vsel vm2, v15, v4;
	v4 =	vmov v10;
	v19 =	vld [tilespmem:s16+$0xFFFFFFE0];
	vm2 =	vmmov vm6  }
0x7fb: {  	v10 =	vsel vm1, v14, v5;
	v5 =	vmov v9;
	vm1 =	vmmov vm4;
	v20 =	vld [tilespmem:s16+$0xFFFFFFF0];
	[tilespmem:s14+$0xFFFFFFE0] =	vst v15  }
0x7fc: {  	vm4 =	vgt.s32 v6, $0x0;
	v6 =	vsel vm0, $0x3F800000, v0;
	v9 =	vsel vm3, v12, v3;
	v3 =	vmovc v11;
	v14 =	vld [tilespmem:s16+$0x0];
	[tilespmem:s14+$0xFFFFFFF0] =	vst v10  }
0x7fd: {  	vm3 =	vmmov vm5;
	v10 =	vsel vm4, v13, v6;
	v11 =	vld [tilespmem:s10+$0xFFFFFFF0];
	vm0 =	vgt.f32 v17, $5.000000000e-01;
	[tilespmem:s14+$0x0] =	vst v9;
	s14 =	sadd.s32 $0x40, s14  }
0x7fe: {  	v13 =	vld [tilespmem:s10+$0x0];
	v6 =	vnsel vm0, $0x0, v16;
	[tilespmem:s14+$0x10] =	vst v10  }
.Ltmp17:
0x7ff: {  	v16 =	vld [tilespmem:s10+$0xFFFFFFE0];
	vm5 =	vgt.f32 v19, $5.000000000e-01;
	(pc) =	sbr.rel @p0 .LBB2_36-.Ltmp17, $4  }
0x800: {  	v10 =	vsel vm5, $0x3F800000, v0;
	vm4 =	vgt.f32 v20, $5.000000000e-01;
	v15 =	vld.idx.msk [tilespmem:v18+s6+$0x0], $0xffff  }
0x801: {  	v9 =	vsel vm4, $0x3F800000, v0;
	vm6 =	vgt.f32 v14, $5.000000000e-01;
	v14 =	vld.idx.msk [tilespmem:v8+s6+$0x0], $0xffff  }
0x802: {  	v8 =	vnsel vm4, $0x0, v11;
	v11 =	vsel vm6, $0x3F800000, v0;
	v12 =	vld.idx.msk [tilespmem:v7+s6+$0x0], $0xffff  }
0x803: {  	s16 =	sadd.s32 $0x40, s16;
	vm4 =	vgt.s32 v8, $0x0;
	v7 =	vnsel vm6, $0x0, v13;
	v13 =	vld.idx.msk [tilespmem:v6+s6+$0x0], $0xffff  }
0x804: {  	v16 =	vnsel vm5, $0x0, v16;
	_ =	sdelay $0x4  }
0x805: {  	v17 =	vld.idx.msk [tilespmem:v16+s6+$0x0], $0xffff  }
0x806: {  	v8 =	vld.idx.msk [tilespmem:v8+s6+$0x0], $0xffff;
	v4 =	vsel vm2, v15, v4  }
0x807: {  	vm2 =	vgt.s32 v16, $0x0;
	[tilespmem:s14+$0xFFFFFFE0] =	vst v4;
	v4 =	vsel vm1, v14, v5;
	v5 =	vld.idx.msk [tilespmem:v7+s6+$0x0], $0xffff  }
0x808: {  	vm1 =	vgt.s32 v6, $0x0;
	v6 =	vsel vm0, $0x3F800000, v0;
	[tilespmem:s14+$0xFFFFFFF0] =	vst v4;
	v3 =	vsel vm3, v12, v3  }
0x809: {  	s10 =	sadd.s32 $0x40, s14;
	vm0 =	vmmov vm2;
	v4 =	vsel vm1, v13, v6;
	[tilespmem:s14+$0x0] =	vst v3  }
0x80a: {  	vm2 =	vmmov vm4;
	vm1 =	vgt.s32 v7, $0x0;
	[tilespmem:s10+$0x10] =	vst v4;
	v3 =	vsel vm0, v17, v10  }
0x80b: {  	vm0 =	vmmov vm1;
	[tilespmem:s10+$0xFFFFFFE0] =	vst v3;
	v3 =	vsel vm2, v8, v9  }
0x80c: {  	[tilespmem:s10+$0xFFFFFFF0] =	vst v3;
	v3 =	vsel vm0, v5, v11  }
0x80d: {  	[tilespmem:s10+$0x0] =	vst v3  }
0x80e: {  	s7 =	rddreg [dreg:$0x1c]  }
0x80f: {  	[hbm4b:s7+s1] =	stream.linear.scatter [tilespmem:s17], [sflag:$0x3], $0x1000, $0x38;
	[tilespmem:$0x1F600] =	vst v63  }
0x810: {  	_ =	swait.ge [sflag:s2], $0x1000  }
0x811: {  	[sflag:s2] =	ssyncset.done $0x0  }
0x812: {  	[sflag:s2] =	ssyncadd.s32 $0xFFFFF000  }
0x813: {  	_ =	swait.ge [sflag:s2], $0x1000  }
0x814: {  	[sflag:s2] =	ssyncset.done $0x0  }
0x815: {  	[sflag:s2] =	ssyncadd.s32 $0xFFFFF000  }
0x816: {  	_ =	swait.ge [sflag:s12], $0x1000  }
0x817: {  	[sflag:s12] =	ssyncset.done $0x0  }
0x818: {  	s15 =	simm.s32 $0x13020;
	[sflag:s12] =	ssyncadd.s32 $0xFFFFF000  }
0x819: {  	s16 =	simm.s32 $0x11020;
	v3 =	vld [tilespmem:s15+$0x10]  }
0x81a: {  	v4 =	vld [tilespmem:s16+$0x10]  }
0x81b: {  	v5 =	vld [tilespmem:s15+$0xFFFFFFE0]  }
0x81c: {  	v7 =	vld [tilespmem:s15+$0x0]  }
0x81d: {  	v8 =	vld [tilespmem:s16+$0xFFFFFFF0]  }
0x81e: {  	v9 =	vld [tilespmem:s16+$0x0]  }
0x81f: {  	s17 =	simm.s32 $0x13060;
	v10 =	vld [tilespmem:s16+$0xFFFFFFE0]  }
0x820: {  	v14 =	vld [tilespmem:s17+$0xFFFFFFE0];
	vm1 =	vgt.f32 v3, $5.000000000e-01  }
0x821: {  	v18 =	vld [tilespmem:s17+$0x0];
	v6 =	vnsel vm1, $0x0, v4  }
0x822: {  	v3 =	vld [tilespmem:s15+$0xFFFFFFF0]  }
0x823: {  	s10 =	simm.s32 $0x11060;
	v12 =	vld [tilespmem:s17+$0x10]  }
0x824: {  	v13 =	vld [tilespmem:s10+$0x10]  }
0x825: {  	v17 =	vld [tilespmem:s17+$0xFFFFFFF0];
	vm0 =	vgt.f32 v5, $5.000000000e-01;
	vm3 =	vgt.f32 v7, $5.000000000e-01  }
0x826: {  	vm5 =	vgt.f32 v14, $5.000000000e-01;
	vm6 =	vgt.f32 v18, $5.000000000e-01;
	v7 =	vnsel vm0, $0x0, v10;
	v11 =	vld.idx.msk [tilespmem:v6+s6+$0x0], $0xffff  }
0x827: {  	v20 =	vld [tilespmem:s10+$0xFFFFFFF0];
	v4 =	vsel vm0, $0x3F800000, v0;
	v19 =	vnsel vm3, $0x0, v9;
	vm2 =	vgt.f32 v3, $5.000000000e-01  }
0x828: {  	v21 =	vld [tilespmem:s10+$0x0];
	vm0 =	vgt.f32 v12, $5.000000000e-01;
	v9 =	vsel vm1, $0x3F800000, v0;
	v8 =	vnsel vm2, $0x0, v8  }
0x829: {  	v5 =	vsel vm2, $0x3F800000, v0;
	vm2 =	vgt.s32 v6, $0x0;
	v6 =	vnsel vm0, $0x0, v13  }
0x82a: {  	v16 =	vld [tilespmem:s10+$0xFFFFFFE0];
	v10 =	vsel vm5, $0x3F800000, v0;
	vm1 =	vgt.s32 v7, $0x0;
	v3 =	vsel vm3, $0x3F800000, v0  }
0x82b: {  	vm3 =	vgt.s32 v19, $0x0;
	v15 =	vld.idx.msk [tilespmem:v7+s6+$0x0], $0xffff;
	vm4 =	vgt.s32 v8, $0x0;
	v11 =	vsel vm2, v11, v9  }
0x82c: {  	v12 =	vld.idx.msk [tilespmem:v19+s6+$0x0], $0xffff;
	vm2 =	vmmov vm1;
	vm1 =	vmmov vm4;
	vm4 =	vgt.f32 v17, $5.000000000e-01  }
0x82d: {  	s14 =	simm.s32 $0x1B020;
	vm3 =	vmmov vm3;
	v7 =	vnsel vm6, $0x0, v21;
	v14 =	vld.idx.msk [tilespmem:v8+s6+$0x0], $0xffff;
	v8 =	vnsel vm4, $0x0, v20  }
0x82e: {  	s16 =	simm.s32 $0x130A0;
	s15 =	simm.s32 $0x40;
	v13 =	vld.idx.msk [tilespmem:v6+s6+$0x0], $0xffff;
	v9 =	vsel vm4, $0x3F800000, v0;
	[tilespmem:s14+$0x10] =	vst v11;
	v11 =	vsel vm6, $0x3F800000, v0;
	vm4 =	vgt.s32 v8, $0x0  }
.LBB2_38:
0x82f: {  	v17 =	vld [tilespmem:s16+$0x10];
	s15 =	sadd.s32 $0x40, s15;
	v18 =	vnsel vm5, $0x0, v16;
	vm5 =	vgt.s32 v7, $0x0;
	s10 =	sadd.s32 $0x40, s10  }
0x830: {  	v16 =	vld [tilespmem:s10+$0x10];
	p0 =	slt.u32 s15, $0xFC0;
	vm6 =	vgt.s32 v18, $0x0  }
0x831: {  	v15 =	vsel vm2, v15, v4;
	v4 =	vmov v10;
	v19 =	vld [tilespmem:s16+$0xFFFFFFE0];
	vm2 =	vmmov vm6  }
0x832: {  	v10 =	vsel vm1, v14, v5;
	v5 =	vmov v9;
	vm1 =	vmmov vm4;
	v20 =	vld [tilespmem:s16+$0xFFFFFFF0];
	[tilespmem:s14+$0xFFFFFFE0] =	vst v15  }
0x833: {  	vm4 =	vgt.s32 v6, $0x0;
	v6 =	vsel vm0, $0x3F800000, v0;
	v9 =	vsel vm3, v12, v3;
	v3 =	vmovc v11;
	v14 =	vld [tilespmem:s16+$0x0];
	[tilespmem:s14+$0xFFFFFFF0] =	vst v10  }
0x834: {  	vm3 =	vmmov vm5;
	v10 =	vsel vm4, v13, v6;
	v11 =	vld [tilespmem:s10+$0xFFFFFFF0];
	vm0 =	vgt.f32 v17, $5.000000000e-01;
	[tilespmem:s14+$0x0] =	vst v9;
	s14 =	sadd.s32 $0x40, s14  }
0x835: {  	v13 =	vld [tilespmem:s10+$0x0];
	v6 =	vnsel vm0, $0x0, v16;
	[tilespmem:s14+$0x10] =	vst v10  }
.Ltmp18:
0x836: {  	v16 =	vld [tilespmem:s10+$0xFFFFFFE0];
	vm5 =	vgt.f32 v19, $5.000000000e-01;
	(pc) =	sbr.rel @p0 .LBB2_38-.Ltmp18, $4  }
0x837: {  	v10 =	vsel vm5, $0x3F800000, v0;
	vm4 =	vgt.f32 v20, $5.000000000e-01;
	v15 =	vld.idx.msk [tilespmem:v18+s6+$0x0], $0xffff  }
0x838: {  	v9 =	vsel vm4, $0x3F800000, v0;
	vm6 =	vgt.f32 v14, $5.000000000e-01;
	v14 =	vld.idx.msk [tilespmem:v8+s6+$0x0], $0xffff  }
0x839: {  	v8 =	vnsel vm4, $0x0, v11;
	v11 =	vsel vm6, $0x3F800000, v0;
	v12 =	vld.idx.msk [tilespmem:v7+s6+$0x0], $0xffff  }
0x83a: {  	s16 =	sadd.s32 $0x40, s16;
	vm4 =	vgt.s32 v8, $0x0;
	v7 =	vnsel vm6, $0x0, v13;
	v13 =	vld.idx.msk [tilespmem:v6+s6+$0x0], $0xffff  }
0x83b: {  	v16 =	vnsel vm5, $0x0, v16;
	_ =	sdelay $0x4  }
0x83c: {  	v17 =	vld.idx.msk [tilespmem:v16+s6+$0x0], $0xffff  }
0x83d: {  	v8 =	vld.idx.msk [tilespmem:v8+s6+$0x0], $0xffff;
	v4 =	vsel vm2, v15, v4  }
0x83e: {  	v61 =	vld.idx.msk [tilespmem:v7+s6+$0x0], $0xffff;
	vm11 =	vgt.s32 v6, $0x0;
	[tilespmem:s14+$0xFFFFFFE0] =	vst v4;
	v60 =	vsel vm1, v14, v5  }
0x83f: {  	v62 =	vsel vm0, $0x3F800000, v0;
	vm10 =	vgt.s32 v16, $0x0;
	[tilespmem:s14+$0xFFFFFFF0] =	vst v60;
	v3 =	vsel vm3, v12, v3  }
0x840: {  	s10 =	sadd.s32 $0x40, s14;
	vm12 =	vmmov vm10;
	v63 =	vsel vm11, v13, v62;
	[tilespmem:s14+$0x0] =	vst v3  }
0x841: {  	vm13 =	vgt.s32 v7, $0x0;
	vm14 =	vmmov vm4;
	[tilespmem:s10+$0x10] =	vst v63;
	v3 =	vsel vm12, v17, v10  }
0x842: {  	vm15 =	vmmov vm13;
	[tilespmem:s10+$0xFFFFFFE0] =	vst v3;
	v3 =	vsel vm14, v8, v9  }
0x843: {  	[tilespmem:s10+$0xFFFFFFF0] =	vst v3;
	v3 =	vsel vm15, v61, v11  }
0x844: {  	[tilespmem:s10+$0x0] =	vst v3  }
0x845: {  	s16 =	simm.s32 $0x1B000;
	s7 =	rddreg [dreg:$0x1d]  }
0x846: {  	[hbm4b:s7+s1] =	stream.linear.scatter [tilespmem:s16], [sflag:$0x3], $0x1000, $0x38;
	[tilespmem:$0x1F600] =	vst v63  }
0x847: {  	_ =	swait.ge [sflag:s12], $0x1000  }
0x848: {  	[sflag:s12] =	ssyncset.done $0x0  }
0x849: {  	[sflag:s12] =	ssyncadd.s32 $0xFFFFF000  }
0x84a: {  	_ =	swait.ge [sflag:s12], $0x1000  }
0x84b: {  	s13 =	sadd.s32 $0x1, s13;
	s17 =	rddreg [dreg:$0x1f]  }
0x84c: {  	p0 =	sne.s32 s13, s17  }
.Ltmp19:
0x84d: {  	_ = 	snop;
	(pc) =	sbr.rel @p0 .LBB2_1-.Ltmp19, $3  }
0x84e: {  	_ =	sdelay $0x1  }
0x84f: {  	[sflag:s12] =	ssyncset.done $0x0  }
0x850: {  	[sflag:s12] =	ssyncadd.s32 $0xFFFFF000  }
0x851: {  	_ =	sfence.sel $0x180000  }
0x852: {  	[bflag:$0x0] =	sbarrier.arrive $0xFFFF  }
0x853: {  	_ =	strace $0x90000047  }
0x854: {  	s0 =	stileid.u32;
	[bflag:$0x2] =	sbarrier.arrive $0xFFFF  }
0x855: {  	p0 =	sne.s32 s0, $0x0;
	s0 =	rddreg [dreg:$0x8]  }
0x856: {  	s0 =	sadd.s32 @!p0 $0x100000, s0  }
0x857: {  	[sflag:s0] =	ssyncadd.tile.s32 @!p0 $0x1;
	_ =	shalt  }
.Lfunc_end2:
_tile_overlayer_lowered:
.L_overlay_start_2:
0x858: {  	(tag) =	ssettag $0x2  }
0x859: {  	s0 =	rddreg [dreg:$0x0];
	s2 =	stileid.u32  }
0x85a: {  	s1 =	rddreg [dreg:$0x1];
	p0 =	sne.s32 s2, $0x0  }
0x85b: {  	s3 =	rddreg [dreg:$0x2];
	[bflag:$0x3] =	sbarrier.arrive $0xFFFF;
	s2 =	simm.s32 @!p0 $0x1C04  }
0x85c: {  	[timem:s3], [sflag:s2] =	dma.local @!p0 [hbm:s0], s1  }
0x85d: {  	s0 =	simm.s32 @!p0 $0x4  }
0x85e: {  	_ =	swait.ge @!p0 [sflag:s0], s1  }
0x85f: {  	s1 =	ssub.s32 @!p0 $0x0, s1;
	[sflag:s0] =	ssyncset.done @!p0 $0x0  }
0x860: {  	[sflag:s0] =	ssyncadd.s32 @!p0 s1  }
0x861: {  	[bflag:$0x3] =	sbarrier.arrive $0xFFFF  }
0x862: {  	_ =	shalt  }

</sc_bundles>
